<compile_context>
chip_gen: v7x
topology: tpu7x:2x2x1
jax: 0.10.2.dev20260603
libtpu: 0.0.44.dev20260713+nightly
codegen_flags: <defaults>
</compile_context>

<pallas_src>
import functools

import jax
import jax.numpy as jnp
from jax import lax
from jax.experimental import pallas as pl
from jax.experimental.pallas import tpu as pltpu
from jax.experimental.pallas import tpu_sc as plsc

N = 2048
E = 32768
H = 1024
IN_CH = 128
HID = 64
HID2 = 2 * HID
LAT = 32

NC = 2
NS = 16
NW = NC * NS
EPW = E // NW
CH = 128
NCH = EPW // CH
RPT = N // NS

_sc_mesh = plsc.VectorSubcoreMesh(core_axis_name="c", subcore_axis_name="s")
_sc_params = pltpu.CompilerParams(use_tc_tiling_on_sc=True)


@functools.partial(
    pl.kernel,
    out_type=jax.ShapeDtypeStruct((NC, N), jnp.float32),
    mesh=_sc_mesh,
    scratch_types=[
        pltpu.VMEM((NCH, CH), jnp.int32),
        pltpu.VMEM((CH,), jnp.float32),
        pltpu.VMEM((RPT,), jnp.float32),
        pltpu.VMEM_SHARED((N,), jnp.float32),
        pltpu.SemaphoreType.DMA,
    ],
    compiler_params=_sc_params,
)
def _hist_kernel(ei_hbm, out_hbm, idx_v, ones_v, half_v, hist_sh, sem):
    cid = lax.axis_index("c")
    sid = lax.axis_index("s")
    wid = sid * NC + cid
    base = wid * EPW
    descs = []
    for j in range(NCH):
        descs.append(
            pltpu.async_copy(ei_hbm.at[1, pl.ds(base + j * CH, CH)],
                             idx_v.at[j], sem))
    for k in range(CH // 16):
        ones_v[pl.ds(k * 16, 16)] = jnp.full((16,), 1.0, jnp.float32)
    for k in range(RPT // 16):
        half_v[pl.ds(k * 16, 16)] = jnp.full((16,), 0.5, jnp.float32)
    pltpu.sync_copy(half_v, hist_sh.at[pl.ds(sid * RPT, RPT)])
    for d in descs:
        d.wait()
    plsc.subcore_barrier()
    for j in range(NCH):
        pltpu.sync_copy(ones_v, hist_sh.at[idx_v.at[j]], add=True)
    plsc.subcore_barrier()
    pltpu.sync_copy(
        hist_sh.at[pl.ds(sid * RPT, RPT)], out_hbm.at[cid, pl.ds(sid * RPT, RPT)]
    )


_RB = 256
_NSTEPS = H // _RB


def _ka_body(my_ref, a_ref, cs_ref, csr_ref):
    i = pl.program_id(0)
    v = my_ref[...]
    a = jnp.where(v != 0.0, jax.nn.sigmoid(v), 0.0)
    a_ref[...] = a
    ones_rb = jnp.ones((_RB, 1), jnp.float32)
    part = lax.dot_general(a, ones_rb, (((0,), (0,)), ((), ())),
                           preferred_element_type=jnp.float32)
    part_row = jnp.sum(a, axis=0, keepdims=True)

    @pl.when(i == 0)
    def _():
        cs_ref[...] = part
        csr_ref[...] = part_row

    @pl.when(i != 0)
    def _():
        cs_ref[...] = cs_ref[...] + part
        csr_ref[...] = csr_ref[...] + part_row


def _make_a(my):
    return pl.pallas_call(
        _ka_body,
        grid=(_NSTEPS,),
        in_specs=[pl.BlockSpec((_RB, H), lambda i: (i, 0))],
        out_specs=[
            pl.BlockSpec((_RB, H), lambda i: (i, 0)),
            pl.BlockSpec((H, 1), lambda i: (0, 0)),
            pl.BlockSpec((1, H), lambda i: (0, 0)),
        ],
        out_shape=[
            jax.ShapeDtypeStruct((H, H), jnp.float32),
            jax.ShapeDtypeStruct((H, 1), jnp.float32),
            jax.ShapeDtypeStruct((1, H), jnp.float32),
        ],
    )(my)


def _ks1_body(cs_ref, csr_ref, h_ref, x_ref, w1_ref, dis_ref, disr_ref, s1_ref):
    ones2 = jnp.ones((2, 1), jnp.float32)
    h_col = lax.dot_general(h_ref[...], ones2, (((0,), (0,)), ((), ())),
                            preferred_element_type=jnp.float32)
    deg_top = cs_ref[...] + h_col[:H, :]
    deg_bot = h_col[H:, :]
    dis = lax.rsqrt(jnp.concatenate([deg_top, deg_bot], axis=0))
    dis_ref[...] = dis
    h_row = jnp.sum(h_ref[...], axis=0, keepdims=True)
    deg_row = jnp.concatenate(
        [csr_ref[...], jnp.zeros((1, N - H), jnp.float32)], axis=1) + h_row
    disr_ref[...] = lax.rsqrt(deg_row)
    xw = jnp.dot(x_ref[...], w1_ref[...], preferred_element_type=jnp.float32)
    s = dis * xw
    s1_ref[...] = jnp.concatenate([s, 0.5 * s], axis=1)


def _make_s1(cs, csr, histp, x, w1):
    return pl.pallas_call(
        _ks1_body,
        out_shape=[
            jax.ShapeDtypeStruct((N, 1), jnp.float32),
            jax.ShapeDtypeStruct((1, N), jnp.float32),
            jax.ShapeDtypeStruct((N, HID2), jnp.float32),
        ],
    )(cs, csr, histp, x, w1)


def _kt_body(a_ref, sp_ref, t_ref):
    t_ref[...] = lax.dot_general(a_ref[...], sp_ref[:H, :HID],
                                 (((0,), (0,)), ((), ())),
                                 preferred_element_type=jnp.float32)


def _make_t(a, sp):
    return pl.pallas_call(
        _kt_body,
        out_shape=jax.ShapeDtypeStruct((H, HID), jnp.float32),
    )(a, sp)


def _ktt_body(a_ref, sp_ref, t_ref):
    t_ref[...] = lax.dot_general(sp_ref[:H, :HID], a_ref[...],
                                 (((0,), (0,)), ((), ())),
                                 preferred_element_type=jnp.float32)


def _make_tT(a, sp):
    return pl.pallas_call(
        _ktt_body,
        out_shape=jax.ShapeDtypeStruct((HID, H), jnp.float32),
    )(a, sp)


def _scat_body(sp_hbm, ei_hbm, out_hbm,
               ridx_v, cidx_v, rows_v, u_sh, sem_i, sem_ld, sem_g):
    cid = lax.axis_index("c")
    sid = lax.axis_index("s")
    wid = sid * NC + cid
    base = wid * EPW
    descs = []
    for j in range(NCH):
        descs.append(
            pltpu.async_copy(ei_hbm.at[0, pl.ds(base + j * CH, CH)],
                             ridx_v.at[j], sem_ld))
        descs.append(
            pltpu.async_copy(ei_hbm.at[1, pl.ds(base + j * CH, CH)],
                             cidx_v.at[j], sem_ld))
    d_init = pltpu.async_copy(sp_hbm.at[pl.ds(sid * RPT, RPT)],
                              u_sh.at[pl.ds(sid * RPT, RPT)], sem_i)
    for d in descs:
        d.wait()
    gs = [pltpu.async_copy(sp_hbm.at[ridx_v.at[j]], rows_v.at[j % _BUF], sem_g)
          for j in range(_BUF - 1)]
    d_init.wait()
    plsc.subcore_barrier()
    for j in range(NCH):
        gs[j].wait()
        if j + _BUF - 1 < NCH:
            gs.append(
                pltpu.async_copy(sp_hbm.at[ridx_v.at[j + _BUF - 1]],
                                 rows_v.at[(j + _BUF - 1) % _BUF], sem_g))
        pltpu.sync_copy(rows_v.at[j % _BUF], u_sh.at[cidx_v.at[j]], add=True)
    plsc.subcore_barrier()
    pltpu.sync_copy(u_sh.at[pl.ds(sid * RPT, RPT)],
                    out_hbm.at[cid, pl.ds(sid * RPT, RPT)])


_BUF = 3

_scatter = pl.kernel(
    _scat_body,
    out_type=jax.ShapeDtypeStruct((NC, N, HID2), jnp.float32),
    mesh=_sc_mesh,
    scratch_types=[
        pltpu.VMEM((NCH, CH), jnp.int32),
        pltpu.VMEM((NCH, CH), jnp.int32),
        pltpu.VMEM((_BUF, CH, HID2), jnp.float32),
        pltpu.VMEM_SHARED((N, HID2), jnp.float32),
        pltpu.SemaphoreType.DMA,
        pltpu.SemaphoreType.DMA,
        pltpu.SemaphoreType.DMA,
    ],
    compiler_params=_sc_params,
)


def _kc1_body(t_ref, s1_ref, u_ref, dis_ref, b1_ref, wmu_ref, wls_ref,
              s2_ref):
    s1 = s1_ref[:, :HID]
    t_top = t_ref[...]
    u = u_ref[0, :, :HID] + u_ref[1, :, :HID] - s1
    b1v = b1_ref[...]
    pre_top = dis_ref[:H, :] * (t_top + u[:H, :]) + b1v
    pre_bot = dis_ref[H:, :] * u[H:, :] + b1v
    hid_top = jnp.maximum(pre_top, 0.0)
    hid_bot = jnp.maximum(pre_bot, 0.0)
    wc = jnp.concatenate([wmu_ref[...], wls_ref[...]], axis=1)
    s2_top = dis_ref[:H, :] * jnp.dot(hid_top, wc,
                                      preferred_element_type=jnp.float32)
    s2_bot = dis_ref[H:, :] * jnp.dot(hid_bot, wc,
                                      preferred_element_type=jnp.float32)
    s2_ref[:H, :] = jnp.concatenate([s2_top, 0.5 * s2_top], axis=1)
    s2_ref[H:, :] = jnp.concatenate([s2_bot, 0.5 * s2_bot], axis=1)


def _make_s2(t1, s1, u1, dis, b1, wmu, wls):
    return pl.pallas_call(
        _kc1_body,
        out_shape=jax.ShapeDtypeStruct((N, HID2), jnp.float32),
    )(t1, s1, u1, dis, b1, wmu, wls)


def _ko_body(tt_ref, s2_ref, u_ref, disr_ref, bmu_ref, bls_ref,
             mu_ref, ls_ref):
    s2 = s2_ref[:, :HID]
    u = u_ref[0, :, :HID] + u_ref[1, :, :HID] - s2
    ut = lax.transpose(u, (1, 0))
    left = tt_ref[...] + ut[:, :H]
    ot = disr_ref[...] * jnp.concatenate([left, ut[:, H:]], axis=1)
    mu_ref[...] = ot[:LAT, :] + bmu_ref[...]
    ls_ref[...] = ot[LAT:, :] + bls_ref[...]


def _make_out(t2t, s2, u2, disr, bmu, bls):
    return pl.pallas_call(
        _ko_body,
        out_shape=[
            jax.ShapeDtypeStruct((LAT, N), jnp.float32),
            jax.ShapeDtypeStruct((LAT, N), jnp.float32),
        ],
    )(t2t, s2, u2, disr, bmu, bls)


def kernel(x, edge_index, masked_y, W1, b1, W_mu, b_mu, W_logstd, b_logstd):
    ei = edge_index.astype(jnp.int32)
    histp = _hist_kernel(ei)
    a, cs, csr = _make_a(masked_y)
    dis, disr, s1p = _make_s1(cs, csr, histp, x, W1)
    u1 = _scatter(s1p, ei)
    t1 = _make_t(a, s1p)
    s2p = _make_s2(t1, s1p, u1, dis, b1, W_mu, W_logstd)
    u2 = _scatter(s2p, ei)
    t2t = _make_tT(a, s2p)
    z_mu_t, z_logstd_t = _make_out(t2t, s2p, u2, disr,
                                   b_mu.reshape(LAT, 1), b_logstd.reshape(LAT, 1))
    return (z_mu_t.T, z_logstd_t.T)

# --- scband reference (transcript-rebuilt; emitter-appended) ---
"""Pipeline reference for scband-encoder-55757265436854 (READ-ONLY COPY).

The authoritative reference and input builder live on the scoring server;
editing this copy changes nothing except your own understanding.
"""

import jax, jax.numpy as jnp
import numpy as np

N = 2048
E = 32768
IN_CH = 128
HID = 64
LAT = 32


def setup_inputs(seed: int = 0):
    key = jax.random.key(seed)
    ks = jax.random.split(key, 8)
    x = jax.random.normal(ks[0], (N, IN_CH), dtype=jnp.float32)
    edge_index = jax.random.randint(ks[1], (2, E), 0, N)
    masked_y = jax.random.uniform(ks[2], (N, N), dtype=jnp.float32)
    W1 = jax.random.normal(ks[3], (IN_CH, HID), dtype=jnp.float32) * (1.0 / np.sqrt(IN_CH))
    b1 = jnp.zeros((HID,), dtype=jnp.float32)
    W_mu = jax.random.normal(ks[4], (HID, LAT), dtype=jnp.float32) * (1.0 / np.sqrt(HID))
    b_mu = jnp.zeros((LAT,), dtype=jnp.float32)
    W_logstd = jax.random.normal(ks[5], (HID, LAT), dtype=jnp.float32) * (1.0 / np.sqrt(HID))
    b_logstd = jnp.zeros((LAT,), dtype=jnp.float32)
    return {"x": x, "edge_index": edge_index, "masked_y": masked_y, "W1": W1, "b1": b1, "W_mu": W_mu, "b_mu": b_mu, "W_logstd": W_logstd, "b_logstd": b_logstd}


def _gcn_conv(x, row, col, ew, W, b, n):
    # GCNConv with edge weights: linear transform, add self-loops (weight 1),
    # symmetric deg^-1/2 normalization, scatter-add aggregation at dst, then bias.
    xw = x @ W
    loop = jnp.arange(n)
    row2 = jnp.concatenate([row, loop])
    col2 = jnp.concatenate([col, loop])
    ew2 = jnp.concatenate([ew, jnp.ones((n,), dtype=ew.dtype)])
    deg = jnp.zeros((n,), dtype=xw.dtype).at[col2].add(ew2)
    dis = jnp.where(deg > 0, 1.0 / jnp.sqrt(deg), 0.0)
    norm = dis[row2] * ew2 * dis[col2]
    out = jnp.zeros((n, W.shape[1]), dtype=xw.dtype).at[col2].add(norm[:, None] * xw[row2])
    return out + b


def reference(x, edge_index, masked_y, W1, b1, W_mu, b_mu, W_logstd, b_logstd):
    n = x.shape[0]
    # masked_y[:, n//2:] = 0 ; masked_y[n//2:, :n//2] = 0
    my = masked_y.at[:, n // 2:].set(0.0).at[n // 2:, :n // 2].set(0.0)
    # dense_to_sparse: nonzeros can only lie in the top-left and bottom-right
    # (n//2, n//2) blocks; enumerate those positions in row-major order and
    # assign zero weight to entries that are exactly zero.
    h = n // 2
    ii = jnp.arange(h)
    r1 = jnp.repeat(ii, h)
    c1 = jnp.tile(ii, h)
    r = jnp.concatenate([r1, r1 + h])
    c = jnp.concatenate([c1, c1 + h])
    vals = my[r, c]
    w_extra = jnp.where(vals != 0, jax.nn.sigmoid(vals), 0.0).astype(jnp.float32)
    row = jnp.concatenate([edge_index[0], r])
    col = jnp.concatenate([edge_index[1], c])
    ew = jnp.concatenate([jnp.ones((edge_index.shape[1],), dtype=jnp.float32), w_extra])
    hidden = jax.nn.relu(_gcn_conv(x, row, col, ew, W1, b1, n))
    z_mu = _gcn_conv(hidden, row, col, ew, W_mu, b_mu, n)
    z_logstd = _gcn_conv(hidden, row, col, ew, W_logstd, b_logstd, n)
    return (z_mu, z_logstd)

if __name__ == "__main__":
    import jax
    _d = setup_inputs()
    print(jax.jit(kernel)(*tuple(_d.values())))

</pallas_src>

<mosaic_0001>
#map = affine_map<(d0, d1) -> (0, 0)>
#map1 = affine_map<(d0, d1) -> (0, 0, 0)>
module attributes {stable_mosaic.version = 14 : i64} {
  func.func @_scat_body(%arg0: i32, %arg1: i32, %arg2: memref<2048x128xf32, #tpu.memory_space<hbm>>, %arg3: memref<2x32768xi32, #tpu.memory_space<hbm>>, %arg4: memref<2x2048x128xf32, #tpu.memory_space<hbm>>, %arg5: memref<8x128xi32, #tpu.memory_space<vmem>>, %arg6: memref<8x128xi32, #tpu.memory_space<vmem>>, %arg7: memref<3x128x128xf32, #tpu.memory_space<vmem>>, %arg8: memref<2048x128xf32, #tpu.memory_space<vmem_shared>>, %arg9: memref<!tpu.dma_semaphore, #tpu.memory_space<semaphore_mem>>, %arg10: memref<!tpu.dma_semaphore, #tpu.memory_space<semaphore_mem>>, %arg11: memref<!tpu.dma_semaphore, #tpu.memory_space<semaphore_mem>>) attributes {dimension_semantics = [#tpu.dimension_semantics<core_parallel>, #tpu.dimension_semantics<subcore_parallel>], iteration_bounds = array<i64: 2, 16>, scalar_prefetch = 0 : i64, scratch_operands = 7 : i64, tpu.core_type = #tpu.core_type<sc_vector_subcore>, window_params = [{transform_indices = #map}, {transform_indices = #map}, {transform_indices = #map1}]} {
    %mul3A = arith.constant 2 : i32
    %mul3A_0 = arith.muli %arg1, %mul3A : i32
    %add3A = arith.addi %mul3A_0, %arg0 : i32
    %mul3A_1 = arith.constant 1024 : i32
    %mul3A_2 = arith.muli %add3A, %mul3A_1 : i32
    %add3A_3 = arith.constant 0 : i32
    %add3A_4 = arith.addi %mul3A_2, %add3A_3 : i32
    %dma_start3A = arith.constant 0 : i32
    %dma_start3A_5 = arith.constant 0 : i32
    %dma_start3A_6 = arith.constant 0 : i32
    %dma_start3A_7 = tpu.memref_slice %arg5[%dma_start3A_5, %dma_start3A_6] : memref<8x128xi32, #tpu.memory_space<vmem>> -> memref<1x128xi32, #tpu.memory_space<vmem>>
    %dma_start3A_8 = tpu.memref_squeeze %dma_start3A_7 : memref<1x128xi32, #tpu.memory_space<vmem>> -> memref<128xi32, #tpu.memory_space<vmem>>
    %dma_start3A_9 = tpu.memref_slice %arg3[%dma_start3A, %add3A_4] : memref<2x32768xi32, #tpu.memory_space<hbm>> -> memref<1x128xi32, #tpu.memory_space<hbm>>
    %dma_start3A_10 = tpu.memref_squeeze %dma_start3A_9 : memref<1x128xi32, #tpu.memory_space<hbm>> -> memref<128xi32, #tpu.memory_space<hbm>>
    %dma_start3A_11 = arith.constant 0 : i32
    %dma_start3A_12 = tpu.memref_slice %arg5[%dma_start3A_5, %dma_start3A_11] : memref<8x128xi32, #tpu.memory_space<vmem>> -> memref<1x128xi32, #tpu.memory_space<vmem>>
    %dma_start3A_13 = tpu.memref_squeeze %dma_start3A_12 : memref<1x128xi32, #tpu.memory_space<vmem>> -> memref<128xi32, #tpu.memory_space<vmem>>
    %dma_start3A_14 = tpu.memref_slice %arg3[%dma_start3A, %add3A_4] : memref<2x32768xi32, #tpu.memory_space<hbm>> -> memref<1x128xi32, #tpu.memory_space<hbm>>
    %dma_start3A_15 = tpu.memref_squeeze %dma_start3A_14 : memref<1x128xi32, #tpu.memory_space<hbm>> -> memref<128xi32, #tpu.memory_space<hbm>>
    tpu.enqueue_dma source(%dma_start3A_15 : memref<128xi32, #tpu.memory_space<hbm>>) target(%dma_start3A_13 : memref<128xi32, #tpu.memory_space<vmem>>) target_semaphore(%arg10 : memref<!tpu.dma_semaphore, #tpu.memory_space<semaphore_mem>>)
    %add3A_16 = arith.constant 0 : i32
    %add3A_17 = arith.addi %mul3A_2, %add3A_16 : i32
    %dma_start3A_18 = arith.constant 1 : i32
    %dma_start3A_19 = arith.constant 0 : i32
    %dma_start3A_20 = arith.constant 0 : i32
    %dma_start3A_21 = tpu.memref_slice %arg6[%dma_start3A_19, %dma_start3A_20] : memref<8x128xi32, #tpu.memory_space<vmem>> -> memref<1x128xi32, #tpu.memory_space<vmem>>
    %dma_start3A_22 = tpu.memref_squeeze %dma_start3A_21 : memref<1x128xi32, #tpu.memory_space<vmem>> -> memref<128xi32, #tpu.memory_space<vmem>>
    %dma_start3A_23 = tpu.memref_slice %arg3[%dma_start3A_18, %add3A_17] : memref<2x32768xi32, #tpu.memory_space<hbm>> -> memref<1x128xi32, #tpu.memory_space<hbm>>
    %dma_start3A_24 = tpu.memref_squeeze %dma_start3A_23 : memref<1x128xi32, #tpu.memory_space<hbm>> -> memref<128xi32, #tpu.memory_space<hbm>>
    %dma_start3A_25 = arith.constant 0 : i32
    %dma_start3A_26 = tpu.memref_slice %arg6[%dma_start3A_19, %dma_start3A_25] : memref<8x128xi32, #tpu.memory_space<vmem>> -> memref<1x128xi32, #tpu.memory_space<vmem>>
    %dma_start3A_27 = tpu.memref_squeeze %dma_start3A_26 : memref<1x128xi32, #tpu.memory_space<vmem>> -> memref<128xi32, #tpu.memory_space<vmem>>
    %dma_start3A_28 = tpu.memref_slice %arg3[%dma_start3A_18, %add3A_17] : memref<2x32768xi32, #tpu.memory_space<hbm>> -> memref<1x128xi32, #tpu.memory_space<hbm>>
    %dma_start3A_29 = tpu.memref_squeeze %dma_start3A_28 : memref<1x128xi32, #tpu.memory_space<hbm>> -> memref<128xi32, #tpu.memory_space<hbm>>
    tpu.enqueue_dma source(%dma_start3A_29 : memref<128xi32, #tpu.memory_space<hbm>>) target(%dma_start3A_27 : memref<128xi32, #tpu.memory_space<vmem>>) target_semaphore(%arg10 : memref<!tpu.dma_semaphore, #tpu.memory_space<semaphore_mem>>)
    %add3A_30 = arith.constant 128 : i32
    %add3A_31 = arith.addi %mul3A_2, %add3A_30 : i32
    %dma_start3A_32 = arith.constant 0 : i32
    %dma_start3A_33 = arith.constant 1 : i32
    %dma_start3A_34 = arith.constant 0 : i32
    %dma_start3A_35 = tpu.memref_slice %arg5[%dma_start3A_33, %dma_start3A_34] : memref<8x128xi32, #tpu.memory_space<vmem>> -> memref<1x128xi32, #tpu.memory_space<vmem>>
    %dma_start3A_36 = tpu.memref_squeeze %dma_start3A_35 : memref<1x128xi32, #tpu.memory_space<vmem>> -> memref<128xi32, #tpu.memory_space<vmem>>
    %dma_start3A_37 = tpu.memref_slice %arg3[%dma_start3A_32, %add3A_31] : memref<2x32768xi32, #tpu.memory_space<hbm>> -> memref<1x128xi32, #tpu.memory_space<hbm>>
    %dma_start3A_38 = tpu.memref_squeeze %dma_start3A_37 : memref<1x128xi32, #tpu.memory_space<hbm>> -> memref<128xi32, #tpu.memory_space<hbm>>
    %dma_start3A_39 = arith.constant 0 : i32
    %dma_start3A_40 = tpu.memref_slice %arg5[%dma_start3A_33, %dma_start3A_39] : memref<8x128xi32, #tpu.memory_space<vmem>> -> memref<1x128xi32, #tpu.memory_space<vmem>>
    %dma_start3A_41 = tpu.memref_squeeze %dma_start3A_40 : memref<1x128xi32, #tpu.memory_space<vmem>> -> memref<128xi32, #tpu.memory_space<vmem>>
    %dma_start3A_42 = tpu.memref_slice %arg3[%dma_start3A_32, %add3A_31] : memref<2x32768xi32, #tpu.memory_space<hbm>> -> memref<1x128xi32, #tpu.memory_space<hbm>>
    %dma_start3A_43 = tpu.memref_squeeze %dma_start3A_42 : memref<1x128xi32, #tpu.memory_space<hbm>> -> memref<128xi32, #tpu.memory_space<hbm>>
    tpu.enqueue_dma source(%dma_start3A_43 : memref<128xi32, #tpu.memory_space<hbm>>) target(%dma_start3A_41 : memref<128xi32, #tpu.memory_space<vmem>>) target_semaphore(%arg10 : memref<!tpu.dma_semaphore, #tpu.memory_space<semaphore_mem>>)
    %add3A_44 = arith.constant 128 : i32
    %add3A_45 = arith.addi %mul3A_2, %add3A_44 : i32
    %dma_start3A_46 = arith.constant 1 : i32
    %dma_start3A_47 = arith.constant 1 : i32
    %dma_start3A_48 = arith.constant 0 : i32
    %dma_start3A_49 = tpu.memref_slice %arg6[%dma_start3A_47, %dma_start3A_48] : memref<8x128xi32, #tpu.memory_space<vmem>> -> memref<1x128xi32, #tpu.memory_space<vmem>>
    %dma_start3A_50 = tpu.memref_squeeze %dma_start3A_49 : memref<1x128xi32, #tpu.memory_space<vmem>> -> memref<128xi32, #tpu.memory_space<vmem>>
    %dma_start3A_51 = tpu.memref_slice %arg3[%dma_start3A_46, %add3A_45] : memref<2x32768xi32, #tpu.memory_space<hbm>> -> memref<1x128xi32, #tpu.memory_space<hbm>>
    %dma_start3A_52 = tpu.memref_squeeze %dma_start3A_51 : memref<1x128xi32, #tpu.memory_space<hbm>> -> memref<128xi32, #tpu.memory_space<hbm>>
    %dma_start3A_53 = arith.constant 0 : i32
    %dma_start3A_54 = tpu.memref_slice %arg6[%dma_start3A_47, %dma_start3A_53] : memref<8x128xi32, #tpu.memory_space<vmem>> -> memref<1x128xi32, #tpu.memory_space<vmem>>
    %dma_start3A_55 = tpu.memref_squeeze %dma_start3A_54 : memref<1x128xi32, #tpu.memory_space<vmem>> -> memref<128xi32, #tpu.memory_space<vmem>>
    %dma_start3A_56 = tpu.memref_slice %arg3[%dma_start3A_46, %add3A_45] : memref<2x32768xi32, #tpu.memory_space<hbm>> -> memref<1x128xi32, #tpu.memory_space<hbm>>
    %dma_start3A_57 = tpu.memref_squeeze %dma_start3A_56 : memref<1x128xi32, #tpu.memory_space<hbm>> -> memref<128xi32, #tpu.memory_space<hbm>>
    tpu.enqueue_dma source(%dma_start3A_57 : memref<128xi32, #tpu.memory_space<hbm>>) target(%dma_start3A_55 : memref<128xi32, #tpu.memory_space<vmem>>) target_semaphore(%arg10 : memref<!tpu.dma_semaphore, #tpu.memory_space<semaphore_mem>>)
    %add3A_58 = arith.constant 256 : i32
    %add3A_59 = arith.addi %mul3A_2, %add3A_58 : i32
    %dma_start3A_60 = arith.constant 0 : i32
    %dma_start3A_61 = arith.constant 2 : i32
    %dma_start3A_62 = arith.constant 0 : i32
    %dma_start3A_63 = tpu.memref_slice %arg5[%dma_start3A_61, %dma_start3A_62] : memref<8x128xi32, #tpu.memory_space<vmem>> -> memref<1x128xi32, #tpu.memory_space<vmem>>
    %dma_start3A_64 = tpu.memref_squeeze %dma_start3A_63 : memref<1x128xi32, #tpu.memory_space<vmem>> -> memref<128xi32, #tpu.memory_space<vmem>>
    %dma_start3A_65 = tpu.memref_slice %arg3[%dma_start3A_60, %add3A_59] : memref<2x32768xi32, #tpu.memory_space<hbm>> -> memref<1x128xi32, #tpu.memory_space<hbm>>
    %dma_start3A_66 = tpu.memref_squeeze %dma_start3A_65 : memref<1x128xi32, #tpu.memory_space<hbm>> -> memref<128xi32, #tpu.memory_space<hbm>>
    %dma_start3A_67 = arith.constant 0 : i32
    %dma_start3A_68 = tpu.memref_slice %arg5[%dma_start3A_61, %dma_start3A_67] : memref<8x128xi32, #tpu.memory_space<vmem>> -> memref<1x128xi32, #tpu.memory_space<vmem>>
    %dma_start3A_69 = tpu.memref_squeeze %dma_start3A_68 : memref<1x128xi32, #tpu.memory_space<vmem>> -> memref<128xi32, #tpu.memory_space<vmem>>
    %dma_start3A_70 = tpu.memref_slice %arg3[%dma_start3A_60, %add3A_59] : memref<2x32768xi32, #tpu.memory_space<hbm>> -> memref<1x128xi32, #tpu.memory_space<hbm>>
    %dma_start3A_71 = tpu.memref_squeeze %dma_start3A_70 : memref<1x128xi32, #tpu.memory_space<hbm>> -> memref<128xi32, #tpu.memory_space<hbm>>
    tpu.enqueue_dma source(%dma_start3A_71 : memref<128xi32, #tpu.memory_space<hbm>>) target(%dma_start3A_69 : memref<128xi32, #tpu.memory_space<vmem>>) target_semaphore(%arg10 : memref<!tpu.dma_semaphore, #tpu.memory_space<semaphore_mem>>)
    %add3A_72 = arith.constant 256 : i32
    %add3A_73 = arith.addi %mul3A_2, %add3A_72 : i32
    %dma_start3A_74 = arith.constant 1 : i32
    %dma_start3A_75 = arith.constant 2 : i32
    %dma_start3A_76 = arith.constant 0 : i32
    %dma_start3A_77 = tpu.memref_slice %arg6[%dma_start3A_75, %dma_start3A_76] : memref<8x128xi32, #tpu.memory_space<vmem>> -> memref<1x128xi32, #tpu.memory_space<vmem>>
    %dma_start3A_78 = tpu.memref_squeeze %dma_start3A_77 : memref<1x128xi32, #tpu.memory_space<vmem>> -> memref<128xi32, #tpu.memory_space<vmem>>
    %dma_start3A_79 = tpu.memref_slice %arg3[%dma_start3A_74, %add3A_73] : memref<2x32768xi32, #tpu.memory_space<hbm>> -> memref<1x128xi32, #tpu.memory_space<hbm>>
    %dma_start3A_80 = tpu.memref_squeeze %dma_start3A_79 : memref<1x128xi32, #tpu.memory_space<hbm>> -> memref<128xi32, #tpu.memory_space<hbm>>
    %dma_start3A_81 = arith.constant 0 : i32
    %dma_start3A_82 = tpu.memref_slice %arg6[%dma_start3A_75, %dma_start3A_81] : memref<8x128xi32, #tpu.memory_space<vmem>> -> memref<1x128xi32, #tpu.memory_space<vmem>>
    %dma_start3A_83 = tpu.memref_squeeze %dma_start3A_82 : memref<1x128xi32, #tpu.memory_space<vmem>> -> memref<128xi32, #tpu.memory_space<vmem>>
    %dma_start3A_84 = tpu.memref_slice %arg3[%dma_start3A_74, %add3A_73] : memref<2x32768xi32, #tpu.memory_space<hbm>> -> memref<1x128xi32, #tpu.memory_space<hbm>>
    %dma_start3A_85 = tpu.memref_squeeze %dma_start3A_84 : memref<1x128xi32, #tpu.memory_space<hbm>> -> memref<128xi32, #tpu.memory_space<hbm>>
    tpu.enqueue_dma source(%dma_start3A_85 : memref<128xi32, #tpu.memory_space<hbm>>) target(%dma_start3A_83 : memref<128xi32, #tpu.memory_space<vmem>>) target_semaphore(%arg10 : memref<!tpu.dma_semaphore, #tpu.memory_space<semaphore_mem>>)
    %add3A_86 = arith.constant 384 : i32
    %add3A_87 = arith.addi %mul3A_2, %add3A_86 : i32
    %dma_start3A_88 = arith.constant 0 : i32
    %dma_start3A_89 = arith.constant 3 : i32
    %dma_start3A_90 = arith.constant 0 : i32
    %dma_start3A_91 = tpu.memref_slice %arg5[%dma_start3A_89, %dma_start3A_90] : memref<8x128xi32, #tpu.memory_space<vmem>> -> memref<1x128xi32, #tpu.memory_space<vmem>>
    %dma_start3A_92 = tpu.memref_squeeze %dma_start3A_91 : memref<1x128xi32, #tpu.memory_space<vmem>> -> memref<128xi32, #tpu.memory_space<vmem>>
    %dma_start3A_93 = tpu.memref_slice %arg3[%dma_start3A_88, %add3A_87] : memref<2x32768xi32, #tpu.memory_space<hbm>> -> memref<1x128xi32, #tpu.memory_space<hbm>>
    %dma_start3A_94 = tpu.memref_squeeze %dma_start3A_93 : memref<1x128xi32, #tpu.memory_space<hbm>> -> memref<128xi32, #tpu.memory_space<hbm>>
    %dma_start3A_95 = arith.constant 0 : i32
    %dma_start3A_96 = tpu.memref_slice %arg5[%dma_start3A_89, %dma_start3A_95] : memref<8x128xi32, #tpu.memory_space<vmem>> -> memref<1x128xi32, #tpu.memory_space<vmem>>
    %dma_start3A_97 = tpu.memref_squeeze %dma_start3A_96 : memref<1x128xi32, #tpu.memory_space<vmem>> -> memref<128xi32, #tpu.memory_space<vmem>>
    %dma_start3A_98 = tpu.memref_slice %arg3[%dma_start3A_88, %add3A_87] : memref<2x32768xi32, #tpu.memory_space<hbm>> -> memref<1x128xi32, #tpu.memory_space<hbm>>
    %dma_start3A_99 = tpu.memref_squeeze %dma_start3A_98 : memref<1x128xi32, #tpu.memory_space<hbm>> -> memref<128xi32, #tpu.memory_space<hbm>>
    tpu.enqueue_dma source(%dma_start3A_99 : memref<128xi32, #tpu.memory_space<hbm>>) target(%dma_start3A_97 : memref<128xi32, #tpu.memory_space<vmem>>) target_semaphore(%arg10 : memref<!tpu.dma_semaphore, #tpu.memory_space<semaphore_mem>>)
    %add3A_100 = arith.constant 384 : i32
    %add3A_101 = arith.addi %mul3A_2, %add3A_100 : i32
    %dma_start3A_102 = arith.constant 1 : i32
    %dma_start3A_103 = arith.constant 3 : i32
    %dma_start3A_104 = arith.constant 0 : i32
    %dma_start3A_105 = tpu.memref_slice %arg6[%dma_start3A_103, %dma_start3A_104] : memref<8x128xi32, #tpu.memory_space<vmem>> -> memref<1x128xi32, #tpu.memory_space<vmem>>
    %dma_start3A_106 = tpu.memref_squeeze %dma_start3A_105 : memref<1x128xi32, #tpu.memory_space<vmem>> -> memref<128xi32, #tpu.memory_space<vmem>>
    %dma_start3A_107 = tpu.memref_slice %arg3[%dma_start3A_102, %add3A_101] : memref<2x32768xi32, #tpu.memory_space<hbm>> -> memref<1x128xi32, #tpu.memory_space<hbm>>
    %dma_start3A_108 = tpu.memref_squeeze %dma_start3A_107 : memref<1x128xi32, #tpu.memory_space<hbm>> -> memref<128xi32, #tpu.memory_space<hbm>>
    %dma_start3A_109 = arith.constant 0 : i32
    %dma_start3A_110 = tpu.memref_slice %arg6[%dma_start3A_103, %dma_start3A_109] : memref<8x128xi32, #tpu.memory_space<vmem>> -> memref<1x128xi32, #tpu.memory_space<vmem>>
    %dma_start3A_111 = tpu.memref_squeeze %dma_start3A_110 : memref<1x128xi32, #tpu.memory_space<vmem>> -> memref<128xi32, #tpu.memory_space<vmem>>
    %dma_start3A_112 = tpu.memref_slice %arg3[%dma_start3A_102, %add3A_101] : memref<2x32768xi32, #tpu.memory_space<hbm>> -> memref<1x128xi32, #tpu.memory_space<hbm>>
    %dma_start3A_113 = tpu.memref_squeeze %dma_start3A_112 : memref<1x128xi32, #tpu.memory_space<hbm>> -> memref<128xi32, #tpu.memory_space<hbm>>
    tpu.enqueue_dma source(%dma_start3A_113 : memref<128xi32, #tpu.memory_space<hbm>>) target(%dma_start3A_111 : memref<128xi32, #tpu.memory_space<vmem>>) target_semaphore(%arg10 : memref<!tpu.dma_semaphore, #tpu.memory_space<semaphore_mem>>)
    %add3A_114 = arith.constant 512 : i32
    %add3A_115 = arith.addi %mul3A_2, %add3A_114 : i32
    %dma_start3A_116 = arith.constant 0 : i32
    %dma_start3A_117 = arith.constant 4 : i32
    %dma_start3A_118 = arith.constant 0 : i32
    %dma_start3A_119 = tpu.memref_slice %arg5[%dma_start3A_117, %dma_start3A_118] : memref<8x128xi32, #tpu.memory_space<vmem>> -> memref<1x128xi32, #tpu.memory_space<vmem>>
    %dma_start3A_120 = tpu.memref_squeeze %dma_start3A_119 : memref<1x128xi32, #tpu.memory_space<vmem>> -> memref<128xi32, #tpu.memory_space<vmem>>
    %dma_start3A_121 = tpu.memref_slice %arg3[%dma_start3A_116, %add3A_115] : memref<2x32768xi32, #tpu.memory_space<hbm>> -> memref<1x128xi32, #tpu.memory_space<hbm>>
    %dma_start3A_122 = tpu.memref_squeeze %dma_start3A_121 : memref<1x128xi32, #tpu.memory_space<hbm>> -> memref<128xi32, #tpu.memory_space<hbm>>
    %dma_start3A_123 = arith.constant 0 : i32
    %dma_start3A_124 = tpu.memref_slice %arg5[%dma_start3A_117, %dma_start3A_123] : memref<8x128xi32, #tpu.memory_space<vmem>> -> memref<1x128xi32, #tpu.memory_space<vmem>>
    %dma_start3A_125 = tpu.memref_squeeze %dma_start3A_124 : memref<1x128xi32, #tpu.memory_space<vmem>> -> memref<128xi32, #tpu.memory_space<vmem>>
    %dma_start3A_126 = tpu.memref_slice %arg3[%dma_start3A_116, %add3A_115] : memref<2x32768xi32, #tpu.memory_space<hbm>> -> memref<1x128xi32, #tpu.memory_space<hbm>>
    %dma_start3A_127 = tpu.memref_squeeze %dma_start3A_126 : memref<1x128xi32, #tpu.memory_space<hbm>> -> memref<128xi32, #tpu.memory_space<hbm>>
    tpu.enqueue_dma source(%dma_start3A_127 : memref<128xi32, #tpu.memory_space<hbm>>) target(%dma_start3A_125 : memref<128xi32, #tpu.memory_space<vmem>>) target_semaphore(%arg10 : memref<!tpu.dma_semaphore, #tpu.memory_space<semaphore_mem>>)
    %add3A_128 = arith.constant 512 : i32
    %add3A_129 = arith.addi %mul3A_2, %add3A_128 : i32
    %dma_start3A_130 = arith.constant 1 : i32
    %dma_start3A_131 = arith.constant 4 : i32
    %dma_start3A_132 = arith.constant 0 : i32
    %dma_start3A_133 = tpu.memref_slice %arg6[%dma_start3A_131, %dma_start3A_132] : memref<8x128xi32, #tpu.memory_space<vmem>> -> memref<1x128xi32, #tpu.memory_space<vmem>>
    %dma_start3A_134 = tpu.memref_squeeze %dma_start3A_133 : memref<1x128xi32, #tpu.memory_space<vmem>> -> memref<128xi32, #tpu.memory_space<vmem>>
    %dma_start3A_135 = tpu.memref_slice %arg3[%dma_start3A_130, %add3A_129] : memref<2x32768xi32, #tpu.memory_space<hbm>> -> memref<1x128xi32, #tpu.memory_space<hbm>>
    %dma_start3A_136 = tpu.memref_squeeze %dma_start3A_135 : memref<1x128xi32, #tpu.memory_space<hbm>> -> memref<128xi32, #tpu.memory_space<hbm>>
    %dma_start3A_137 = arith.constant 0 : i32
    %dma_start3A_138 = tpu.memref_slice %arg6[%dma_start3A_131, %dma_start3A_137] : memref<8x128xi32, #tpu.memory_space<vmem>> -> memref<1x128xi32, #tpu.memory_space<vmem>>
    %dma_start3A_139 = tpu.memref_squeeze %dma_start3A_138 : memref<1x128xi32, #tpu.memory_space<vmem>> -> memref<128xi32, #tpu.memory_space<vmem>>
    %dma_start3A_140 = tpu.memref_slice %arg3[%dma_start3A_130, %add3A_129] : memref<2x32768xi32, #tpu.memory_space<hbm>> -> memref<1x128xi32, #tpu.memory_space<hbm>>
    %dma_start3A_141 = tpu.memref_squeeze %dma_start3A_140 : memref<1x128xi32, #tpu.memory_space<hbm>> -> memref<128xi32, #tpu.memory_space<hbm>>
    tpu.enqueue_dma source(%dma_start3A_141 : memref<128xi32, #tpu.memory_space<hbm>>) target(%dma_start3A_139 : memref<128xi32, #tpu.memory_space<vmem>>) target_semaphore(%arg10 : memref<!tpu.dma_semaphore, #tpu.memory_space<semaphore_mem>>)
    %add3A_142 = arith.constant 640 : i32
    %add3A_143 = arith.addi %mul3A_2, %add3A_142 : i32
    %dma_start3A_144 = arith.constant 0 : i32
    %dma_start3A_145 = arith.constant 5 : i32
    %dma_start3A_146 = arith.constant 0 : i32
    %dma_start3A_147 = tpu.memref_slice %arg5[%dma_start3A_145, %dma_start3A_146] : memref<8x128xi32, #tpu.memory_space<vmem>> -> memref<1x128xi32, #tpu.memory_space<vmem>>
    %dma_start3A_148 = tpu.memref_squeeze %dma_start3A_147 : memref<1x128xi32, #tpu.memory_space<vmem>> -> memref<128xi32, #tpu.memory_space<vmem>>
    %dma_start3A_149 = tpu.memref_slice %arg3[%dma_start3A_144, %add3A_143] : memref<2x32768xi32, #tpu.memory_space<hbm>> -> memref<1x128xi32, #tpu.memory_space<hbm>>
    %dma_start3A_150 = tpu.memref_squeeze %dma_start3A_149 : memref<1x128xi32, #tpu.memory_space<hbm>> -> memref<128xi32, #tpu.memory_space<hbm>>
    %dma_start3A_151 = arith.constant 0 : i32
    %dma_start3A_152 = tpu.memref_slice %arg5[%dma_start3A_145, %dma_start3A_151] : memref<8x128xi32, #tpu.memory_space<vmem>> -> memref<1x128xi32, #tpu.memory_space<vmem>>
    %dma_start3A_153 = tpu.memref_squeeze %dma_start3A_152 : memref<1x128xi32, #tpu.memory_space<vmem>> -> memref<128xi32, #tpu.memory_space<vmem>>
    %dma_start3A_154 = tpu.memref_slice %arg3[%dma_start3A_144, %add3A_143] : memref<2x32768xi32, #tpu.memory_space<hbm>> -> memref<1x128xi32, #tpu.memory_space<hbm>>
    %dma_start3A_155 = tpu.memref_squeeze %dma_start3A_154 : memref<1x128xi32, #tpu.memory_space<hbm>> -> memref<128xi32, #tpu.memory_space<hbm>>
    tpu.enqueue_dma source(%dma_start3A_155 : memref<128xi32, #tpu.memory_space<hbm>>) target(%dma_start3A_153 : memref<128xi32, #tpu.memory_space<vmem>>) target_semaphore(%arg10 : memref<!tpu.dma_semaphore, #tpu.memory_space<semaphore_mem>>)
    %add3A_156 = arith.constant 640 : i32
    %add3A_157 = arith.addi %mul3A_2, %add3A_156 : i32
    %dma_start3A_158 = arith.constant 1 : i32
    %dma_start3A_159 = arith.constant 5 : i32
    %dma_start3A_160 = arith.constant 0 : i32
    %dma_start3A_161 = tpu.memref_slice %arg6[%dma_start3A_159, %dma_start3A_160] : memref<8x128xi32, #tpu.memory_space<vmem>> -> memref<1x128xi32, #tpu.memory_space<vmem>>
    %dma_start3A_162 = tpu.memref_squeeze %dma_start3A_161 : memref<1x128xi32, #tpu.memory_space<vmem>> -> memref<128xi32, #tpu.memory_space<vmem>>
    %dma_start3A_163 = tpu.memref_slice %arg3[%dma_start3A_158, %add3A_157] : memref<2x32768xi32, #tpu.memory_space<hbm>> -> memref<1x128xi32, #tpu.memory_space<hbm>>
    %dma_start3A_164 = tpu.memref_squeeze %dma_start3A_163 : memref<1x128xi32, #tpu.memory_space<hbm>> -> memref<128xi32, #tpu.memory_space<hbm>>
    %dma_start3A_165 = arith.constant 0 : i32
    %dma_start3A_166 = tpu.memref_slice %arg6[%dma_start3A_159, %dma_start3A_165] : memref<8x128xi32, #tpu.memory_space<vmem>> -> memref<1x128xi32, #tpu.memory_space<vmem>>
    %dma_start3A_167 = tpu.memref_squeeze %dma_start3A_166 : memref<1x128xi32, #tpu.memory_space<vmem>> -> memref<128xi32, #tpu.memory_space<vmem>>
    %dma_start3A_168 = tpu.memref_slice %arg3[%dma_start3A_158, %add3A_157] : memref<2x32768xi32, #tpu.memory_space<hbm>> -> memref<1x128xi32, #tpu.memory_space<hbm>>
    %dma_start3A_169 = tpu.memref_squeeze %dma_start3A_168 : memref<1x128xi32, #tpu.memory_space<hbm>> -> memref<128xi32, #tpu.memory_space<hbm>>
    tpu.enqueue_dma source(%dma_start3A_169 : memref<128xi32, #tpu.memory_space<hbm>>) target(%dma_start3A_167 : memref<128xi32, #tpu.memory_space<vmem>>) target_semaphore(%arg10 : memref<!tpu.dma_semaphore, #tpu.memory_space<semaphore_mem>>)
    %add3A_170 = arith.constant 768 : i32
    %add3A_171 = arith.addi %mul3A_2, %add3A_170 : i32
    %dma_start3A_172 = arith.constant 0 : i32
    %dma_start3A_173 = arith.constant 6 : i32
    %dma_start3A_174 = arith.constant 0 : i32
    %dma_start3A_175 = tpu.memref_slice %arg5[%dma_start3A_173, %dma_start3A_174] : memref<8x128xi32, #tpu.memory_space<vmem>> -> memref<1x128xi32, #tpu.memory_space<vmem>>
    %dma_start3A_176 = tpu.memref_squeeze %dma_start3A_175 : memref<1x128xi32, #tpu.memory_space<vmem>> -> memref<128xi32, #tpu.memory_space<vmem>>
    %dma_start3A_177 = tpu.memref_slice %arg3[%dma_start3A_172, %add3A_171] : memref<2x32768xi32, #tpu.memory_space<hbm>> -> memref<1x128xi32, #tpu.memory_space<hbm>>
    %dma_start3A_178 = tpu.memref_squeeze %dma_start3A_177 : memref<1x128xi32, #tpu.memory_space<hbm>> -> memref<128xi32, #tpu.memory_space<hbm>>
    %dma_start3A_179 = arith.constant 0 : i32
    %dma_start3A_180 = tpu.memref_slice %arg5[%dma_start3A_173, %dma_start3A_179] : memref<8x128xi32, #tpu.memory_space<vmem>> -> memref<1x128xi32, #tpu.memory_space<vmem>>
    %dma_start3A_181 = tpu.memref_squeeze %dma_start3A_180 : memref<1x128xi32, #tpu.memory_space<vmem>> -> memref<128xi32, #tpu.memory_space<vmem>>
    %dma_start3A_182 = tpu.memref_slice %arg3[%dma_start3A_172, %add3A_171] : memref<2x32768xi32, #tpu.memory_space<hbm>> -> memref<1x128xi32, #tpu.memory_space<hbm>>
    %dma_start3A_183 = tpu.memref_squeeze %dma_start3A_182 : memref<1x128xi32, #tpu.memory_space<hbm>> -> memref<128xi32, #tpu.memory_space<hbm>>
    tpu.enqueue_dma source(%dma_start3A_183 : memref<128xi32, #tpu.memory_space<hbm>>) target(%dma_start3A_181 : memref<128xi32, #tpu.memory_space<vmem>>) target_semaphore(%arg10 : memref<!tpu.dma_semaphore, #tpu.memory_space<semaphore_mem>>)
    %add3A_184 = arith.constant 768 : i32
    %add3A_185 = arith.addi %mul3A_2, %add3A_184 : i32
    %dma_start3A_186 = arith.constant 1 : i32
    %dma_start3A_187 = arith.constant 6 : i32
    %dma_start3A_188 = arith.constant 0 : i32
    %dma_start3A_189 = tpu.memref_slice %arg6[%dma_start3A_187, %dma_start3A_188] : memref<8x128xi32, #tpu.memory_space<vmem>> -> memref<1x128xi32, #tpu.memory_space<vmem>>
    %dma_start3A_190 = tpu.memref_squeeze %dma_start3A_189 : memref<1x128xi32, #tpu.memory_space<vmem>> -> memref<128xi32, #tpu.memory_space<vmem>>
    %dma_start3A_191 = tpu.memref_slice %arg3[%dma_start3A_186, %add3A_185] : memref<2x32768xi32, #tpu.memory_space<hbm>> -> memref<1x128xi32, #tpu.memory_space<hbm>>
    %dma_start3A_192 = tpu.memref_squeeze %dma_start3A_191 : memref<1x128xi32, #tpu.memory_space<hbm>> -> memref<128xi32, #tpu.memory_space<hbm>>
    %dma_start3A_193 = arith.constant 0 : i32
    %dma_start3A_194 = tpu.memref_slice %arg6[%dma_start3A_187, %dma_start3A_193] : memref<8x128xi32, #tpu.memory_space<vmem>> -> memref<1x128xi32, #tpu.memory_space<vmem>>
    %dma_start3A_195 = tpu.memref_squeeze %dma_start3A_194 : memref<1x128xi32, #tpu.memory_space<vmem>> -> memref<128xi32, #tpu.memory_space<vmem>>
    %dma_start3A_196 = tpu.memref_slice %arg3[%dma_start3A_186, %add3A_185] : memref<2x32768xi32, #tpu.memory_space<hbm>> -> memref<1x128xi32, #tpu.memory_space<hbm>>
    %dma_start3A_197 = tpu.memref_squeeze %dma_start3A_196 : memref<1x128xi32, #tpu.memory_space<hbm>> -> memref<128xi32, #tpu.memory_space<hbm>>
    tpu.enqueue_dma source(%dma_start3A_197 : memref<128xi32, #tpu.memory_space<hbm>>) target(%dma_start3A_195 : memref<128xi32, #tpu.memory_space<vmem>>) target_semaphore(%arg10 : memref<!tpu.dma_semaphore, #tpu.memory_space<semaphore_mem>>)
    %add3A_198 = arith.constant 896 : i32
    %add3A_199 = arith.addi %mul3A_2, %add3A_198 : i32
    %dma_start3A_200 = arith.constant 0 : i32
    %dma_start3A_201 = arith.constant 7 : i32
    %dma_start3A_202 = arith.constant 0 : i32
    %dma_start3A_203 = tpu.memref_slice %arg5[%dma_start3A_201, %dma_start3A_202] : memref<8x128xi32, #tpu.memory_space<vmem>> -> memref<1x128xi32, #tpu.memory_space<vmem>>
    %dma_start3A_204 = tpu.memref_squeeze %dma_start3A_203 : memref<1x128xi32, #tpu.memory_space<vmem>> -> memref<128xi32, #tpu.memory_space<vmem>>
    %dma_start3A_205 = tpu.memref_slice %arg3[%dma_start3A_200, %add3A_199] : memref<2x32768xi32, #tpu.memory_space<hbm>> -> memref<1x128xi32, #tpu.memory_space<hbm>>
    %dma_start3A_206 = tpu.memref_squeeze %dma_start3A_205 : memref<1x128xi32, #tpu.memory_space<hbm>> -> memref<128xi32, #tpu.memory_space<hbm>>
    %dma_start3A_207 = arith.constant 0 : i32
    %dma_start3A_208 = tpu.memref_slice %arg5[%dma_start3A_201, %dma_start3A_207] : memref<8x128xi32, #tpu.memory_space<vmem>> -> memref<1x128xi32, #tpu.memory_space<vmem>>
    %dma_start3A_209 = tpu.memref_squeeze %dma_start3A_208 : memref<1x128xi32, #tpu.memory_space<vmem>> -> memref<128xi32, #tpu.memory_space<vmem>>
    %dma_start3A_210 = tpu.memref_slice %arg3[%dma_start3A_200, %add3A_199] : memref<2x32768xi32, #tpu.memory_space<hbm>> -> memref<1x128xi32, #tpu.memory_space<hbm>>
    %dma_start3A_211 = tpu.memref_squeeze %dma_start3A_210 : memref<1x128xi32, #tpu.memory_space<hbm>> -> memref<128xi32, #tpu.memory_space<hbm>>
    tpu.enqueue_dma source(%dma_start3A_211 : memref<128xi32, #tpu.memory_space<hbm>>) target(%dma_start3A_209 : memref<128xi32, #tpu.memory_space<vmem>>) target_semaphore(%arg10 : memref<!tpu.dma_semaphore, #tpu.memory_space<semaphore_mem>>)
    %add3A_212 = arith.constant 896 : i32
    %add3A_213 = arith.addi %mul3A_2, %add3A_212 : i32
    %dma_start3A_214 = arith.constant 1 : i32
    %dma_start3A_215 = arith.constant 7 : i32
    %dma_start3A_216 = arith.constant 0 : i32
    %dma_start3A_217 = tpu.memref_slice %arg6[%dma_start3A_215, %dma_start3A_216] : memref<8x128xi32, #tpu.memory_space<vmem>> -> memref<1x128xi32, #tpu.memory_space<vmem>>
    %dma_start3A_218 = tpu.memref_squeeze %dma_start3A_217 : memref<1x128xi32, #tpu.memory_space<vmem>> -> memref<128xi32, #tpu.memory_space<vmem>>
    %dma_start3A_219 = tpu.memref_slice %arg3[%dma_start3A_214, %add3A_213] : memref<2x32768xi32, #tpu.memory_space<hbm>> -> memref<1x128xi32, #tpu.memory_space<hbm>>
    %dma_start3A_220 = tpu.memref_squeeze %dma_start3A_219 : memref<1x128xi32, #tpu.memory_space<hbm>> -> memref<128xi32, #tpu.memory_space<hbm>>
    %dma_start3A_221 = arith.constant 0 : i32
    %dma_start3A_222 = tpu.memref_slice %arg6[%dma_start3A_215, %dma_start3A_221] : memref<8x128xi32, #tpu.memory_space<vmem>> -> memref<1x128xi32, #tpu.memory_space<vmem>>
    %dma_start3A_223 = tpu.memref_squeeze %dma_start3A_222 : memref<1x128xi32, #tpu.memory_space<vmem>> -> memref<128xi32, #tpu.memory_space<vmem>>
    %dma_start3A_224 = tpu.memref_slice %arg3[%dma_start3A_214, %add3A_213] : memref<2x32768xi32, #tpu.memory_space<hbm>> -> memref<1x128xi32, #tpu.memory_space<hbm>>
    %dma_start3A_225 = tpu.memref_squeeze %dma_start3A_224 : memref<1x128xi32, #tpu.memory_space<hbm>> -> memref<128xi32, #tpu.memory_space<hbm>>
    tpu.enqueue_dma source(%dma_start3A_225 : memref<128xi32, #tpu.memory_space<hbm>>) target(%dma_start3A_223 : memref<128xi32, #tpu.memory_space<vmem>>) target_semaphore(%arg10 : memref<!tpu.dma_semaphore, #tpu.memory_space<semaphore_mem>>)
    %mul3A_226 = arith.constant 128 : i32
    %mul3A_227 = arith.muli %arg1, %mul3A_226 : i32
    %mul3A_228 = arith.constant 128 : i32
    %mul3A_229 = arith.muli %arg1, %mul3A_228 : i32
    %dma_start3A_230 = arith.constant 0 : i32
    %dma_start3A_231 = tpu.memref_slice %arg8[%mul3A_229, %dma_start3A_230] : memref<2048x128xf32, #tpu.memory_space<vmem_shared>> -> memref<128x128xf32, #tpu.memory_space<vmem_shared>>
    %dma_start3A_232 = arith.constant 0 : i32
    %dma_start3A_233 = tpu.memref_slice %arg2[%mul3A_227, %dma_start3A_232] : memref<2048x128xf32, #tpu.memory_space<hbm>> -> memref<128x128xf32, #tpu.memory_space<hbm>>
    tpu.enqueue_dma source(%dma_start3A_233 : memref<128x128xf32, #tpu.memory_space<hbm>>) target(%dma_start3A_231 : memref<128x128xf32, #tpu.memory_space<vmem_shared>>) target_semaphore(%arg9 : memref<!tpu.dma_semaphore, #tpu.memory_space<semaphore_mem>>)
    %dma_wait3A = arith.constant 0 : i32
    %dma_wait3A_234 = arith.constant 0 : i32
    %dma_wait3A_235 = arith.constant 0 : i32
    %dma_wait3A_236 = tpu.memref_slice %arg5[%dma_wait3A_234, %dma_wait3A_235] : memref<8x128xi32, #tpu.memory_space<vmem>> -> memref<1x128xi32, #tpu.memory_space<vmem>>
    %dma_wait3A_237 = tpu.memref_squeeze %dma_wait3A_236 : memref<1x128xi32, #tpu.memory_space<vmem>> -> memref<128xi32, #tpu.memory_space<vmem>>
    %dma_wait3A_238 = tpu.memref_slice %arg3[%dma_wait3A, %add3A_4] : memref<2x32768xi32, #tpu.memory_space<hbm>> -> memref<1x128xi32, #tpu.memory_space<hbm>>
    %dma_wait3A_239 = tpu.memref_squeeze %dma_wait3A_238 : memref<1x128xi32, #tpu.memory_space<hbm>> -> memref<128xi32, #tpu.memory_space<hbm>>
    %dma_wait3A_240 = arith.constant 0 : i32
    %dma_wait3A_241 = tpu.memref_slice %arg5[%dma_wait3A_234, %dma_wait3A_240] : memref<8x128xi32, #tpu.memory_space<vmem>> -> memref<1x128xi32, #tpu.memory_space<vmem>>
    %dma_wait3A_242 = tpu.memref_squeeze %dma_wait3A_241 : memref<1x128xi32, #tpu.memory_space<vmem>> -> memref<128xi32, #tpu.memory_space<vmem>>
    %dma_wait3A_243 = tpu.memref_slice %arg3[%dma_wait3A, %add3A_4] : memref<2x32768xi32, #tpu.memory_space<hbm>> -> memref<1x128xi32, #tpu.memory_space<hbm>>
    %dma_wait3A_244 = tpu.memref_squeeze %dma_wait3A_243 : memref<1x128xi32, #tpu.memory_space<hbm>> -> memref<128xi32, #tpu.memory_space<hbm>>
    tpu.wait_dma2 semaphore(%arg10 : memref<!tpu.dma_semaphore, #tpu.memory_space<semaphore_mem>>) src(%dma_wait3A_244 : memref<128xi32, #tpu.memory_space<hbm>>) dst(%dma_wait3A_242 : memref<128xi32, #tpu.memory_space<vmem>>)
    %dma_wait3A_245 = arith.constant 1 : i32
    %dma_wait3A_246 = arith.constant 0 : i32
    %dma_wait3A_247 = arith.constant 0 : i32
    %dma_wait3A_248 = tpu.memref_slice %arg6[%dma_wait3A_246, %dma_wait3A_247] : memref<8x128xi32, #tpu.memory_space<vmem>> -> memref<1x128xi32, #tpu.memory_space<vmem>>
    %dma_wait3A_249 = tpu.memref_squeeze %dma_wait3A_248 : memref<1x128xi32, #tpu.memory_space<vmem>> -> memref<128xi32, #tpu.memory_space<vmem>>
    %dma_wait3A_250 = tpu.memref_slice %arg3[%dma_wait3A_245, %add3A_17] : memref<2x32768xi32, #tpu.memory_space<hbm>> -> memref<1x128xi32, #tpu.memory_space<hbm>>
    %dma_wait3A_251 = tpu.memref_squeeze %dma_wait3A_250 : memref<1x128xi32, #tpu.memory_space<hbm>> -> memref<128xi32, #tpu.memory_space<hbm>>
    %dma_wait3A_252 = arith.constant 0 : i32
    %dma_wait3A_253 = tpu.memref_slice %arg6[%dma_wait3A_246, %dma_wait3A_252] : memref<8x128xi32, #tpu.memory_space<vmem>> -> memref<1x128xi32, #tpu.memory_space<vmem>>
    %dma_wait3A_254 = tpu.memref_squeeze %dma_wait3A_253 : memref<1x128xi32, #tpu.memory_space<vmem>> -> memref<128xi32, #tpu.memory_space<vmem>>
    %dma_wait3A_255 = tpu.memref_slice %arg3[%dma_wait3A_245, %add3A_17] : memref<2x32768xi32, #tpu.memory_space<hbm>> -> memref<1x128xi32, #tpu.memory_space<hbm>>
    %dma_wait3A_256 = tpu.memref_squeeze %dma_wait3A_255 : memref<1x128xi32, #tpu.memory_space<hbm>> -> memref<128xi32, #tpu.memory_space<hbm>>
    tpu.wait_dma2 semaphore(%arg10 : memref<!tpu.dma_semaphore, #tpu.memory_space<semaphore_mem>>) src(%dma_wait3A_256 : memref<128xi32, #tpu.memory_space<hbm>>) dst(%dma_wait3A_254 : memref<128xi32, #tpu.memory_space<vmem>>)
    %dma_wait3A_257 = arith.constant 0 : i32
    %dma_wait3A_258 = arith.constant 1 : i32
    %dma_wait3A_259 = arith.constant 0 : i32
    %dma_wait3A_260 = tpu.memref_slice %arg5[%dma_wait3A_258, %dma_wait3A_259] : memref<8x128xi32, #tpu.memory_space<vmem>> -> memref<1x128xi32, #tpu.memory_space<vmem>>
    %dma_wait3A_261 = tpu.memref_squeeze %dma_wait3A_260 : memref<1x128xi32, #tpu.memory_space<vmem>> -> memref<128xi32, #tpu.memory_space<vmem>>
    %dma_wait3A_262 = tpu.memref_slice %arg3[%dma_wait3A_257, %add3A_31] : memref<2x32768xi32, #tpu.memory_space<hbm>> -> memref<1x128xi32, #tpu.memory_space<hbm>>
    %dma_wait3A_263 = tpu.memref_squeeze %dma_wait3A_262 : memref<1x128xi32, #tpu.memory_space<hbm>> -> memref<128xi32, #tpu.memory_space<hbm>>
    %dma_wait3A_264 = arith.constant 0 : i32
    %dma_wait3A_265 = tpu.memref_slice %arg5[%dma_wait3A_258, %dma_wait3A_264] : memref<8x128xi32, #tpu.memory_space<vmem>> -> memref<1x128xi32, #tpu.memory_space<vmem>>
    %dma_wait3A_266 = tpu.memref_squeeze %dma_wait3A_265 : memref<1x128xi32, #tpu.memory_space<vmem>> -> memref<128xi32, #tpu.memory_space<vmem>>
    %dma_wait3A_267 = tpu.memref_slice %arg3[%dma_wait3A_257, %add3A_31] : memref<2x32768xi32, #tpu.memory_space<hbm>> -> memref<1x128xi32, #tpu.memory_space<hbm>>
    %dma_wait3A_268 = tpu.memref_squeeze %dma_wait3A_267 : memref<1x128xi32, #tpu.memory_space<hbm>> -> memref<128xi32, #tpu.memory_space<hbm>>
    tpu.wait_dma2 semaphore(%arg10 : memref<!tpu.dma_semaphore, #tpu.memory_space<semaphore_mem>>) src(%dma_wait3A_268 : memref<128xi32, #tpu.memory_space<hbm>>) dst(%dma_wait3A_266 : memref<128xi32, #tpu.memory_space<vmem>>)
    %dma_wait3A_269 = arith.constant 1 : i32
    %dma_wait3A_270 = arith.constant 1 : i32
    %dma_wait3A_271 = arith.constant 0 : i32
    %dma_wait3A_272 = tpu.memref_slice %arg6[%dma_wait3A_270, %dma_wait3A_271] : memref<8x128xi32, #tpu.memory_space<vmem>> -> memref<1x128xi32, #tpu.memory_space<vmem>>
    %dma_wait3A_273 = tpu.memref_squeeze %dma_wait3A_272 : memref<1x128xi32, #tpu.memory_space<vmem>> -> memref<128xi32, #tpu.memory_space<vmem>>
    %dma_wait3A_274 = tpu.memref_slice %arg3[%dma_wait3A_269, %add3A_45] : memref<2x32768xi32, #tpu.memory_space<hbm>> -> memref<1x128xi32, #tpu.memory_space<hbm>>
    %dma_wait3A_275 = tpu.memref_squeeze %dma_wait3A_274 : memref<1x128xi32, #tpu.memory_space<hbm>> -> memref<128xi32, #tpu.memory_space<hbm>>
    %dma_wait3A_276 = arith.constant 0 : i32
    %dma_wait3A_277 = tpu.memref_slice %arg6[%dma_wait3A_270, %dma_wait3A_276] : memref<8x128xi32, #tpu.memory_space<vmem>> -> memref<1x128xi32, #tpu.memory_space<vmem>>
    %dma_wait3A_278 = tpu.memref_squeeze %dma_wait3A_277 : memref<1x128xi32, #tpu.memory_space<vmem>> -> memref<128xi32, #tpu.memory_space<vmem>>
    %dma_wait3A_279 = tpu.memref_slice %arg3[%dma_wait3A_269, %add3A_45] : memref<2x32768xi32, #tpu.memory_space<hbm>> -> memref<1x128xi32, #tpu.memory_space<hbm>>
    %dma_wait3A_280 = tpu.memref_squeeze %dma_wait3A_279 : memref<1x128xi32, #tpu.memory_space<hbm>> -> memref<128xi32, #tpu.memory_space<hbm>>
    tpu.wait_dma2 semaphore(%arg10 : memref<!tpu.dma_semaphore, #tpu.memory_space<semaphore_mem>>) src(%dma_wait3A_280 : memref<128xi32, #tpu.memory_space<hbm>>) dst(%dma_wait3A_278 : memref<128xi32, #tpu.memory_space<vmem>>)
    %dma_wait3A_281 = arith.constant 0 : i32
    %dma_wait3A_282 = arith.constant 2 : i32
    %dma_wait3A_283 = arith.constant 0 : i32
    %dma_wait3A_284 = tpu.memref_slice %arg5[%dma_wait3A_282, %dma_wait3A_283] : memref<8x128xi32, #tpu.memory_space<vmem>> -> memref<1x128xi32, #tpu.memory_space<vmem>>
    %dma_wait3A_285 = tpu.memref_squeeze %dma_wait3A_284 : memref<1x128xi32, #tpu.memory_space<vmem>> -> memref<128xi32, #tpu.memory_space<vmem>>
    %dma_wait3A_286 = tpu.memref_slice %arg3[%dma_wait3A_281, %add3A_59] : memref<2x32768xi32, #tpu.memory_space<hbm>> -> memref<1x128xi32, #tpu.memory_space<hbm>>
    %dma_wait3A_287 = tpu.memref_squeeze %dma_wait3A_286 : memref<1x128xi32, #tpu.memory_space<hbm>> -> memref<128xi32, #tpu.memory_space<hbm>>
    %dma_wait3A_288 = arith.constant 0 : i32
    %dma_wait3A_289 = tpu.memref_slice %arg5[%dma_wait3A_282, %dma_wait3A_288] : memref<8x128xi32, #tpu.memory_space<vmem>> -> memref<1x128xi32, #tpu.memory_space<vmem>>
    %dma_wait3A_290 = tpu.memref_squeeze %dma_wait3A_289 : memref<1x128xi32, #tpu.memory_space<vmem>> -> memref<128xi32, #tpu.memory_space<vmem>>
    %dma_wait3A_291 = tpu.memref_slice %arg3[%dma_wait3A_281, %add3A_59] : memref<2x32768xi32, #tpu.memory_space<hbm>> -> memref<1x128xi32, #tpu.memory_space<hbm>>
    %dma_wait3A_292 = tpu.memref_squeeze %dma_wait3A_291 : memref<1x128xi32, #tpu.memory_space<hbm>> -> memref<128xi32, #tpu.memory_space<hbm>>
    tpu.wait_dma2 semaphore(%arg10 : memref<!tpu.dma_semaphore, #tpu.memory_space<semaphore_mem>>) src(%dma_wait3A_292 : memref<128xi32, #tpu.memory_space<hbm>>) dst(%dma_wait3A_290 : memref<128xi32, #tpu.memory_space<vmem>>)
    %dma_wait3A_293 = arith.constant 1 : i32
    %dma_wait3A_294 = arith.constant 2 : i32
    %dma_wait3A_295 = arith.constant 0 : i32
    %dma_wait3A_296 = tpu.memref_slice %arg6[%dma_wait3A_294, %dma_wait3A_295] : memref<8x128xi32, #tpu.memory_space<vmem>> -> memref<1x128xi32, #tpu.memory_space<vmem>>
    %dma_wait3A_297 = tpu.memref_squeeze %dma_wait3A_296 : memref<1x128xi32, #tpu.memory_space<vmem>> -> memref<128xi32, #tpu.memory_space<vmem>>
    %dma_wait3A_298 = tpu.memref_slice %arg3[%dma_wait3A_293, %add3A_73] : memref<2x32768xi32, #tpu.memory_space<hbm>> -> memref<1x128xi32, #tpu.memory_space<hbm>>
    %dma_wait3A_299 = tpu.memref_squeeze %dma_wait3A_298 : memref<1x128xi32, #tpu.memory_space<hbm>> -> memref<128xi32, #tpu.memory_space<hbm>>
    %dma_wait3A_300 = arith.constant 0 : i32
    %dma_wait3A_301 = tpu.memref_slice %arg6[%dma_wait3A_294, %dma_wait3A_300] : memref<8x128xi32, #tpu.memory_space<vmem>> -> memref<1x128xi32, #tpu.memory_space<vmem>>
    %dma_wait3A_302 = tpu.memref_squeeze %dma_wait3A_301 : memref<1x128xi32, #tpu.memory_space<vmem>> -> memref<128xi32, #tpu.memory_space<vmem>>
    %dma_wait3A_303 = tpu.memref_slice %arg3[%dma_wait3A_293, %add3A_73] : memref<2x32768xi32, #tpu.memory_space<hbm>> -> memref<1x128xi32, #tpu.memory_space<hbm>>
    %dma_wait3A_304 = tpu.memref_squeeze %dma_wait3A_303 : memref<1x128xi32, #tpu.memory_space<hbm>> -> memref<128xi32, #tpu.memory_space<hbm>>
    tpu.wait_dma2 semaphore(%arg10 : memref<!tpu.dma_semaphore, #tpu.memory_space<semaphore_mem>>) src(%dma_wait3A_304 : memref<128xi32, #tpu.memory_space<hbm>>) dst(%dma_wait3A_302 : memref<128xi32, #tpu.memory_space<vmem>>)
    %dma_wait3A_305 = arith.constant 0 : i32
    %dma_wait3A_306 = arith.constant 3 : i32
    %dma_wait3A_307 = arith.constant 0 : i32
    %dma_wait3A_308 = tpu.memref_slice %arg5[%dma_wait3A_306, %dma_wait3A_307] : memref<8x128xi32, #tpu.memory_space<vmem>> -> memref<1x128xi32, #tpu.memory_space<vmem>>
    %dma_wait3A_309 = tpu.memref_squeeze %dma_wait3A_308 : memref<1x128xi32, #tpu.memory_space<vmem>> -> memref<128xi32, #tpu.memory_space<vmem>>
    %dma_wait3A_310 = tpu.memref_slice %arg3[%dma_wait3A_305, %add3A_87] : memref<2x32768xi32, #tpu.memory_space<hbm>> -> memref<1x128xi32, #tpu.memory_space<hbm>>
    %dma_wait3A_311 = tpu.memref_squeeze %dma_wait3A_310 : memref<1x128xi32, #tpu.memory_space<hbm>> -> memref<128xi32, #tpu.memory_space<hbm>>
    %dma_wait3A_312 = arith.constant 0 : i32
    %dma_wait3A_313 = tpu.memref_slice %arg5[%dma_wait3A_306, %dma_wait3A_312] : memref<8x128xi32, #tpu.memory_space<vmem>> -> memref<1x128xi32, #tpu.memory_space<vmem>>
    %dma_wait3A_314 = tpu.memref_squeeze %dma_wait3A_313 : memref<1x128xi32, #tpu.memory_space<vmem>> -> memref<128xi32, #tpu.memory_space<vmem>>
    %dma_wait3A_315 = tpu.memref_slice %arg3[%dma_wait3A_305, %add3A_87] : memref<2x32768xi32, #tpu.memory_space<hbm>> -> memref<1x128xi32, #tpu.memory_space<hbm>>
    %dma_wait3A_316 = tpu.memref_squeeze %dma_wait3A_315 : memref<1x128xi32, #tpu.memory_space<hbm>> -> memref<128xi32, #tpu.memory_space<hbm>>
    tpu.wait_dma2 semaphore(%arg10 : memref<!tpu.dma_semaphore, #tpu.memory_space<semaphore_mem>>) src(%dma_wait3A_316 : memref<128xi32, #tpu.memory_space<hbm>>) dst(%dma_wait3A_314 : memref<128xi32, #tpu.memory_space<vmem>>)
    %dma_wait3A_317 = arith.constant 1 : i32
    %dma_wait3A_318 = arith.constant 3 : i32
    %dma_wait3A_319 = arith.constant 0 : i32
    %dma_wait3A_320 = tpu.memref_slice %arg6[%dma_wait3A_318, %dma_wait3A_319] : memref<8x128xi32, #tpu.memory_space<vmem>> -> memref<1x128xi32, #tpu.memory_space<vmem>>
    %dma_wait3A_321 = tpu.memref_squeeze %dma_wait3A_320 : memref<1x128xi32, #tpu.memory_space<vmem>> -> memref<128xi32, #tpu.memory_space<vmem>>
    %dma_wait3A_322 = tpu.memref_slice %arg3[%dma_wait3A_317, %add3A_101] : memref<2x32768xi32, #tpu.memory_space<hbm>> -> memref<1x128xi32, #tpu.memory_space<hbm>>
    %dma_wait3A_323 = tpu.memref_squeeze %dma_wait3A_322 : memref<1x128xi32, #tpu.memory_space<hbm>> -> memref<128xi32, #tpu.memory_space<hbm>>
    %dma_wait3A_324 = arith.constant 0 : i32
    %dma_wait3A_325 = tpu.memref_slice %arg6[%dma_wait3A_318, %dma_wait3A_324] : memref<8x128xi32, #tpu.memory_space<vmem>> -> memref<1x128xi32, #tpu.memory_space<vmem>>
    %dma_wait3A_326 = tpu.memref_squeeze %dma_wait3A_325 : memref<1x128xi32, #tpu.memory_space<vmem>> -> memref<128xi32, #tpu.memory_space<vmem>>
    %dma_wait3A_327 = tpu.memref_slice %arg3[%dma_wait3A_317, %add3A_101] : memref<2x32768xi32, #tpu.memory_space<hbm>> -> memref<1x128xi32, #tpu.memory_space<hbm>>
    %dma_wait3A_328 = tpu.memref_squeeze %dma_wait3A_327 : memref<1x128xi32, #tpu.memory_space<hbm>> -> memref<128xi32, #tpu.memory_space<hbm>>
    tpu.wait_dma2 semaphore(%arg10 : memref<!tpu.dma_semaphore, #tpu.memory_space<semaphore_mem>>) src(%dma_wait3A_328 : memref<128xi32, #tpu.memory_space<hbm>>) dst(%dma_wait3A_326 : memref<128xi32, #tpu.memory_space<vmem>>)
    %dma_wait3A_329 = arith.constant 0 : i32
    %dma_wait3A_330 = arith.constant 4 : i32
    %dma_wait3A_331 = arith.constant 0 : i32
    %dma_wait3A_332 = tpu.memref_slice %arg5[%dma_wait3A_330, %dma_wait3A_331] : memref<8x128xi32, #tpu.memory_space<vmem>> -> memref<1x128xi32, #tpu.memory_space<vmem>>
    %dma_wait3A_333 = tpu.memref_squeeze %dma_wait3A_332 : memref<1x128xi32, #tpu.memory_space<vmem>> -> memref<128xi32, #tpu.memory_space<vmem>>
    %dma_wait3A_334 = tpu.memref_slice %arg3[%dma_wait3A_329, %add3A_115] : memref<2x32768xi32, #tpu.memory_space<hbm>> -> memref<1x128xi32, #tpu.memory_space<hbm>>
    %dma_wait3A_335 = tpu.memref_squeeze %dma_wait3A_334 : memref<1x128xi32, #tpu.memory_space<hbm>> -> memref<128xi32, #tpu.memory_space<hbm>>
    %dma_wait3A_336 = arith.constant 0 : i32
    %dma_wait3A_337 = tpu.memref_slice %arg5[%dma_wait3A_330, %dma_wait3A_336] : memref<8x128xi32, #tpu.memory_space<vmem>> -> memref<1x128xi32, #tpu.memory_space<vmem>>
    %dma_wait3A_338 = tpu.memref_squeeze %dma_wait3A_337 : memref<1x128xi32, #tpu.memory_space<vmem>> -> memref<128xi32, #tpu.memory_space<vmem>>
    %dma_wait3A_339 = tpu.memref_slice %arg3[%dma_wait3A_329, %add3A_115] : memref<2x32768xi32, #tpu.memory_space<hbm>> -> memref<1x128xi32, #tpu.memory_space<hbm>>
    %dma_wait3A_340 = tpu.memref_squeeze %dma_wait3A_339 : memref<1x128xi32, #tpu.memory_space<hbm>> -> memref<128xi32, #tpu.memory_space<hbm>>
    tpu.wait_dma2 semaphore(%arg10 : memref<!tpu.dma_semaphore, #tpu.memory_space<semaphore_mem>>) src(%dma_wait3A_340 : memref<128xi32, #tpu.memory_space<hbm>>) dst(%dma_wait3A_338 : memref<128xi32, #tpu.memory_space<vmem>>)
    %dma_wait3A_341 = arith.constant 1 : i32
    %dma_wait3A_342 = arith.constant 4 : i32
    %dma_wait3A_343 = arith.constant 0 : i32
    %dma_wait3A_344 = tpu.memref_slice %arg6[%dma_wait3A_342, %dma_wait3A_343] : memref<8x128xi32, #tpu.memory_space<vmem>> -> memref<1x128xi32, #tpu.memory_space<vmem>>
    %dma_wait3A_345 = tpu.memref_squeeze %dma_wait3A_344 : memref<1x128xi32, #tpu.memory_space<vmem>> -> memref<128xi32, #tpu.memory_space<vmem>>
    %dma_wait3A_346 = tpu.memref_slice %arg3[%dma_wait3A_341, %add3A_129] : memref<2x32768xi32, #tpu.memory_space<hbm>> -> memref<1x128xi32, #tpu.memory_space<hbm>>
    %dma_wait3A_347 = tpu.memref_squeeze %dma_wait3A_346 : memref<1x128xi32, #tpu.memory_space<hbm>> -> memref<128xi32, #tpu.memory_space<hbm>>
    %dma_wait3A_348 = arith.constant 0 : i32
    %dma_wait3A_349 = tpu.memref_slice %arg6[%dma_wait3A_342, %dma_wait3A_348] : memref<8x128xi32, #tpu.memory_space<vmem>> -> memref<1x128xi32, #tpu.memory_space<vmem>>
    %dma_wait3A_350 = tpu.memref_squeeze %dma_wait3A_349 : memref<1x128xi32, #tpu.memory_space<vmem>> -> memref<128xi32, #tpu.memory_space<vmem>>
    %dma_wait3A_351 = tpu.memref_slice %arg3[%dma_wait3A_341, %add3A_129] : memref<2x32768xi32, #tpu.memory_space<hbm>> -> memref<1x128xi32, #tpu.memory_space<hbm>>
    %dma_wait3A_352 = tpu.memref_squeeze %dma_wait3A_351 : memref<1x128xi32, #tpu.memory_space<hbm>> -> memref<128xi32, #tpu.memory_space<hbm>>
    tpu.wait_dma2 semaphore(%arg10 : memref<!tpu.dma_semaphore, #tpu.memory_space<semaphore_mem>>) src(%dma_wait3A_352 : memref<128xi32, #tpu.memory_space<hbm>>) dst(%dma_wait3A_350 : memref<128xi32, #tpu.memory_space<vmem>>)
    %dma_wait3A_353 = arith.constant 0 : i32
    %dma_wait3A_354 = arith.constant 5 : i32
    %dma_wait3A_355 = arith.constant 0 : i32
    %dma_wait3A_356 = tpu.memref_slice %arg5[%dma_wait3A_354, %dma_wait3A_355] : memref<8x128xi32, #tpu.memory_space<vmem>> -> memref<1x128xi32, #tpu.memory_space<vmem>>
    %dma_wait3A_357 = tpu.memref_squeeze %dma_wait3A_356 : memref<1x128xi32, #tpu.memory_space<vmem>> -> memref<128xi32, #tpu.memory_space<vmem>>
    %dma_wait3A_358 = tpu.memref_slice %arg3[%dma_wait3A_353, %add3A_143] : memref<2x32768xi32, #tpu.memory_space<hbm>> -> memref<1x128xi32, #tpu.memory_space<hbm>>
    %dma_wait3A_359 = tpu.memref_squeeze %dma_wait3A_358 : memref<1x128xi32, #tpu.memory_space<hbm>> -> memref<128xi32, #tpu.memory_space<hbm>>
    %dma_wait3A_360 = arith.constant 0 : i32
    %dma_wait3A_361 = tpu.memref_slice %arg5[%dma_wait3A_354, %dma_wait3A_360] : memref<8x128xi32, #tpu.memory_space<vmem>> -> memref<1x128xi32, #tpu.memory_space<vmem>>
    %dma_wait3A_362 = tpu.memref_squeeze %dma_wait3A_361 : memref<1x128xi32, #tpu.memory_space<vmem>> -> memref<128xi32, #tpu.memory_space<vmem>>
    %dma_wait3A_363 = tpu.memref_slice %arg3[%dma_wait3A_353, %add3A_143] : memref<2x32768xi32, #tpu.memory_space<hbm>> -> memref<1x128xi32, #tpu.memory_space<hbm>>
    %dma_wait3A_364 = tpu.memref_squeeze %dma_wait3A_363 : memref<1x128xi32, #tpu.memory_space<hbm>> -> memref<128xi32, #tpu.memory_space<hbm>>
    tpu.wait_dma2 semaphore(%arg10 : memref<!tpu.dma_semaphore, #tpu.memory_space<semaphore_mem>>) src(%dma_wait3A_364 : memref<128xi32, #tpu.memory_space<hbm>>) dst(%dma_wait3A_362 : memref<128xi32, #tpu.memory_space<vmem>>)
    %dma_wait3A_365 = arith.constant 1 : i32
    %dma_wait3A_366 = arith.constant 5 : i32
    %dma_wait3A_367 = arith.constant 0 : i32
    %dma_wait3A_368 = tpu.memref_slice %arg6[%dma_wait3A_366, %dma_wait3A_367] : memref<8x128xi32, #tpu.memory_space<vmem>> -> memref<1x128xi32, #tpu.memory_space<vmem>>
    %dma_wait3A_369 = tpu.memref_squeeze %dma_wait3A_368 : memref<1x128xi32, #tpu.memory_space<vmem>> -> memref<128xi32, #tpu.memory_space<vmem>>
    %dma_wait3A_370 = tpu.memref_slice %arg3[%dma_wait3A_365, %add3A_157] : memref<2x32768xi32, #tpu.memory_space<hbm>> -> memref<1x128xi32, #tpu.memory_space<hbm>>
    %dma_wait3A_371 = tpu.memref_squeeze %dma_wait3A_370 : memref<1x128xi32, #tpu.memory_space<hbm>> -> memref<128xi32, #tpu.memory_space<hbm>>
    %dma_wait3A_372 = arith.constant 0 : i32
    %dma_wait3A_373 = tpu.memref_slice %arg6[%dma_wait3A_366, %dma_wait3A_372] : memref<8x128xi32, #tpu.memory_space<vmem>> -> memref<1x128xi32, #tpu.memory_space<vmem>>
    %dma_wait3A_374 = tpu.memref_squeeze %dma_wait3A_373 : memref<1x128xi32, #tpu.memory_space<vmem>> -> memref<128xi32, #tpu.memory_space<vmem>>
    %dma_wait3A_375 = tpu.memref_slice %arg3[%dma_wait3A_365, %add3A_157] : memref<2x32768xi32, #tpu.memory_space<hbm>> -> memref<1x128xi32, #tpu.memory_space<hbm>>
    %dma_wait3A_376 = tpu.memref_squeeze %dma_wait3A_375 : memref<1x128xi32, #tpu.memory_space<hbm>> -> memref<128xi32, #tpu.memory_space<hbm>>
    tpu.wait_dma2 semaphore(%arg10 : memref<!tpu.dma_semaphore, #tpu.memory_space<semaphore_mem>>) src(%dma_wait3A_376 : memref<128xi32, #tpu.memory_space<hbm>>) dst(%dma_wait3A_374 : memref<128xi32, #tpu.memory_space<vmem>>)
    %dma_wait3A_377 = arith.constant 0 : i32
    %dma_wait3A_378 = arith.constant 6 : i32
    %dma_wait3A_379 = arith.constant 0 : i32
    %dma_wait3A_380 = tpu.memref_slice %arg5[%dma_wait3A_378, %dma_wait3A_379] : memref<8x128xi32, #tpu.memory_space<vmem>> -> memref<1x128xi32, #tpu.memory_space<vmem>>
    %dma_wait3A_381 = tpu.memref_squeeze %dma_wait3A_380 : memref<1x128xi32, #tpu.memory_space<vmem>> -> memref<128xi32, #tpu.memory_space<vmem>>
    %dma_wait3A_382 = tpu.memref_slice %arg3[%dma_wait3A_377, %add3A_171] : memref<2x32768xi32, #tpu.memory_space<hbm>> -> memref<1x128xi32, #tpu.memory_space<hbm>>
    %dma_wait3A_383 = tpu.memref_squeeze %dma_wait3A_382 : memref<1x128xi32, #tpu.memory_space<hbm>> -> memref<128xi32, #tpu.memory_space<hbm>>
    %dma_wait3A_384 = arith.constant 0 : i32
    %dma_wait3A_385 = tpu.memref_slice %arg5[%dma_wait3A_378, %dma_wait3A_384] : memref<8x128xi32, #tpu.memory_space<vmem>> -> memref<1x128xi32, #tpu.memory_space<vmem>>
    %dma_wait3A_386 = tpu.memref_squeeze %dma_wait3A_385 : memref<1x128xi32, #tpu.memory_space<vmem>> -> memref<128xi32, #tpu.memory_space<vmem>>
    %dma_wait3A_387 = tpu.memref_slice %arg3[%dma_wait3A_377, %add3A_171] : memref<2x32768xi32, #tpu.memory_space<hbm>> -> memref<1x128xi32, #tpu.memory_space<hbm>>
    %dma_wait3A_388 = tpu.memref_squeeze %dma_wait3A_387 : memref<1x128xi32, #tpu.memory_space<hbm>> -> memref<128xi32, #tpu.memory_space<hbm>>
    tpu.wait_dma2 semaphore(%arg10 : memref<!tpu.dma_semaphore, #tpu.memory_space<semaphore_mem>>) src(%dma_wait3A_388 : memref<128xi32, #tpu.memory_space<hbm>>) dst(%dma_wait3A_386 : memref<128xi32, #tpu.memory_space<vmem>>)
    %dma_wait3A_389 = arith.constant 1 : i32
    %dma_wait3A_390 = arith.constant 6 : i32
    %dma_wait3A_391 = arith.constant 0 : i32
    %dma_wait3A_392 = tpu.memref_slice %arg6[%dma_wait3A_390, %dma_wait3A_391] : memref<8x128xi32, #tpu.memory_space<vmem>> -> memref<1x128xi32, #tpu.memory_space<vmem>>
    %dma_wait3A_393 = tpu.memref_squeeze %dma_wait3A_392 : memref<1x128xi32, #tpu.memory_space<vmem>> -> memref<128xi32, #tpu.memory_space<vmem>>
    %dma_wait3A_394 = tpu.memref_slice %arg3[%dma_wait3A_389, %add3A_185] : memref<2x32768xi32, #tpu.memory_space<hbm>> -> memref<1x128xi32, #tpu.memory_space<hbm>>
    %dma_wait3A_395 = tpu.memref_squeeze %dma_wait3A_394 : memref<1x128xi32, #tpu.memory_space<hbm>> -> memref<128xi32, #tpu.memory_space<hbm>>
    %dma_wait3A_396 = arith.constant 0 : i32
    %dma_wait3A_397 = tpu.memref_slice %arg6[%dma_wait3A_390, %dma_wait3A_396] : memref<8x128xi32, #tpu.memory_space<vmem>> -> memref<1x128xi32, #tpu.memory_space<vmem>>
    %dma_wait3A_398 = tpu.memref_squeeze %dma_wait3A_397 : memref<1x128xi32, #tpu.memory_space<vmem>> -> memref<128xi32, #tpu.memory_space<vmem>>
    %dma_wait3A_399 = tpu.memref_slice %arg3[%dma_wait3A_389, %add3A_185] : memref<2x32768xi32, #tpu.memory_space<hbm>> -> memref<1x128xi32, #tpu.memory_space<hbm>>
    %dma_wait3A_400 = tpu.memref_squeeze %dma_wait3A_399 : memref<1x128xi32, #tpu.memory_space<hbm>> -> memref<128xi32, #tpu.memory_space<hbm>>
    tpu.wait_dma2 semaphore(%arg10 : memref<!tpu.dma_semaphore, #tpu.memory_space<semaphore_mem>>) src(%dma_wait3A_400 : memref<128xi32, #tpu.memory_space<hbm>>) dst(%dma_wait3A_398 : memref<128xi32, #tpu.memory_space<vmem>>)
    %dma_wait3A_401 = arith.constant 0 : i32
    %dma_wait3A_402 = arith.constant 7 : i32
    %dma_wait3A_403 = arith.constant 0 : i32
    %dma_wait3A_404 = tpu.memref_slice %arg5[%dma_wait3A_402, %dma_wait3A_403] : memref<8x128xi32, #tpu.memory_space<vmem>> -> memref<1x128xi32, #tpu.memory_space<vmem>>
    %dma_wait3A_405 = tpu.memref_squeeze %dma_wait3A_404 : memref<1x128xi32, #tpu.memory_space<vmem>> -> memref<128xi32, #tpu.memory_space<vmem>>
    %dma_wait3A_406 = tpu.memref_slice %arg3[%dma_wait3A_401, %add3A_199] : memref<2x32768xi32, #tpu.memory_space<hbm>> -> memref<1x128xi32, #tpu.memory_space<hbm>>
    %dma_wait3A_407 = tpu.memref_squeeze %dma_wait3A_406 : memref<1x128xi32, #tpu.memory_space<hbm>> -> memref<128xi32, #tpu.memory_space<hbm>>
    %dma_wait3A_408 = arith.constant 0 : i32
    %dma_wait3A_409 = tpu.memref_slice %arg5[%dma_wait3A_402, %dma_wait3A_408] : memref<8x128xi32, #tpu.memory_space<vmem>> -> memref<1x128xi32, #tpu.memory_space<vmem>>
    %dma_wait3A_410 = tpu.memref_squeeze %dma_wait3A_409 : memref<1x128xi32, #tpu.memory_space<vmem>> -> memref<128xi32, #tpu.memory_space<vmem>>
    %dma_wait3A_411 = tpu.memref_slice %arg3[%dma_wait3A_401, %add3A_199] : memref<2x32768xi32, #tpu.memory_space<hbm>> -> memref<1x128xi32, #tpu.memory_space<hbm>>
    %dma_wait3A_412 = tpu.memref_squeeze %dma_wait3A_411 : memref<1x128xi32, #tpu.memory_space<hbm>> -> memref<128xi32, #tpu.memory_space<hbm>>
    tpu.wait_dma2 semaphore(%arg10 : memref<!tpu.dma_semaphore, #tpu.memory_space<semaphore_mem>>) src(%dma_wait3A_412 : memref<128xi32, #tpu.memory_space<hbm>>) dst(%dma_wait3A_410 : memref<128xi32, #tpu.memory_space<vmem>>)
    %dma_wait3A_413 = arith.constant 1 : i32
    %dma_wait3A_414 = arith.constant 7 : i32
    %dma_wait3A_415 = arith.constant 0 : i32
    %dma_wait3A_416 = tpu.memref_slice %arg6[%dma_wait3A_414, %dma_wait3A_415] : memref<8x128xi32, #tpu.memory_space<vmem>> -> memref<1x128xi32, #tpu.memory_space<vmem>>
    %dma_wait3A_417 = tpu.memref_squeeze %dma_wait3A_416 : memref<1x128xi32, #tpu.memory_space<vmem>> -> memref<128xi32, #tpu.memory_space<vmem>>
    %dma_wait3A_418 = tpu.memref_slice %arg3[%dma_wait3A_413, %add3A_213] : memref<2x32768xi32, #tpu.memory_space<hbm>> -> memref<1x128xi32, #tpu.memory_space<hbm>>
    %dma_wait3A_419 = tpu.memref_squeeze %dma_wait3A_418 : memref<1x128xi32, #tpu.memory_space<hbm>> -> memref<128xi32, #tpu.memory_space<hbm>>
    %dma_wait3A_420 = arith.constant 0 : i32
    %dma_wait3A_421 = tpu.memref_slice %arg6[%dma_wait3A_414, %dma_wait3A_420] : memref<8x128xi32, #tpu.memory_space<vmem>> -> memref<1x128xi32, #tpu.memory_space<vmem>>
    %dma_wait3A_422 = tpu.memref_squeeze %dma_wait3A_421 : memref<1x128xi32, #tpu.memory_space<vmem>> -> memref<128xi32, #tpu.memory_space<vmem>>
    %dma_wait3A_423 = tpu.memref_slice %arg3[%dma_wait3A_413, %add3A_213] : memref<2x32768xi32, #tpu.memory_space<hbm>> -> memref<1x128xi32, #tpu.memory_space<hbm>>
    %dma_wait3A_424 = tpu.memref_squeeze %dma_wait3A_423 : memref<1x128xi32, #tpu.memory_space<hbm>> -> memref<128xi32, #tpu.memory_space<hbm>>
    tpu.wait_dma2 semaphore(%arg10 : memref<!tpu.dma_semaphore, #tpu.memory_space<semaphore_mem>>) src(%dma_wait3A_424 : memref<128xi32, #tpu.memory_space<hbm>>) dst(%dma_wait3A_422 : memref<128xi32, #tpu.memory_space<vmem>>)
    %dma_start3A_425 = arith.constant 0 : i32
    %dma_start3A_426 = arith.constant 0 : i32
    %dma_start3A_427 = arith.constant 0 : i32
    %dma_start3A_428 = arith.constant 0 : i32
    %dma_start3A_429 = tpu.memref_slice %arg7[%dma_start3A_426, %dma_start3A_427, %dma_start3A_428] : memref<3x128x128xf32, #tpu.memory_space<vmem>> -> memref<1x128x128xf32, #tpu.memory_space<vmem>>
    %dma_start3A_430 = tpu.memref_squeeze %dma_start3A_429 : memref<1x128x128xf32, #tpu.memory_space<vmem>> -> memref<128x128xf32, #tpu.memory_space<vmem>>
    %dma_start3A_431 = arith.constant 0 : i32
    %dma_start3A_432 = tpu.memref_slice %arg5[%dma_start3A_425, %dma_start3A_431] : memref<8x128xi32, #tpu.memory_space<vmem>> -> memref<1x128xi32, #tpu.memory_space<vmem>>
    %dma_start3A_433 = tpu.memref_squeeze %dma_start3A_432 : memref<1x128xi32, #tpu.memory_space<vmem>> -> memref<128xi32, #tpu.memory_space<vmem>>
    %dma_start3A_434 = arith.constant 0 : i32
    %dma_start3A_435 = arith.constant 0 : i32
    %dma_start3A_436 = tpu.memref_slice %arg2[%dma_start3A_434, %dma_start3A_435] : memref<2048x128xf32, #tpu.memory_space<hbm>> -> memref<2048x128xf32, #tpu.memory_space<hbm>>
    tpu.enqueue_indirect_dma source(%dma_start3A_436 : memref<2048x128xf32, #tpu.memory_space<hbm>>) target(%dma_start3A_430 : memref<128x128xf32, #tpu.memory_space<vmem>>) offsets(%dma_start3A_433 : memref<128xi32, #tpu.memory_space<vmem>>) semaphore(%arg11 : memref<!tpu.dma_semaphore, #tpu.memory_space<semaphore_mem>>)
    %dma_start3A_437 = arith.constant 1 : i32
    %dma_start3A_438 = arith.constant 1 : i32
    %dma_start3A_439 = arith.constant 0 : i32
    %dma_start3A_440 = arith.constant 0 : i32
    %dma_start3A_441 = tpu.memref_slice %arg7[%dma_start3A_438, %dma_start3A_439, %dma_start3A_440] : memref<3x128x128xf32, #tpu.memory_space<vmem>> -> memref<1x128x128xf32, #tpu.memory_space<vmem>>
    %dma_start3A_442 = tpu.memref_squeeze %dma_start3A_441 : memref<1x128x128xf32, #tpu.memory_space<vmem>> -> memref<128x128xf32, #tpu.memory_space<vmem>>
    %dma_start3A_443 = arith.constant 0 : i32
    %dma_start3A_444 = tpu.memref_slice %arg5[%dma_start3A_437, %dma_start3A_443] : memref<8x128xi32, #tpu.memory_space<vmem>> -> memref<1x128xi32, #tpu.memory_space<vmem>>
    %dma_start3A_445 = tpu.memref_squeeze %dma_start3A_444 : memref<1x128xi32, #tpu.memory_space<vmem>> -> memref<128xi32, #tpu.memory_space<vmem>>
    %dma_start3A_446 = arith.constant 0 : i32
    %dma_start3A_447 = arith.constant 0 : i32
    %dma_start3A_448 = tpu.memref_slice %arg2[%dma_start3A_446, %dma_start3A_447] : memref<2048x128xf32, #tpu.memory_space<hbm>> -> memref<2048x128xf32, #tpu.memory_space<hbm>>
    tpu.enqueue_indirect_dma source(%dma_start3A_448 : memref<2048x128xf32, #tpu.memory_space<hbm>>) target(%dma_start3A_442 : memref<128x128xf32, #tpu.memory_space<vmem>>) offsets(%dma_start3A_445 : memref<128xi32, #tpu.memory_space<vmem>>) semaphore(%arg11 : memref<!tpu.dma_semaphore, #tpu.memory_space<semaphore_mem>>)
    %dma_wait3A_449 = arith.constant 0 : i32
    %dma_wait3A_450 = tpu.memref_slice %arg8[%mul3A_229, %dma_wait3A_449] : memref<2048x128xf32, #tpu.memory_space<vmem_shared>> -> memref<128x128xf32, #tpu.memory_space<vmem_shared>>
    %dma_wait3A_451 = arith.constant 0 : i32
    %dma_wait3A_452 = tpu.memref_slice %arg2[%mul3A_227, %dma_wait3A_451] : memref<2048x128xf32, #tpu.memory_space<hbm>> -> memref<128x128xf32, #tpu.memory_space<hbm>>
    tpu.wait_dma2 semaphore(%arg9 : memref<!tpu.dma_semaphore, #tpu.memory_space<semaphore_mem>>) src(%dma_wait3A_452 : memref<128x128xf32, #tpu.memory_space<hbm>>) dst(%dma_wait3A_450 : memref<128x128xf32, #tpu.memory_space<vmem_shared>>)
    %barrier3A = arith.constant 0 : index
    tpu.barrier barrier_id(%barrier3A)
    %dma_wait3A_453 = arith.constant 0 : i32
    %dma_wait3A_454 = arith.constant 0 : i32
    %dma_wait3A_455 = arith.constant 0 : i32
    %dma_wait3A_456 = arith.constant 0 : i32
    %dma_wait3A_457 = tpu.memref_slice %arg7[%dma_wait3A_454, %dma_wait3A_455, %dma_wait3A_456] : memref<3x128x128xf32, #tpu.memory_space<vmem>> -> memref<1x128x128xf32, #tpu.memory_space<vmem>>
    %dma_wait3A_458 = tpu.memref_squeeze %dma_wait3A_457 : memref<1x128x128xf32, #tpu.memory_space<vmem>> -> memref<128x128xf32, #tpu.memory_space<vmem>>
    %dma_wait3A_459 = arith.constant 0 : i32
    %dma_wait3A_460 = tpu.memref_slice %arg5[%dma_wait3A_453, %dma_wait3A_459] : memref<8x128xi32, #tpu.memory_space<vmem>> -> memref<1x128xi32, #tpu.memory_space<vmem>>
    %dma_wait3A_461 = tpu.memref_squeeze %dma_wait3A_460 : memref<1x128xi32, #tpu.memory_space<vmem>> -> memref<128xi32, #tpu.memory_space<vmem>>
    %dma_wait3A_462 = arith.constant 0 : i32
    %dma_wait3A_463 = arith.constant 0 : i32
    %dma_wait3A_464 = tpu.memref_slice %arg2[%dma_wait3A_462, %dma_wait3A_463] : memref<2048x128xf32, #tpu.memory_space<hbm>> -> memref<2048x128xf32, #tpu.memory_space<hbm>>
    tpu.wait_indirect_dma semaphore(%arg11 : memref<!tpu.dma_semaphore, #tpu.memory_space<semaphore_mem>>) src(%dma_wait3A_464 : memref<2048x128xf32, #tpu.memory_space<hbm>>) dst(%dma_wait3A_458 : memref<128x128xf32, #tpu.memory_space<vmem>>)
    %dma_start3A_465 = arith.constant 2 : i32
    %dma_start3A_466 = arith.constant 2 : i32
    %dma_start3A_467 = arith.constant 0 : i32
    %dma_start3A_468 = arith.constant 0 : i32
    %dma_start3A_469 = tpu.memref_slice %arg7[%dma_start3A_466, %dma_start3A_467, %dma_start3A_468] : memref<3x128x128xf32, #tpu.memory_space<vmem>> -> memref<1x128x128xf32, #tpu.memory_space<vmem>>
    %dma_start3A_470 = tpu.memref_squeeze %dma_start3A_469 : memref<1x128x128xf32, #tpu.memory_space<vmem>> -> memref<128x128xf32, #tpu.memory_space<vmem>>
    %dma_start3A_471 = arith.constant 0 : i32
    %dma_start3A_472 = tpu.memref_slice %arg5[%dma_start3A_465, %dma_start3A_471] : memref<8x128xi32, #tpu.memory_space<vmem>> -> memref<1x128xi32, #tpu.memory_space<vmem>>
    %dma_start3A_473 = tpu.memref_squeeze %dma_start3A_472 : memref<1x128xi32, #tpu.memory_space<vmem>> -> memref<128xi32, #tpu.memory_space<vmem>>
    %dma_start3A_474 = arith.constant 0 : i32
    %dma_start3A_475 = arith.constant 0 : i32
    %dma_start3A_476 = tpu.memref_slice %arg2[%dma_start3A_474, %dma_start3A_475] : memref<2048x128xf32, #tpu.memory_space<hbm>> -> memref<2048x128xf32, #tpu.memory_space<hbm>>
    tpu.enqueue_indirect_dma source(%dma_start3A_476 : memref<2048x128xf32, #tpu.memory_space<hbm>>) target(%dma_start3A_470 : memref<128x128xf32, #tpu.memory_space<vmem>>) offsets(%dma_start3A_473 : memref<128xi32, #tpu.memory_space<vmem>>) semaphore(%arg11 : memref<!tpu.dma_semaphore, #tpu.memory_space<semaphore_mem>>)
    %run_scoped3A = arith.constant 0 : i32
    %run_scoped3A_477 = arith.constant 0 : i32
    "tpu.region"() ({
      %run_scoped3A_641 = tpu.sem_alloc : memref<!tpu.dma_semaphore, #tpu.memory_space<semaphore_mem>>
      %dma_start3A_642 = arith.constant 0 : i32
      %dma_start3A_643 = arith.constant 0 : i32
      %dma_start3A_644 = tpu.memref_slice %arg7[%run_scoped3A, %dma_start3A_642, %dma_start3A_643] : memref<3x128x128xf32, #tpu.memory_space<vmem>> -> memref<1x128x128xf32, #tpu.memory_space<vmem>>
      %dma_start3A_645 = tpu.memref_squeeze %dma_start3A_644 : memref<1x128x128xf32, #tpu.memory_space<vmem>> -> memref<128x128xf32, #tpu.memory_space<vmem>>
      %dma_start3A_646 = arith.constant 0 : i32
      %dma_start3A_647 = tpu.memref_slice %arg6[%run_scoped3A_477, %dma_start3A_646] : memref<8x128xi32, #tpu.memory_space<vmem>> -> memref<1x128xi32, #tpu.memory_space<vmem>>
      %dma_start3A_648 = tpu.memref_squeeze %dma_start3A_647 : memref<1x128xi32, #tpu.memory_space<vmem>> -> memref<128xi32, #tpu.memory_space<vmem>>
      %dma_start3A_649 = arith.constant 0 : i32
      %dma_start3A_650 = arith.constant 0 : i32
      %dma_start3A_651 = tpu.memref_slice %arg8[%dma_start3A_649, %dma_start3A_650] : memref<2048x128xf32, #tpu.memory_space<vmem_shared>> -> memref<2048x128xf32, #tpu.memory_space<vmem_shared>>
      tpu.enqueue_indirect_dma source(%dma_start3A_645 : memref<128x128xf32, #tpu.memory_space<vmem>>) target(%dma_start3A_651 : memref<2048x128xf32, #tpu.memory_space<vmem_shared>>) offsets(%dma_start3A_648 : memref<128xi32, #tpu.memory_space<vmem>>) semaphore(%run_scoped3A_641 : memref<!tpu.dma_semaphore, #tpu.memory_space<semaphore_mem>>) {add = true}
      %dma_wait3A_652 = arith.constant 0 : i32
      %dma_wait3A_653 = arith.constant 0 : i32
      %dma_wait3A_654 = tpu.memref_slice %arg7[%run_scoped3A, %dma_wait3A_652, %dma_wait3A_653] : memref<3x128x128xf32, #tpu.memory_space<vmem>> -> memref<1x128x128xf32, #tpu.memory_space<vmem>>
      %dma_wait3A_655 = tpu.memref_squeeze %dma_wait3A_654 : memref<1x128x128xf32, #tpu.memory_space<vmem>> -> memref<128x128xf32, #tpu.memory_space<vmem>>
      %dma_wait3A_656 = arith.constant 0 : i32
      %dma_wait3A_657 = tpu.memref_slice %arg6[%run_scoped3A_477, %dma_wait3A_656] : memref<8x128xi32, #tpu.memory_space<vmem>> -> memref<1x128xi32, #tpu.memory_space<vmem>>
      %dma_wait3A_658 = tpu.memref_squeeze %dma_wait3A_657 : memref<1x128xi32, #tpu.memory_space<vmem>> -> memref<128xi32, #tpu.memory_space<vmem>>
      %dma_wait3A_659 = arith.constant 0 : i32
      %dma_wait3A_660 = arith.constant 0 : i32
      %dma_wait3A_661 = tpu.memref_slice %arg8[%dma_wait3A_659, %dma_wait3A_660] : memref<2048x128xf32, #tpu.memory_space<vmem_shared>> -> memref<2048x128xf32, #tpu.memory_space<vmem_shared>>
      tpu.wait_indirect_dma semaphore(%run_scoped3A_641 : memref<!tpu.dma_semaphore, #tpu.memory_space<semaphore_mem>>) src(%dma_wait3A_655 : memref<128x128xf32, #tpu.memory_space<vmem>>) dst(%dma_wait3A_661 : memref<2048x128xf32, #tpu.memory_space<vmem_shared>>)
      tpu.yield
    }) : () -> ()
    %dma_wait3A_478 = arith.constant 1 : i32
    %dma_wait3A_479 = arith.constant 1 : i32
    %dma_wait3A_480 = arith.constant 0 : i32
    %dma_wait3A_481 = arith.constant 0 : i32
    %dma_wait3A_482 = tpu.memref_slice %arg7[%dma_wait3A_479, %dma_wait3A_480, %dma_wait3A_481] : memref<3x128x128xf32, #tpu.memory_space<vmem>> -> memref<1x128x128xf32, #tpu.memory_space<vmem>>
    %dma_wait3A_483 = tpu.memref_squeeze %dma_wait3A_482 : memref<1x128x128xf32, #tpu.memory_space<vmem>> -> memref<128x128xf32, #tpu.memory_space<vmem>>
    %dma_wait3A_484 = arith.constant 0 : i32
    %dma_wait3A_485 = tpu.memref_slice %arg5[%dma_wait3A_478, %dma_wait3A_484] : memref<8x128xi32, #tpu.memory_space<vmem>> -> memref<1x128xi32, #tpu.memory_space<vmem>>
    %dma_wait3A_486 = tpu.memref_squeeze %dma_wait3A_485 : memref<1x128xi32, #tpu.memory_space<vmem>> -> memref<128xi32, #tpu.memory_space<vmem>>
    %dma_wait3A_487 = arith.constant 0 : i32
    %dma_wait3A_488 = arith.constant 0 : i32
    %dma_wait3A_489 = tpu.memref_slice %arg2[%dma_wait3A_487, %dma_wait3A_488] : memref<2048x128xf32, #tpu.memory_space<hbm>> -> memref<2048x128xf32, #tpu.memory_space<hbm>>
    tpu.wait_indirect_dma semaphore(%arg11 : memref<!tpu.dma_semaphore, #tpu.memory_space<semaphore_mem>>) src(%dma_wait3A_489 : memref<2048x128xf32, #tpu.memory_space<hbm>>) dst(%dma_wait3A_483 : memref<128x128xf32, #tpu.memory_space<vmem>>)
    %dma_start3A_490 = arith.constant 3 : i32
    %dma_start3A_491 = arith.constant 0 : i32
    %dma_start3A_492 = arith.constant 0 : i32
    %dma_start3A_493 = arith.constant 0 : i32
    %dma_start3A_494 = tpu.memref_slice %arg7[%dma_start3A_491, %dma_start3A_492, %dma_start3A_493] : memref<3x128x128xf32, #tpu.memory_space<vmem>> -> memref<1x128x128xf32, #tpu.memory_space<vmem>>
    %dma_start3A_495 = tpu.memref_squeeze %dma_start3A_494 : memref<1x128x128xf32, #tpu.memory_space<vmem>> -> memref<128x128xf32, #tpu.memory_space<vmem>>
    %dma_start3A_496 = arith.constant 0 : i32
    %dma_start3A_497 = tpu.memref_slice %arg5[%dma_start3A_490, %dma_start3A_496] : memref<8x128xi32, #tpu.memory_space<vmem>> -> memref<1x128xi32, #tpu.memory_space<vmem>>
    %dma_start3A_498 = tpu.memref_squeeze %dma_start3A_497 : memref<1x128xi32, #tpu.memory_space<vmem>> -> memref<128xi32, #tpu.memory_space<vmem>>
    %dma_start3A_499 = arith.constant 0 : i32
    %dma_start3A_500 = arith.constant 0 : i32
    %dma_start3A_501 = tpu.memref_slice %arg2[%dma_start3A_499, %dma_start3A_500] : memref<2048x128xf32, #tpu.memory_space<hbm>> -> memref<2048x128xf32, #tpu.memory_space<hbm>>
    tpu.enqueue_indirect_dma source(%dma_start3A_501 : memref<2048x128xf32, #tpu.memory_space<hbm>>) target(%dma_start3A_495 : memref<128x128xf32, #tpu.memory_space<vmem>>) offsets(%dma_start3A_498 : memref<128xi32, #tpu.memory_space<vmem>>) semaphore(%arg11 : memref<!tpu.dma_semaphore, #tpu.memory_space<semaphore_mem>>)
    %run_scoped3A_502 = arith.constant 1 : i32
    %run_scoped3A_503 = arith.constant 1 : i32
    "tpu.region"() ({
      %run_scoped3A_641 = tpu.sem_alloc : memref<!tpu.dma_semaphore, #tpu.memory_space<semaphore_mem>>
      %dma_start3A_642 = arith.constant 0 : i32
      %dma_start3A_643 = arith.constant 0 : i32
      %dma_start3A_644 = tpu.memref_slice %arg7[%run_scoped3A_502, %dma_start3A_642, %dma_start3A_643] : memref<3x128x128xf32, #tpu.memory_space<vmem>> -> memref<1x128x128xf32, #tpu.memory_space<vmem>>
      %dma_start3A_645 = tpu.memref_squeeze %dma_start3A_644 : memref<1x128x128xf32, #tpu.memory_space<vmem>> -> memref<128x128xf32, #tpu.memory_space<vmem>>
      %dma_start3A_646 = arith.constant 0 : i32
      %dma_start3A_647 = tpu.memref_slice %arg6[%run_scoped3A_503, %dma_start3A_646] : memref<8x128xi32, #tpu.memory_space<vmem>> -> memref<1x128xi32, #tpu.memory_space<vmem>>
      %dma_start3A_648 = tpu.memref_squeeze %dma_start3A_647 : memref<1x128xi32, #tpu.memory_space<vmem>> -> memref<128xi32, #tpu.memory_space<vmem>>
      %dma_start3A_649 = arith.constant 0 : i32
      %dma_start3A_650 = arith.constant 0 : i32
      %dma_start3A_651 = tpu.memref_slice %arg8[%dma_start3A_649, %dma_start3A_650] : memref<2048x128xf32, #tpu.memory_space<vmem_shared>> -> memref<2048x128xf32, #tpu.memory_space<vmem_shared>>
      tpu.enqueue_indirect_dma source(%dma_start3A_645 : memref<128x128xf32, #tpu.memory_space<vmem>>) target(%dma_start3A_651 : memref<2048x128xf32, #tpu.memory_space<vmem_shared>>) offsets(%dma_start3A_648 : memref<128xi32, #tpu.memory_space<vmem>>) semaphore(%run_scoped3A_641 : memref<!tpu.dma_semaphore, #tpu.memory_space<semaphore_mem>>) {add = true}
      %dma_wait3A_652 = arith.constant 0 : i32
      %dma_wait3A_653 = arith.constant 0 : i32
      %dma_wait3A_654 = tpu.memref_slice %arg7[%run_scoped3A_502, %dma_wait3A_652, %dma_wait3A_653] : memref<3x128x128xf32, #tpu.memory_space<vmem>> -> memref<1x128x128xf32, #tpu.memory_space<vmem>>
      %dma_wait3A_655 = tpu.memref_squeeze %dma_wait3A_654 : memref<1x128x128xf32, #tpu.memory_space<vmem>> -> memref<128x128xf32, #tpu.memory_space<vmem>>
      %dma_wait3A_656 = arith.constant 0 : i32
      %dma_wait3A_657 = tpu.memref_slice %arg6[%run_scoped3A_503, %dma_wait3A_656] : memref<8x128xi32, #tpu.memory_space<vmem>> -> memref<1x128xi32, #tpu.memory_space<vmem>>
      %dma_wait3A_658 = tpu.memref_squeeze %dma_wait3A_657 : memref<1x128xi32, #tpu.memory_space<vmem>> -> memref<128xi32, #tpu.memory_space<vmem>>
      %dma_wait3A_659 = arith.constant 0 : i32
      %dma_wait3A_660 = arith.constant 0 : i32
      %dma_wait3A_661 = tpu.memref_slice %arg8[%dma_wait3A_659, %dma_wait3A_660] : memref<2048x128xf32, #tpu.memory_space<vmem_shared>> -> memref<2048x128xf32, #tpu.memory_space<vmem_shared>>
      tpu.wait_indirect_dma semaphore(%run_scoped3A_641 : memref<!tpu.dma_semaphore, #tpu.memory_space<semaphore_mem>>) src(%dma_wait3A_655 : memref<128x128xf32, #tpu.memory_space<vmem>>) dst(%dma_wait3A_661 : memref<2048x128xf32, #tpu.memory_space<vmem_shared>>)
      tpu.yield
    }) : () -> ()
    %dma_wait3A_504 = arith.constant 2 : i32
    %dma_wait3A_505 = arith.constant 2 : i32
    %dma_wait3A_506 = arith.constant 0 : i32
    %dma_wait3A_507 = arith.constant 0 : i32
    %dma_wait3A_508 = tpu.memref_slice %arg7[%dma_wait3A_505, %dma_wait3A_506, %dma_wait3A_507] : memref<3x128x128xf32, #tpu.memory_space<vmem>> -> memref<1x128x128xf32, #tpu.memory_space<vmem>>
    %dma_wait3A_509 = tpu.memref_squeeze %dma_wait3A_508 : memref<1x128x128xf32, #tpu.memory_space<vmem>> -> memref<128x128xf32, #tpu.memory_space<vmem>>
    %dma_wait3A_510 = arith.constant 0 : i32
    %dma_wait3A_511 = tpu.memref_slice %arg5[%dma_wait3A_504, %dma_wait3A_510] : memref<8x128xi32, #tpu.memory_space<vmem>> -> memref<1x128xi32, #tpu.memory_space<vmem>>
    %dma_wait3A_512 = tpu.memref_squeeze %dma_wait3A_511 : memref<1x128xi32, #tpu.memory_space<vmem>> -> memref<128xi32, #tpu.memory_space<vmem>>
    %dma_wait3A_513 = arith.constant 0 : i32
    %dma_wait3A_514 = arith.constant 0 : i32
    %dma_wait3A_515 = tpu.memref_slice %arg2[%dma_wait3A_513, %dma_wait3A_514] : memref<2048x128xf32, #tpu.memory_space<hbm>> -> memref<2048x128xf32, #tpu.memory_space<hbm>>
    tpu.wait_indirect_dma semaphore(%arg11 : memref<!tpu.dma_semaphore, #tpu.memory_space<semaphore_mem>>) src(%dma_wait3A_515 : memref<2048x128xf32, #tpu.memory_space<hbm>>) dst(%dma_wait3A_509 : memref<128x128xf32, #tpu.memory_space<vmem>>)
    %dma_start3A_516 = arith.constant 4 : i32
    %dma_start3A_517 = arith.constant 1 : i32
    %dma_start3A_518 = arith.constant 0 : i32
    %dma_start3A_519 = arith.constant 0 : i32
    %dma_start3A_520 = tpu.memref_slice %arg7[%dma_start3A_517, %dma_start3A_518, %dma_start3A_519] : memref<3x128x128xf32, #tpu.memory_space<vmem>> -> memref<1x128x128xf32, #tpu.memory_space<vmem>>
    %dma_start3A_521 = tpu.memref_squeeze %dma_start3A_520 : memref<1x128x128xf32, #tpu.memory_space<vmem>> -> memref<128x128xf32, #tpu.memory_space<vmem>>
    %dma_start3A_522 = arith.constant 0 : i32
    %dma_start3A_523 = tpu.memref_slice %arg5[%dma_start3A_516, %dma_start3A_522] : memref<8x128xi32, #tpu.memory_space<vmem>> -> memref<1x128xi32, #tpu.memory_space<vmem>>
    %dma_start3A_524 = tpu.memref_squeeze %dma_start3A_523 : memref<1x128xi32, #tpu.memory_space<vmem>> -> memref<128xi32, #tpu.memory_space<vmem>>
    %dma_start3A_525 = arith.constant 0 : i32
    %dma_start3A_526 = arith.constant 0 : i32
    %dma_start3A_527 = tpu.memref_slice %arg2[%dma_start3A_525, %dma_start3A_526] : memref<2048x128xf32, #tpu.memory_space<hbm>> -> memref<2048x128xf32, #tpu.memory_space<hbm>>
    tpu.enqueue_indirect_dma source(%dma_start3A_527 : memref<2048x128xf32, #tpu.memory_space<hbm>>) target(%dma_start3A_521 : memref<128x128xf32, #tpu.memory_space<vmem>>) offsets(%dma_start3A_524 : memref<128xi32, #tpu.memory_space<vmem>>) semaphore(%arg11 : memref<!tpu.dma_semaphore, #tpu.memory_space<semaphore_mem>>)
    %run_scoped3A_528 = arith.constant 2 : i32
    %run_scoped3A_529 = arith.constant 2 : i32
    "tpu.region"() ({
      %run_scoped3A_641 = tpu.sem_alloc : memref<!tpu.dma_semaphore, #tpu.memory_space<semaphore_mem>>
      %dma_start3A_642 = arith.constant 0 : i32
      %dma_start3A_643 = arith.constant 0 : i32
      %dma_start3A_644 = tpu.memref_slice %arg7[%run_scoped3A_528, %dma_start3A_642, %dma_start3A_643] : memref<3x128x128xf32, #tpu.memory_space<vmem>> -> memref<1x128x128xf32, #tpu.memory_space<vmem>>
      %dma_start3A_645 = tpu.memref_squeeze %dma_start3A_644 : memref<1x128x128xf32, #tpu.memory_space<vmem>> -> memref<128x128xf32, #tpu.memory_space<vmem>>
      %dma_start3A_646 = arith.constant 0 : i32
      %dma_start3A_647 = tpu.memref_slice %arg6[%run_scoped3A_529, %dma_start3A_646] : memref<8x128xi32, #tpu.memory_space<vmem>> -> memref<1x128xi32, #tpu.memory_space<vmem>>
      %dma_start3A_648 = tpu.memref_squeeze %dma_start3A_647 : memref<1x128xi32, #tpu.memory_space<vmem>> -> memref<128xi32, #tpu.memory_space<vmem>>
      %dma_start3A_649 = arith.constant 0 : i32
      %dma_start3A_650 = arith.constant 0 : i32
      %dma_start3A_651 = tpu.memref_slice %arg8[%dma_start3A_649, %dma_start3A_650] : memref<2048x128xf32, #tpu.memory_space<vmem_shared>> -> memref<2048x128xf32, #tpu.memory_space<vmem_shared>>
      tpu.enqueue_indirect_dma source(%dma_start3A_645 : memref<128x128xf32, #tpu.memory_space<vmem>>) target(%dma_start3A_651 : memref<2048x128xf32, #tpu.memory_space<vmem_shared>>) offsets(%dma_start3A_648 : memref<128xi32, #tpu.memory_space<vmem>>) semaphore(%run_scoped3A_641 : memref<!tpu.dma_semaphore, #tpu.memory_space<semaphore_mem>>) {add = true}
      %dma_wait3A_652 = arith.constant 0 : i32
      %dma_wait3A_653 = arith.constant 0 : i32
      %dma_wait3A_654 = tpu.memref_slice %arg7[%run_scoped3A_528, %dma_wait3A_652, %dma_wait3A_653] : memref<3x128x128xf32, #tpu.memory_space<vmem>> -> memref<1x128x128xf32, #tpu.memory_space<vmem>>
      %dma_wait3A_655 = tpu.memref_squeeze %dma_wait3A_654 : memref<1x128x128xf32, #tpu.memory_space<vmem>> -> memref<128x128xf32, #tpu.memory_space<vmem>>
      %dma_wait3A_656 = arith.constant 0 : i32
      %dma_wait3A_657 = tpu.memref_slice %arg6[%run_scoped3A_529, %dma_wait3A_656] : memref<8x128xi32, #tpu.memory_space<vmem>> -> memref<1x128xi32, #tpu.memory_space<vmem>>
      %dma_wait3A_658 = tpu.memref_squeeze %dma_wait3A_657 : memref<1x128xi32, #tpu.memory_space<vmem>> -> memref<128xi32, #tpu.memory_space<vmem>>
      %dma_wait3A_659 = arith.constant 0 : i32
      %dma_wait3A_660 = arith.constant 0 : i32
      %dma_wait3A_661 = tpu.memref_slice %arg8[%dma_wait3A_659, %dma_wait3A_660] : memref<2048x128xf32, #tpu.memory_space<vmem_shared>> -> memref<2048x128xf32, #tpu.memory_space<vmem_shared>>
      tpu.wait_indirect_dma semaphore(%run_scoped3A_641 : memref<!tpu.dma_semaphore, #tpu.memory_space<semaphore_mem>>) src(%dma_wait3A_655 : memref<128x128xf32, #tpu.memory_space<vmem>>) dst(%dma_wait3A_661 : memref<2048x128xf32, #tpu.memory_space<vmem_shared>>)
      tpu.yield
    }) : () -> ()
    %dma_wait3A_530 = arith.constant 3 : i32
    %dma_wait3A_531 = arith.constant 0 : i32
    %dma_wait3A_532 = arith.constant 0 : i32
    %dma_wait3A_533 = arith.constant 0 : i32
    %dma_wait3A_534 = tpu.memref_slice %arg7[%dma_wait3A_531, %dma_wait3A_532, %dma_wait3A_533] : memref<3x128x128xf32, #tpu.memory_space<vmem>> -> memref<1x128x128xf32, #tpu.memory_space<vmem>>
    %dma_wait3A_535 = tpu.memref_squeeze %dma_wait3A_534 : memref<1x128x128xf32, #tpu.memory_space<vmem>> -> memref<128x128xf32, #tpu.memory_space<vmem>>
    %dma_wait3A_536 = arith.constant 0 : i32
    %dma_wait3A_537 = tpu.memref_slice %arg5[%dma_wait3A_530, %dma_wait3A_536] : memref<8x128xi32, #tpu.memory_space<vmem>> -> memref<1x128xi32, #tpu.memory_space<vmem>>
    %dma_wait3A_538 = tpu.memref_squeeze %dma_wait3A_537 : memref<1x128xi32, #tpu.memory_space<vmem>> -> memref<128xi32, #tpu.memory_space<vmem>>
    %dma_wait3A_539 = arith.constant 0 : i32
    %dma_wait3A_540 = arith.constant 0 : i32
    %dma_wait3A_541 = tpu.memref_slice %arg2[%dma_wait3A_539, %dma_wait3A_540] : memref<2048x128xf32, #tpu.memory_space<hbm>> -> memref<2048x128xf32, #tpu.memory_space<hbm>>
    tpu.wait_indirect_dma semaphore(%arg11 : memref<!tpu.dma_semaphore, #tpu.memory_space<semaphore_mem>>) src(%dma_wait3A_541 : memref<2048x128xf32, #tpu.memory_space<hbm>>) dst(%dma_wait3A_535 : memref<128x128xf32, #tpu.memory_space<vmem>>)
    %dma_start3A_542 = arith.constant 5 : i32
    %dma_start3A_543 = arith.constant 2 : i32
    %dma_start3A_544 = arith.constant 0 : i32
    %dma_start3A_545 = arith.constant 0 : i32
    %dma_start3A_546 = tpu.memref_slice %arg7[%dma_start3A_543, %dma_start3A_544, %dma_start3A_545] : memref<3x128x128xf32, #tpu.memory_space<vmem>> -> memref<1x128x128xf32, #tpu.memory_space<vmem>>
    %dma_start3A_547 = tpu.memref_squeeze %dma_start3A_546 : memref<1x128x128xf32, #tpu.memory_space<vmem>> -> memref<128x128xf32, #tpu.memory_space<vmem>>
    %dma_start3A_548 = arith.constant 0 : i32
    %dma_start3A_549 = tpu.memref_slice %arg5[%dma_start3A_542, %dma_start3A_548] : memref<8x128xi32, #tpu.memory_space<vmem>> -> memref<1x128xi32, #tpu.memory_space<vmem>>
    %dma_start3A_550 = tpu.memref_squeeze %dma_start3A_549 : memref<1x128xi32, #tpu.memory_space<vmem>> -> memref<128xi32, #tpu.memory_space<vmem>>
    %dma_start3A_551 = arith.constant 0 : i32
    %dma_start3A_552 = arith.constant 0 : i32
    %dma_start3A_553 = tpu.memref_slice %arg2[%dma_start3A_551, %dma_start3A_552] : memref<2048x128xf32, #tpu.memory_space<hbm>> -> memref<2048x128xf32, #tpu.memory_space<hbm>>
    tpu.enqueue_indirect_dma source(%dma_start3A_553 : memref<2048x128xf32, #tpu.memory_space<hbm>>) target(%dma_start3A_547 : memref<128x128xf32, #tpu.memory_space<vmem>>) offsets(%dma_start3A_550 : memref<128xi32, #tpu.memory_space<vmem>>) semaphore(%arg11 : memref<!tpu.dma_semaphore, #tpu.memory_space<semaphore_mem>>)
    %run_scoped3A_554 = arith.constant 0 : i32
    %run_scoped3A_555 = arith.constant 3 : i32
    "tpu.region"() ({
      %run_scoped3A_641 = tpu.sem_alloc : memref<!tpu.dma_semaphore, #tpu.memory_space<semaphore_mem>>
      %dma_start3A_642 = arith.constant 0 : i32
      %dma_start3A_643 = arith.constant 0 : i32
      %dma_start3A_644 = tpu.memref_slice %arg7[%run_scoped3A_554, %dma_start3A_642, %dma_start3A_643] : memref<3x128x128xf32, #tpu.memory_space<vmem>> -> memref<1x128x128xf32, #tpu.memory_space<vmem>>
      %dma_start3A_645 = tpu.memref_squeeze %dma_start3A_644 : memref<1x128x128xf32, #tpu.memory_space<vmem>> -> memref<128x128xf32, #tpu.memory_space<vmem>>
      %dma_start3A_646 = arith.constant 0 : i32
      %dma_start3A_647 = tpu.memref_slice %arg6[%run_scoped3A_555, %dma_start3A_646] : memref<8x128xi32, #tpu.memory_space<vmem>> -> memref<1x128xi32, #tpu.memory_space<vmem>>
      %dma_start3A_648 = tpu.memref_squeeze %dma_start3A_647 : memref<1x128xi32, #tpu.memory_space<vmem>> -> memref<128xi32, #tpu.memory_space<vmem>>
      %dma_start3A_649 = arith.constant 0 : i32
      %dma_start3A_650 = arith.constant 0 : i32
      %dma_start3A_651 = tpu.memref_slice %arg8[%dma_start3A_649, %dma_start3A_650] : memref<2048x128xf32, #tpu.memory_space<vmem_shared>> -> memref<2048x128xf32, #tpu.memory_space<vmem_shared>>
      tpu.enqueue_indirect_dma source(%dma_start3A_645 : memref<128x128xf32, #tpu.memory_space<vmem>>) target(%dma_start3A_651 : memref<2048x128xf32, #tpu.memory_space<vmem_shared>>) offsets(%dma_start3A_648 : memref<128xi32, #tpu.memory_space<vmem>>) semaphore(%run_scoped3A_641 : memref<!tpu.dma_semaphore, #tpu.memory_space<semaphore_mem>>) {add = true}
      %dma_wait3A_652 = arith.constant 0 : i32
      %dma_wait3A_653 = arith.constant 0 : i32
      %dma_wait3A_654 = tpu.memref_slice %arg7[%run_scoped3A_554, %dma_wait3A_652, %dma_wait3A_653] : memref<3x128x128xf32, #tpu.memory_space<vmem>> -> memref<1x128x128xf32, #tpu.memory_space<vmem>>
      %dma_wait3A_655 = tpu.memref_squeeze %dma_wait3A_654 : memref<1x128x128xf32, #tpu.memory_space<vmem>> -> memref<128x128xf32, #tpu.memory_space<vmem>>
      %dma_wait3A_656 = arith.constant 0 : i32
      %dma_wait3A_657 = tpu.memref_slice %arg6[%run_scoped3A_555, %dma_wait3A_656] : memref<8x128xi32, #tpu.memory_space<vmem>> -> memref<1x128xi32, #tpu.memory_space<vmem>>
      %dma_wait3A_658 = tpu.memref_squeeze %dma_wait3A_657 : memref<1x128xi32, #tpu.memory_space<vmem>> -> memref<128xi32, #tpu.memory_space<vmem>>
      %dma_wait3A_659 = arith.constant 0 : i32
      %dma_wait3A_660 = arith.constant 0 : i32
      %dma_wait3A_661 = tpu.memref_slice %arg8[%dma_wait3A_659, %dma_wait3A_660] : memref<2048x128xf32, #tpu.memory_space<vmem_shared>> -> memref<2048x128xf32, #tpu.memory_space<vmem_shared>>
      tpu.wait_indirect_dma semaphore(%run_scoped3A_641 : memref<!tpu.dma_semaphore, #tpu.memory_space<semaphore_mem>>) src(%dma_wait3A_655 : memref<128x128xf32, #tpu.memory_space<vmem>>) dst(%dma_wait3A_661 : memref<2048x128xf32, #tpu.memory_space<vmem_shared>>)
      tpu.yield
    }) : () -> ()
    %dma_wait3A_556 = arith.constant 4 : i32
    %dma_wait3A_557 = arith.constant 1 : i32
    %dma_wait3A_558 = arith.constant 0 : i32
    %dma_wait3A_559 = arith.constant 0 : i32
    %dma_wait3A_560 = tpu.memref_slice %arg7[%dma_wait3A_557, %dma_wait3A_558, %dma_wait3A_559] : memref<3x128x128xf32, #tpu.memory_space<vmem>> -> memref<1x128x128xf32, #tpu.memory_space<vmem>>
    %dma_wait3A_561 = tpu.memref_squeeze %dma_wait3A_560 : memref<1x128x128xf32, #tpu.memory_space<vmem>> -> memref<128x128xf32, #tpu.memory_space<vmem>>
    %dma_wait3A_562 = arith.constant 0 : i32
    %dma_wait3A_563 = tpu.memref_slice %arg5[%dma_wait3A_556, %dma_wait3A_562] : memref<8x128xi32, #tpu.memory_space<vmem>> -> memref<1x128xi32, #tpu.memory_space<vmem>>
    %dma_wait3A_564 = tpu.memref_squeeze %dma_wait3A_563 : memref<1x128xi32, #tpu.memory_space<vmem>> -> memref<128xi32, #tpu.memory_space<vmem>>
    %dma_wait3A_565 = arith.constant 0 : i32
    %dma_wait3A_566 = arith.constant 0 : i32
    %dma_wait3A_567 = tpu.memref_slice %arg2[%dma_wait3A_565, %dma_wait3A_566] : memref<2048x128xf32, #tpu.memory_space<hbm>> -> memref<2048x128xf32, #tpu.memory_space<hbm>>
    tpu.wait_indirect_dma semaphore(%arg11 : memref<!tpu.dma_semaphore, #tpu.memory_space<semaphore_mem>>) src(%dma_wait3A_567 : memref<2048x128xf32, #tpu.memory_space<hbm>>) dst(%dma_wait3A_561 : memref<128x128xf32, #tpu.memory_space<vmem>>)
    %dma_start3A_568 = arith.constant 6 : i32
    %dma_start3A_569 = arith.constant 0 : i32
    %dma_start3A_570 = arith.constant 0 : i32
    %dma_start3A_571 = arith.constant 0 : i32
    %dma_start3A_572 = tpu.memref_slice %arg7[%dma_start3A_569, %dma_start3A_570, %dma_start3A_571] : memref<3x128x128xf32, #tpu.memory_space<vmem>> -> memref<1x128x128xf32, #tpu.memory_space<vmem>>
    %dma_start3A_573 = tpu.memref_squeeze %dma_start3A_572 : memref<1x128x128xf32, #tpu.memory_space<vmem>> -> memref<128x128xf32, #tpu.memory_space<vmem>>
    %dma_start3A_574 = arith.constant 0 : i32
    %dma_start3A_575 = tpu.memref_slice %arg5[%dma_start3A_568, %dma_start3A_574] : memref<8x128xi32, #tpu.memory_space<vmem>> -> memref<1x128xi32, #tpu.memory_space<vmem>>
    %dma_start3A_576 = tpu.memref_squeeze %dma_start3A_575 : memref<1x128xi32, #tpu.memory_space<vmem>> -> memref<128xi32, #tpu.memory_space<vmem>>
    %dma_start3A_577 = arith.constant 0 : i32
    %dma_start3A_578 = arith.constant 0 : i32
    %dma_start3A_579 = tpu.memref_slice %arg2[%dma_start3A_577, %dma_start3A_578] : memref<2048x128xf32, #tpu.memory_space<hbm>> -> memref<2048x128xf32, #tpu.memory_space<hbm>>
    tpu.enqueue_indirect_dma source(%dma_start3A_579 : memref<2048x128xf32, #tpu.memory_space<hbm>>) target(%dma_start3A_573 : memref<128x128xf32, #tpu.memory_space<vmem>>) offsets(%dma_start3A_576 : memref<128xi32, #tpu.memory_space<vmem>>) semaphore(%arg11 : memref<!tpu.dma_semaphore, #tpu.memory_space<semaphore_mem>>)
    %run_scoped3A_580 = arith.constant 1 : i32
    %run_scoped3A_581 = arith.constant 4 : i32
    "tpu.region"() ({
      %run_scoped3A_641 = tpu.sem_alloc : memref<!tpu.dma_semaphore, #tpu.memory_space<semaphore_mem>>
      %dma_start3A_642 = arith.constant 0 : i32
      %dma_start3A_643 = arith.constant 0 : i32
      %dma_start3A_644 = tpu.memref_slice %arg7[%run_scoped3A_580, %dma_start3A_642, %dma_start3A_643] : memref<3x128x128xf32, #tpu.memory_space<vmem>> -> memref<1x128x128xf32, #tpu.memory_space<vmem>>
      %dma_start3A_645 = tpu.memref_squeeze %dma_start3A_644 : memref<1x128x128xf32, #tpu.memory_space<vmem>> -> memref<128x128xf32, #tpu.memory_space<vmem>>
      %dma_start3A_646 = arith.constant 0 : i32
      %dma_start3A_647 = tpu.memref_slice %arg6[%run_scoped3A_581, %dma_start3A_646] : memref<8x128xi32, #tpu.memory_space<vmem>> -> memref<1x128xi32, #tpu.memory_space<vmem>>
      %dma_start3A_648 = tpu.memref_squeeze %dma_start3A_647 : memref<1x128xi32, #tpu.memory_space<vmem>> -> memref<128xi32, #tpu.memory_space<vmem>>
      %dma_start3A_649 = arith.constant 0 : i32
      %dma_start3A_650 = arith.constant 0 : i32
      %dma_start3A_651 = tpu.memref_slice %arg8[%dma_start3A_649, %dma_start3A_650] : memref<2048x128xf32, #tpu.memory_space<vmem_shared>> -> memref<2048x128xf32, #tpu.memory_space<vmem_shared>>
      tpu.enqueue_indirect_dma source(%dma_start3A_645 : memref<128x128xf32, #tpu.memory_space<vmem>>) target(%dma_start3A_651 : memref<2048x128xf32, #tpu.memory_space<vmem_shared>>) offsets(%dma_start3A_648 : memref<128xi32, #tpu.memory_space<vmem>>) semaphore(%run_scoped3A_641 : memref<!tpu.dma_semaphore, #tpu.memory_space<semaphore_mem>>) {add = true}
      %dma_wait3A_652 = arith.constant 0 : i32
      %dma_wait3A_653 = arith.constant 0 : i32
      %dma_wait3A_654 = tpu.memref_slice %arg7[%run_scoped3A_580, %dma_wait3A_652, %dma_wait3A_653] : memref<3x128x128xf32, #tpu.memory_space<vmem>> -> memref<1x128x128xf32, #tpu.memory_space<vmem>>
      %dma_wait3A_655 = tpu.memref_squeeze %dma_wait3A_654 : memref<1x128x128xf32, #tpu.memory_space<vmem>> -> memref<128x128xf32, #tpu.memory_space<vmem>>
      %dma_wait3A_656 = arith.constant 0 : i32
      %dma_wait3A_657 = tpu.memref_slice %arg6[%run_scoped3A_581, %dma_wait3A_656] : memref<8x128xi32, #tpu.memory_space<vmem>> -> memref<1x128xi32, #tpu.memory_space<vmem>>
      %dma_wait3A_658 = tpu.memref_squeeze %dma_wait3A_657 : memref<1x128xi32, #tpu.memory_space<vmem>> -> memref<128xi32, #tpu.memory_space<vmem>>
      %dma_wait3A_659 = arith.constant 0 : i32
      %dma_wait3A_660 = arith.constant 0 : i32
      %dma_wait3A_661 = tpu.memref_slice %arg8[%dma_wait3A_659, %dma_wait3A_660] : memref<2048x128xf32, #tpu.memory_space<vmem_shared>> -> memref<2048x128xf32, #tpu.memory_space<vmem_shared>>
      tpu.wait_indirect_dma semaphore(%run_scoped3A_641 : memref<!tpu.dma_semaphore, #tpu.memory_space<semaphore_mem>>) src(%dma_wait3A_655 : memref<128x128xf32, #tpu.memory_space<vmem>>) dst(%dma_wait3A_661 : memref<2048x128xf32, #tpu.memory_space<vmem_shared>>)
      tpu.yield
    }) : () -> ()
    %dma_wait3A_582 = arith.constant 5 : i32
    %dma_wait3A_583 = arith.constant 2 : i32
    %dma_wait3A_584 = arith.constant 0 : i32
    %dma_wait3A_585 = arith.constant 0 : i32
    %dma_wait3A_586 = tpu.memref_slice %arg7[%dma_wait3A_583, %dma_wait3A_584, %dma_wait3A_585] : memref<3x128x128xf32, #tpu.memory_space<vmem>> -> memref<1x128x128xf32, #tpu.memory_space<vmem>>
    %dma_wait3A_587 = tpu.memref_squeeze %dma_wait3A_586 : memref<1x128x128xf32, #tpu.memory_space<vmem>> -> memref<128x128xf32, #tpu.memory_space<vmem>>
    %dma_wait3A_588 = arith.constant 0 : i32
    %dma_wait3A_589 = tpu.memref_slice %arg5[%dma_wait3A_582, %dma_wait3A_588] : memref<8x128xi32, #tpu.memory_space<vmem>> -> memref<1x128xi32, #tpu.memory_space<vmem>>
    %dma_wait3A_590 = tpu.memref_squeeze %dma_wait3A_589 : memref<1x128xi32, #tpu.memory_space<vmem>> -> memref<128xi32, #tpu.memory_space<vmem>>
    %dma_wait3A_591 = arith.constant 0 : i32
    %dma_wait3A_592 = arith.constant 0 : i32
    %dma_wait3A_593 = tpu.memref_slice %arg2[%dma_wait3A_591, %dma_wait3A_592] : memref<2048x128xf32, #tpu.memory_space<hbm>> -> memref<2048x128xf32, #tpu.memory_space<hbm>>
    tpu.wait_indirect_dma semaphore(%arg11 : memref<!tpu.dma_semaphore, #tpu.memory_space<semaphore_mem>>) src(%dma_wait3A_593 : memref<2048x128xf32, #tpu.memory_space<hbm>>) dst(%dma_wait3A_587 : memref<128x128xf32, #tpu.memory_space<vmem>>)
    %dma_start3A_594 = arith.constant 7 : i32
    %dma_start3A_595 = arith.constant 1 : i32
    %dma_start3A_596 = arith.constant 0 : i32
    %dma_start3A_597 = arith.constant 0 : i32
    %dma_start3A_598 = tpu.memref_slice %arg7[%dma_start3A_595, %dma_start3A_596, %dma_start3A_597] : memref<3x128x128xf32, #tpu.memory_space<vmem>> -> memref<1x128x128xf32, #tpu.memory_space<vmem>>
    %dma_start3A_599 = tpu.memref_squeeze %dma_start3A_598 : memref<1x128x128xf32, #tpu.memory_space<vmem>> -> memref<128x128xf32, #tpu.memory_space<vmem>>
    %dma_start3A_600 = arith.constant 0 : i32
    %dma_start3A_601 = tpu.memref_slice %arg5[%dma_start3A_594, %dma_start3A_600] : memref<8x128xi32, #tpu.memory_space<vmem>> -> memref<1x128xi32, #tpu.memory_space<vmem>>
    %dma_start3A_602 = tpu.memref_squeeze %dma_start3A_601 : memref<1x128xi32, #tpu.memory_space<vmem>> -> memref<128xi32, #tpu.memory_space<vmem>>
    %dma_start3A_603 = arith.constant 0 : i32
    %dma_start3A_604 = arith.constant 0 : i32
    %dma_start3A_605 = tpu.memref_slice %arg2[%dma_start3A_603, %dma_start3A_604] : memref<2048x128xf32, #tpu.memory_space<hbm>> -> memref<2048x128xf32, #tpu.memory_space<hbm>>
    tpu.enqueue_indirect_dma source(%dma_start3A_605 : memref<2048x128xf32, #tpu.memory_space<hbm>>) target(%dma_start3A_599 : memref<128x128xf32, #tpu.memory_space<vmem>>) offsets(%dma_start3A_602 : memref<128xi32, #tpu.memory_space<vmem>>) semaphore(%arg11 : memref<!tpu.dma_semaphore, #tpu.memory_space<semaphore_mem>>)
    %run_scoped3A_606 = arith.constant 2 : i32
    %run_scoped3A_607 = arith.constant 5 : i32
    "tpu.region"() ({
      %run_scoped3A_641 = tpu.sem_alloc : memref<!tpu.dma_semaphore, #tpu.memory_space<semaphore_mem>>
      %dma_start3A_642 = arith.constant 0 : i32
      %dma_start3A_643 = arith.constant 0 : i32
      %dma_start3A_644 = tpu.memref_slice %arg7[%run_scoped3A_606, %dma_start3A_642, %dma_start3A_643] : memref<3x128x128xf32, #tpu.memory_space<vmem>> -> memref<1x128x128xf32, #tpu.memory_space<vmem>>
      %dma_start3A_645 = tpu.memref_squeeze %dma_start3A_644 : memref<1x128x128xf32, #tpu.memory_space<vmem>> -> memref<128x128xf32, #tpu.memory_space<vmem>>
      %dma_start3A_646 = arith.constant 0 : i32
      %dma_start3A_647 = tpu.memref_slice %arg6[%run_scoped3A_607, %dma_start3A_646] : memref<8x128xi32, #tpu.memory_space<vmem>> -> memref<1x128xi32, #tpu.memory_space<vmem>>
      %dma_start3A_648 = tpu.memref_squeeze %dma_start3A_647 : memref<1x128xi32, #tpu.memory_space<vmem>> -> memref<128xi32, #tpu.memory_space<vmem>>
      %dma_start3A_649 = arith.constant 0 : i32
      %dma_start3A_650 = arith.constant 0 : i32
      %dma_start3A_651 = tpu.memref_slice %arg8[%dma_start3A_649, %dma_start3A_650] : memref<2048x128xf32, #tpu.memory_space<vmem_shared>> -> memref<2048x128xf32, #tpu.memory_space<vmem_shared>>
      tpu.enqueue_indirect_dma source(%dma_start3A_645 : memref<128x128xf32, #tpu.memory_space<vmem>>) target(%dma_start3A_651 : memref<2048x128xf32, #tpu.memory_space<vmem_shared>>) offsets(%dma_start3A_648 : memref<128xi32, #tpu.memory_space<vmem>>) semaphore(%run_scoped3A_641 : memref<!tpu.dma_semaphore, #tpu.memory_space<semaphore_mem>>) {add = true}
      %dma_wait3A_652 = arith.constant 0 : i32
      %dma_wait3A_653 = arith.constant 0 : i32
      %dma_wait3A_654 = tpu.memref_slice %arg7[%run_scoped3A_606, %dma_wait3A_652, %dma_wait3A_653] : memref<3x128x128xf32, #tpu.memory_space<vmem>> -> memref<1x128x128xf32, #tpu.memory_space<vmem>>
      %dma_wait3A_655 = tpu.memref_squeeze %dma_wait3A_654 : memref<1x128x128xf32, #tpu.memory_space<vmem>> -> memref<128x128xf32, #tpu.memory_space<vmem>>
      %dma_wait3A_656 = arith.constant 0 : i32
      %dma_wait3A_657 = tpu.memref_slice %arg6[%run_scoped3A_607, %dma_wait3A_656] : memref<8x128xi32, #tpu.memory_space<vmem>> -> memref<1x128xi32, #tpu.memory_space<vmem>>
      %dma_wait3A_658 = tpu.memref_squeeze %dma_wait3A_657 : memref<1x128xi32, #tpu.memory_space<vmem>> -> memref<128xi32, #tpu.memory_space<vmem>>
      %dma_wait3A_659 = arith.constant 0 : i32
      %dma_wait3A_660 = arith.constant 0 : i32
      %dma_wait3A_661 = tpu.memref_slice %arg8[%dma_wait3A_659, %dma_wait3A_660] : memref<2048x128xf32, #tpu.memory_space<vmem_shared>> -> memref<2048x128xf32, #tpu.memory_space<vmem_shared>>
      tpu.wait_indirect_dma semaphore(%run_scoped3A_641 : memref<!tpu.dma_semaphore, #tpu.memory_space<semaphore_mem>>) src(%dma_wait3A_655 : memref<128x128xf32, #tpu.memory_space<vmem>>) dst(%dma_wait3A_661 : memref<2048x128xf32, #tpu.memory_space<vmem_shared>>)
      tpu.yield
    }) : () -> ()
    %dma_wait3A_608 = arith.constant 6 : i32
    %dma_wait3A_609 = arith.constant 0 : i32
    %dma_wait3A_610 = arith.constant 0 : i32
    %dma_wait3A_611 = arith.constant 0 : i32
    %dma_wait3A_612 = tpu.memref_slice %arg7[%dma_wait3A_609, %dma_wait3A_610, %dma_wait3A_611] : memref<3x128x128xf32, #tpu.memory_space<vmem>> -> memref<1x128x128xf32, #tpu.memory_space<vmem>>
    %dma_wait3A_613 = tpu.memref_squeeze %dma_wait3A_612 : memref<1x128x128xf32, #tpu.memory_space<vmem>> -> memref<128x128xf32, #tpu.memory_space<vmem>>
    %dma_wait3A_614 = arith.constant 0 : i32
    %dma_wait3A_615 = tpu.memref_slice %arg5[%dma_wait3A_608, %dma_wait3A_614] : memref<8x128xi32, #tpu.memory_space<vmem>> -> memref<1x128xi32, #tpu.memory_space<vmem>>
    %dma_wait3A_616 = tpu.memref_squeeze %dma_wait3A_615 : memref<1x128xi32, #tpu.memory_space<vmem>> -> memref<128xi32, #tpu.memory_space<vmem>>
    %dma_wait3A_617 = arith.constant 0 : i32
    %dma_wait3A_618 = arith.constant 0 : i32
    %dma_wait3A_619 = tpu.memref_slice %arg2[%dma_wait3A_617, %dma_wait3A_618] : memref<2048x128xf32, #tpu.memory_space<hbm>> -> memref<2048x128xf32, #tpu.memory_space<hbm>>
    tpu.wait_indirect_dma semaphore(%arg11 : memref<!tpu.dma_semaphore, #tpu.memory_space<semaphore_mem>>) src(%dma_wait3A_619 : memref<2048x128xf32, #tpu.memory_space<hbm>>) dst(%dma_wait3A_613 : memref<128x128xf32, #tpu.memory_space<vmem>>)
    %run_scoped3A_620 = arith.constant 0 : i32
    %run_scoped3A_621 = arith.constant 6 : i32
    "tpu.region"() ({
      %run_scoped3A_641 = tpu.sem_alloc : memref<!tpu.dma_semaphore, #tpu.memory_space<semaphore_mem>>
      %dma_start3A_642 = arith.constant 0 : i32
      %dma_start3A_643 = arith.constant 0 : i32
      %dma_start3A_644 = tpu.memref_slice %arg7[%run_scoped3A_620, %dma_start3A_642, %dma_start3A_643] : memref<3x128x128xf32, #tpu.memory_space<vmem>> -> memref<1x128x128xf32, #tpu.memory_space<vmem>>
      %dma_start3A_645 = tpu.memref_squeeze %dma_start3A_644 : memref<1x128x128xf32, #tpu.memory_space<vmem>> -> memref<128x128xf32, #tpu.memory_space<vmem>>
      %dma_start3A_646 = arith.constant 0 : i32
      %dma_start3A_647 = tpu.memref_slice %arg6[%run_scoped3A_621, %dma_start3A_646] : memref<8x128xi32, #tpu.memory_space<vmem>> -> memref<1x128xi32, #tpu.memory_space<vmem>>
      %dma_start3A_648 = tpu.memref_squeeze %dma_start3A_647 : memref<1x128xi32, #tpu.memory_space<vmem>> -> memref<128xi32, #tpu.memory_space<vmem>>
      %dma_start3A_649 = arith.constant 0 : i32
      %dma_start3A_650 = arith.constant 0 : i32
      %dma_start3A_651 = tpu.memref_slice %arg8[%dma_start3A_649, %dma_start3A_650] : memref<2048x128xf32, #tpu.memory_space<vmem_shared>> -> memref<2048x128xf32, #tpu.memory_space<vmem_shared>>
      tpu.enqueue_indirect_dma source(%dma_start3A_645 : memref<128x128xf32, #tpu.memory_space<vmem>>) target(%dma_start3A_651 : memref<2048x128xf32, #tpu.memory_space<vmem_shared>>) offsets(%dma_start3A_648 : memref<128xi32, #tpu.memory_space<vmem>>) semaphore(%run_scoped3A_641 : memref<!tpu.dma_semaphore, #tpu.memory_space<semaphore_mem>>) {add = true}
      %dma_wait3A_652 = arith.constant 0 : i32
      %dma_wait3A_653 = arith.constant 0 : i32
      %dma_wait3A_654 = tpu.memref_slice %arg7[%run_scoped3A_620, %dma_wait3A_652, %dma_wait3A_653] : memref<3x128x128xf32, #tpu.memory_space<vmem>> -> memref<1x128x128xf32, #tpu.memory_space<vmem>>
      %dma_wait3A_655 = tpu.memref_squeeze %dma_wait3A_654 : memref<1x128x128xf32, #tpu.memory_space<vmem>> -> memref<128x128xf32, #tpu.memory_space<vmem>>
      %dma_wait3A_656 = arith.constant 0 : i32
      %dma_wait3A_657 = tpu.memref_slice %arg6[%run_scoped3A_621, %dma_wait3A_656] : memref<8x128xi32, #tpu.memory_space<vmem>> -> memref<1x128xi32, #tpu.memory_space<vmem>>
      %dma_wait3A_658 = tpu.memref_squeeze %dma_wait3A_657 : memref<1x128xi32, #tpu.memory_space<vmem>> -> memref<128xi32, #tpu.memory_space<vmem>>
      %dma_wait3A_659 = arith.constant 0 : i32
      %dma_wait3A_660 = arith.constant 0 : i32
      %dma_wait3A_661 = tpu.memref_slice %arg8[%dma_wait3A_659, %dma_wait3A_660] : memref<2048x128xf32, #tpu.memory_space<vmem_shared>> -> memref<2048x128xf32, #tpu.memory_space<vmem_shared>>
      tpu.wait_indirect_dma semaphore(%run_scoped3A_641 : memref<!tpu.dma_semaphore, #tpu.memory_space<semaphore_mem>>) src(%dma_wait3A_655 : memref<128x128xf32, #tpu.memory_space<vmem>>) dst(%dma_wait3A_661 : memref<2048x128xf32, #tpu.memory_space<vmem_shared>>)
      tpu.yield
    }) : () -> ()
    %dma_wait3A_622 = arith.constant 7 : i32
    %dma_wait3A_623 = arith.constant 1 : i32
    %dma_wait3A_624 = arith.constant 0 : i32
    %dma_wait3A_625 = arith.constant 0 : i32
    %dma_wait3A_626 = tpu.memref_slice %arg7[%dma_wait3A_623, %dma_wait3A_624, %dma_wait3A_625] : memref<3x128x128xf32, #tpu.memory_space<vmem>> -> memref<1x128x128xf32, #tpu.memory_space<vmem>>
    %dma_wait3A_627 = tpu.memref_squeeze %dma_wait3A_626 : memref<1x128x128xf32, #tpu.memory_space<vmem>> -> memref<128x128xf32, #tpu.memory_space<vmem>>
    %dma_wait3A_628 = arith.constant 0 : i32
    %dma_wait3A_629 = tpu.memref_slice %arg5[%dma_wait3A_622, %dma_wait3A_628] : memref<8x128xi32, #tpu.memory_space<vmem>> -> memref<1x128xi32, #tpu.memory_space<vmem>>
    %dma_wait3A_630 = tpu.memref_squeeze %dma_wait3A_629 : memref<1x128xi32, #tpu.memory_space<vmem>> -> memref<128xi32, #tpu.memory_space<vmem>>
    %dma_wait3A_631 = arith.constant 0 : i32
    %dma_wait3A_632 = arith.constant 0 : i32
    %dma_wait3A_633 = tpu.memref_slice %arg2[%dma_wait3A_631, %dma_wait3A_632] : memref<2048x128xf32, #tpu.memory_space<hbm>> -> memref<2048x128xf32, #tpu.memory_space<hbm>>
    tpu.wait_indirect_dma semaphore(%arg11 : memref<!tpu.dma_semaphore, #tpu.memory_space<semaphore_mem>>) src(%dma_wait3A_633 : memref<2048x128xf32, #tpu.memory_space<hbm>>) dst(%dma_wait3A_627 : memref<128x128xf32, #tpu.memory_space<vmem>>)
    %run_scoped3A_634 = arith.constant 1 : i32
    %run_scoped3A_635 = arith.constant 7 : i32
    "tpu.region"() ({
      %run_scoped3A_641 = tpu.sem_alloc : memref<!tpu.dma_semaphore, #tpu.memory_space<semaphore_mem>>
      %dma_start3A_642 = arith.constant 0 : i32
      %dma_start3A_643 = arith.constant 0 : i32
      %dma_start3A_644 = tpu.memref_slice %arg7[%run_scoped3A_634, %dma_start3A_642, %dma_start3A_643] : memref<3x128x128xf32, #tpu.memory_space<vmem>> -> memref<1x128x128xf32, #tpu.memory_space<vmem>>
      %dma_start3A_645 = tpu.memref_squeeze %dma_start3A_644 : memref<1x128x128xf32, #tpu.memory_space<vmem>> -> memref<128x128xf32, #tpu.memory_space<vmem>>
      %dma_start3A_646 = arith.constant 0 : i32
      %dma_start3A_647 = tpu.memref_slice %arg6[%run_scoped3A_635, %dma_start3A_646] : memref<8x128xi32, #tpu.memory_space<vmem>> -> memref<1x128xi32, #tpu.memory_space<vmem>>
      %dma_start3A_648 = tpu.memref_squeeze %dma_start3A_647 : memref<1x128xi32, #tpu.memory_space<vmem>> -> memref<128xi32, #tpu.memory_space<vmem>>
      %dma_start3A_649 = arith.constant 0 : i32
      %dma_start3A_650 = arith.constant 0 : i32
      %dma_start3A_651 = tpu.memref_slice %arg8[%dma_start3A_649, %dma_start3A_650] : memref<2048x128xf32, #tpu.memory_space<vmem_shared>> -> memref<2048x128xf32, #tpu.memory_space<vmem_shared>>
      tpu.enqueue_indirect_dma source(%dma_start3A_645 : memref<128x128xf32, #tpu.memory_space<vmem>>) target(%dma_start3A_651 : memref<2048x128xf32, #tpu.memory_space<vmem_shared>>) offsets(%dma_start3A_648 : memref<128xi32, #tpu.memory_space<vmem>>) semaphore(%run_scoped3A_641 : memref<!tpu.dma_semaphore, #tpu.memory_space<semaphore_mem>>) {add = true}
      %dma_wait3A_652 = arith.constant 0 : i32
      %dma_wait3A_653 = arith.constant 0 : i32
      %dma_wait3A_654 = tpu.memref_slice %arg7[%run_scoped3A_634, %dma_wait3A_652, %dma_wait3A_653] : memref<3x128x128xf32, #tpu.memory_space<vmem>> -> memref<1x128x128xf32, #tpu.memory_space<vmem>>
      %dma_wait3A_655 = tpu.memref_squeeze %dma_wait3A_654 : memref<1x128x128xf32, #tpu.memory_space<vmem>> -> memref<128x128xf32, #tpu.memory_space<vmem>>
      %dma_wait3A_656 = arith.constant 0 : i32
      %dma_wait3A_657 = tpu.memref_slice %arg6[%run_scoped3A_635, %dma_wait3A_656] : memref<8x128xi32, #tpu.memory_space<vmem>> -> memref<1x128xi32, #tpu.memory_space<vmem>>
      %dma_wait3A_658 = tpu.memref_squeeze %dma_wait3A_657 : memref<1x128xi32, #tpu.memory_space<vmem>> -> memref<128xi32, #tpu.memory_space<vmem>>
      %dma_wait3A_659 = arith.constant 0 : i32
      %dma_wait3A_660 = arith.constant 0 : i32
      %dma_wait3A_661 = tpu.memref_slice %arg8[%dma_wait3A_659, %dma_wait3A_660] : memref<2048x128xf32, #tpu.memory_space<vmem_shared>> -> memref<2048x128xf32, #tpu.memory_space<vmem_shared>>
      tpu.wait_indirect_dma semaphore(%run_scoped3A_641 : memref<!tpu.dma_semaphore, #tpu.memory_space<semaphore_mem>>) src(%dma_wait3A_655 : memref<128x128xf32, #tpu.memory_space<vmem>>) dst(%dma_wait3A_661 : memref<2048x128xf32, #tpu.memory_space<vmem_shared>>)
      tpu.yield
    }) : () -> ()
    %barrier3A_636 = arith.constant 0 : index
    tpu.barrier barrier_id(%barrier3A_636)
    %mul3A_637 = arith.constant 128 : i32
    %mul3A_638 = arith.muli %arg1, %mul3A_637 : i32
    %mul3A_639 = arith.constant 128 : i32
    %mul3A_640 = arith.muli %arg1, %mul3A_639 : i32
    "tpu.region"() ({
      %run_scoped3A_641 = tpu.sem_alloc : memref<!tpu.dma_semaphore, #tpu.memory_space<semaphore_mem>>
      %dma_start3A_642 = arith.constant 0 : i32
      %dma_start3A_643 = tpu.memref_slice %arg4[%arg0, %mul3A_640, %dma_start3A_642] : memref<2x2048x128xf32, #tpu.memory_space<hbm>> -> memref<1x128x128xf32, #tpu.memory_space<hbm>>
      %dma_start3A_644 = tpu.memref_squeeze %dma_start3A_643 : memref<1x128x128xf32, #tpu.memory_space<hbm>> -> memref<128x128xf32, #tpu.memory_space<hbm>>
      %dma_start3A_645 = arith.constant 0 : i32
      %dma_start3A_646 = tpu.memref_slice %arg8[%mul3A_638, %dma_start3A_645] : memref<2048x128xf32, #tpu.memory_space<vmem_shared>> -> memref<128x128xf32, #tpu.memory_space<vmem_shared>>
      tpu.enqueue_dma source(%dma_start3A_646 : memref<128x128xf32, #tpu.memory_space<vmem_shared>>) target(%dma_start3A_644 : memref<128x128xf32, #tpu.memory_space<hbm>>) target_semaphore(%run_scoped3A_641 : memref<!tpu.dma_semaphore, #tpu.memory_space<semaphore_mem>>)
      %dma_wait3A_647 = arith.constant 0 : i32
      %dma_wait3A_648 = tpu.memref_slice %arg4[%arg0, %mul3A_640, %dma_wait3A_647] : memref<2x2048x128xf32, #tpu.memory_space<hbm>> -> memref<1x128x128xf32, #tpu.memory_space<hbm>>
      %dma_wait3A_649 = tpu.memref_squeeze %dma_wait3A_648 : memref<1x128x128xf32, #tpu.memory_space<hbm>> -> memref<128x128xf32, #tpu.memory_space<hbm>>
      %dma_wait3A_650 = arith.constant 0 : i32
      %dma_wait3A_651 = tpu.memref_slice %arg8[%mul3A_638, %dma_wait3A_650] : memref<2048x128xf32, #tpu.memory_space<vmem_shared>> -> memref<128x128xf32, #tpu.memory_space<vmem_shared>>
      tpu.wait_dma2 semaphore(%run_scoped3A_641 : memref<!tpu.dma_semaphore, #tpu.memory_space<semaphore_mem>>) src(%dma_wait3A_651 : memref<128x128xf32, #tpu.memory_space<vmem_shared>>) dst(%dma_wait3A_649 : memref<128x128xf32, #tpu.memory_space<hbm>>)
      tpu.yield
    }) : () -> ()
    return
  }
}

#map = affine_map<(d0, d1) -> (0, 0)>
module attributes {stable_mosaic.version = 14 : i64} {
  func.func @_hist_kernel(%arg0: i32, %arg1: i32, %arg2: memref<2x32768xi32, #tpu.memory_space<hbm>>, %arg3: memref<2x2048xf32, #tpu.memory_space<hbm>>, %arg4: memref<8x128xi32, #tpu.memory_space<vmem>>, %arg5: memref<128xf32, #tpu.memory_space<vmem>>, %arg6: memref<128xf32, #tpu.memory_space<vmem>>, %arg7: memref<2048xf32, #tpu.memory_space<vmem_shared>>, %arg8: memref<!tpu.dma_semaphore, #tpu.memory_space<semaphore_mem>>) attributes {dimension_semantics = [#tpu.dimension_semantics<core_parallel>, #tpu.dimension_semantics<subcore_parallel>], iteration_bounds = array<i64: 2, 16>, scalar_prefetch = 0 : i64, scratch_operands = 5 : i64, tpu.core_type = #tpu.core_type<sc_vector_subcore>, window_params = [{transform_indices = #map}, {transform_indices = #map}]} {
    %mul3A = arith.constant 2 : i32
    %mul3A_0 = arith.muli %arg1, %mul3A : i32
    %add3A = arith.addi %mul3A_0, %arg0 : i32
    %mul3A_1 = arith.constant 1024 : i32
    %mul3A_2 = arith.muli %add3A, %mul3A_1 : i32
    %add3A_3 = arith.constant 0 : i32
    %add3A_4 = arith.addi %mul3A_2, %add3A_3 : i32
    %dma_start3A = arith.constant 1 : i32
    %dma_start3A_5 = arith.constant 0 : i32
    %dma_start3A_6 = arith.constant 0 : i32
    %dma_start3A_7 = tpu.memref_slice %arg4[%dma_start3A_5, %dma_start3A_6] : memref<8x128xi32, #tpu.memory_space<vmem>> -> memref<1x128xi32, #tpu.memory_space<vmem>>
    %dma_start3A_8 = tpu.memref_squeeze %dma_start3A_7 : memref<1x128xi32, #tpu.memory_space<vmem>> -> memref<128xi32, #tpu.memory_space<vmem>>
    %dma_start3A_9 = tpu.memref_slice %arg2[%dma_start3A, %add3A_4] : memref<2x32768xi32, #tpu.memory_space<hbm>> -> memref<1x128xi32, #tpu.memory_space<hbm>>
    %dma_start3A_10 = tpu.memref_squeeze %dma_start3A_9 : memref<1x128xi32, #tpu.memory_space<hbm>> -> memref<128xi32, #tpu.memory_space<hbm>>
    %dma_start3A_11 = arith.constant 0 : i32
    %dma_start3A_12 = tpu.memref_slice %arg4[%dma_start3A_5, %dma_start3A_11] : memref<8x128xi32, #tpu.memory_space<vmem>> -> memref<1x128xi32, #tpu.memory_space<vmem>>
    %dma_start3A_13 = tpu.memref_squeeze %dma_start3A_12 : memref<1x128xi32, #tpu.memory_space<vmem>> -> memref<128xi32, #tpu.memory_space<vmem>>
    %dma_start3A_14 = tpu.memref_slice %arg2[%dma_start3A, %add3A_4] : memref<2x32768xi32, #tpu.memory_space<hbm>> -> memref<1x128xi32, #tpu.memory_space<hbm>>
    %dma_start3A_15 = tpu.memref_squeeze %dma_start3A_14 : memref<1x128xi32, #tpu.memory_space<hbm>> -> memref<128xi32, #tpu.memory_space<hbm>>
    tpu.enqueue_dma source(%dma_start3A_15 : memref<128xi32, #tpu.memory_space<hbm>>) target(%dma_start3A_13 : memref<128xi32, #tpu.memory_space<vmem>>) target_semaphore(%arg8 : memref<!tpu.dma_semaphore, #tpu.memory_space<semaphore_mem>>)
    %add3A_16 = arith.constant 128 : i32
    %add3A_17 = arith.addi %mul3A_2, %add3A_16 : i32
    %dma_start3A_18 = arith.constant 1 : i32
    %dma_start3A_19 = arith.constant 1 : i32
    %dma_start3A_20 = arith.constant 0 : i32
    %dma_start3A_21 = tpu.memref_slice %arg4[%dma_start3A_19, %dma_start3A_20] : memref<8x128xi32, #tpu.memory_space<vmem>> -> memref<1x128xi32, #tpu.memory_space<vmem>>
    %dma_start3A_22 = tpu.memref_squeeze %dma_start3A_21 : memref<1x128xi32, #tpu.memory_space<vmem>> -> memref<128xi32, #tpu.memory_space<vmem>>
    %dma_start3A_23 = tpu.memref_slice %arg2[%dma_start3A_18, %add3A_17] : memref<2x32768xi32, #tpu.memory_space<hbm>> -> memref<1x128xi32, #tpu.memory_space<hbm>>
    %dma_start3A_24 = tpu.memref_squeeze %dma_start3A_23 : memref<1x128xi32, #tpu.memory_space<hbm>> -> memref<128xi32, #tpu.memory_space<hbm>>
    %dma_start3A_25 = arith.constant 0 : i32
    %dma_start3A_26 = tpu.memref_slice %arg4[%dma_start3A_19, %dma_start3A_25] : memref<8x128xi32, #tpu.memory_space<vmem>> -> memref<1x128xi32, #tpu.memory_space<vmem>>
    %dma_start3A_27 = tpu.memref_squeeze %dma_start3A_26 : memref<1x128xi32, #tpu.memory_space<vmem>> -> memref<128xi32, #tpu.memory_space<vmem>>
    %dma_start3A_28 = tpu.memref_slice %arg2[%dma_start3A_18, %add3A_17] : memref<2x32768xi32, #tpu.memory_space<hbm>> -> memref<1x128xi32, #tpu.memory_space<hbm>>
    %dma_start3A_29 = tpu.memref_squeeze %dma_start3A_28 : memref<1x128xi32, #tpu.memory_space<hbm>> -> memref<128xi32, #tpu.memory_space<hbm>>
    tpu.enqueue_dma source(%dma_start3A_29 : memref<128xi32, #tpu.memory_space<hbm>>) target(%dma_start3A_27 : memref<128xi32, #tpu.memory_space<vmem>>) target_semaphore(%arg8 : memref<!tpu.dma_semaphore, #tpu.memory_space<semaphore_mem>>)
    %add3A_30 = arith.constant 256 : i32
    %add3A_31 = arith.addi %mul3A_2, %add3A_30 : i32
    %dma_start3A_32 = arith.constant 1 : i32
    %dma_start3A_33 = arith.constant 2 : i32
    %dma_start3A_34 = arith.constant 0 : i32
    %dma_start3A_35 = tpu.memref_slice %arg4[%dma_start3A_33, %dma_start3A_34] : memref<8x128xi32, #tpu.memory_space<vmem>> -> memref<1x128xi32, #tpu.memory_space<vmem>>
    %dma_start3A_36 = tpu.memref_squeeze %dma_start3A_35 : memref<1x128xi32, #tpu.memory_space<vmem>> -> memref<128xi32, #tpu.memory_space<vmem>>
    %dma_start3A_37 = tpu.memref_slice %arg2[%dma_start3A_32, %add3A_31] : memref<2x32768xi32, #tpu.memory_space<hbm>> -> memref<1x128xi32, #tpu.memory_space<hbm>>
    %dma_start3A_38 = tpu.memref_squeeze %dma_start3A_37 : memref<1x128xi32, #tpu.memory_space<hbm>> -> memref<128xi32, #tpu.memory_space<hbm>>
    %dma_start3A_39 = arith.constant 0 : i32
    %dma_start3A_40 = tpu.memref_slice %arg4[%dma_start3A_33, %dma_start3A_39] : memref<8x128xi32, #tpu.memory_space<vmem>> -> memref<1x128xi32, #tpu.memory_space<vmem>>
    %dma_start3A_41 = tpu.memref_squeeze %dma_start3A_40 : memref<1x128xi32, #tpu.memory_space<vmem>> -> memref<128xi32, #tpu.memory_space<vmem>>
    %dma_start3A_42 = tpu.memref_slice %arg2[%dma_start3A_32, %add3A_31] : memref<2x32768xi32, #tpu.memory_space<hbm>> -> memref<1x128xi32, #tpu.memory_space<hbm>>
    %dma_start3A_43 = tpu.memref_squeeze %dma_start3A_42 : memref<1x128xi32, #tpu.memory_space<hbm>> -> memref<128xi32, #tpu.memory_space<hbm>>
    tpu.enqueue_dma source(%dma_start3A_43 : memref<128xi32, #tpu.memory_space<hbm>>) target(%dma_start3A_41 : memref<128xi32, #tpu.memory_space<vmem>>) target_semaphore(%arg8 : memref<!tpu.dma_semaphore, #tpu.memory_space<semaphore_mem>>)
    %add3A_44 = arith.constant 384 : i32
    %add3A_45 = arith.addi %mul3A_2, %add3A_44 : i32
    %dma_start3A_46 = arith.constant 1 : i32
    %dma_start3A_47 = arith.constant 3 : i32
    %dma_start3A_48 = arith.constant 0 : i32
    %dma_start3A_49 = tpu.memref_slice %arg4[%dma_start3A_47, %dma_start3A_48] : memref<8x128xi32, #tpu.memory_space<vmem>> -> memref<1x128xi32, #tpu.memory_space<vmem>>
    %dma_start3A_50 = tpu.memref_squeeze %dma_start3A_49 : memref<1x128xi32, #tpu.memory_space<vmem>> -> memref<128xi32, #tpu.memory_space<vmem>>
    %dma_start3A_51 = tpu.memref_slice %arg2[%dma_start3A_46, %add3A_45] : memref<2x32768xi32, #tpu.memory_space<hbm>> -> memref<1x128xi32, #tpu.memory_space<hbm>>
    %dma_start3A_52 = tpu.memref_squeeze %dma_start3A_51 : memref<1x128xi32, #tpu.memory_space<hbm>> -> memref<128xi32, #tpu.memory_space<hbm>>
    %dma_start3A_53 = arith.constant 0 : i32
    %dma_start3A_54 = tpu.memref_slice %arg4[%dma_start3A_47, %dma_start3A_53] : memref<8x128xi32, #tpu.memory_space<vmem>> -> memref<1x128xi32, #tpu.memory_space<vmem>>
    %dma_start3A_55 = tpu.memref_squeeze %dma_start3A_54 : memref<1x128xi32, #tpu.memory_space<vmem>> -> memref<128xi32, #tpu.memory_space<vmem>>
    %dma_start3A_56 = tpu.memref_slice %arg2[%dma_start3A_46, %add3A_45] : memref<2x32768xi32, #tpu.memory_space<hbm>> -> memref<1x128xi32, #tpu.memory_space<hbm>>
    %dma_start3A_57 = tpu.memref_squeeze %dma_start3A_56 : memref<1x128xi32, #tpu.memory_space<hbm>> -> memref<128xi32, #tpu.memory_space<hbm>>
    tpu.enqueue_dma source(%dma_start3A_57 : memref<128xi32, #tpu.memory_space<hbm>>) target(%dma_start3A_55 : memref<128xi32, #tpu.memory_space<vmem>>) target_semaphore(%arg8 : memref<!tpu.dma_semaphore, #tpu.memory_space<semaphore_mem>>)
    %add3A_58 = arith.constant 512 : i32
    %add3A_59 = arith.addi %mul3A_2, %add3A_58 : i32
    %dma_start3A_60 = arith.constant 1 : i32
    %dma_start3A_61 = arith.constant 4 : i32
    %dma_start3A_62 = arith.constant 0 : i32
    %dma_start3A_63 = tpu.memref_slice %arg4[%dma_start3A_61, %dma_start3A_62] : memref<8x128xi32, #tpu.memory_space<vmem>> -> memref<1x128xi32, #tpu.memory_space<vmem>>
    %dma_start3A_64 = tpu.memref_squeeze %dma_start3A_63 : memref<1x128xi32, #tpu.memory_space<vmem>> -> memref<128xi32, #tpu.memory_space<vmem>>
    %dma_start3A_65 = tpu.memref_slice %arg2[%dma_start3A_60, %add3A_59] : memref<2x32768xi32, #tpu.memory_space<hbm>> -> memref<1x128xi32, #tpu.memory_space<hbm>>
    %dma_start3A_66 = tpu.memref_squeeze %dma_start3A_65 : memref<1x128xi32, #tpu.memory_space<hbm>> -> memref<128xi32, #tpu.memory_space<hbm>>
    %dma_start3A_67 = arith.constant 0 : i32
    %dma_start3A_68 = tpu.memref_slice %arg4[%dma_start3A_61, %dma_start3A_67] : memref<8x128xi32, #tpu.memory_space<vmem>> -> memref<1x128xi32, #tpu.memory_space<vmem>>
    %dma_start3A_69 = tpu.memref_squeeze %dma_start3A_68 : memref<1x128xi32, #tpu.memory_space<vmem>> -> memref<128xi32, #tpu.memory_space<vmem>>
    %dma_start3A_70 = tpu.memref_slice %arg2[%dma_start3A_60, %add3A_59] : memref<2x32768xi32, #tpu.memory_space<hbm>> -> memref<1x128xi32, #tpu.memory_space<hbm>>
    %dma_start3A_71 = tpu.memref_squeeze %dma_start3A_70 : memref<1x128xi32, #tpu.memory_space<hbm>> -> memref<128xi32, #tpu.memory_space<hbm>>
    tpu.enqueue_dma source(%dma_start3A_71 : memref<128xi32, #tpu.memory_space<hbm>>) target(%dma_start3A_69 : memref<128xi32, #tpu.memory_space<vmem>>) target_semaphore(%arg8 : memref<!tpu.dma_semaphore, #tpu.memory_space<semaphore_mem>>)
    %add3A_72 = arith.constant 640 : i32
    %add3A_73 = arith.addi %mul3A_2, %add3A_72 : i32
    %dma_start3A_74 = arith.constant 1 : i32
    %dma_start3A_75 = arith.constant 5 : i32
    %dma_start3A_76 = arith.constant 0 : i32
    %dma_start3A_77 = tpu.memref_slice %arg4[%dma_start3A_75, %dma_start3A_76] : memref<8x128xi32, #tpu.memory_space<vmem>> -> memref<1x128xi32, #tpu.memory_space<vmem>>
    %dma_start3A_78 = tpu.memref_squeeze %dma_start3A_77 : memref<1x128xi32, #tpu.memory_space<vmem>> -> memref<128xi32, #tpu.memory_space<vmem>>
    %dma_start3A_79 = tpu.memref_slice %arg2[%dma_start3A_74, %add3A_73] : memref<2x32768xi32, #tpu.memory_space<hbm>> -> memref<1x128xi32, #tpu.memory_space<hbm>>
    %dma_start3A_80 = tpu.memref_squeeze %dma_start3A_79 : memref<1x128xi32, #tpu.memory_space<hbm>> -> memref<128xi32, #tpu.memory_space<hbm>>
    %dma_start3A_81 = arith.constant 0 : i32
    %dma_start3A_82 = tpu.memref_slice %arg4[%dma_start3A_75, %dma_start3A_81] : memref<8x128xi32, #tpu.memory_space<vmem>> -> memref<1x128xi32, #tpu.memory_space<vmem>>
    %dma_start3A_83 = tpu.memref_squeeze %dma_start3A_82 : memref<1x128xi32, #tpu.memory_space<vmem>> -> memref<128xi32, #tpu.memory_space<vmem>>
    %dma_start3A_84 = tpu.memref_slice %arg2[%dma_start3A_74, %add3A_73] : memref<2x32768xi32, #tpu.memory_space<hbm>> -> memref<1x128xi32, #tpu.memory_space<hbm>>
    %dma_start3A_85 = tpu.memref_squeeze %dma_start3A_84 : memref<1x128xi32, #tpu.memory_space<hbm>> -> memref<128xi32, #tpu.memory_space<hbm>>
    tpu.enqueue_dma source(%dma_start3A_85 : memref<128xi32, #tpu.memory_space<hbm>>) target(%dma_start3A_83 : memref<128xi32, #tpu.memory_space<vmem>>) target_semaphore(%arg8 : memref<!tpu.dma_semaphore, #tpu.memory_space<semaphore_mem>>)
    %add3A_86 = arith.constant 768 : i32
    %add3A_87 = arith.addi %mul3A_2, %add3A_86 : i32
    %dma_start3A_88 = arith.constant 1 : i32
    %dma_start3A_89 = arith.constant 6 : i32
    %dma_start3A_90 = arith.constant 0 : i32
    %dma_start3A_91 = tpu.memref_slice %arg4[%dma_start3A_89, %dma_start3A_90] : memref<8x128xi32, #tpu.memory_space<vmem>> -> memref<1x128xi32, #tpu.memory_space<vmem>>
    %dma_start3A_92 = tpu.memref_squeeze %dma_start3A_91 : memref<1x128xi32, #tpu.memory_space<vmem>> -> memref<128xi32, #tpu.memory_space<vmem>>
    %dma_start3A_93 = tpu.memref_slice %arg2[%dma_start3A_88, %add3A_87] : memref<2x32768xi32, #tpu.memory_space<hbm>> -> memref<1x128xi32, #tpu.memory_space<hbm>>
    %dma_start3A_94 = tpu.memref_squeeze %dma_start3A_93 : memref<1x128xi32, #tpu.memory_space<hbm>> -> memref<128xi32, #tpu.memory_space<hbm>>
    %dma_start3A_95 = arith.constant 0 : i32
    %dma_start3A_96 = tpu.memref_slice %arg4[%dma_start3A_89, %dma_start3A_95] : memref<8x128xi32, #tpu.memory_space<vmem>> -> memref<1x128xi32, #tpu.memory_space<vmem>>
    %dma_start3A_97 = tpu.memref_squeeze %dma_start3A_96 : memref<1x128xi32, #tpu.memory_space<vmem>> -> memref<128xi32, #tpu.memory_space<vmem>>
    %dma_start3A_98 = tpu.memref_slice %arg2[%dma_start3A_88, %add3A_87] : memref<2x32768xi32, #tpu.memory_space<hbm>> -> memref<1x128xi32, #tpu.memory_space<hbm>>
    %dma_start3A_99 = tpu.memref_squeeze %dma_start3A_98 : memref<1x128xi32, #tpu.memory_space<hbm>> -> memref<128xi32, #tpu.memory_space<hbm>>
    tpu.enqueue_dma source(%dma_start3A_99 : memref<128xi32, #tpu.memory_space<hbm>>) target(%dma_start3A_97 : memref<128xi32, #tpu.memory_space<vmem>>) target_semaphore(%arg8 : memref<!tpu.dma_semaphore, #tpu.memory_space<semaphore_mem>>)
    %add3A_100 = arith.constant 896 : i32
    %add3A_101 = arith.addi %mul3A_2, %add3A_100 : i32
    %dma_start3A_102 = arith.constant 1 : i32
    %dma_start3A_103 = arith.constant 7 : i32
    %dma_start3A_104 = arith.constant 0 : i32
    %dma_start3A_105 = tpu.memref_slice %arg4[%dma_start3A_103, %dma_start3A_104] : memref<8x128xi32, #tpu.memory_space<vmem>> -> memref<1x128xi32, #tpu.memory_space<vmem>>
    %dma_start3A_106 = tpu.memref_squeeze %dma_start3A_105 : memref<1x128xi32, #tpu.memory_space<vmem>> -> memref<128xi32, #tpu.memory_space<vmem>>
    %dma_start3A_107 = tpu.memref_slice %arg2[%dma_start3A_102, %add3A_101] : memref<2x32768xi32, #tpu.memory_space<hbm>> -> memref<1x128xi32, #tpu.memory_space<hbm>>
    %dma_start3A_108 = tpu.memref_squeeze %dma_start3A_107 : memref<1x128xi32, #tpu.memory_space<hbm>> -> memref<128xi32, #tpu.memory_space<hbm>>
    %dma_start3A_109 = arith.constant 0 : i32
    %dma_start3A_110 = tpu.memref_slice %arg4[%dma_start3A_103, %dma_start3A_109] : memref<8x128xi32, #tpu.memory_space<vmem>> -> memref<1x128xi32, #tpu.memory_space<vmem>>
    %dma_start3A_111 = tpu.memref_squeeze %dma_start3A_110 : memref<1x128xi32, #tpu.memory_space<vmem>> -> memref<128xi32, #tpu.memory_space<vmem>>
    %dma_start3A_112 = tpu.memref_slice %arg2[%dma_start3A_102, %add3A_101] : memref<2x32768xi32, #tpu.memory_space<hbm>> -> memref<1x128xi32, #tpu.memory_space<hbm>>
    %dma_start3A_113 = tpu.memref_squeeze %dma_start3A_112 : memref<1x128xi32, #tpu.memory_space<hbm>> -> memref<128xi32, #tpu.memory_space<hbm>>
    tpu.enqueue_dma source(%dma_start3A_113 : memref<128xi32, #tpu.memory_space<hbm>>) target(%dma_start3A_111 : memref<128xi32, #tpu.memory_space<vmem>>) target_semaphore(%arg8 : memref<!tpu.dma_semaphore, #tpu.memory_space<semaphore_mem>>)
    %broadcast_in_dim3A = arith.constant 1.000000e+00 : f32
    %broadcast_in_dim3A_114 = vector.broadcast %broadcast_in_dim3A : f32 to vector<16xf32>
    %swap3A = arith.constant 0 : index
    %swap3A_115 = tpu.vector_load %arg5[%swap3A] {strides = array<i32>} : memref<128xf32, #tpu.memory_space<vmem>>, vector<16xf32>,
    %swap3A_116 = vector.shape_cast %swap3A_115 : vector<16xf32> to vector<16xf32>
    %swap3A_117 = vector.shape_cast %broadcast_in_dim3A_114 : vector<16xf32> to vector<16xf32>
    tpu.vector_store %arg5[%swap3A], %swap3A_117 {strides = array<i32>} : memref<128xf32, #tpu.memory_space<vmem>>, vector<16xf32>,
    %broadcast_in_dim3A_118 = arith.constant 1.000000e+00 : f32
    %broadcast_in_dim3A_119 = vector.broadcast %broadcast_in_dim3A_118 : f32 to vector<16xf32>
    %swap3A_120 = arith.constant 16 : index
    %swap3A_121 = tpu.vector_load %arg5[%swap3A_120] {strides = array<i32>} : memref<128xf32, #tpu.memory_space<vmem>>, vector<16xf32>,
    %swap3A_122 = vector.shape_cast %swap3A_121 : vector<16xf32> to vector<16xf32>
    %swap3A_123 = vector.shape_cast %broadcast_in_dim3A_119 : vector<16xf32> to vector<16xf32>
    tpu.vector_store %arg5[%swap3A_120], %swap3A_123 {strides = array<i32>} : memref<128xf32, #tpu.memory_space<vmem>>, vector<16xf32>,
    %broadcast_in_dim3A_124 = arith.constant 1.000000e+00 : f32
    %broadcast_in_dim3A_125 = vector.broadcast %broadcast_in_dim3A_124 : f32 to vector<16xf32>
    %swap3A_126 = arith.constant 32 : index
    %swap3A_127 = tpu.vector_load %arg5[%swap3A_126] {strides = array<i32>} : memref<128xf32, #tpu.memory_space<vmem>>, vector<16xf32>,
    %swap3A_128 = vector.shape_cast %swap3A_127 : vector<16xf32> to vector<16xf32>
    %swap3A_129 = vector.shape_cast %broadcast_in_dim3A_125 : vector<16xf32> to vector<16xf32>
    tpu.vector_store %arg5[%swap3A_126], %swap3A_129 {strides = array<i32>} : memref<128xf32, #tpu.memory_space<vmem>>, vector<16xf32>,
    %broadcast_in_dim3A_130 = arith.constant 1.000000e+00 : f32
    %broadcast_in_dim3A_131 = vector.broadcast %broadcast_in_dim3A_130 : f32 to vector<16xf32>
    %swap3A_132 = arith.constant 48 : index
    %swap3A_133 = tpu.vector_load %arg5[%swap3A_132] {strides = array<i32>} : memref<128xf32, #tpu.memory_space<vmem>>, vector<16xf32>,
    %swap3A_134 = vector.shape_cast %swap3A_133 : vector<16xf32> to vector<16xf32>
    %swap3A_135 = vector.shape_cast %broadcast_in_dim3A_131 : vector<16xf32> to vector<16xf32>
    tpu.vector_store %arg5[%swap3A_132], %swap3A_135 {strides = array<i32>} : memref<128xf32, #tpu.memory_space<vmem>>, vector<16xf32>,
    %broadcast_in_dim3A_136 = arith.constant 1.000000e+00 : f32
    %broadcast_in_dim3A_137 = vector.broadcast %broadcast_in_dim3A_136 : f32 to vector<16xf32>
    %swap3A_138 = arith.constant 64 : index
    %swap3A_139 = tpu.vector_load %arg5[%swap3A_138] {strides = array<i32>} : memref<128xf32, #tpu.memory_space<vmem>>, vector<16xf32>,
    %swap3A_140 = vector.shape_cast %swap3A_139 : vector<16xf32> to vector<16xf32>
    %swap3A_141 = vector.shape_cast %broadcast_in_dim3A_137 : vector<16xf32> to vector<16xf32>
    tpu.vector_store %arg5[%swap3A_138], %swap3A_141 {strides = array<i32>} : memref<128xf32, #tpu.memory_space<vmem>>, vector<16xf32>,
    %broadcast_in_dim3A_142 = arith.constant 1.000000e+00 : f32
    %broadcast_in_dim3A_143 = vector.broadcast %broadcast_in_dim3A_142 : f32 to vector<16xf32>
    %swap3A_144 = arith.constant 80 : index
    %swap3A_145 = tpu.vector_load %arg5[%swap3A_144] {strides = array<i32>} : memref<128xf32, #tpu.memory_space<vmem>>, vector<16xf32>,
    %swap3A_146 = vector.shape_cast %swap3A_145 : vector<16xf32> to vector<16xf32>
    %swap3A_147 = vector.shape_cast %broadcast_in_dim3A_143 : vector<16xf32> to vector<16xf32>
    tpu.vector_store %arg5[%swap3A_144], %swap3A_147 {strides = array<i32>} : memref<128xf32, #tpu.memory_space<vmem>>, vector<16xf32>,
    %broadcast_in_dim3A_148 = arith.constant 1.000000e+00 : f32
    %broadcast_in_dim3A_149 = vector.broadcast %broadcast_in_dim3A_148 : f32 to vector<16xf32>
    %swap3A_150 = arith.constant 96 : index
    %swap3A_151 = tpu.vector_load %arg5[%swap3A_150] {strides = array<i32>} : memref<128xf32, #tpu.memory_space<vmem>>, vector<16xf32>,
    %swap3A_152 = vector.shape_cast %swap3A_151 : vector<16xf32> to vector<16xf32>
    %swap3A_153 = vector.shape_cast %broadcast_in_dim3A_149 : vector<16xf32> to vector<16xf32>
    tpu.vector_store %arg5[%swap3A_150], %swap3A_153 {strides = array<i32>} : memref<128xf32, #tpu.memory_space<vmem>>, vector<16xf32>,
    %broadcast_in_dim3A_154 = arith.constant 1.000000e+00 : f32
    %broadcast_in_dim3A_155 = vector.broadcast %broadcast_in_dim3A_154 : f32 to vector<16xf32>
    %swap3A_156 = arith.constant 112 : index
    %swap3A_157 = tpu.vector_load %arg5[%swap3A_156] {strides = array<i32>} : memref<128xf32, #tpu.memory_space<vmem>>, vector<16xf32>,
    %swap3A_158 = vector.shape_cast %swap3A_157 : vector<16xf32> to vector<16xf32>
    %swap3A_159 = vector.shape_cast %broadcast_in_dim3A_155 : vector<16xf32> to vector<16xf32>
    tpu.vector_store %arg5[%swap3A_156], %swap3A_159 {strides = array<i32>} : memref<128xf32, #tpu.memory_space<vmem>>, vector<16xf32>,
    %broadcast_in_dim3A_160 = arith.constant 5.000000e-01 : f32
    %broadcast_in_dim3A_161 = vector.broadcast %broadcast_in_dim3A_160 : f32 to vector<16xf32>
    %swap3A_162 = arith.constant 0 : index
    %swap3A_163 = tpu.vector_load %arg6[%swap3A_162] {strides = array<i32>} : memref<128xf32, #tpu.memory_space<vmem>>, vector<16xf32>,
    %swap3A_164 = vector.shape_cast %swap3A_163 : vector<16xf32> to vector<16xf32>
    %swap3A_165 = vector.shape_cast %broadcast_in_dim3A_161 : vector<16xf32> to vector<16xf32>
    tpu.vector_store %arg6[%swap3A_162], %swap3A_165 {strides = array<i32>} : memref<128xf32, #tpu.memory_space<vmem>>, vector<16xf32>,
    %broadcast_in_dim3A_166 = arith.constant 5.000000e-01 : f32
    %broadcast_in_dim3A_167 = vector.broadcast %broadcast_in_dim3A_166 : f32 to vector<16xf32>
    %swap3A_168 = arith.constant 16 : index
    %swap3A_169 = tpu.vector_load %arg6[%swap3A_168] {strides = array<i32>} : memref<128xf32, #tpu.memory_space<vmem>>, vector<16xf32>,
    %swap3A_170 = vector.shape_cast %swap3A_169 : vector<16xf32> to vector<16xf32>
    %swap3A_171 = vector.shape_cast %broadcast_in_dim3A_167 : vector<16xf32> to vector<16xf32>
    tpu.vector_store %arg6[%swap3A_168], %swap3A_171 {strides = array<i32>} : memref<128xf32, #tpu.memory_space<vmem>>, vector<16xf32>,
    %broadcast_in_dim3A_172 = arith.constant 5.000000e-01 : f32
    %broadcast_in_dim3A_173 = vector.broadcast %broadcast_in_dim3A_172 : f32 to vector<16xf32>
    %swap3A_174 = arith.constant 32 : index
    %swap3A_175 = tpu.vector_load %arg6[%swap3A_174] {strides = array<i32>} : memref<128xf32, #tpu.memory_space<vmem>>, vector<16xf32>,
    %swap3A_176 = vector.shape_cast %swap3A_175 : vector<16xf32> to vector<16xf32>
    %swap3A_177 = vector.shape_cast %broadcast_in_dim3A_173 : vector<16xf32> to vector<16xf32>
    tpu.vector_store %arg6[%swap3A_174], %swap3A_177 {strides = array<i32>} : memref<128xf32, #tpu.memory_space<vmem>>, vector<16xf32>,
    %broadcast_in_dim3A_178 = arith.constant 5.000000e-01 : f32
    %broadcast_in_dim3A_179 = vector.broadcast %broadcast_in_dim3A_178 : f32 to vector<16xf32>
    %swap3A_180 = arith.constant 48 : index
    %swap3A_181 = tpu.vector_load %arg6[%swap3A_180] {strides = array<i32>} : memref<128xf32, #tpu.memory_space<vmem>>, vector<16xf32>,
    %swap3A_182 = vector.shape_cast %swap3A_181 : vector<16xf32> to vector<16xf32>
    %swap3A_183 = vector.shape_cast %broadcast_in_dim3A_179 : vector<16xf32> to vector<16xf32>
    tpu.vector_store %arg6[%swap3A_180], %swap3A_183 {strides = array<i32>} : memref<128xf32, #tpu.memory_space<vmem>>, vector<16xf32>,
    %broadcast_in_dim3A_184 = arith.constant 5.000000e-01 : f32
    %broadcast_in_dim3A_185 = vector.broadcast %broadcast_in_dim3A_184 : f32 to vector<16xf32>
    %swap3A_186 = arith.constant 64 : index
    %swap3A_187 = tpu.vector_load %arg6[%swap3A_186] {strides = array<i32>} : memref<128xf32, #tpu.memory_space<vmem>>, vector<16xf32>,
    %swap3A_188 = vector.shape_cast %swap3A_187 : vector<16xf32> to vector<16xf32>
    %swap3A_189 = vector.shape_cast %broadcast_in_dim3A_185 : vector<16xf32> to vector<16xf32>
    tpu.vector_store %arg6[%swap3A_186], %swap3A_189 {strides = array<i32>} : memref<128xf32, #tpu.memory_space<vmem>>, vector<16xf32>,
    %broadcast_in_dim3A_190 = arith.constant 5.000000e-01 : f32
    %broadcast_in_dim3A_191 = vector.broadcast %broadcast_in_dim3A_190 : f32 to vector<16xf32>
    %swap3A_192 = arith.constant 80 : index
    %swap3A_193 = tpu.vector_load %arg6[%swap3A_192] {strides = array<i32>} : memref<128xf32, #tpu.memory_space<vmem>>, vector<16xf32>,
    %swap3A_194 = vector.shape_cast %swap3A_193 : vector<16xf32> to vector<16xf32>
    %swap3A_195 = vector.shape_cast %broadcast_in_dim3A_191 : vector<16xf32> to vector<16xf32>
    tpu.vector_store %arg6[%swap3A_192], %swap3A_195 {strides = array<i32>} : memref<128xf32, #tpu.memory_space<vmem>>, vector<16xf32>,
    %broadcast_in_dim3A_196 = arith.constant 5.000000e-01 : f32
    %broadcast_in_dim3A_197 = vector.broadcast %broadcast_in_dim3A_196 : f32 to vector<16xf32>
    %swap3A_198 = arith.constant 96 : index
    %swap3A_199 = tpu.vector_load %arg6[%swap3A_198] {strides = array<i32>} : memref<128xf32, #tpu.memory_space<vmem>>, vector<16xf32>,
    %swap3A_200 = vector.shape_cast %swap3A_199 : vector<16xf32> to vector<16xf32>
    %swap3A_201 = vector.shape_cast %broadcast_in_dim3A_197 : vector<16xf32> to vector<16xf32>
    tpu.vector_store %arg6[%swap3A_198], %swap3A_201 {strides = array<i32>} : memref<128xf32, #tpu.memory_space<vmem>>, vector<16xf32>,
    %broadcast_in_dim3A_202 = arith.constant 5.000000e-01 : f32
    %broadcast_in_dim3A_203 = vector.broadcast %broadcast_in_dim3A_202 : f32 to vector<16xf32>
    %swap3A_204 = arith.constant 112 : index
    %swap3A_205 = tpu.vector_load %arg6[%swap3A_204] {strides = array<i32>} : memref<128xf32, #tpu.memory_space<vmem>>, vector<16xf32>,
    %swap3A_206 = vector.shape_cast %swap3A_205 : vector<16xf32> to vector<16xf32>
    %swap3A_207 = vector.shape_cast %broadcast_in_dim3A_203 : vector<16xf32> to vector<16xf32>
    tpu.vector_store %arg6[%swap3A_204], %swap3A_207 {strides = array<i32>} : memref<128xf32, #tpu.memory_space<vmem>>, vector<16xf32>,
    %mul3A_208 = arith.constant 128 : i32
    %mul3A_209 = arith.muli %arg1, %mul3A_208 : i32
    "tpu.region"() ({
      %run_scoped3A_317 = tpu.sem_alloc : memref<!tpu.dma_semaphore, #tpu.memory_space<semaphore_mem>>
      %dma_start3A_318 = tpu.memref_slice %arg7[%mul3A_209] : memref<2048xf32, #tpu.memory_space<vmem_shared>> -> memref<128xf32, #tpu.memory_space<vmem_shared>>
      %dma_start3A_319 = tpu.memref_slice %arg7[%mul3A_209] : memref<2048xf32, #tpu.memory_space<vmem_shared>> -> memref<128xf32, #tpu.memory_space<vmem_shared>>
      tpu.enqueue_dma source(%arg6 : memref<128xf32, #tpu.memory_space<vmem>>) target(%dma_start3A_319 : memref<128xf32, #tpu.memory_space<vmem_shared>>) target_semaphore(%run_scoped3A_317 : memref<!tpu.dma_semaphore, #tpu.memory_space<semaphore_mem>>)
      %dma_wait3A_320 = tpu.memref_slice %arg7[%mul3A_209] : memref<2048xf32, #tpu.memory_space<vmem_shared>> -> memref<128xf32, #tpu.memory_space<vmem_shared>>
      %dma_wait3A_321 = tpu.memref_slice %arg7[%mul3A_209] : memref<2048xf32, #tpu.memory_space<vmem_shared>> -> memref<128xf32, #tpu.memory_space<vmem_shared>>
      tpu.wait_dma2 semaphore(%run_scoped3A_317 : memref<!tpu.dma_semaphore, #tpu.memory_space<semaphore_mem>>) src(%arg6 : memref<128xf32, #tpu.memory_space<vmem>>) dst(%dma_wait3A_321 : memref<128xf32, #tpu.memory_space<vmem_shared>>)
      tpu.yield
    }) : () -> ()
    %dma_wait3A = arith.constant 1 : i32
    %dma_wait3A_210 = arith.constant 0 : i32
    %dma_wait3A_211 = arith.constant 0 : i32
    %dma_wait3A_212 = tpu.memref_slice %arg4[%dma_wait3A_210, %dma_wait3A_211] : memref<8x128xi32, #tpu.memory_space<vmem>> -> memref<1x128xi32, #tpu.memory_space<vmem>>
    %dma_wait3A_213 = tpu.memref_squeeze %dma_wait3A_212 : memref<1x128xi32, #tpu.memory_space<vmem>> -> memref<128xi32, #tpu.memory_space<vmem>>
    %dma_wait3A_214 = tpu.memref_slice %arg2[%dma_wait3A, %add3A_4] : memref<2x32768xi32, #tpu.memory_space<hbm>> -> memref<1x128xi32, #tpu.memory_space<hbm>>
    %dma_wait3A_215 = tpu.memref_squeeze %dma_wait3A_214 : memref<1x128xi32, #tpu.memory_space<hbm>> -> memref<128xi32, #tpu.memory_space<hbm>>
    %dma_wait3A_216 = arith.constant 0 : i32
    %dma_wait3A_217 = tpu.memref_slice %arg4[%dma_wait3A_210, %dma_wait3A_216] : memref<8x128xi32, #tpu.memory_space<vmem>> -> memref<1x128xi32, #tpu.memory_space<vmem>>
    %dma_wait3A_218 = tpu.memref_squeeze %dma_wait3A_217 : memref<1x128xi32, #tpu.memory_space<vmem>> -> memref<128xi32, #tpu.memory_space<vmem>>
    %dma_wait3A_219 = tpu.memref_slice %arg2[%dma_wait3A, %add3A_4] : memref<2x32768xi32, #tpu.memory_space<hbm>> -> memref<1x128xi32, #tpu.memory_space<hbm>>
    %dma_wait3A_220 = tpu.memref_squeeze %dma_wait3A_219 : memref<1x128xi32, #tpu.memory_space<hbm>> -> memref<128xi32, #tpu.memory_space<hbm>>
    tpu.wait_dma2 semaphore(%arg8 : memref<!tpu.dma_semaphore, #tpu.memory_space<semaphore_mem>>) src(%dma_wait3A_220 : memref<128xi32, #tpu.memory_space<hbm>>) dst(%dma_wait3A_218 : memref<128xi32, #tpu.memory_space<vmem>>)
    %dma_wait3A_221 = arith.constant 1 : i32
    %dma_wait3A_222 = arith.constant 1 : i32
    %dma_wait3A_223 = arith.constant 0 : i32
    %dma_wait3A_224 = tpu.memref_slice %arg4[%dma_wait3A_222, %dma_wait3A_223] : memref<8x128xi32, #tpu.memory_space<vmem>> -> memref<1x128xi32, #tpu.memory_space<vmem>>
    %dma_wait3A_225 = tpu.memref_squeeze %dma_wait3A_224 : memref<1x128xi32, #tpu.memory_space<vmem>> -> memref<128xi32, #tpu.memory_space<vmem>>
    %dma_wait3A_226 = tpu.memref_slice %arg2[%dma_wait3A_221, %add3A_17] : memref<2x32768xi32, #tpu.memory_space<hbm>> -> memref<1x128xi32, #tpu.memory_space<hbm>>
    %dma_wait3A_227 = tpu.memref_squeeze %dma_wait3A_226 : memref<1x128xi32, #tpu.memory_space<hbm>> -> memref<128xi32, #tpu.memory_space<hbm>>
    %dma_wait3A_228 = arith.constant 0 : i32
    %dma_wait3A_229 = tpu.memref_slice %arg4[%dma_wait3A_222, %dma_wait3A_228] : memref<8x128xi32, #tpu.memory_space<vmem>> -> memref<1x128xi32, #tpu.memory_space<vmem>>
    %dma_wait3A_230 = tpu.memref_squeeze %dma_wait3A_229 : memref<1x128xi32, #tpu.memory_space<vmem>> -> memref<128xi32, #tpu.memory_space<vmem>>
    %dma_wait3A_231 = tpu.memref_slice %arg2[%dma_wait3A_221, %add3A_17] : memref<2x32768xi32, #tpu.memory_space<hbm>> -> memref<1x128xi32, #tpu.memory_space<hbm>>
    %dma_wait3A_232 = tpu.memref_squeeze %dma_wait3A_231 : memref<1x128xi32, #tpu.memory_space<hbm>> -> memref<128xi32, #tpu.memory_space<hbm>>
    tpu.wait_dma2 semaphore(%arg8 : memref<!tpu.dma_semaphore, #tpu.memory_space<semaphore_mem>>) src(%dma_wait3A_232 : memref<128xi32, #tpu.memory_space<hbm>>) dst(%dma_wait3A_230 : memref<128xi32, #tpu.memory_space<vmem>>)
    %dma_wait3A_233 = arith.constant 1 : i32
    %dma_wait3A_234 = arith.constant 2 : i32
    %dma_wait3A_235 = arith.constant 0 : i32
    %dma_wait3A_236 = tpu.memref_slice %arg4[%dma_wait3A_234, %dma_wait3A_235] : memref<8x128xi32, #tpu.memory_space<vmem>> -> memref<1x128xi32, #tpu.memory_space<vmem>>
    %dma_wait3A_237 = tpu.memref_squeeze %dma_wait3A_236 : memref<1x128xi32, #tpu.memory_space<vmem>> -> memref<128xi32, #tpu.memory_space<vmem>>
    %dma_wait3A_238 = tpu.memref_slice %arg2[%dma_wait3A_233, %add3A_31] : memref<2x32768xi32, #tpu.memory_space<hbm>> -> memref<1x128xi32, #tpu.memory_space<hbm>>
    %dma_wait3A_239 = tpu.memref_squeeze %dma_wait3A_238 : memref<1x128xi32, #tpu.memory_space<hbm>> -> memref<128xi32, #tpu.memory_space<hbm>>
    %dma_wait3A_240 = arith.constant 0 : i32
    %dma_wait3A_241 = tpu.memref_slice %arg4[%dma_wait3A_234, %dma_wait3A_240] : memref<8x128xi32, #tpu.memory_space<vmem>> -> memref<1x128xi32, #tpu.memory_space<vmem>>
    %dma_wait3A_242 = tpu.memref_squeeze %dma_wait3A_241 : memref<1x128xi32, #tpu.memory_space<vmem>> -> memref<128xi32, #tpu.memory_space<vmem>>
    %dma_wait3A_243 = tpu.memref_slice %arg2[%dma_wait3A_233, %add3A_31] : memref<2x32768xi32, #tpu.memory_space<hbm>> -> memref<1x128xi32, #tpu.memory_space<hbm>>
    %dma_wait3A_244 = tpu.memref_squeeze %dma_wait3A_243 : memref<1x128xi32, #tpu.memory_space<hbm>> -> memref<128xi32, #tpu.memory_space<hbm>>
    tpu.wait_dma2 semaphore(%arg8 : memref<!tpu.dma_semaphore, #tpu.memory_space<semaphore_mem>>) src(%dma_wait3A_244 : memref<128xi32, #tpu.memory_space<hbm>>) dst(%dma_wait3A_242 : memref<128xi32, #tpu.memory_space<vmem>>)
    %dma_wait3A_245 = arith.constant 1 : i32
    %dma_wait3A_246 = arith.constant 3 : i32
    %dma_wait3A_247 = arith.constant 0 : i32
    %dma_wait3A_248 = tpu.memref_slice %arg4[%dma_wait3A_246, %dma_wait3A_247] : memref<8x128xi32, #tpu.memory_space<vmem>> -> memref<1x128xi32, #tpu.memory_space<vmem>>
    %dma_wait3A_249 = tpu.memref_squeeze %dma_wait3A_248 : memref<1x128xi32, #tpu.memory_space<vmem>> -> memref<128xi32, #tpu.memory_space<vmem>>
    %dma_wait3A_250 = tpu.memref_slice %arg2[%dma_wait3A_245, %add3A_45] : memref<2x32768xi32, #tpu.memory_space<hbm>> -> memref<1x128xi32, #tpu.memory_space<hbm>>
    %dma_wait3A_251 = tpu.memref_squeeze %dma_wait3A_250 : memref<1x128xi32, #tpu.memory_space<hbm>> -> memref<128xi32, #tpu.memory_space<hbm>>
    %dma_wait3A_252 = arith.constant 0 : i32
    %dma_wait3A_253 = tpu.memref_slice %arg4[%dma_wait3A_246, %dma_wait3A_252] : memref<8x128xi32, #tpu.memory_space<vmem>> -> memref<1x128xi32, #tpu.memory_space<vmem>>
    %dma_wait3A_254 = tpu.memref_squeeze %dma_wait3A_253 : memref<1x128xi32, #tpu.memory_space<vmem>> -> memref<128xi32, #tpu.memory_space<vmem>>
    %dma_wait3A_255 = tpu.memref_slice %arg2[%dma_wait3A_245, %add3A_45] : memref<2x32768xi32, #tpu.memory_space<hbm>> -> memref<1x128xi32, #tpu.memory_space<hbm>>
    %dma_wait3A_256 = tpu.memref_squeeze %dma_wait3A_255 : memref<1x128xi32, #tpu.memory_space<hbm>> -> memref<128xi32, #tpu.memory_space<hbm>>
    tpu.wait_dma2 semaphore(%arg8 : memref<!tpu.dma_semaphore, #tpu.memory_space<semaphore_mem>>) src(%dma_wait3A_256 : memref<128xi32, #tpu.memory_space<hbm>>) dst(%dma_wait3A_254 : memref<128xi32, #tpu.memory_space<vmem>>)
    %dma_wait3A_257 = arith.constant 1 : i32
    %dma_wait3A_258 = arith.constant 4 : i32
    %dma_wait3A_259 = arith.constant 0 : i32
    %dma_wait3A_260 = tpu.memref_slice %arg4[%dma_wait3A_258, %dma_wait3A_259] : memref<8x128xi32, #tpu.memory_space<vmem>> -> memref<1x128xi32, #tpu.memory_space<vmem>>
    %dma_wait3A_261 = tpu.memref_squeeze %dma_wait3A_260 : memref<1x128xi32, #tpu.memory_space<vmem>> -> memref<128xi32, #tpu.memory_space<vmem>>
    %dma_wait3A_262 = tpu.memref_slice %arg2[%dma_wait3A_257, %add3A_59] : memref<2x32768xi32, #tpu.memory_space<hbm>> -> memref<1x128xi32, #tpu.memory_space<hbm>>
    %dma_wait3A_263 = tpu.memref_squeeze %dma_wait3A_262 : memref<1x128xi32, #tpu.memory_space<hbm>> -> memref<128xi32, #tpu.memory_space<hbm>>
    %dma_wait3A_264 = arith.constant 0 : i32
    %dma_wait3A_265 = tpu.memref_slice %arg4[%dma_wait3A_258, %dma_wait3A_264] : memref<8x128xi32, #tpu.memory_space<vmem>> -> memref<1x128xi32, #tpu.memory_space<vmem>>
    %dma_wait3A_266 = tpu.memref_squeeze %dma_wait3A_265 : memref<1x128xi32, #tpu.memory_space<vmem>> -> memref<128xi32, #tpu.memory_space<vmem>>
    %dma_wait3A_267 = tpu.memref_slice %arg2[%dma_wait3A_257, %add3A_59] : memref<2x32768xi32, #tpu.memory_space<hbm>> -> memref<1x128xi32, #tpu.memory_space<hbm>>
    %dma_wait3A_268 = tpu.memref_squeeze %dma_wait3A_267 : memref<1x128xi32, #tpu.memory_space<hbm>> -> memref<128xi32, #tpu.memory_space<hbm>>
    tpu.wait_dma2 semaphore(%arg8 : memref<!tpu.dma_semaphore, #tpu.memory_space<semaphore_mem>>) src(%dma_wait3A_268 : memref<128xi32, #tpu.memory_space<hbm>>) dst(%dma_wait3A_266 : memref<128xi32, #tpu.memory_space<vmem>>)
    %dma_wait3A_269 = arith.constant 1 : i32
    %dma_wait3A_270 = arith.constant 5 : i32
    %dma_wait3A_271 = arith.constant 0 : i32
    %dma_wait3A_272 = tpu.memref_slice %arg4[%dma_wait3A_270, %dma_wait3A_271] : memref<8x128xi32, #tpu.memory_space<vmem>> -> memref<1x128xi32, #tpu.memory_space<vmem>>
    %dma_wait3A_273 = tpu.memref_squeeze %dma_wait3A_272 : memref<1x128xi32, #tpu.memory_space<vmem>> -> memref<128xi32, #tpu.memory_space<vmem>>
    %dma_wait3A_274 = tpu.memref_slice %arg2[%dma_wait3A_269, %add3A_73] : memref<2x32768xi32, #tpu.memory_space<hbm>> -> memref<1x128xi32, #tpu.memory_space<hbm>>
    %dma_wait3A_275 = tpu.memref_squeeze %dma_wait3A_274 : memref<1x128xi32, #tpu.memory_space<hbm>> -> memref<128xi32, #tpu.memory_space<hbm>>
    %dma_wait3A_276 = arith.constant 0 : i32
    %dma_wait3A_277 = tpu.memref_slice %arg4[%dma_wait3A_270, %dma_wait3A_276] : memref<8x128xi32, #tpu.memory_space<vmem>> -> memref<1x128xi32, #tpu.memory_space<vmem>>
    %dma_wait3A_278 = tpu.memref_squeeze %dma_wait3A_277 : memref<1x128xi32, #tpu.memory_space<vmem>> -> memref<128xi32, #tpu.memory_space<vmem>>
    %dma_wait3A_279 = tpu.memref_slice %arg2[%dma_wait3A_269, %add3A_73] : memref<2x32768xi32, #tpu.memory_space<hbm>> -> memref<1x128xi32, #tpu.memory_space<hbm>>
    %dma_wait3A_280 = tpu.memref_squeeze %dma_wait3A_279 : memref<1x128xi32, #tpu.memory_space<hbm>> -> memref<128xi32, #tpu.memory_space<hbm>>
    tpu.wait_dma2 semaphore(%arg8 : memref<!tpu.dma_semaphore, #tpu.memory_space<semaphore_mem>>) src(%dma_wait3A_280 : memref<128xi32, #tpu.memory_space<hbm>>) dst(%dma_wait3A_278 : memref<128xi32, #tpu.memory_space<vmem>>)
    %dma_wait3A_281 = arith.constant 1 : i32
    %dma_wait3A_282 = arith.constant 6 : i32
    %dma_wait3A_283 = arith.constant 0 : i32
    %dma_wait3A_284 = tpu.memref_slice %arg4[%dma_wait3A_282, %dma_wait3A_283] : memref<8x128xi32, #tpu.memory_space<vmem>> -> memref<1x128xi32, #tpu.memory_space<vmem>>
    %dma_wait3A_285 = tpu.memref_squeeze %dma_wait3A_284 : memref<1x128xi32, #tpu.memory_space<vmem>> -> memref<128xi32, #tpu.memory_space<vmem>>
    %dma_wait3A_286 = tpu.memref_slice %arg2[%dma_wait3A_281, %add3A_87] : memref<2x32768xi32, #tpu.memory_space<hbm>> -> memref<1x128xi32, #tpu.memory_space<hbm>>
    %dma_wait3A_287 = tpu.memref_squeeze %dma_wait3A_286 : memref<1x128xi32, #tpu.memory_space<hbm>> -> memref<128xi32, #tpu.memory_space<hbm>>
    %dma_wait3A_288 = arith.constant 0 : i32
    %dma_wait3A_289 = tpu.memref_slice %arg4[%dma_wait3A_282, %dma_wait3A_288] : memref<8x128xi32, #tpu.memory_space<vmem>> -> memref<1x128xi32, #tpu.memory_space<vmem>>
    %dma_wait3A_290 = tpu.memref_squeeze %dma_wait3A_289 : memref<1x128xi32, #tpu.memory_space<vmem>> -> memref<128xi32, #tpu.memory_space<vmem>>
    %dma_wait3A_291 = tpu.memref_slice %arg2[%dma_wait3A_281, %add3A_87] : memref<2x32768xi32, #tpu.memory_space<hbm>> -> memref<1x128xi32, #tpu.memory_space<hbm>>
    %dma_wait3A_292 = tpu.memref_squeeze %dma_wait3A_291 : memref<1x128xi32, #tpu.memory_space<hbm>> -> memref<128xi32, #tpu.memory_space<hbm>>
    tpu.wait_dma2 semaphore(%arg8 : memref<!tpu.dma_semaphore, #tpu.memory_space<semaphore_mem>>) src(%dma_wait3A_292 : memref<128xi32, #tpu.memory_space<hbm>>) dst(%dma_wait3A_290 : memref<128xi32, #tpu.memory_space<vmem>>)
    %dma_wait3A_293 = arith.constant 1 : i32
    %dma_wait3A_294 = arith.constant 7 : i32
    %dma_wait3A_295 = arith.constant 0 : i32
    %dma_wait3A_296 = tpu.memref_slice %arg4[%dma_wait3A_294, %dma_wait3A_295] : memref<8x128xi32, #tpu.memory_space<vmem>> -> memref<1x128xi32, #tpu.memory_space<vmem>>
    %dma_wait3A_297 = tpu.memref_squeeze %dma_wait3A_296 : memref<1x128xi32, #tpu.memory_space<vmem>> -> memref<128xi32, #tpu.memory_space<vmem>>
    %dma_wait3A_298 = tpu.memref_slice %arg2[%dma_wait3A_293, %add3A_101] : memref<2x32768xi32, #tpu.memory_space<hbm>> -> memref<1x128xi32, #tpu.memory_space<hbm>>
    %dma_wait3A_299 = tpu.memref_squeeze %dma_wait3A_298 : memref<1x128xi32, #tpu.memory_space<hbm>> -> memref<128xi32, #tpu.memory_space<hbm>>
    %dma_wait3A_300 = arith.constant 0 : i32
    %dma_wait3A_301 = tpu.memref_slice %arg4[%dma_wait3A_294, %dma_wait3A_300] : memref<8x128xi32, #tpu.memory_space<vmem>> -> memref<1x128xi32, #tpu.memory_space<vmem>>
    %dma_wait3A_302 = tpu.memref_squeeze %dma_wait3A_301 : memref<1x128xi32, #tpu.memory_space<vmem>> -> memref<128xi32, #tpu.memory_space<vmem>>
    %dma_wait3A_303 = tpu.memref_slice %arg2[%dma_wait3A_293, %add3A_101] : memref<2x32768xi32, #tpu.memory_space<hbm>> -> memref<1x128xi32, #tpu.memory_space<hbm>>
    %dma_wait3A_304 = tpu.memref_squeeze %dma_wait3A_303 : memref<1x128xi32, #tpu.memory_space<hbm>> -> memref<128xi32, #tpu.memory_space<hbm>>
    tpu.wait_dma2 semaphore(%arg8 : memref<!tpu.dma_semaphore, #tpu.memory_space<semaphore_mem>>) src(%dma_wait3A_304 : memref<128xi32, #tpu.memory_space<hbm>>) dst(%dma_wait3A_302 : memref<128xi32, #tpu.memory_space<vmem>>)
    %barrier3A = arith.constant 0 : index
    tpu.barrier barrier_id(%barrier3A)
    %run_scoped3A = arith.constant 0 : i32
    "tpu.region"() ({
      %run_scoped3A_317 = tpu.sem_alloc : memref<!tpu.dma_semaphore, #tpu.memory_space<semaphore_mem>>
      %dma_start3A_318 = arith.constant 0 : i32
      %dma_start3A_319 = tpu.memref_slice %arg4[%run_scoped3A, %dma_start3A_318] : memref<8x128xi32, #tpu.memory_space<vmem>> -> memref<1x128xi32, #tpu.memory_space<vmem>>
      %dma_start3A_320 = tpu.memref_squeeze %dma_start3A_319 : memref<1x128xi32, #tpu.memory_space<vmem>> -> memref<128xi32, #tpu.memory_space<vmem>>
      %dma_start3A_321 = arith.constant 0 : i32
      %dma_start3A_322 = tpu.memref_slice %arg7[%dma_start3A_321] : memref<2048xf32, #tpu.memory_space<vmem_shared>> -> memref<2048xf32, #tpu.memory_space<vmem_shared>>
      tpu.enqueue_indirect_dma source(%arg5 : memref<128xf32, #tpu.memory_space<vmem>>) target(%dma_start3A_322 : memref<2048xf32, #tpu.memory_space<vmem_shared>>) offsets(%dma_start3A_320 : memref<128xi32, #tpu.memory_space<vmem>>) semaphore(%run_scoped3A_317 : memref<!tpu.dma_semaphore, #tpu.memory_space<semaphore_mem>>) {add = true}
      %dma_wait3A_323 = arith.constant 0 : i32
      %dma_wait3A_324 = tpu.memref_slice %arg4[%run_scoped3A, %dma_wait3A_323] : memref<8x128xi32, #tpu.memory_space<vmem>> -> memref<1x128xi32, #tpu.memory_space<vmem>>
      %dma_wait3A_325 = tpu.memref_squeeze %dma_wait3A_324 : memref<1x128xi32, #tpu.memory_space<vmem>> -> memref<128xi32, #tpu.memory_space<vmem>>
      %dma_wait3A_326 = arith.constant 0 : i32
      %dma_wait3A_327 = tpu.memref_slice %arg7[%dma_wait3A_326] : memref<2048xf32, #tpu.memory_space<vmem_shared>> -> memref<2048xf32, #tpu.memory_space<vmem_shared>>
      tpu.wait_indirect_dma semaphore(%run_scoped3A_317 : memref<!tpu.dma_semaphore, #tpu.memory_space<semaphore_mem>>) src(%arg5 : memref<128xf32, #tpu.memory_space<vmem>>) dst(%dma_wait3A_327 : memref<2048xf32, #tpu.memory_space<vmem_shared>>)
      tpu.yield
    }) : () -> ()
    %run_scoped3A_305 = arith.constant 1 : i32
    "tpu.region"() ({
      %run_scoped3A_317 = tpu.sem_alloc : memref<!tpu.dma_semaphore, #tpu.memory_space<semaphore_mem>>
      %dma_start3A_318 = arith.constant 0 : i32
      %dma_start3A_319 = tpu.memref_slice %arg4[%run_scoped3A_305, %dma_start3A_318] : memref<8x128xi32, #tpu.memory_space<vmem>> -> memref<1x128xi32, #tpu.memory_space<vmem>>
      %dma_start3A_320 = tpu.memref_squeeze %dma_start3A_319 : memref<1x128xi32, #tpu.memory_space<vmem>> -> memref<128xi32, #tpu.memory_space<vmem>>
      %dma_start3A_321 = arith.constant 0 : i32
      %dma_start3A_322 = tpu.memref_slice %arg7[%dma_start3A_321] : memref<2048xf32, #tpu.memory_space<vmem_shared>> -> memref<2048xf32, #tpu.memory_space<vmem_shared>>
      tpu.enqueue_indirect_dma source(%arg5 : memref<128xf32, #tpu.memory_space<vmem>>) target(%dma_start3A_322 : memref<2048xf32, #tpu.memory_space<vmem_shared>>) offsets(%dma_start3A_320 : memref<128xi32, #tpu.memory_space<vmem>>) semaphore(%run_scoped3A_317 : memref<!tpu.dma_semaphore, #tpu.memory_space<semaphore_mem>>) {add = true}
      %dma_wait3A_323 = arith.constant 0 : i32
      %dma_wait3A_324 = tpu.memref_slice %arg4[%run_scoped3A_305, %dma_wait3A_323] : memref<8x128xi32, #tpu.memory_space<vmem>> -> memref<1x128xi32, #tpu.memory_space<vmem>>
      %dma_wait3A_325 = tpu.memref_squeeze %dma_wait3A_324 : memref<1x128xi32, #tpu.memory_space<vmem>> -> memref<128xi32, #tpu.memory_space<vmem>>
      %dma_wait3A_326 = arith.constant 0 : i32
      %dma_wait3A_327 = tpu.memref_slice %arg7[%dma_wait3A_326] : memref<2048xf32, #tpu.memory_space<vmem_shared>> -> memref<2048xf32, #tpu.memory_space<vmem_shared>>
      tpu.wait_indirect_dma semaphore(%run_scoped3A_317 : memref<!tpu.dma_semaphore, #tpu.memory_space<semaphore_mem>>) src(%arg5 : memref<128xf32, #tpu.memory_space<vmem>>) dst(%dma_wait3A_327 : memref<2048xf32, #tpu.memory_space<vmem_shared>>)
      tpu.yield
    }) : () -> ()
    %run_scoped3A_306 = arith.constant 2 : i32
    "tpu.region"() ({
      %run_scoped3A_317 = tpu.sem_alloc : memref<!tpu.dma_semaphore, #tpu.memory_space<semaphore_mem>>
      %dma_start3A_318 = arith.constant 0 : i32
      %dma_start3A_319 = tpu.memref_slice %arg4[%run_scoped3A_306, %dma_start3A_318] : memref<8x128xi32, #tpu.memory_space<vmem>> -> memref<1x128xi32, #tpu.memory_space<vmem>>
      %dma_start3A_320 = tpu.memref_squeeze %dma_start3A_319 : memref<1x128xi32, #tpu.memory_space<vmem>> -> memref<128xi32, #tpu.memory_space<vmem>>
      %dma_start3A_321 = arith.constant 0 : i32
      %dma_start3A_322 = tpu.memref_slice %arg7[%dma_start3A_321] : memref<2048xf32, #tpu.memory_space<vmem_shared>> -> memref<2048xf32, #tpu.memory_space<vmem_shared>>
      tpu.enqueue_indirect_dma source(%arg5 : memref<128xf32, #tpu.memory_space<vmem>>) target(%dma_start3A_322 : memref<2048xf32, #tpu.memory_space<vmem_shared>>) offsets(%dma_start3A_320 : memref<128xi32, #tpu.memory_space<vmem>>) semaphore(%run_scoped3A_317 : memref<!tpu.dma_semaphore, #tpu.memory_space<semaphore_mem>>) {add = true}
      %dma_wait3A_323 = arith.constant 0 : i32
      %dma_wait3A_324 = tpu.memref_slice %arg4[%run_scoped3A_306, %dma_wait3A_323] : memref<8x128xi32, #tpu.memory_space<vmem>> -> memref<1x128xi32, #tpu.memory_space<vmem>>
      %dma_wait3A_325 = tpu.memref_squeeze %dma_wait3A_324 : memref<1x128xi32, #tpu.memory_space<vmem>> -> memref<128xi32, #tpu.memory_space<vmem>>
      %dma_wait3A_326 = arith.constant 0 : i32
      %dma_wait3A_327 = tpu.memref_slice %arg7[%dma_wait3A_326] : memref<2048xf32, #tpu.memory_space<vmem_shared>> -> memref<2048xf32, #tpu.memory_space<vmem_shared>>
      tpu.wait_indirect_dma semaphore(%run_scoped3A_317 : memref<!tpu.dma_semaphore, #tpu.memory_space<semaphore_mem>>) src(%arg5 : memref<128xf32, #tpu.memory_space<vmem>>) dst(%dma_wait3A_327 : memref<2048xf32, #tpu.memory_space<vmem_shared>>)
      tpu.yield
    }) : () -> ()
    %run_scoped3A_307 = arith.constant 3 : i32
    "tpu.region"() ({
      %run_scoped3A_317 = tpu.sem_alloc : memref<!tpu.dma_semaphore, #tpu.memory_space<semaphore_mem>>
      %dma_start3A_318 = arith.constant 0 : i32
      %dma_start3A_319 = tpu.memref_slice %arg4[%run_scoped3A_307, %dma_start3A_318] : memref<8x128xi32, #tpu.memory_space<vmem>> -> memref<1x128xi32, #tpu.memory_space<vmem>>
      %dma_start3A_320 = tpu.memref_squeeze %dma_start3A_319 : memref<1x128xi32, #tpu.memory_space<vmem>> -> memref<128xi32, #tpu.memory_space<vmem>>
      %dma_start3A_321 = arith.constant 0 : i32
      %dma_start3A_322 = tpu.memref_slice %arg7[%dma_start3A_321] : memref<2048xf32, #tpu.memory_space<vmem_shared>> -> memref<2048xf32, #tpu.memory_space<vmem_shared>>
      tpu.enqueue_indirect_dma source(%arg5 : memref<128xf32, #tpu.memory_space<vmem>>) target(%dma_start3A_322 : memref<2048xf32, #tpu.memory_space<vmem_shared>>) offsets(%dma_start3A_320 : memref<128xi32, #tpu.memory_space<vmem>>) semaphore(%run_scoped3A_317 : memref<!tpu.dma_semaphore, #tpu.memory_space<semaphore_mem>>) {add = true}
      %dma_wait3A_323 = arith.constant 0 : i32
      %dma_wait3A_324 = tpu.memref_slice %arg4[%run_scoped3A_307, %dma_wait3A_323] : memref<8x128xi32, #tpu.memory_space<vmem>> -> memref<1x128xi32, #tpu.memory_space<vmem>>
      %dma_wait3A_325 = tpu.memref_squeeze %dma_wait3A_324 : memref<1x128xi32, #tpu.memory_space<vmem>> -> memref<128xi32, #tpu.memory_space<vmem>>
      %dma_wait3A_326 = arith.constant 0 : i32
      %dma_wait3A_327 = tpu.memref_slice %arg7[%dma_wait3A_326] : memref<2048xf32, #tpu.memory_space<vmem_shared>> -> memref<2048xf32, #tpu.memory_space<vmem_shared>>
      tpu.wait_indirect_dma semaphore(%run_scoped3A_317 : memref<!tpu.dma_semaphore, #tpu.memory_space<semaphore_mem>>) src(%arg5 : memref<128xf32, #tpu.memory_space<vmem>>) dst(%dma_wait3A_327 : memref<2048xf32, #tpu.memory_space<vmem_shared>>)
      tpu.yield
    }) : () -> ()
    %run_scoped3A_308 = arith.constant 4 : i32
    "tpu.region"() ({
      %run_scoped3A_317 = tpu.sem_alloc : memref<!tpu.dma_semaphore, #tpu.memory_space<semaphore_mem>>
      %dma_start3A_318 = arith.constant 0 : i32
      %dma_start3A_319 = tpu.memref_slice %arg4[%run_scoped3A_308, %dma_start3A_318] : memref<8x128xi32, #tpu.memory_space<vmem>> -> memref<1x128xi32, #tpu.memory_space<vmem>>
      %dma_start3A_320 = tpu.memref_squeeze %dma_start3A_319 : memref<1x128xi32, #tpu.memory_space<vmem>> -> memref<128xi32, #tpu.memory_space<vmem>>
      %dma_start3A_321 = arith.constant 0 : i32
      %dma_start3A_322 = tpu.memref_slice %arg7[%dma_start3A_321] : memref<2048xf32, #tpu.memory_space<vmem_shared>> -> memref<2048xf32, #tpu.memory_space<vmem_shared>>
      tpu.enqueue_indirect_dma source(%arg5 : memref<128xf32, #tpu.memory_space<vmem>>) target(%dma_start3A_322 : memref<2048xf32, #tpu.memory_space<vmem_shared>>) offsets(%dma_start3A_320 : memref<128xi32, #tpu.memory_space<vmem>>) semaphore(%run_scoped3A_317 : memref<!tpu.dma_semaphore, #tpu.memory_space<semaphore_mem>>) {add = true}
      %dma_wait3A_323 = arith.constant 0 : i32
      %dma_wait3A_324 = tpu.memref_slice %arg4[%run_scoped3A_308, %dma_wait3A_323] : memref<8x128xi32, #tpu.memory_space<vmem>> -> memref<1x128xi32, #tpu.memory_space<vmem>>
      %dma_wait3A_325 = tpu.memref_squeeze %dma_wait3A_324 : memref<1x128xi32, #tpu.memory_space<vmem>> -> memref<128xi32, #tpu.memory_space<vmem>>
      %dma_wait3A_326 = arith.constant 0 : i32
      %dma_wait3A_327 = tpu.memref_slice %arg7[%dma_wait3A_326] : memref<2048xf32, #tpu.memory_space<vmem_shared>> -> memref<2048xf32, #tpu.memory_space<vmem_shared>>
      tpu.wait_indirect_dma semaphore(%run_scoped3A_317 : memref<!tpu.dma_semaphore, #tpu.memory_space<semaphore_mem>>) src(%arg5 : memref<128xf32, #tpu.memory_space<vmem>>) dst(%dma_wait3A_327 : memref<2048xf32, #tpu.memory_space<vmem_shared>>)
      tpu.yield
    }) : () -> ()
    %run_scoped3A_309 = arith.constant 5 : i32
    "tpu.region"() ({
      %run_scoped3A_317 = tpu.sem_alloc : memref<!tpu.dma_semaphore, #tpu.memory_space<semaphore_mem>>
      %dma_start3A_318 = arith.constant 0 : i32
      %dma_start3A_319 = tpu.memref_slice %arg4[%run_scoped3A_309, %dma_start3A_318] : memref<8x128xi32, #tpu.memory_space<vmem>> -> memref<1x128xi32, #tpu.memory_space<vmem>>
      %dma_start3A_320 = tpu.memref_squeeze %dma_start3A_319 : memref<1x128xi32, #tpu.memory_space<vmem>> -> memref<128xi32, #tpu.memory_space<vmem>>
      %dma_start3A_321 = arith.constant 0 : i32
      %dma_start3A_322 = tpu.memref_slice %arg7[%dma_start3A_321] : memref<2048xf32, #tpu.memory_space<vmem_shared>> -> memref<2048xf32, #tpu.memory_space<vmem_shared>>
      tpu.enqueue_indirect_dma source(%arg5 : memref<128xf32, #tpu.memory_space<vmem>>) target(%dma_start3A_322 : memref<2048xf32, #tpu.memory_space<vmem_shared>>) offsets(%dma_start3A_320 : memref<128xi32, #tpu.memory_space<vmem>>) semaphore(%run_scoped3A_317 : memref<!tpu.dma_semaphore, #tpu.memory_space<semaphore_mem>>) {add = true}
      %dma_wait3A_323 = arith.constant 0 : i32
      %dma_wait3A_324 = tpu.memref_slice %arg4[%run_scoped3A_309, %dma_wait3A_323] : memref<8x128xi32, #tpu.memory_space<vmem>> -> memref<1x128xi32, #tpu.memory_space<vmem>>
      %dma_wait3A_325 = tpu.memref_squeeze %dma_wait3A_324 : memref<1x128xi32, #tpu.memory_space<vmem>> -> memref<128xi32, #tpu.memory_space<vmem>>
      %dma_wait3A_326 = arith.constant 0 : i32
      %dma_wait3A_327 = tpu.memref_slice %arg7[%dma_wait3A_326] : memref<2048xf32, #tpu.memory_space<vmem_shared>> -> memref<2048xf32, #tpu.memory_space<vmem_shared>>
      tpu.wait_indirect_dma semaphore(%run_scoped3A_317 : memref<!tpu.dma_semaphore, #tpu.memory_space<semaphore_mem>>) src(%arg5 : memref<128xf32, #tpu.memory_space<vmem>>) dst(%dma_wait3A_327 : memref<2048xf32, #tpu.memory_space<vmem_shared>>)
      tpu.yield
    }) : () -> ()
    %run_scoped3A_310 = arith.constant 6 : i32
    "tpu.region"() ({
      %run_scoped3A_317 = tpu.sem_alloc : memref<!tpu.dma_semaphore, #tpu.memory_space<semaphore_mem>>
      %dma_start3A_318 = arith.constant 0 : i32
      %dma_start3A_319 = tpu.memref_slice %arg4[%run_scoped3A_310, %dma_start3A_318] : memref<8x128xi32, #tpu.memory_space<vmem>> -> memref<1x128xi32, #tpu.memory_space<vmem>>
      %dma_start3A_320 = tpu.memref_squeeze %dma_start3A_319 : memref<1x128xi32, #tpu.memory_space<vmem>> -> memref<128xi32, #tpu.memory_space<vmem>>
      %dma_start3A_321 = arith.constant 0 : i32
      %dma_start3A_322 = tpu.memref_slice %arg7[%dma_start3A_321] : memref<2048xf32, #tpu.memory_space<vmem_shared>> -> memref<2048xf32, #tpu.memory_space<vmem_shared>>
      tpu.enqueue_indirect_dma source(%arg5 : memref<128xf32, #tpu.memory_space<vmem>>) target(%dma_start3A_322 : memref<2048xf32, #tpu.memory_space<vmem_shared>>) offsets(%dma_start3A_320 : memref<128xi32, #tpu.memory_space<vmem>>) semaphore(%run_scoped3A_317 : memref<!tpu.dma_semaphore, #tpu.memory_space<semaphore_mem>>) {add = true}
      %dma_wait3A_323 = arith.constant 0 : i32
      %dma_wait3A_324 = tpu.memref_slice %arg4[%run_scoped3A_310, %dma_wait3A_323] : memref<8x128xi32, #tpu.memory_space<vmem>> -> memref<1x128xi32, #tpu.memory_space<vmem>>
      %dma_wait3A_325 = tpu.memref_squeeze %dma_wait3A_324 : memref<1x128xi32, #tpu.memory_space<vmem>> -> memref<128xi32, #tpu.memory_space<vmem>>
      %dma_wait3A_326 = arith.constant 0 : i32
      %dma_wait3A_327 = tpu.memref_slice %arg7[%dma_wait3A_326] : memref<2048xf32, #tpu.memory_space<vmem_shared>> -> memref<2048xf32, #tpu.memory_space<vmem_shared>>
      tpu.wait_indirect_dma semaphore(%run_scoped3A_317 : memref<!tpu.dma_semaphore, #tpu.memory_space<semaphore_mem>>) src(%arg5 : memref<128xf32, #tpu.memory_space<vmem>>) dst(%dma_wait3A_327 : memref<2048xf32, #tpu.memory_space<vmem_shared>>)
      tpu.yield
    }) : () -> ()
    %run_scoped3A_311 = arith.constant 7 : i32
    "tpu.region"() ({
      %run_scoped3A_317 = tpu.sem_alloc : memref<!tpu.dma_semaphore, #tpu.memory_space<semaphore_mem>>
      %dma_start3A_318 = arith.constant 0 : i32
      %dma_start3A_319 = tpu.memref_slice %arg4[%run_scoped3A_311, %dma_start3A_318] : memref<8x128xi32, #tpu.memory_space<vmem>> -> memref<1x128xi32, #tpu.memory_space<vmem>>
      %dma_start3A_320 = tpu.memref_squeeze %dma_start3A_319 : memref<1x128xi32, #tpu.memory_space<vmem>> -> memref<128xi32, #tpu.memory_space<vmem>>
      %dma_start3A_321 = arith.constant 0 : i32
      %dma_start3A_322 = tpu.memref_slice %arg7[%dma_start3A_321] : memref<2048xf32, #tpu.memory_space<vmem_shared>> -> memref<2048xf32, #tpu.memory_space<vmem_shared>>
      tpu.enqueue_indirect_dma source(%arg5 : memref<128xf32, #tpu.memory_space<vmem>>) target(%dma_start3A_322 : memref<2048xf32, #tpu.memory_space<vmem_shared>>) offsets(%dma_start3A_320 : memref<128xi32, #tpu.memory_space<vmem>>) semaphore(%run_scoped3A_317 : memref<!tpu.dma_semaphore, #tpu.memory_space<semaphore_mem>>) {add = true}
      %dma_wait3A_323 = arith.constant 0 : i32
      %dma_wait3A_324 = tpu.memref_slice %arg4[%run_scoped3A_311, %dma_wait3A_323] : memref<8x128xi32, #tpu.memory_space<vmem>> -> memref<1x128xi32, #tpu.memory_space<vmem>>
      %dma_wait3A_325 = tpu.memref_squeeze %dma_wait3A_324 : memref<1x128xi32, #tpu.memory_space<vmem>> -> memref<128xi32, #tpu.memory_space<vmem>>
      %dma_wait3A_326 = arith.constant 0 : i32
      %dma_wait3A_327 = tpu.memref_slice %arg7[%dma_wait3A_326] : memref<2048xf32, #tpu.memory_space<vmem_shared>> -> memref<2048xf32, #tpu.memory_space<vmem_shared>>
      tpu.wait_indirect_dma semaphore(%run_scoped3A_317 : memref<!tpu.dma_semaphore, #tpu.memory_space<semaphore_mem>>) src(%arg5 : memref<128xf32, #tpu.memory_space<vmem>>) dst(%dma_wait3A_327 : memref<2048xf32, #tpu.memory_space<vmem_shared>>)
      tpu.yield
    }) : () -> ()
    %barrier3A_312 = arith.constant 0 : index
    tpu.barrier barrier_id(%barrier3A_312)
    %mul3A_313 = arith.constant 128 : i32
    %mul3A_314 = arith.muli %arg1, %mul3A_313 : i32
    %mul3A_315 = arith.constant 128 : i32
    %mul3A_316 = arith.muli %arg1, %mul3A_315 : i32
    "tpu.region"() ({
      %run_scoped3A_317 = tpu.sem_alloc : memref<!tpu.dma_semaphore, #tpu.memory_space<semaphore_mem>>
      %dma_start3A_318 = tpu.memref_slice %arg3[%arg0, %mul3A_316] : memref<2x2048xf32, #tpu.memory_space<hbm>> -> memref<1x128xf32, #tpu.memory_space<hbm>>
      %dma_start3A_319 = tpu.memref_squeeze %dma_start3A_318 : memref<1x128xf32, #tpu.memory_space<hbm>> -> memref<128xf32, #tpu.memory_space<hbm>>
      %dma_start3A_320 = tpu.memref_slice %arg7[%mul3A_314] : memref<2048xf32, #tpu.memory_space<vmem_shared>> -> memref<128xf32, #tpu.memory_space<vmem_shared>>
      tpu.enqueue_dma source(%dma_start3A_320 : memref<128xf32, #tpu.memory_space<vmem_shared>>) target(%dma_start3A_319 : memref<128xf32, #tpu.memory_space<hbm>>) target_semaphore(%run_scoped3A_317 : memref<!tpu.dma_semaphore, #tpu.memory_space<semaphore_mem>>)
      %dma_wait3A_321 = tpu.memref_slice %arg3[%arg0, %mul3A_316] : memref<2x2048xf32, #tpu.memory_space<hbm>> -> memref<1x128xf32, #tpu.memory_space<hbm>>
      %dma_wait3A_322 = tpu.memref_squeeze %dma_wait3A_321 : memref<1x128xf32, #tpu.memory_space<hbm>> -> memref<128xf32, #tpu.memory_space<hbm>>
      %dma_wait3A_323 = tpu.memref_slice %arg7[%mul3A_314] : memref<2048xf32, #tpu.memory_space<vmem_shared>> -> memref<128xf32, #tpu.memory_space<vmem_shared>>
      tpu.wait_dma2 semaphore(%run_scoped3A_317 : memref<!tpu.dma_semaphore, #tpu.memory_space<semaphore_mem>>) src(%dma_wait3A_323 : memref<128xf32, #tpu.memory_space<vmem_shared>>) dst(%dma_wait3A_322 : memref<128xf32, #tpu.memory_space<hbm>>)
      tpu.yield
    }) : () -> ()
    return
  }
}

#map = affine_map<(d0, d1) -> (0, 0)>
#map1 = affine_map<(d0, d1) -> (0, 0, 0)>
module attributes {stable_mosaic.version = 14 : i64} {
  func.func @_scat_body(%arg0: i32, %arg1: i32, %arg2: memref<2048x128xf32, #tpu.memory_space<hbm>>, %arg3: memref<2x32768xi32, #tpu.memory_space<hbm>>, %arg4: memref<2x2048x128xf32, #tpu.memory_space<hbm>>, %arg5: memref<8x128xi32, #tpu.memory_space<vmem>>, %arg6: memref<8x128xi32, #tpu.memory_space<vmem>>, %arg7: memref<3x128x128xf32, #tpu.memory_space<vmem>>, %arg8: memref<2048x128xf32, #tpu.memory_space<vmem_shared>>, %arg9: memref<!tpu.dma_semaphore, #tpu.memory_space<semaphore_mem>>, %arg10: memref<!tpu.dma_semaphore, #tpu.memory_space<semaphore_mem>>, %arg11: memref<!tpu.dma_semaphore, #tpu.memory_space<semaphore_mem>>) attributes {dimension_semantics = [#tpu.dimension_semantics<core_parallel>, #tpu.dimension_semantics<subcore_parallel>], iteration_bounds = array<i64: 2, 16>, scalar_prefetch = 0 : i64, scratch_operands = 7 : i64, tpu.core_type = #tpu.core_type<sc_vector_subcore>, window_params = [{transform_indices = #map}, {transform_indices = #map}, {transform_indices = #map1}]} {
    %mul3A = arith.constant 2 : i32
    %mul3A_0 = arith.muli %arg1, %mul3A : i32
    %add3A = arith.addi %mul3A_0, %arg0 : i32
    %mul3A_1 = arith.constant 1024 : i32
    %mul3A_2 = arith.muli %add3A, %mul3A_1 : i32
    %add3A_3 = arith.constant 0 : i32
    %add3A_4 = arith.addi %mul3A_2, %add3A_3 : i32
    %dma_start3A = arith.constant 0 : i32
    %dma_start3A_5 = arith.constant 0 : i32
    %dma_start3A_6 = arith.constant 0 : i32
    %dma_start3A_7 = tpu.memref_slice %arg5[%dma_start3A_5, %dma_start3A_6] : memref<8x128xi32, #tpu.memory_space<vmem>> -> memref<1x128xi32, #tpu.memory_space<vmem>>
    %dma_start3A_8 = tpu.memref_squeeze %dma_start3A_7 : memref<1x128xi32, #tpu.memory_space<vmem>> -> memref<128xi32, #tpu.memory_space<vmem>>
    %dma_start3A_9 = tpu.memref_slice %arg3[%dma_start3A, %add3A_4] : memref<2x32768xi32, #tpu.memory_space<hbm>> -> memref<1x128xi32, #tpu.memory_space<hbm>>
    %dma_start3A_10 = tpu.memref_squeeze %dma_start3A_9 : memref<1x128xi32, #tpu.memory_space<hbm>> -> memref<128xi32, #tpu.memory_space<hbm>>
    %dma_start3A_11 = arith.constant 0 : i32
    %dma_start3A_12 = tpu.memref_slice %arg5[%dma_start3A_5, %dma_start3A_11] : memref<8x128xi32, #tpu.memory_space<vmem>> -> memref<1x128xi32, #tpu.memory_space<vmem>>
    %dma_start3A_13 = tpu.memref_squeeze %dma_start3A_12 : memref<1x128xi32, #tpu.memory_space<vmem>> -> memref<128xi32, #tpu.memory_space<vmem>>
    %dma_start3A_14 = tpu.memref_slice %arg3[%dma_start3A, %add3A_4] : memref<2x32768xi32, #tpu.memory_space<hbm>> -> memref<1x128xi32, #tpu.memory_space<hbm>>
    %dma_start3A_15 = tpu.memref_squeeze %dma_start3A_14 : memref<1x128xi32, #tpu.memory_space<hbm>> -> memref<128xi32, #tpu.memory_space<hbm>>
    tpu.enqueue_dma source(%dma_start3A_15 : memref<128xi32, #tpu.memory_space<hbm>>) target(%dma_start3A_13 : memref<128xi32, #tpu.memory_space<vmem>>) target_semaphore(%arg10 : memref<!tpu.dma_semaphore, #tpu.memory_space<semaphore_mem>>)
    %add3A_16 = arith.constant 0 : i32
    %add3A_17 = arith.addi %mul3A_2, %add3A_16 : i32
    %dma_start3A_18 = arith.constant 1 : i32
    %dma_start3A_19 = arith.constant 0 : i32
    %dma_start3A_20 = arith.constant 0 : i32
    %dma_start3A_21 = tpu.memref_slice %arg6[%dma_start3A_19, %dma_start3A_20] : memref<8x128xi32, #tpu.memory_space<vmem>> -> memref<1x128xi32, #tpu.memory_space<vmem>>
    %dma_start3A_22 = tpu.memref_squeeze %dma_start3A_21 : memref<1x128xi32, #tpu.memory_space<vmem>> -> memref<128xi32, #tpu.memory_space<vmem>>
    %dma_start3A_23 = tpu.memref_slice %arg3[%dma_start3A_18, %add3A_17] : memref<2x32768xi32, #tpu.memory_space<hbm>> -> memref<1x128xi32, #tpu.memory_space<hbm>>
    %dma_start3A_24 = tpu.memref_squeeze %dma_start3A_23 : memref<1x128xi32, #tpu.memory_space<hbm>> -> memref<128xi32, #tpu.memory_space<hbm>>
    %dma_start3A_25 = arith.constant 0 : i32
    %dma_start3A_26 = tpu.memref_slice %arg6[%dma_start3A_19, %dma_start3A_25] : memref<8x128xi32, #tpu.memory_space<vmem>> -> memref<1x128xi32, #tpu.memory_space<vmem>>
    %dma_start3A_27 = tpu.memref_squeeze %dma_start3A_26 : memref<1x128xi32, #tpu.memory_space<vmem>> -> memref<128xi32, #tpu.memory_space<vmem>>
    %dma_start3A_28 = tpu.memref_slice %arg3[%dma_start3A_18, %add3A_17] : memref<2x32768xi32, #tpu.memory_space<hbm>> -> memref<1x128xi32, #tpu.memory_space<hbm>>
    %dma_start3A_29 = tpu.memref_squeeze %dma_start3A_28 : memref<1x128xi32, #tpu.memory_space<hbm>> -> memref<128xi32, #tpu.memory_space<hbm>>
    tpu.enqueue_dma source(%dma_start3A_29 : memref<128xi32, #tpu.memory_space<hbm>>) target(%dma_start3A_27 : memref<128xi32, #tpu.memory_space<vmem>>) target_semaphore(%arg10 : memref<!tpu.dma_semaphore, #tpu.memory_space<semaphore_mem>>)
    %add3A_30 = arith.constant 128 : i32
    %add3A_31 = arith.addi %mul3A_2, %add3A_30 : i32
    %dma_start3A_32 = arith.constant 0 : i32
    %dma_start3A_33 = arith.constant 1 : i32
    %dma_start3A_34 = arith.constant 0 : i32
    %dma_start3A_35 = tpu.memref_slice %arg5[%dma_start3A_33, %dma_start3A_34] : memref<8x128xi32, #tpu.memory_space<vmem>> -> memref<1x128xi32, #tpu.memory_space<vmem>>
    %dma_start3A_36 = tpu.memref_squeeze %dma_start3A_35 : memref<1x128xi32, #tpu.memory_space<vmem>> -> memref<128xi32, #tpu.memory_space<vmem>>
    %dma_start3A_37 = tpu.memref_slice %arg3[%dma_start3A_32, %add3A_31] : memref<2x32768xi32, #tpu.memory_space<hbm>> -> memref<1x128xi32, #tpu.memory_space<hbm>>
    %dma_start3A_38 = tpu.memref_squeeze %dma_start3A_37 : memref<1x128xi32, #tpu.memory_space<hbm>> -> memref<128xi32, #tpu.memory_space<hbm>>
    %dma_start3A_39 = arith.constant 0 : i32
    %dma_start3A_40 = tpu.memref_slice %arg5[%dma_start3A_33, %dma_start3A_39] : memref<8x128xi32, #tpu.memory_space<vmem>> -> memref<1x128xi32, #tpu.memory_space<vmem>>
    %dma_start3A_41 = tpu.memref_squeeze %dma_start3A_40 : memref<1x128xi32, #tpu.memory_space<vmem>> -> memref<128xi32, #tpu.memory_space<vmem>>
    %dma_start3A_42 = tpu.memref_slice %arg3[%dma_start3A_32, %add3A_31] : memref<2x32768xi32, #tpu.memory_space<hbm>> -> memref<1x128xi32, #tpu.memory_space<hbm>>
    %dma_start3A_43 = tpu.memref_squeeze %dma_start3A_42 : memref<1x128xi32, #tpu.memory_space<hbm>> -> memref<128xi32, #tpu.memory_space<hbm>>
    tpu.enqueue_dma source(%dma_start3A_43 : memref<128xi32, #tpu.memory_space<hbm>>) target(%dma_start3A_41 : memref<128xi32, #tpu.memory_space<vmem>>) target_semaphore(%arg10 : memref<!tpu.dma_semaphore, #tpu.memory_space<semaphore_mem>>)
    %add3A_44 = arith.constant 128 : i32
    %add3A_45 = arith.addi %mul3A_2, %add3A_44 : i32
    %dma_start3A_46 = arith.constant 1 : i32
    %dma_start3A_47 = arith.constant 1 : i32
    %dma_start3A_48 = arith.constant 0 : i32
    %dma_start3A_49 = tpu.memref_slice %arg6[%dma_start3A_47, %dma_start3A_48] : memref<8x128xi32, #tpu.memory_space<vmem>> -> memref<1x128xi32, #tpu.memory_space<vmem>>
    %dma_start3A_50 = tpu.memref_squeeze %dma_start3A_49 : memref<1x128xi32, #tpu.memory_space<vmem>> -> memref<128xi32, #tpu.memory_space<vmem>>
    %dma_start3A_51 = tpu.memref_slice %arg3[%dma_start3A_46, %add3A_45] : memref<2x32768xi32, #tpu.memory_space<hbm>> -> memref<1x128xi32, #tpu.memory_space<hbm>>
    %dma_start3A_52 = tpu.memref_squeeze %dma_start3A_51 : memref<1x128xi32, #tpu.memory_space<hbm>> -> memref<128xi32, #tpu.memory_space<hbm>>
    %dma_start3A_53 = arith.constant 0 : i32
    %dma_start3A_54 = tpu.memref_slice %arg6[%dma_start3A_47, %dma_start3A_53] : memref<8x128xi32, #tpu.memory_space<vmem>> -> memref<1x128xi32, #tpu.memory_space<vmem>>
    %dma_start3A_55 = tpu.memref_squeeze %dma_start3A_54 : memref<1x128xi32, #tpu.memory_space<vmem>> -> memref<128xi32, #tpu.memory_space<vmem>>
    %dma_start3A_56 = tpu.memref_slice %arg3[%dma_start3A_46, %add3A_45] : memref<2x32768xi32, #tpu.memory_space<hbm>> -> memref<1x128xi32, #tpu.memory_space<hbm>>
    %dma_start3A_57 = tpu.memref_squeeze %dma_start3A_56 : memref<1x128xi32, #tpu.memory_space<hbm>> -> memref<128xi32, #tpu.memory_space<hbm>>
    tpu.enqueue_dma source(%dma_start3A_57 : memref<128xi32, #tpu.memory_space<hbm>>) target(%dma_start3A_55 : memref<128xi32, #tpu.memory_space<vmem>>) target_semaphore(%arg10 : memref<!tpu.dma_semaphore, #tpu.memory_space<semaphore_mem>>)
    %add3A_58 = arith.constant 256 : i32
    %add3A_59 = arith.addi %mul3A_2, %add3A_58 : i32
    %dma_start3A_60 = arith.constant 0 : i32
    %dma_start3A_61 = arith.constant 2 : i32
    %dma_start3A_62 = arith.constant 0 : i32
    %dma_start3A_63 = tpu.memref_slice %arg5[%dma_start3A_61, %dma_start3A_62] : memref<8x128xi32, #tpu.memory_space<vmem>> -> memref<1x128xi32, #tpu.memory_space<vmem>>
    %dma_start3A_64 = tpu.memref_squeeze %dma_start3A_63 : memref<1x128xi32, #tpu.memory_space<vmem>> -> memref<128xi32, #tpu.memory_space<vmem>>
    %dma_start3A_65 = tpu.memref_slice %arg3[%dma_start3A_60, %add3A_59] : memref<2x32768xi32, #tpu.memory_space<hbm>> -> memref<1x128xi32, #tpu.memory_space<hbm>>
    %dma_start3A_66 = tpu.memref_squeeze %dma_start3A_65 : memref<1x128xi32, #tpu.memory_space<hbm>> -> memref<128xi32, #tpu.memory_space<hbm>>
    %dma_start3A_67 = arith.constant 0 : i32
    %dma_start3A_68 = tpu.memref_slice %arg5[%dma_start3A_61, %dma_start3A_67] : memref<8x128xi32, #tpu.memory_space<vmem>> -> memref<1x128xi32, #tpu.memory_space<vmem>>
    %dma_start3A_69 = tpu.memref_squeeze %dma_start3A_68 : memref<1x128xi32, #tpu.memory_space<vmem>> -> memref<128xi32, #tpu.memory_space<vmem>>
    %dma_start3A_70 = tpu.memref_slice %arg3[%dma_start3A_60, %add3A_59] : memref<2x32768xi32, #tpu.memory_space<hbm>> -> memref<1x128xi32, #tpu.memory_space<hbm>>
    %dma_start3A_71 = tpu.memref_squeeze %dma_start3A_70 : memref<1x128xi32, #tpu.memory_space<hbm>> -> memref<128xi32, #tpu.memory_space<hbm>>
    tpu.enqueue_dma source(%dma_start3A_71 : memref<128xi32, #tpu.memory_space<hbm>>) target(%dma_start3A_69 : memref<128xi32, #tpu.memory_space<vmem>>) target_semaphore(%arg10 : memref<!tpu.dma_semaphore, #tpu.memory_space<semaphore_mem>>)
    %add3A_72 = arith.constant 256 : i32
    %add3A_73 = arith.addi %mul3A_2, %add3A_72 : i32
    %dma_start3A_74 = arith.constant 1 : i32
    %dma_start3A_75 = arith.constant 2 : i32
    %dma_start3A_76 = arith.constant 0 : i32
    %dma_start3A_77 = tpu.memref_slice %arg6[%dma_start3A_75, %dma_start3A_76] : memref<8x128xi32, #tpu.memory_space<vmem>> -> memref<1x128xi32, #tpu.memory_space<vmem>>
    %dma_start3A_78 = tpu.memref_squeeze %dma_start3A_77 : memref<1x128xi32, #tpu.memory_space<vmem>> -> memref<128xi32, #tpu.memory_space<vmem>>
    %dma_start3A_79 = tpu.memref_slice %arg3[%dma_start3A_74, %add3A_73] : memref<2x32768xi32, #tpu.memory_space<hbm>> -> memref<1x128xi32, #tpu.memory_space<hbm>>
    %dma_start3A_80 = tpu.memref_squeeze %dma_start3A_79 : memref<1x128xi32, #tpu.memory_space<hbm>> -> memref<128xi32, #tpu.memory_space<hbm>>
    %dma_start3A_81 = arith.constant 0 : i32
    %dma_start3A_82 = tpu.memref_slice %arg6[%dma_start3A_75, %dma_start3A_81] : memref<8x128xi32, #tpu.memory_space<vmem>> -> memref<1x128xi32, #tpu.memory_space<vmem>>
    %dma_start3A_83 = tpu.memref_squeeze %dma_start3A_82 : memref<1x128xi32, #tpu.memory_space<vmem>> -> memref<128xi32, #tpu.memory_space<vmem>>
    %dma_start3A_84 = tpu.memref_slice %arg3[%dma_start3A_74, %add3A_73] : memref<2x32768xi32, #tpu.memory_space<hbm>> -> memref<1x128xi32, #tpu.memory_space<hbm>>
    %dma_start3A_85 = tpu.memref_squeeze %dma_start3A_84 : memref<1x128xi32, #tpu.memory_space<hbm>> -> memref<128xi32, #tpu.memory_space<hbm>>
    tpu.enqueue_dma source(%dma_start3A_85 : memref<128xi32, #tpu.memory_space<hbm>>) target(%dma_start3A_83 : memref<128xi32, #tpu.memory_space<vmem>>) target_semaphore(%arg10 : memref<!tpu.dma_semaphore, #tpu.memory_space<semaphore_mem>>)
    %add3A_86 = arith.constant 384 : i32
    %add3A_87 = arith.addi %mul3A_2, %add3A_86 : i32
    %dma_start3A_88 = arith.constant 0 : i32
    %dma_start3A_89 = arith.constant 3 : i32
    %dma_start3A_90 = arith.constant 0 : i32
    %dma_start3A_91 = tpu.memref_slice %arg5[%dma_start3A_89, %dma_start3A_90] : memref<8x128xi32, #tpu.memory_space<vmem>> -> memref<1x128xi32, #tpu.memory_space<vmem>>
    %dma_start3A_92 = tpu.memref_squeeze %dma_start3A_91 : memref<1x128xi32, #tpu.memory_space<vmem>> -> memref<128xi32, #tpu.memory_space<vmem>>
    %dma_start3A_93 = tpu.memref_slice %arg3[%dma_start3A_88, %add3A_87] : memref<2x32768xi32, #tpu.memory_space<hbm>> -> memref<1x128xi32, #tpu.memory_space<hbm>>
    %dma_start3A_94 = tpu.memref_squeeze %dma_start3A_93 : memref<1x128xi32, #tpu.memory_space<hbm>> -> memref<128xi32, #tpu.memory_space<hbm>>
    %dma_start3A_95 = arith.constant 0 : i32
    %dma_start3A_96 = tpu.memref_slice %arg5[%dma_start3A_89, %dma_start3A_95] : memref<8x128xi32, #tpu.memory_space<vmem>> -> memref<1x128xi32, #tpu.memory_space<vmem>>
    %dma_start3A_97 = tpu.memref_squeeze %dma_start3A_96 : memref<1x128xi32, #tpu.memory_space<vmem>> -> memref<128xi32, #tpu.memory_space<vmem>>
    %dma_start3A_98 = tpu.memref_slice %arg3[%dma_start3A_88, %add3A_87] : memref<2x32768xi32, #tpu.memory_space<hbm>> -> memref<1x128xi32, #tpu.memory_space<hbm>>
    %dma_start3A_99 = tpu.memref_squeeze %dma_start3A_98 : memref<1x128xi32, #tpu.memory_space<hbm>> -> memref<128xi32, #tpu.memory_space<hbm>>
    tpu.enqueue_dma source(%dma_start3A_99 : memref<128xi32, #tpu.memory_space<hbm>>) target(%dma_start3A_97 : memref<128xi32, #tpu.memory_space<vmem>>) target_semaphore(%arg10 : memref<!tpu.dma_semaphore, #tpu.memory_space<semaphore_mem>>)
    %add3A_100 = arith.constant 384 : i32
    %add3A_101 = arith.addi %mul3A_2, %add3A_100 : i32
    %dma_start3A_102 = arith.constant 1 : i32
    %dma_start3A_103 = arith.constant 3 : i32
    %dma_start3A_104 = arith.constant 0 : i32
    %dma_start3A_105 = tpu.memref_slice %arg6[%dma_start3A_103, %dma_start3A_104] : memref<8x128xi32, #tpu.memory_space<vmem>> -> memref<1x128xi32, #tpu.memory_space<vmem>>
    %dma_start3A_106 = tpu.memref_squeeze %dma_start3A_105 : memref<1x128xi32, #tpu.memory_space<vmem>> -> memref<128xi32, #tpu.memory_space<vmem>>
    %dma_start3A_107 = tpu.memref_slice %arg3[%dma_start3A_102, %add3A_101] : memref<2x32768xi32, #tpu.memory_space<hbm>> -> memref<1x128xi32, #tpu.memory_space<hbm>>
    %dma_start3A_108 = tpu.memref_squeeze %dma_start3A_107 : memref<1x128xi32, #tpu.memory_space<hbm>> -> memref<128xi32, #tpu.memory_space<hbm>>
    %dma_start3A_109 = arith.constant 0 : i32
    %dma_start3A_110 = tpu.memref_slice %arg6[%dma_start3A_103, %dma_start3A_109] : memref<8x128xi32, #tpu.memory_space<vmem>> -> memref<1x128xi32, #tpu.memory_space<vmem>>
    %dma_start3A_111 = tpu.memref_squeeze %dma_start3A_110 : memref<1x128xi32, #tpu.memory_space<vmem>> -> memref<128xi32, #tpu.memory_space<vmem>>
    %dma_start3A_112 = tpu.memref_slice %arg3[%dma_start3A_102, %add3A_101] : memref<2x32768xi32, #tpu.memory_space<hbm>> -> memref<1x128xi32, #tpu.memory_space<hbm>>
    %dma_start3A_113 = tpu.memref_squeeze %dma_start3A_112 : memref<1x128xi32, #tpu.memory_space<hbm>> -> memref<128xi32, #tpu.memory_space<hbm>>
    tpu.enqueue_dma source(%dma_start3A_113 : memref<128xi32, #tpu.memory_space<hbm>>) target(%dma_start3A_111 : memref<128xi32, #tpu.memory_space<vmem>>) target_semaphore(%arg10 : memref<!tpu.dma_semaphore, #tpu.memory_space<semaphore_mem>>)
    %add3A_114 = arith.constant 512 : i32
    %add3A_115 = arith.addi %mul3A_2, %add3A_114 : i32
    %dma_start3A_116 = arith.constant 0 : i32
    %dma_start3A_117 = arith.constant 4 : i32
    %dma_start3A_118 = arith.constant 0 : i32
    %dma_start3A_119 = tpu.memref_slice %arg5[%dma_start3A_117, %dma_start3A_118] : memref<8x128xi32, #tpu.memory_space<vmem>> -> memref<1x128xi32, #tpu.memory_space<vmem>>
    %dma_start3A_120 = tpu.memref_squeeze %dma_start3A_119 : memref<1x128xi32, #tpu.memory_space<vmem>> -> memref<128xi32, #tpu.memory_space<vmem>>
    %dma_start3A_121 = tpu.memref_slice %arg3[%dma_start3A_116, %add3A_115] : memref<2x32768xi32, #tpu.memory_space<hbm>> -> memref<1x128xi32, #tpu.memory_space<hbm>>
    %dma_start3A_122 = tpu.memref_squeeze %dma_start3A_121 : memref<1x128xi32, #tpu.memory_space<hbm>> -> memref<128xi32, #tpu.memory_space<hbm>>
    %dma_start3A_123 = arith.constant 0 : i32
    %dma_start3A_124 = tpu.memref_slice %arg5[%dma_start3A_117, %dma_start3A_123] : memref<8x128xi32, #tpu.memory_space<vmem>> -> memref<1x128xi32, #tpu.memory_space<vmem>>
    %dma_start3A_125 = tpu.memref_squeeze %dma_start3A_124 : memref<1x128xi32, #tpu.memory_space<vmem>> -> memref<128xi32, #tpu.memory_space<vmem>>
    %dma_start3A_126 = tpu.memref_slice %arg3[%dma_start3A_116, %add3A_115] : memref<2x32768xi32, #tpu.memory_space<hbm>> -> memref<1x128xi32, #tpu.memory_space<hbm>>
    %dma_start3A_127 = tpu.memref_squeeze %dma_start3A_126 : memref<1x128xi32, #tpu.memory_space<hbm>> -> memref<128xi32, #tpu.memory_space<hbm>>
    tpu.enqueue_dma source(%dma_start3A_127 : memref<128xi32, #tpu.memory_space<hbm>>) target(%dma_start3A_125 : memref<128xi32, #tpu.memory_space<vmem>>) target_semaphore(%arg10 : memref<!tpu.dma_semaphore, #tpu.memory_space<semaphore_mem>>)
    %add3A_128 = arith.constant 512 : i32
    %add3A_129 = arith.addi %mul3A_2, %add3A_128 : i32
    %dma_start3A_130 = arith.constant 1 : i32
    %dma_start3A_131 = arith.constant 4 : i32
    %dma_start3A_132 = arith.constant 0 : i32
    %dma_start3A_133 = tpu.memref_slice %arg6[%dma_start3A_131, %dma_start3A_132] : memref<8x128xi32, #tpu.memory_space<vmem>> -> memref<1x128xi32, #tpu.memory_space<vmem>>
    %dma_start3A_134 = tpu.memref_squeeze %dma_start3A_133 : memref<1x128xi32, #tpu.memory_space<vmem>> -> memref<128xi32, #tpu.memory_space<vmem>>
    %dma_start3A_135 = tpu.memref_slice %arg3[%dma_start3A_130, %add3A_129] : memref<2x32768xi32, #tpu.memory_space<hbm>> -> memref<1x128xi32, #tpu.memory_space<hbm>>
    %dma_start3A_136 = tpu.memref_squeeze %dma_start3A_135 : memref<1x128xi32, #tpu.memory_space<hbm>> -> memref<128xi32, #tpu.memory_space<hbm>>
    %dma_start3A_137 = arith.constant 0 : i32
    %dma_start3A_138 = tpu.memref_slice %arg6[%dma_start3A_131, %dma_start3A_137] : memref<8x128xi32, #tpu.memory_space<vmem>> -> memref<1x128xi32, #tpu.memory_space<vmem>>
    %dma_start3A_139 = tpu.memref_squeeze %dma_start3A_138 : memref<1x128xi32, #tpu.memory_space<vmem>> -> memref<128xi32, #tpu.memory_space<vmem>>
    %dma_start3A_140 = tpu.memref_slice %arg3[%dma_start3A_130, %add3A_129] : memref<2x32768xi32, #tpu.memory_space<hbm>> -> memref<1x128xi32, #tpu.memory_space<hbm>>
    %dma_start3A_141 = tpu.memref_squeeze %dma_start3A_140 : memref<1x128xi32, #tpu.memory_space<hbm>> -> memref<128xi32, #tpu.memory_space<hbm>>
    tpu.enqueue_dma source(%dma_start3A_141 : memref<128xi32, #tpu.memory_space<hbm>>) target(%dma_start3A_139 : memref<128xi32, #tpu.memory_space<vmem>>) target_semaphore(%arg10 : memref<!tpu.dma_semaphore, #tpu.memory_space<semaphore_mem>>)
    %add3A_142 = arith.constant 640 : i32
    %add3A_143 = arith.addi %mul3A_2, %add3A_142 : i32
    %dma_start3A_144 = arith.constant 0 : i32
    %dma_start3A_145 = arith.constant 5 : i32
    %dma_start3A_146 = arith.constant 0 : i32
    %dma_start3A_147 = tpu.memref_slice %arg5[%dma_start3A_145, %dma_start3A_146] : memref<8x128xi32, #tpu.memory_space<vmem>> -> memref<1x128xi32, #tpu.memory_space<vmem>>
    %dma_start3A_148 = tpu.memref_squeeze %dma_start3A_147 : memref<1x128xi32, #tpu.memory_space<vmem>> -> memref<128xi32, #tpu.memory_space<vmem>>
    %dma_start3A_149 = tpu.memref_slice %arg3[%dma_start3A_144, %add3A_143] : memref<2x32768xi32, #tpu.memory_space<hbm>> -> memref<1x128xi32, #tpu.memory_space<hbm>>
    %dma_start3A_150 = tpu.memref_squeeze %dma_start3A_149 : memref<1x128xi32, #tpu.memory_space<hbm>> -> memref<128xi32, #tpu.memory_space<hbm>>
    %dma_start3A_151 = arith.constant 0 : i32
    %dma_start3A_152 = tpu.memref_slice %arg5[%dma_start3A_145, %dma_start3A_151] : memref<8x128xi32, #tpu.memory_space<vmem>> -> memref<1x128xi32, #tpu.memory_space<vmem>>
    %dma_start3A_153 = tpu.memref_squeeze %dma_start3A_152 : memref<1x128xi32, #tpu.memory_space<vmem>> -> memref<128xi32, #tpu.memory_space<vmem>>
    %dma_start3A_154 = tpu.memref_slice %arg3[%dma_start3A_144, %add3A_143] : memref<2x32768xi32, #tpu.memory_space<hbm>> -> memref<1x128xi32, #tpu.memory_space<hbm>>
    %dma_start3A_155 = tpu.memref_squeeze %dma_start3A_154 : memref<1x128xi32, #tpu.memory_space<hbm>> -> memref<128xi32, #tpu.memory_space<hbm>>
    tpu.enqueue_dma source(%dma_start3A_155 : memref<128xi32, #tpu.memory_space<hbm>>) target(%dma_start3A_153 : memref<128xi32, #tpu.memory_space<vmem>>) target_semaphore(%arg10 : memref<!tpu.dma_semaphore, #tpu.memory_space<semaphore_mem>>)
    %add3A_156 = arith.constant 640 : i32
    %add3A_157 = arith.addi %mul3A_2, %add3A_156 : i32
    %dma_start3A_158 = arith.constant 1 : i32
    %dma_start3A_159 = arith.constant 5 : i32
    %dma_start3A_160 = arith.constant 0 : i32
    %dma_start3A_161 = tpu.memref_slice %arg6[%dma_start3A_159, %dma_start3A_160] : memref<8x128xi32, #tpu.memory_space<vmem>> -> memref<1x128xi32, #tpu.memory_space<vmem>>
    %dma_start3A_162 = tpu.memref_squeeze %dma_start3A_161 : memref<1x128xi32, #tpu.memory_space<vmem>> -> memref<128xi32, #tpu.memory_space<vmem>>
    %dma_start3A_163 = tpu.memref_slice %arg3[%dma_start3A_158, %add3A_157] : memref<2x32768xi32, #tpu.memory_space<hbm>> -> memref<1x128xi32, #tpu.memory_space<hbm>>
    %dma_start3A_164 = tpu.memref_squeeze %dma_start3A_163 : memref<1x128xi32, #tpu.memory_space<hbm>> -> memref<128xi32, #tpu.memory_space<hbm>>
    %dma_start3A_165 = arith.constant 0 : i32
    %dma_start3A_166 = tpu.memref_slice %arg6[%dma_start3A_159, %dma_start3A_165] : memref<8x128xi32, #tpu.memory_space<vmem>> -> memref<1x128xi32, #tpu.memory_space<vmem>>
    %dma_start3A_167 = tpu.memref_squeeze %dma_start3A_166 : memref<1x128xi32, #tpu.memory_space<vmem>> -> memref<128xi32, #tpu.memory_space<vmem>>
    %dma_start3A_168 = tpu.memref_slice %arg3[%dma_start3A_158, %add3A_157] : memref<2x32768xi32, #tpu.memory_space<hbm>> -> memref<1x128xi32, #tpu.memory_space<hbm>>
    %dma_start3A_169 = tpu.memref_squeeze %dma_start3A_168 : memref<1x128xi32, #tpu.memory_space<hbm>> -> memref<128xi32, #tpu.memory_space<hbm>>
    tpu.enqueue_dma source(%dma_start3A_169 : memref<128xi32, #tpu.memory_space<hbm>>) target(%dma_start3A_167 : memref<128xi32, #tpu.memory_space<vmem>>) target_semaphore(%arg10 : memref<!tpu.dma_semaphore, #tpu.memory_space<semaphore_mem>>)
    %add3A_170 = arith.constant 768 : i32
    %add3A_171 = arith.addi %mul3A_2, %add3A_170 : i32
    %dma_start3A_172 = arith.constant 0 : i32
    %dma_start3A_173 = arith.constant 6 : i32
    %dma_start3A_174 = arith.constant 0 : i32
    %dma_start3A_175 = tpu.memref_slice %arg5[%dma_start3A_173, %dma_start3A_174] : memref<8x128xi32, #tpu.memory_space<vmem>> -> memref<1x128xi32, #tpu.memory_space<vmem>>
    %dma_start3A_176 = tpu.memref_squeeze %dma_start3A_175 : memref<1x128xi32, #tpu.memory_space<vmem>> -> memref<128xi32, #tpu.memory_space<vmem>>
    %dma_start3A_177 = tpu.memref_slice %arg3[%dma_start3A_172, %add3A_171] : memref<2x32768xi32, #tpu.memory_space<hbm>> -> memref<1x128xi32, #tpu.memory_space<hbm>>
    %dma_start3A_178 = tpu.memref_squeeze %dma_start3A_177 : memref<1x128xi32, #tpu.memory_space<hbm>> -> memref<128xi32, #tpu.memory_space<hbm>>
    %dma_start3A_179 = arith.constant 0 : i32
    %dma_start3A_180 = tpu.memref_slice %arg5[%dma_start3A_173, %dma_start3A_179] : memref<8x128xi32, #tpu.memory_space<vmem>> -> memref<1x128xi32, #tpu.memory_space<vmem>>
    %dma_start3A_181 = tpu.memref_squeeze %dma_start3A_180 : memref<1x128xi32, #tpu.memory_space<vmem>> -> memref<128xi32, #tpu.memory_space<vmem>>
    %dma_start3A_182 = tpu.memref_slice %arg3[%dma_start3A_172, %add3A_171] : memref<2x32768xi32, #tpu.memory_space<hbm>> -> memref<1x128xi32, #tpu.memory_space<hbm>>
    %dma_start3A_183 = tpu.memref_squeeze %dma_start3A_182 : memref<1x128xi32, #tpu.memory_space<hbm>> -> memref<128xi32, #tpu.memory_space<hbm>>
    tpu.enqueue_dma source(%dma_start3A_183 : memref<128xi32, #tpu.memory_space<hbm>>) target(%dma_start3A_181 : memref<128xi32, #tpu.memory_space<vmem>>) target_semaphore(%arg10 : memref<!tpu.dma_semaphore, #tpu.memory_space<semaphore_mem>>)
    %add3A_184 = arith.constant 768 : i32
    %add3A_185 = arith.addi %mul3A_2, %add3A_184 : i32
    %dma_start3A_186 = arith.constant 1 : i32
    %dma_start3A_187 = arith.constant 6 : i32
    %dma_start3A_188 = arith.constant 0 : i32
    %dma_start3A_189 = tpu.memref_slice %arg6[%dma_start3A_187, %dma_start3A_188] : memref<8x128xi32, #tpu.memory_space<vmem>> -> memref<1x128xi32, #tpu.memory_space<vmem>>
    %dma_start3A_190 = tpu.memref_squeeze %dma_start3A_189 : memref<1x128xi32, #tpu.memory_space<vmem>> -> memref<128xi32, #tpu.memory_space<vmem>>
    %dma_start3A_191 = tpu.memref_slice %arg3[%dma_start3A_186, %add3A_185] : memref<2x32768xi32, #tpu.memory_space<hbm>> -> memref<1x128xi32, #tpu.memory_space<hbm>>
    %dma_start3A_192 = tpu.memref_squeeze %dma_start3A_191 : memref<1x128xi32, #tpu.memory_space<hbm>> -> memref<128xi32, #tpu.memory_space<hbm>>
    %dma_start3A_193 = arith.constant 0 : i32
    %dma_start3A_194 = tpu.memref_slice %arg6[%dma_start3A_187, %dma_start3A_193] : memref<8x128xi32, #tpu.memory_space<vmem>> -> memref<1x128xi32, #tpu.memory_space<vmem>>
    %dma_start3A_195 = tpu.memref_squeeze %dma_start3A_194 : memref<1x128xi32, #tpu.memory_space<vmem>> -> memref<128xi32, #tpu.memory_space<vmem>>
    %dma_start3A_196 = tpu.memref_slice %arg3[%dma_start3A_186, %add3A_185] : memref<2x32768xi32, #tpu.memory_space<hbm>> -> memref<1x128xi32, #tpu.memory_space<hbm>>
    %dma_start3A_197 = tpu.memref_squeeze %dma_start3A_196 : memref<1x128xi32, #tpu.memory_space<hbm>> -> memref<128xi32, #tpu.memory_space<hbm>>
    tpu.enqueue_dma source(%dma_start3A_197 : memref<128xi32, #tpu.memory_space<hbm>>) target(%dma_start3A_195 : memref<128xi32, #tpu.memory_space<vmem>>) target_semaphore(%arg10 : memref<!tpu.dma_semaphore, #tpu.memory_space<semaphore_mem>>)
    %add3A_198 = arith.constant 896 : i32
    %add3A_199 = arith.addi %mul3A_2, %add3A_198 : i32
    %dma_start3A_200 = arith.constant 0 : i32
    %dma_start3A_201 = arith.constant 7 : i32
    %dma_start3A_202 = arith.constant 0 : i32
    %dma_start3A_203 = tpu.memref_slice %arg5[%dma_start3A_201, %dma_start3A_202] : memref<8x128xi32, #tpu.memory_space<vmem>> -> memref<1x128xi32, #tpu.memory_space<vmem>>
    %dma_start3A_204 = tpu.memref_squeeze %dma_start3A_203 : memref<1x128xi32, #tpu.memory_space<vmem>> -> memref<128xi32, #tpu.memory_space<vmem>>
    %dma_start3A_205 = tpu.memref_slice %arg3[%dma_start3A_200, %add3A_199] : memref<2x32768xi32, #tpu.memory_space<hbm>> -> memref<1x128xi32, #tpu.memory_space<hbm>>
    %dma_start3A_206 = tpu.memref_squeeze %dma_start3A_205 : memref<1x128xi32, #tpu.memory_space<hbm>> -> memref<128xi32, #tpu.memory_space<hbm>>
    %dma_start3A_207 = arith.constant 0 : i32
    %dma_start3A_208 = tpu.memref_slice %arg5[%dma_start3A_201, %dma_start3A_207] : memref<8x128xi32, #tpu.memory_space<vmem>> -> memref<1x128xi32, #tpu.memory_space<vmem>>
    %dma_start3A_209 = tpu.memref_squeeze %dma_start3A_208 : memref<1x128xi32, #tpu.memory_space<vmem>> -> memref<128xi32, #tpu.memory_space<vmem>>
    %dma_start3A_210 = tpu.memref_slice %arg3[%dma_start3A_200, %add3A_199] : memref<2x32768xi32, #tpu.memory_space<hbm>> -> memref<1x128xi32, #tpu.memory_space<hbm>>
    %dma_start3A_211 = tpu.memref_squeeze %dma_start3A_210 : memref<1x128xi32, #tpu.memory_space<hbm>> -> memref<128xi32, #tpu.memory_space<hbm>>
    tpu.enqueue_dma source(%dma_start3A_211 : memref<128xi32, #tpu.memory_space<hbm>>) target(%dma_start3A_209 : memref<128xi32, #tpu.memory_space<vmem>>) target_semaphore(%arg10 : memref<!tpu.dma_semaphore, #tpu.memory_space<semaphore_mem>>)
    %add3A_212 = arith.constant 896 : i32
    %add3A_213 = arith.addi %mul3A_2, %add3A_212 : i32
    %dma_start3A_214 = arith.constant 1 : i32
    %dma_start3A_215 = arith.constant 7 : i32
    %dma_start3A_216 = arith.constant 0 : i32
    %dma_start3A_217 = tpu.memref_slice %arg6[%dma_start3A_215, %dma_start3A_216] : memref<8x128xi32, #tpu.memory_space<vmem>> -> memref<1x128xi32, #tpu.memory_space<vmem>>
    %dma_start3A_218 = tpu.memref_squeeze %dma_start3A_217 : memref<1x128xi32, #tpu.memory_space<vmem>> -> memref<128xi32, #tpu.memory_space<vmem>>
    %dma_start3A_219 = tpu.memref_slice %arg3[%dma_start3A_214, %add3A_213] : memref<2x32768xi32, #tpu.memory_space<hbm>> -> memref<1x128xi32, #tpu.memory_space<hbm>>
    %dma_start3A_220 = tpu.memref_squeeze %dma_start3A_219 : memref<1x128xi32, #tpu.memory_space<hbm>> -> memref<128xi32, #tpu.memory_space<hbm>>
    %dma_start3A_221 = arith.constant 0 : i32
    %dma_start3A_222 = tpu.memref_slice %arg6[%dma_start3A_215, %dma_start3A_221] : memref<8x128xi32, #tpu.memory_space<vmem>> -> memref<1x128xi32, #tpu.memory_space<vmem>>
    %dma_start3A_223 = tpu.memref_squeeze %dma_start3A_222 : memref<1x128xi32, #tpu.memory_space<vmem>> -> memref<128xi32, #tpu.memory_space<vmem>>
    %dma_start3A_224 = tpu.memref_slice %arg3[%dma_start3A_214, %add3A_213] : memref<2x32768xi32, #tpu.memory_space<hbm>> -> memref<1x128xi32, #tpu.memory_space<hbm>>
    %dma_start3A_225 = tpu.memref_squeeze %dma_start3A_224 : memref<1x128xi32, #tpu.memory_space<hbm>> -> memref<128xi32, #tpu.memory_space<hbm>>
    tpu.enqueue_dma source(%dma_start3A_225 : memref<128xi32, #tpu.memory_space<hbm>>) target(%dma_start3A_223 : memref<128xi32, #tpu.memory_space<vmem>>) target_semaphore(%arg10 : memref<!tpu.dma_semaphore, #tpu.memory_space<semaphore_mem>>)
    %mul3A_226 = arith.constant 128 : i32
    %mul3A_227 = arith.muli %arg1, %mul3A_226 : i32
    %mul3A_228 = arith.constant 128 : i32
    %mul3A_229 = arith.muli %arg1, %mul3A_228 : i32
    %dma_start3A_230 = arith.constant 0 : i32
    %dma_start3A_231 = tpu.memref_slice %arg8[%mul3A_229, %dma_start3A_230] : memref<2048x128xf32, #tpu.memory_space<vmem_shared>> -> memref<128x128xf32, #tpu.memory_space<vmem_shared>>
    %dma_start3A_232 = arith.constant 0 : i32
    %dma_start3A_233 = tpu.memref_slice %arg2[%mul3A_227, %dma_start3A_232] : memref<2048x128xf32, #tpu.memory_space<hbm>> -> memref<128x128xf32, #tpu.memory_space<hbm>>
    tpu.enqueue_dma source(%dma_start3A_233 : memref<128x128xf32, #tpu.memory_space<hbm>>) target(%dma_start3A_231 : memref<128x128xf32, #tpu.memory_space<vmem_shared>>) target_semaphore(%arg9 : memref<!tpu.dma_semaphore, #tpu.memory_space<semaphore_mem>>)
    %dma_wait3A = arith.constant 0 : i32
    %dma_wait3A_234 = arith.constant 0 : i32
    %dma_wait3A_235 = arith.constant 0 : i32
    %dma_wait3A_236 = tpu.memref_slice %arg5[%dma_wait3A_234, %dma_wait3A_235] : memref<8x128xi32, #tpu.memory_space<vmem>> -> memref<1x128xi32, #tpu.memory_space<vmem>>
    %dma_wait3A_237 = tpu.memref_squeeze %dma_wait3A_236 : memref<1x128xi32, #tpu.memory_space<vmem>> -> memref<128xi32, #tpu.memory_space<vmem>>
    %dma_wait3A_238 = tpu.memref_slice %arg3[%dma_wait3A, %add3A_4] : memref<2x32768xi32, #tpu.memory_space<hbm>> -> memref<1x128xi32, #tpu.memory_space<hbm>>
    %dma_wait3A_239 = tpu.memref_squeeze %dma_wait3A_238 : memref<1x128xi32, #tpu.memory_space<hbm>> -> memref<128xi32, #tpu.memory_space<hbm>>
    %dma_wait3A_240 = arith.constant 0 : i32
    %dma_wait3A_241 = tpu.memref_slice %arg5[%dma_wait3A_234, %dma_wait3A_240] : memref<8x128xi32, #tpu.memory_space<vmem>> -> memref<1x128xi32, #tpu.memory_space<vmem>>
    %dma_wait3A_242 = tpu.memref_squeeze %dma_wait3A_241 : memref<1x128xi32, #tpu.memory_space<vmem>> -> memref<128xi32, #tpu.memory_space<vmem>>
    %dma_wait3A_243 = tpu.memref_slice %arg3[%dma_wait3A, %add3A_4] : memref<2x32768xi32, #tpu.memory_space<hbm>> -> memref<1x128xi32, #tpu.memory_space<hbm>>
    %dma_wait3A_244 = tpu.memref_squeeze %dma_wait3A_243 : memref<1x128xi32, #tpu.memory_space<hbm>> -> memref<128xi32, #tpu.memory_space<hbm>>
    tpu.wait_dma2 semaphore(%arg10 : memref<!tpu.dma_semaphore, #tpu.memory_space<semaphore_mem>>) src(%dma_wait3A_244 : memref<128xi32, #tpu.memory_space<hbm>>) dst(%dma_wait3A_242 : memref<128xi32, #tpu.memory_space<vmem>>)
    %dma_wait3A_245 = arith.constant 1 : i32
    %dma_wait3A_246 = arith.constant 0 : i32
    %dma_wait3A_247 = arith.constant 0 : i32
    %dma_wait3A_248 = tpu.memref_slice %arg6[%dma_wait3A_246, %dma_wait3A_247] : memref<8x128xi32, #tpu.memory_space<vmem>> -> memref<1x128xi32, #tpu.memory_space<vmem>>
    %dma_wait3A_249 = tpu.memref_squeeze %dma_wait3A_248 : memref<1x128xi32, #tpu.memory_space<vmem>> -> memref<128xi32, #tpu.memory_space<vmem>>
    %dma_wait3A_250 = tpu.memref_slice %arg3[%dma_wait3A_245, %add3A_17] : memref<2x32768xi32, #tpu.memory_space<hbm>> -> memref<1x128xi32, #tpu.memory_space<hbm>>
    %dma_wait3A_251 = tpu.memref_squeeze %dma_wait3A_250 : memref<1x128xi32, #tpu.memory_space<hbm>> -> memref<128xi32, #tpu.memory_space<hbm>>
    %dma_wait3A_252 = arith.constant 0 : i32
    %dma_wait3A_253 = tpu.memref_slice %arg6[%dma_wait3A_246, %dma_wait3A_252] : memref<8x128xi32, #tpu.memory_space<vmem>> -> memref<1x128xi32, #tpu.memory_space<vmem>>
    %dma_wait3A_254 = tpu.memref_squeeze %dma_wait3A_253 : memref<1x128xi32, #tpu.memory_space<vmem>> -> memref<128xi32, #tpu.memory_space<vmem>>
    %dma_wait3A_255 = tpu.memref_slice %arg3[%dma_wait3A_245, %add3A_17] : memref<2x32768xi32, #tpu.memory_space<hbm>> -> memref<1x128xi32, #tpu.memory_space<hbm>>
    %dma_wait3A_256 = tpu.memref_squeeze %dma_wait3A_255 : memref<1x128xi32, #tpu.memory_space<hbm>> -> memref<128xi32, #tpu.memory_space<hbm>>
    tpu.wait_dma2 semaphore(%arg10 : memref<!tpu.dma_semaphore, #tpu.memory_space<semaphore_mem>>) src(%dma_wait3A_256 : memref<128xi32, #tpu.memory_space<hbm>>) dst(%dma_wait3A_254 : memref<128xi32, #tpu.memory_space<vmem>>)
    %dma_wait3A_257 = arith.constant 0 : i32
    %dma_wait3A_258 = arith.constant 1 : i32
    %dma_wait3A_259 = arith.constant 0 : i32
    %dma_wait3A_260 = tpu.memref_slice %arg5[%dma_wait3A_258, %dma_wait3A_259] : memref<8x128xi32, #tpu.memory_space<vmem>> -> memref<1x128xi32, #tpu.memory_space<vmem>>
    %dma_wait3A_261 = tpu.memref_squeeze %dma_wait3A_260 : memref<1x128xi32, #tpu.memory_space<vmem>> -> memref<128xi32, #tpu.memory_space<vmem>>
    %dma_wait3A_262 = tpu.memref_slice %arg3[%dma_wait3A_257, %add3A_31] : memref<2x32768xi32, #tpu.memory_space<hbm>> -> memref<1x128xi32, #tpu.memory_space<hbm>>
    %dma_wait3A_263 = tpu.memref_squeeze %dma_wait3A_262 : memref<1x128xi32, #tpu.memory_space<hbm>> -> memref<128xi32, #tpu.memory_space<hbm>>
    %dma_wait3A_264 = arith.constant 0 : i32
    %dma_wait3A_265 = tpu.memref_slice %arg5[%dma_wait3A_258, %dma_wait3A_264] : memref<8x128xi32, #tpu.memory_space<vmem>> -> memref<1x128xi32, #tpu.memory_space<vmem>>
    %dma_wait3A_266 = tpu.memref_squeeze %dma_wait3A_265 : memref<1x128xi32, #tpu.memory_space<vmem>> -> memref<128xi32, #tpu.memory_space<vmem>>
    %dma_wait3A_267 = tpu.memref_slice %arg3[%dma_wait3A_257, %add3A_31] : memref<2x32768xi32, #tpu.memory_space<hbm>> -> memref<1x128xi32, #tpu.memory_space<hbm>>
    %dma_wait3A_268 = tpu.memref_squeeze %dma_wait3A_267 : memref<1x128xi32, #tpu.memory_space<hbm>> -> memref<128xi32, #tpu.memory_space<hbm>>
    tpu.wait_dma2 semaphore(%arg10 : memref<!tpu.dma_semaphore, #tpu.memory_space<semaphore_mem>>) src(%dma_wait3A_268 : memref<128xi32, #tpu.memory_space<hbm>>) dst(%dma_wait3A_266 : memref<128xi32, #tpu.memory_space<vmem>>)
    %dma_wait3A_269 = arith.constant 1 : i32
    %dma_wait3A_270 = arith.constant 1 : i32
    %dma_wait3A_271 = arith.constant 0 : i32
    %dma_wait3A_272 = tpu.memref_slice %arg6[%dma_wait3A_270, %dma_wait3A_271] : memref<8x128xi32, #tpu.memory_space<vmem>> -> memref<1x128xi32, #tpu.memory_space<vmem>>
    %dma_wait3A_273 = tpu.memref_squeeze %dma_wait3A_272 : memref<1x128xi32, #tpu.memory_space<vmem>> -> memref<128xi32, #tpu.memory_space<vmem>>
    %dma_wait3A_274 = tpu.memref_slice %arg3[%dma_wait3A_269, %add3A_45] : memref<2x32768xi32, #tpu.memory_space<hbm>> -> memref<1x128xi32, #tpu.memory_space<hbm>>
    %dma_wait3A_275 = tpu.memref_squeeze %dma_wait3A_274 : memref<1x128xi32, #tpu.memory_space<hbm>> -> memref<128xi32, #tpu.memory_space<hbm>>
    %dma_wait3A_276 = arith.constant 0 : i32
    %dma_wait3A_277 = tpu.memref_slice %arg6[%dma_wait3A_270, %dma_wait3A_276] : memref<8x128xi32, #tpu.memory_space<vmem>> -> memref<1x128xi32, #tpu.memory_space<vmem>>
    %dma_wait3A_278 = tpu.memref_squeeze %dma_wait3A_277 : memref<1x128xi32, #tpu.memory_space<vmem>> -> memref<128xi32, #tpu.memory_space<vmem>>
    %dma_wait3A_279 = tpu.memref_slice %arg3[%dma_wait3A_269, %add3A_45] : memref<2x32768xi32, #tpu.memory_space<hbm>> -> memref<1x128xi32, #tpu.memory_space<hbm>>
    %dma_wait3A_280 = tpu.memref_squeeze %dma_wait3A_279 : memref<1x128xi32, #tpu.memory_space<hbm>> -> memref<128xi32, #tpu.memory_space<hbm>>
    tpu.wait_dma2 semaphore(%arg10 : memref<!tpu.dma_semaphore, #tpu.memory_space<semaphore_mem>>) src(%dma_wait3A_280 : memref<128xi32, #tpu.memory_space<hbm>>) dst(%dma_wait3A_278 : memref<128xi32, #tpu.memory_space<vmem>>)
    %dma_wait3A_281 = arith.constant 0 : i32
    %dma_wait3A_282 = arith.constant 2 : i32
    %dma_wait3A_283 = arith.constant 0 : i32
    %dma_wait3A_284 = tpu.memref_slice %arg5[%dma_wait3A_282, %dma_wait3A_283] : memref<8x128xi32, #tpu.memory_space<vmem>> -> memref<1x128xi32, #tpu.memory_space<vmem>>
    %dma_wait3A_285 = tpu.memref_squeeze %dma_wait3A_284 : memref<1x128xi32, #tpu.memory_space<vmem>> -> memref<128xi32, #tpu.memory_space<vmem>>
    %dma_wait3A_286 = tpu.memref_slice %arg3[%dma_wait3A_281, %add3A_59] : memref<2x32768xi32, #tpu.memory_space<hbm>> -> memref<1x128xi32, #tpu.memory_space<hbm>>
    %dma_wait3A_287 = tpu.memref_squeeze %dma_wait3A_286 : memref<1x128xi32, #tpu.memory_space<hbm>> -> memref<128xi32, #tpu.memory_space<hbm>>
    %dma_wait3A_288 = arith.constant 0 : i32
    %dma_wait3A_289 = tpu.memref_slice %arg5[%dma_wait3A_282, %dma_wait3A_288] : memref<8x128xi32, #tpu.memory_space<vmem>> -> memref<1x128xi32, #tpu.memory_space<vmem>>
    %dma_wait3A_290 = tpu.memref_squeeze %dma_wait3A_289 : memref<1x128xi32, #tpu.memory_space<vmem>> -> memref<128xi32, #tpu.memory_space<vmem>>
    %dma_wait3A_291 = tpu.memref_slice %arg3[%dma_wait3A_281, %add3A_59] : memref<2x32768xi32, #tpu.memory_space<hbm>> -> memref<1x128xi32, #tpu.memory_space<hbm>>
    %dma_wait3A_292 = tpu.memref_squeeze %dma_wait3A_291 : memref<1x128xi32, #tpu.memory_space<hbm>> -> memref<128xi32, #tpu.memory_space<hbm>>
    tpu.wait_dma2 semaphore(%arg10 : memref<!tpu.dma_semaphore, #tpu.memory_space<semaphore_mem>>) src(%dma_wait3A_292 : memref<128xi32, #tpu.memory_space<hbm>>) dst(%dma_wait3A_290 : memref<128xi32, #tpu.memory_space<vmem>>)
    %dma_wait3A_293 = arith.constant 1 : i32
    %dma_wait3A_294 = arith.constant 2 : i32
    %dma_wait3A_295 = arith.constant 0 : i32
    %dma_wait3A_296 = tpu.memref_slice %arg6[%dma_wait3A_294, %dma_wait3A_295] : memref<8x128xi32, #tpu.memory_space<vmem>> -> memref<1x128xi32, #tpu.memory_space<vmem>>
    %dma_wait3A_297 = tpu.memref_squeeze %dma_wait3A_296 : memref<1x128xi32, #tpu.memory_space<vmem>> -> memref<128xi32, #tpu.memory_space<vmem>>
    %dma_wait3A_298 = tpu.memref_slice %arg3[%dma_wait3A_293, %add3A_73] : memref<2x32768xi32, #tpu.memory_space<hbm>> -> memref<1x128xi32, #tpu.memory_space<hbm>>
    %dma_wait3A_299 = tpu.memref_squeeze %dma_wait3A_298 : memref<1x128xi32, #tpu.memory_space<hbm>> -> memref<128xi32, #tpu.memory_space<hbm>>
    %dma_wait3A_300 = arith.constant 0 : i32
    %dma_wait3A_301 = tpu.memref_slice %arg6[%dma_wait3A_294, %dma_wait3A_300] : memref<8x128xi32, #tpu.memory_space<vmem>> -> memref<1x128xi32, #tpu.memory_space<vmem>>
    %dma_wait3A_302 = tpu.memref_squeeze %dma_wait3A_301 : memref<1x128xi32, #tpu.memory_space<vmem>> -> memref<128xi32, #tpu.memory_space<vmem>>
    %dma_wait3A_303 = tpu.memref_slice %arg3[%dma_wait3A_293, %add3A_73] : memref<2x32768xi32, #tpu.memory_space<hbm>> -> memref<1x128xi32, #tpu.memory_space<hbm>>
    %dma_wait3A_304 = tpu.memref_squeeze %dma_wait3A_303 : memref<1x128xi32, #tpu.memory_space<hbm>> -> memref<128xi32, #tpu.memory_space<hbm>>
    tpu.wait_dma2 semaphore(%arg10 : memref<!tpu.dma_semaphore, #tpu.memory_space<semaphore_mem>>) src(%dma_wait3A_304 : memref<128xi32, #tpu.memory_space<hbm>>) dst(%dma_wait3A_302 : memref<128xi32, #tpu.memory_space<vmem>>)
    %dma_wait3A_305 = arith.constant 0 : i32
    %dma_wait3A_306 = arith.constant 3 : i32
    %dma_wait3A_307 = arith.constant 0 : i32
    %dma_wait3A_308 = tpu.memref_slice %arg5[%dma_wait3A_306, %dma_wait3A_307] : memref<8x128xi32, #tpu.memory_space<vmem>> -> memref<1x128xi32, #tpu.memory_space<vmem>>
    %dma_wait3A_309 = tpu.memref_squeeze %dma_wait3A_308 : memref<1x128xi32, #tpu.memory_space<vmem>> -> memref<128xi32, #tpu.memory_space<vmem>>
    %dma_wait3A_310 = tpu.memref_slice %arg3[%dma_wait3A_305, %add3A_87] : memref<2x32768xi32, #tpu.memory_space<hbm>> -> memref<1x128xi32, #tpu.memory_space<hbm>>
    %dma_wait3A_311 = tpu.memref_squeeze %dma_wait3A_310 : memref<1x128xi32, #tpu.memory_space<hbm>> -> memref<128xi32, #tpu.memory_space<hbm>>
    %dma_wait3A_312 = arith.constant 0 : i32
    %dma_wait3A_313 = tpu.memref_slice %arg5[%dma_wait3A_306, %dma_wait3A_312] : memref<8x128xi32, #tpu.memory_space<vmem>> -> memref<1x128xi32, #tpu.memory_space<vmem>>
    %dma_wait3A_314 = tpu.memref_squeeze %dma_wait3A_313 : memref<1x128xi32, #tpu.memory_space<vmem>> -> memref<128xi32, #tpu.memory_space<vmem>>
    %dma_wait3A_315 = tpu.memref_slice %arg3[%dma_wait3A_305, %add3A_87] : memref<2x32768xi32, #tpu.memory_space<hbm>> -> memref<1x128xi32, #tpu.memory_space<hbm>>
    %dma_wait3A_316 = tpu.memref_squeeze %dma_wait3A_315 : memref<1x128xi32, #tpu.memory_space<hbm>> -> memref<128xi32, #tpu.memory_space<hbm>>
    tpu.wait_dma2 semaphore(%arg10 : memref<!tpu.dma_semaphore, #tpu.memory_space<semaphore_mem>>) src(%dma_wait3A_316 : memref<128xi32, #tpu.memory_space<hbm>>) dst(%dma_wait3A_314 : memref<128xi32, #tpu.memory_space<vmem>>)
    %dma_wait3A_317 = arith.constant 1 : i32
    %dma_wait3A_318 = arith.constant 3 : i32
    %dma_wait3A_319 = arith.constant 0 : i32
    %dma_wait3A_320 = tpu.memref_slice %arg6[%dma_wait3A_318, %dma_wait3A_319] : memref<8x128xi32, #tpu.memory_space<vmem>> -> memref<1x128xi32, #tpu.memory_space<vmem>>
    %dma_wait3A_321 = tpu.memref_squeeze %dma_wait3A_320 : memref<1x128xi32, #tpu.memory_space<vmem>> -> memref<128xi32, #tpu.memory_space<vmem>>
    %dma_wait3A_322 = tpu.memref_slice %arg3[%dma_wait3A_317, %add3A_101] : memref<2x32768xi32, #tpu.memory_space<hbm>> -> memref<1x128xi32, #tpu.memory_space<hbm>>
    %dma_wait3A_323 = tpu.memref_squeeze %dma_wait3A_322 : memref<1x128xi32, #tpu.memory_space<hbm>> -> memref<128xi32, #tpu.memory_space<hbm>>
    %dma_wait3A_324 = arith.constant 0 : i32
    %dma_wait3A_325 = tpu.memref_slice %arg6[%dma_wait3A_318, %dma_wait3A_324] : memref<8x128xi32, #tpu.memory_space<vmem>> -> memref<1x128xi32, #tpu.memory_space<vmem>>
    %dma_wait3A_326 = tpu.memref_squeeze %dma_wait3A_325 : memref<1x128xi32, #tpu.memory_space<vmem>> -> memref<128xi32, #tpu.memory_space<vmem>>
    %dma_wait3A_327 = tpu.memref_slice %arg3[%dma_wait3A_317, %add3A_101] : memref<2x32768xi32, #tpu.memory_space<hbm>> -> memref<1x128xi32, #tpu.memory_space<hbm>>
    %dma_wait3A_328 = tpu.memref_squeeze %dma_wait3A_327 : memref<1x128xi32, #tpu.memory_space<hbm>> -> memref<128xi32, #tpu.memory_space<hbm>>
    tpu.wait_dma2 semaphore(%arg10 : memref<!tpu.dma_semaphore, #tpu.memory_space<semaphore_mem>>) src(%dma_wait3A_328 : memref<128xi32, #tpu.memory_space<hbm>>) dst(%dma_wait3A_326 : memref<128xi32, #tpu.memory_space<vmem>>)
    %dma_wait3A_329 = arith.constant 0 : i32
    %dma_wait3A_330 = arith.constant 4 : i32
    %dma_wait3A_331 = arith.constant 0 : i32
    %dma_wait3A_332 = tpu.memref_slice %arg5[%dma_wait3A_330, %dma_wait3A_331] : memref<8x128xi32, #tpu.memory_space<vmem>> -> memref<1x128xi32, #tpu.memory_space<vmem>>
    %dma_wait3A_333 = tpu.memref_squeeze %dma_wait3A_332 : memref<1x128xi32, #tpu.memory_space<vmem>> -> memref<128xi32, #tpu.memory_space<vmem>>
    %dma_wait3A_334 = tpu.memref_slice %arg3[%dma_wait3A_329, %add3A_115] : memref<2x32768xi32, #tpu.memory_space<hbm>> -> memref<1x128xi32, #tpu.memory_space<hbm>>
    %dma_wait3A_335 = tpu.memref_squeeze %dma_wait3A_334 : memref<1x128xi32, #tpu.memory_space<hbm>> -> memref<128xi32, #tpu.memory_space<hbm>>
    %dma_wait3A_336 = arith.constant 0 : i32
    %dma_wait3A_337 = tpu.memref_slice %arg5[%dma_wait3A_330, %dma_wait3A_336] : memref<8x128xi32, #tpu.memory_space<vmem>> -> memref<1x128xi32, #tpu.memory_space<vmem>>
    %dma_wait3A_338 = tpu.memref_squeeze %dma_wait3A_337 : memref<1x128xi32, #tpu.memory_space<vmem>> -> memref<128xi32, #tpu.memory_space<vmem>>
    %dma_wait3A_339 = tpu.memref_slice %arg3[%dma_wait3A_329, %add3A_115] : memref<2x32768xi32, #tpu.memory_space<hbm>> -> memref<1x128xi32, #tpu.memory_space<hbm>>
    %dma_wait3A_340 = tpu.memref_squeeze %dma_wait3A_339 : memref<1x128xi32, #tpu.memory_space<hbm>> -> memref<128xi32, #tpu.memory_space<hbm>>
    tpu.wait_dma2 semaphore(%arg10 : memref<!tpu.dma_semaphore, #tpu.memory_space<semaphore_mem>>) src(%dma_wait3A_340 : memref<128xi32, #tpu.memory_space<hbm>>) dst(%dma_wait3A_338 : memref<128xi32, #tpu.memory_space<vmem>>)
    %dma_wait3A_341 = arith.constant 1 : i32
    %dma_wait3A_342 = arith.constant 4 : i32
    %dma_wait3A_343 = arith.constant 0 : i32
    %dma_wait3A_344 = tpu.memref_slice %arg6[%dma_wait3A_342, %dma_wait3A_343] : memref<8x128xi32, #tpu.memory_space<vmem>> -> memref<1x128xi32, #tpu.memory_space<vmem>>
    %dma_wait3A_345 = tpu.memref_squeeze %dma_wait3A_344 : memref<1x128xi32, #tpu.memory_space<vmem>> -> memref<128xi32, #tpu.memory_space<vmem>>
    %dma_wait3A_346 = tpu.memref_slice %arg3[%dma_wait3A_341, %add3A_129] : memref<2x32768xi32, #tpu.memory_space<hbm>> -> memref<1x128xi32, #tpu.memory_space<hbm>>
    %dma_wait3A_347 = tpu.memref_squeeze %dma_wait3A_346 : memref<1x128xi32, #tpu.memory_space<hbm>> -> memref<128xi32, #tpu.memory_space<hbm>>
    %dma_wait3A_348 = arith.constant 0 : i32
    %dma_wait3A_349 = tpu.memref_slice %arg6[%dma_wait3A_342, %dma_wait3A_348] : memref<8x128xi32, #tpu.memory_space<vmem>> -> memref<1x128xi32, #tpu.memory_space<vmem>>
    %dma_wait3A_350 = tpu.memref_squeeze %dma_wait3A_349 : memref<1x128xi32, #tpu.memory_space<vmem>> -> memref<128xi32, #tpu.memory_space<vmem>>
    %dma_wait3A_351 = tpu.memref_slice %arg3[%dma_wait3A_341, %add3A_129] : memref<2x32768xi32, #tpu.memory_space<hbm>> -> memref<1x128xi32, #tpu.memory_space<hbm>>
    %dma_wait3A_352 = tpu.memref_squeeze %dma_wait3A_351 : memref<1x128xi32, #tpu.memory_space<hbm>> -> memref<128xi32, #tpu.memory_space<hbm>>
    tpu.wait_dma2 semaphore(%arg10 : memref<!tpu.dma_semaphore, #tpu.memory_space<semaphore_mem>>) src(%dma_wait3A_352 : memref<128xi32, #tpu.memory_space<hbm>>) dst(%dma_wait3A_350 : memref<128xi32, #tpu.memory_space<vmem>>)
    %dma_wait3A_353 = arith.constant 0 : i32
    %dma_wait3A_354 = arith.constant 5 : i32
    %dma_wait3A_355 = arith.constant 0 : i32
    %dma_wait3A_356 = tpu.memref_slice %arg5[%dma_wait3A_354, %dma_wait3A_355] : memref<8x128xi32, #tpu.memory_space<vmem>> -> memref<1x128xi32, #tpu.memory_space<vmem>>
    %dma_wait3A_357 = tpu.memref_squeeze %dma_wait3A_356 : memref<1x128xi32, #tpu.memory_space<vmem>> -> memref<128xi32, #tpu.memory_space<vmem>>
    %dma_wait3A_358 = tpu.memref_slice %arg3[%dma_wait3A_353, %add3A_143] : memref<2x32768xi32, #tpu.memory_space<hbm>> -> memref<1x128xi32, #tpu.memory_space<hbm>>
    %dma_wait3A_359 = tpu.memref_squeeze %dma_wait3A_358 : memref<1x128xi32, #tpu.memory_space<hbm>> -> memref<128xi32, #tpu.memory_space<hbm>>
    %dma_wait3A_360 = arith.constant 0 : i32
    %dma_wait3A_361 = tpu.memref_slice %arg5[%dma_wait3A_354, %dma_wait3A_360] : memref<8x128xi32, #tpu.memory_space<vmem>> -> memref<1x128xi32, #tpu.memory_space<vmem>>
    %dma_wait3A_362 = tpu.memref_squeeze %dma_wait3A_361 : memref<1x128xi32, #tpu.memory_space<vmem>> -> memref<128xi32, #tpu.memory_space<vmem>>
    %dma_wait3A_363 = tpu.memref_slice %arg3[%dma_wait3A_353, %add3A_143] : memref<2x32768xi32, #tpu.memory_space<hbm>> -> memref<1x128xi32, #tpu.memory_space<hbm>>
    %dma_wait3A_364 = tpu.memref_squeeze %dma_wait3A_363 : memref<1x128xi32, #tpu.memory_space<hbm>> -> memref<128xi32, #tpu.memory_space<hbm>>
    tpu.wait_dma2 semaphore(%arg10 : memref<!tpu.dma_semaphore, #tpu.memory_space<semaphore_mem>>) src(%dma_wait3A_364 : memref<128xi32, #tpu.memory_space<hbm>>) dst(%dma_wait3A_362 : memref<128xi32, #tpu.memory_space<vmem>>)
    %dma_wait3A_365 = arith.constant 1 : i32
    %dma_wait3A_366 = arith.constant 5 : i32
    %dma_wait3A_367 = arith.constant 0 : i32
    %dma_wait3A_368 = tpu.memref_slice %arg6[%dma_wait3A_366, %dma_wait3A_367] : memref<8x128xi32, #tpu.memory_space<vmem>> -> memref<1x128xi32, #tpu.memory_space<vmem>>
    %dma_wait3A_369 = tpu.memref_squeeze %dma_wait3A_368 : memref<1x128xi32, #tpu.memory_space<vmem>> -> memref<128xi32, #tpu.memory_space<vmem>>
    %dma_wait3A_370 = tpu.memref_slice %arg3[%dma_wait3A_365, %add3A_157] : memref<2x32768xi32, #tpu.memory_space<hbm>> -> memref<1x128xi32, #tpu.memory_space<hbm>>
    %dma_wait3A_371 = tpu.memref_squeeze %dma_wait3A_370 : memref<1x128xi32, #tpu.memory_space<hbm>> -> memref<128xi32, #tpu.memory_space<hbm>>
    %dma_wait3A_372 = arith.constant 0 : i32
    %dma_wait3A_373 = tpu.memref_slice %arg6[%dma_wait3A_366, %dma_wait3A_372] : memref<8x128xi32, #tpu.memory_space<vmem>> -> memref<1x128xi32, #tpu.memory_space<vmem>>
    %dma_wait3A_374 = tpu.memref_squeeze %dma_wait3A_373 : memref<1x128xi32, #tpu.memory_space<vmem>> -> memref<128xi32, #tpu.memory_space<vmem>>
    %dma_wait3A_375 = tpu.memref_slice %arg3[%dma_wait3A_365, %add3A_157] : memref<2x32768xi32, #tpu.memory_space<hbm>> -> memref<1x128xi32, #tpu.memory_space<hbm>>
    %dma_wait3A_376 = tpu.memref_squeeze %dma_wait3A_375 : memref<1x128xi32, #tpu.memory_space<hbm>> -> memref<128xi32, #tpu.memory_space<hbm>>
    tpu.wait_dma2 semaphore(%arg10 : memref<!tpu.dma_semaphore, #tpu.memory_space<semaphore_mem>>) src(%dma_wait3A_376 : memref<128xi32, #tpu.memory_space<hbm>>) dst(%dma_wait3A_374 : memref<128xi32, #tpu.memory_space<vmem>>)
    %dma_wait3A_377 = arith.constant 0 : i32
    %dma_wait3A_378 = arith.constant 6 : i32
    %dma_wait3A_379 = arith.constant 0 : i32
    %dma_wait3A_380 = tpu.memref_slice %arg5[%dma_wait3A_378, %dma_wait3A_379] : memref<8x128xi32, #tpu.memory_space<vmem>> -> memref<1x128xi32, #tpu.memory_space<vmem>>
    %dma_wait3A_381 = tpu.memref_squeeze %dma_wait3A_380 : memref<1x128xi32, #tpu.memory_space<vmem>> -> memref<128xi32, #tpu.memory_space<vmem>>
    %dma_wait3A_382 = tpu.memref_slice %arg3[%dma_wait3A_377, %add3A_171] : memref<2x32768xi32, #tpu.memory_space<hbm>> -> memref<1x128xi32, #tpu.memory_space<hbm>>
    %dma_wait3A_383 = tpu.memref_squeeze %dma_wait3A_382 : memref<1x128xi32, #tpu.memory_space<hbm>> -> memref<128xi32, #tpu.memory_space<hbm>>
    %dma_wait3A_384 = arith.constant 0 : i32
    %dma_wait3A_385 = tpu.memref_slice %arg5[%dma_wait3A_378, %dma_wait3A_384] : memref<8x128xi32, #tpu.memory_space<vmem>> -> memref<1x128xi32, #tpu.memory_space<vmem>>
    %dma_wait3A_386 = tpu.memref_squeeze %dma_wait3A_385 : memref<1x128xi32, #tpu.memory_space<vmem>> -> memref<128xi32, #tpu.memory_space<vmem>>
    %dma_wait3A_387 = tpu.memref_slice %arg3[%dma_wait3A_377, %add3A_171] : memref<2x32768xi32, #tpu.memory_space<hbm>> -> memref<1x128xi32, #tpu.memory_space<hbm>>
    %dma_wait3A_388 = tpu.memref_squeeze %dma_wait3A_387 : memref<1x128xi32, #tpu.memory_space<hbm>> -> memref<128xi32, #tpu.memory_space<hbm>>
    tpu.wait_dma2 semaphore(%arg10 : memref<!tpu.dma_semaphore, #tpu.memory_space<semaphore_mem>>) src(%dma_wait3A_388 : memref<128xi32, #tpu.memory_space<hbm>>) dst(%dma_wait3A_386 : memref<128xi32, #tpu.memory_space<vmem>>)
    %dma_wait3A_389 = arith.constant 1 : i32
    %dma_wait3A_390 = arith.constant 6 : i32
    %dma_wait3A_391 = arith.constant 0 : i32
    %dma_wait3A_392 = tpu.memref_slice %arg6[%dma_wait3A_390, %dma_wait3A_391] : memref<8x128xi32, #tpu.memory_space<vmem>> -> memref<1x128xi32, #tpu.memory_space<vmem>>
    %dma_wait3A_393 = tpu.memref_squeeze %dma_wait3A_392 : memref<1x128xi32, #tpu.memory_space<vmem>> -> memref<128xi32, #tpu.memory_space<vmem>>
    %dma_wait3A_394 = tpu.memref_slice %arg3[%dma_wait3A_389, %add3A_185] : memref<2x32768xi32, #tpu.memory_space<hbm>> -> memref<1x128xi32, #tpu.memory_space<hbm>>
    %dma_wait3A_395 = tpu.memref_squeeze %dma_wait3A_394 : memref<1x128xi32, #tpu.memory_space<hbm>> -> memref<128xi32, #tpu.memory_space<hbm>>
    %dma_wait3A_396 = arith.constant 0 : i32
    %dma_wait3A_397 = tpu.memref_slice %arg6[%dma_wait3A_390, %dma_wait3A_396] : memref<8x128xi32, #tpu.memory_space<vmem>> -> memref<1x128xi32, #tpu.memory_space<vmem>>
    %dma_wait3A_398 = tpu.memref_squeeze %dma_wait3A_397 : memref<1x128xi32, #tpu.memory_space<vmem>> -> memref<128xi32, #tpu.memory_space<vmem>>
    %dma_wait3A_399 = tpu.memref_slice %arg3[%dma_wait3A_389, %add3A_185] : memref<2x32768xi32, #tpu.memory_space<hbm>> -> memref<1x128xi32, #tpu.memory_space<hbm>>
    %dma_wait3A_400 = tpu.memref_squeeze %dma_wait3A_399 : memref<1x128xi32, #tpu.memory_space<hbm>> -> memref<128xi32, #tpu.memory_space<hbm>>
    tpu.wait_dma2 semaphore(%arg10 : memref<!tpu.dma_semaphore, #tpu.memory_space<semaphore_mem>>) src(%dma_wait3A_400 : memref<128xi32, #tpu.memory_space<hbm>>) dst(%dma_wait3A_398 : memref<128xi32, #tpu.memory_space<vmem>>)
    %dma_wait3A_401 = arith.constant 0 : i32
    %dma_wait3A_402 = arith.constant 7 : i32
    %dma_wait3A_403 = arith.constant 0 : i32
    %dma_wait3A_404 = tpu.memref_slice %arg5[%dma_wait3A_402, %dma_wait3A_403] : memref<8x128xi32, #tpu.memory_space<vmem>> -> memref<1x128xi32, #tpu.memory_space<vmem>>
    %dma_wait3A_405 = tpu.memref_squeeze %dma_wait3A_404 : memref<1x128xi32, #tpu.memory_space<vmem>> -> memref<128xi32, #tpu.memory_space<vmem>>
    %dma_wait3A_406 = tpu.memref_slice %arg3[%dma_wait3A_401, %add3A_199] : memref<2x32768xi32, #tpu.memory_space<hbm>> -> memref<1x128xi32, #tpu.memory_space<hbm>>
    %dma_wait3A_407 = tpu.memref_squeeze %dma_wait3A_406 : memref<1x128xi32, #tpu.memory_space<hbm>> -> memref<128xi32, #tpu.memory_space<hbm>>
    %dma_wait3A_408 = arith.constant 0 : i32
    %dma_wait3A_409 = tpu.memref_slice %arg5[%dma_wait3A_402, %dma_wait3A_408] : memref<8x128xi32, #tpu.memory_space<vmem>> -> memref<1x128xi32, #tpu.memory_space<vmem>>
    %dma_wait3A_410 = tpu.memref_squeeze %dma_wait3A_409 : memref<1x128xi32, #tpu.memory_space<vmem>> -> memref<128xi32, #tpu.memory_space<vmem>>
    %dma_wait3A_411 = tpu.memref_slice %arg3[%dma_wait3A_401, %add3A_199] : memref<2x32768xi32, #tpu.memory_space<hbm>> -> memref<1x128xi32, #tpu.memory_space<hbm>>
    %dma_wait3A_412 = tpu.memref_squeeze %dma_wait3A_411 : memref<1x128xi32, #tpu.memory_space<hbm>> -> memref<128xi32, #tpu.memory_space<hbm>>
    tpu.wait_dma2 semaphore(%arg10 : memref<!tpu.dma_semaphore, #tpu.memory_space<semaphore_mem>>) src(%dma_wait3A_412 : memref<128xi32, #tpu.memory_space<hbm>>) dst(%dma_wait3A_410 : memref<128xi32, #tpu.memory_space<vmem>>)
    %dma_wait3A_413 = arith.constant 1 : i32
    %dma_wait3A_414 = arith.constant 7 : i32
    %dma_wait3A_415 = arith.constant 0 : i32
    %dma_wait3A_416 = tpu.memref_slice %arg6[%dma_wait3A_414, %dma_wait3A_415] : memref<8x128xi32, #tpu.memory_space<vmem>> -> memref<1x128xi32, #tpu.memory_space<vmem>>
    %dma_wait3A_417 = tpu.memref_squeeze %dma_wait3A_416 : memref<1x128xi32, #tpu.memory_space<vmem>> -> memref<128xi32, #tpu.memory_space<vmem>>
    %dma_wait3A_418 = tpu.memref_slice %arg3[%dma_wait3A_413, %add3A_213] : memref<2x32768xi32, #tpu.memory_space<hbm>> -> memref<1x128xi32, #tpu.memory_space<hbm>>
    %dma_wait3A_419 = tpu.memref_squeeze %dma_wait3A_418 : memref<1x128xi32, #tpu.memory_space<hbm>> -> memref<128xi32, #tpu.memory_space<hbm>>
    %dma_wait3A_420 = arith.constant 0 : i32
    %dma_wait3A_421 = tpu.memref_slice %arg6[%dma_wait3A_414, %dma_wait3A_420] : memref<8x128xi32, #tpu.memory_space<vmem>> -> memref<1x128xi32, #tpu.memory_space<vmem>>
    %dma_wait3A_422 = tpu.memref_squeeze %dma_wait3A_421 : memref<1x128xi32, #tpu.memory_space<vmem>> -> memref<128xi32, #tpu.memory_space<vmem>>
    %dma_wait3A_423 = tpu.memref_slice %arg3[%dma_wait3A_413, %add3A_213] : memref<2x32768xi32, #tpu.memory_space<hbm>> -> memref<1x128xi32, #tpu.memory_space<hbm>>
    %dma_wait3A_424 = tpu.memref_squeeze %dma_wait3A_423 : memref<1x128xi32, #tpu.memory_space<hbm>> -> memref<128xi32, #tpu.memory_space<hbm>>
    tpu.wait_dma2 semaphore(%arg10 : memref<!tpu.dma_semaphore, #tpu.memory_space<semaphore_mem>>) src(%dma_wait3A_424 : memref<128xi32, #tpu.memory_space<hbm>>) dst(%dma_wait3A_422 : memref<128xi32, #tpu.memory_space<vmem>>)
    %dma_start3A_425 = arith.constant 0 : i32
    %dma_start3A_426 = arith.constant 0 : i32
    %dma_start3A_427 = arith.constant 0 : i32
    %dma_start3A_428 = arith.constant 0 : i32
    %dma_start3A_429 = tpu.memref_slice %arg7[%dma_start3A_426, %dma_start3A_427, %dma_start3A_428] : memref<3x128x128xf32, #tpu.memory_space<vmem>> -> memref<1x128x128xf32, #tpu.memory_space<vmem>>
    %dma_start3A_430 = tpu.memref_squeeze %dma_start3A_429 : memref<1x128x128xf32, #tpu.memory_space<vmem>> -> memref<128x128xf32, #tpu.memory_space<vmem>>
    %dma_start3A_431 = arith.constant 0 : i32
    %dma_start3A_432 = tpu.memref_slice %arg5[%dma_start3A_425, %dma_start3A_431] : memref<8x128xi32, #tpu.memory_space<vmem>> -> memref<1x128xi32, #tpu.memory_space<vmem>>
    %dma_start3A_433 = tpu.memref_squeeze %dma_start3A_432 : memref<1x128xi32, #tpu.memory_space<vmem>> -> memref<128xi32, #tpu.memory_space<vmem>>
    %dma_start3A_434 = arith.constant 0 : i32
    %dma_start3A_435 = arith.constant 0 : i32
    %dma_start3A_436 = tpu.memref_slice %arg2[%dma_start3A_434, %dma_start3A_435] : memref<2048x128xf32, #tpu.memory_space<hbm>> -> memref<2048x128xf32, #tpu.memory_space<hbm>>
    tpu.enqueue_indirect_dma source(%dma_start3A_436 : memref<2048x128xf32, #tpu.memory_space<hbm>>) target(%dma_start3A_430 : memref<128x128xf32, #tpu.memory_space<vmem>>) offsets(%dma_start3A_433 : memref<128xi32, #tpu.memory_space<vmem>>) semaphore(%arg11 : memref<!tpu.dma_semaphore, #tpu.memory_space<semaphore_mem>>)
    %dma_start3A_437 = arith.constant 1 : i32
    %dma_start3A_438 = arith.constant 1 : i32
    %dma_start3A_439 = arith.constant 0 : i32
    %dma_start3A_440 = arith.constant 0 : i32
    %dma_start3A_441 = tpu.memref_slice %arg7[%dma_start3A_438, %dma_start3A_439, %dma_start3A_440] : memref<3x128x128xf32, #tpu.memory_space<vmem>> -> memref<1x128x128xf32, #tpu.memory_space<vmem>>
    %dma_start3A_442 = tpu.memref_squeeze %dma_start3A_441 : memref<1x128x128xf32, #tpu.memory_space<vmem>> -> memref<128x128xf32, #tpu.memory_space<vmem>>
    %dma_start3A_443 = arith.constant 0 : i32
    %dma_start3A_444 = tpu.memref_slice %arg5[%dma_start3A_437, %dma_start3A_443] : memref<8x128xi32, #tpu.memory_space<vmem>> -> memref<1x128xi32, #tpu.memory_space<vmem>>
    %dma_start3A_445 = tpu.memref_squeeze %dma_start3A_444 : memref<1x128xi32, #tpu.memory_space<vmem>> -> memref<128xi32, #tpu.memory_space<vmem>>
    %dma_start3A_446 = arith.constant 0 : i32
    %dma_start3A_447 = arith.constant 0 : i32
    %dma_start3A_448 = tpu.memref_slice %arg2[%dma_start3A_446, %dma_start3A_447] : memref<2048x128xf32, #tpu.memory_space<hbm>> -> memref<2048x128xf32, #tpu.memory_space<hbm>>
    tpu.enqueue_indirect_dma source(%dma_start3A_448 : memref<2048x128xf32, #tpu.memory_space<hbm>>) target(%dma_start3A_442 : memref<128x128xf32, #tpu.memory_space<vmem>>) offsets(%dma_start3A_445 : memref<128xi32, #tpu.memory_space<vmem>>) semaphore(%arg11 : memref<!tpu.dma_semaphore, #tpu.memory_space<semaphore_mem>>)
    %dma_wait3A_449 = arith.constant 0 : i32
    %dma_wait3A_450 = tpu.memref_slice %arg8[%mul3A_229, %dma_wait3A_449] : memref<2048x128xf32, #tpu.memory_space<vmem_shared>> -> memref<128x128xf32, #tpu.memory_space<vmem_shared>>
    %dma_wait3A_451 = arith.constant 0 : i32
    %dma_wait3A_452 = tpu.memref_slice %arg2[%mul3A_227, %dma_wait3A_451] : memref<2048x128xf32, #tpu.memory_space<hbm>> -> memref<128x128xf32, #tpu.memory_space<hbm>>
    tpu.wait_dma2 semaphore(%arg9 : memref<!tpu.dma_semaphore, #tpu.memory_space<semaphore_mem>>) src(%dma_wait3A_452 : memref<128x128xf32, #tpu.memory_space<hbm>>) dst(%dma_wait3A_450 : memref<128x128xf32, #tpu.memory_space<vmem_shared>>)
    %barrier3A = arith.constant 0 : index
    tpu.barrier barrier_id(%barrier3A)
    %dma_wait3A_453 = arith.constant 0 : i32
    %dma_wait3A_454 = arith.constant 0 : i32
    %dma_wait3A_455 = arith.constant 0 : i32
    %dma_wait3A_456 = arith.constant 0 : i32
    %dma_wait3A_457 = tpu.memref_slice %arg7[%dma_wait3A_454, %dma_wait3A_455, %dma_wait3A_456] : memref<3x128x128xf32, #tpu.memory_space<vmem>> -> memref<1x128x128xf32, #tpu.memory_space<vmem>>
    %dma_wait3A_458 = tpu.memref_squeeze %dma_wait3A_457 : memref<1x128x128xf32, #tpu.memory_space<vmem>> -> memref<128x128xf32, #tpu.memory_space<vmem>>
    %dma_wait3A_459 = arith.constant 0 : i32
    %dma_wait3A_460 = tpu.memref_slice %arg5[%dma_wait3A_453, %dma_wait3A_459] : memref<8x128xi32, #tpu.memory_space<vmem>> -> memref<1x128xi32, #tpu.memory_space<vmem>>
    %dma_wait3A_461 = tpu.memref_squeeze %dma_wait3A_460 : memref<1x128xi32, #tpu.memory_space<vmem>> -> memref<128xi32, #tpu.memory_space<vmem>>
    %dma_wait3A_462 = arith.constant 0 : i32
    %dma_wait3A_463 = arith.constant 0 : i32
    %dma_wait3A_464 = tpu.memref_slice %arg2[%dma_wait3A_462, %dma_wait3A_463] : memref<2048x128xf32, #tpu.memory_space<hbm>> -> memref<2048x128xf32, #tpu.memory_space<hbm>>
    tpu.wait_indirect_dma semaphore(%arg11 : memref<!tpu.dma_semaphore, #tpu.memory_space<semaphore_mem>>) src(%dma_wait3A_464 : memref<2048x128xf32, #tpu.memory_space<hbm>>) dst(%dma_wait3A_458 : memref<128x128xf32, #tpu.memory_space<vmem>>)
    %dma_start3A_465 = arith.constant 2 : i32
    %dma_start3A_466 = arith.constant 2 : i32
    %dma_start3A_467 = arith.constant 0 : i32
    %dma_start3A_468 = arith.constant 0 : i32
    %dma_start3A_469 = tpu.memref_slice %arg7[%dma_start3A_466, %dma_start3A_467, %dma_start3A_468] : memref<3x128x128xf32, #tpu.memory_space<vmem>> -> memref<1x128x128xf32, #tpu.memory_space<vmem>>
    %dma_start3A_470 = tpu.memref_squeeze %dma_start3A_469 : memref<1x128x128xf32, #tpu.memory_space<vmem>> -> memref<128x128xf32, #tpu.memory_space<vmem>>
    %dma_start3A_471 = arith.constant 0 : i32
    %dma_start3A_472 = tpu.memref_slice %arg5[%dma_start3A_465, %dma_start3A_471] : memref<8x128xi32, #tpu.memory_space<vmem>> -> memref<1x128xi32, #tpu.memory_space<vmem>>
    %dma_start3A_473 = tpu.memref_squeeze %dma_start3A_472 : memref<1x128xi32, #tpu.memory_space<vmem>> -> memref<128xi32, #tpu.memory_space<vmem>>
    %dma_start3A_474 = arith.constant 0 : i32
    %dma_start3A_475 = arith.constant 0 : i32
    %dma_start3A_476 = tpu.memref_slice %arg2[%dma_start3A_474, %dma_start3A_475] : memref<2048x128xf32, #tpu.memory_space<hbm>> -> memref<2048x128xf32, #tpu.memory_space<hbm>>
    tpu.enqueue_indirect_dma source(%dma_start3A_476 : memref<2048x128xf32, #tpu.memory_space<hbm>>) target(%dma_start3A_470 : memref<128x128xf32, #tpu.memory_space<vmem>>) offsets(%dma_start3A_473 : memref<128xi32, #tpu.memory_space<vmem>>) semaphore(%arg11 : memref<!tpu.dma_semaphore, #tpu.memory_space<semaphore_mem>>)
    %run_scoped3A = arith.constant 0 : i32
    %run_scoped3A_477 = arith.constant 0 : i32
    "tpu.region"() ({
      %run_scoped3A_641 = tpu.sem_alloc : memref<!tpu.dma_semaphore, #tpu.memory_space<semaphore_mem>>
      %dma_start3A_642 = arith.constant 0 : i32
      %dma_start3A_643 = arith.constant 0 : i32
      %dma_start3A_644 = tpu.memref_slice %arg7[%run_scoped3A, %dma_start3A_642, %dma_start3A_643] : memref<3x128x128xf32, #tpu.memory_space<vmem>> -> memref<1x128x128xf32, #tpu.memory_space<vmem>>
      %dma_start3A_645 = tpu.memref_squeeze %dma_start3A_644 : memref<1x128x128xf32, #tpu.memory_space<vmem>> -> memref<128x128xf32, #tpu.memory_space<vmem>>
      %dma_start3A_646 = arith.constant 0 : i32
      %dma_start3A_647 = tpu.memref_slice %arg6[%run_scoped3A_477, %dma_start3A_646] : memref<8x128xi32, #tpu.memory_space<vmem>> -> memref<1x128xi32, #tpu.memory_space<vmem>>
      %dma_start3A_648 = tpu.memref_squeeze %dma_start3A_647 : memref<1x128xi32, #tpu.memory_space<vmem>> -> memref<128xi32, #tpu.memory_space<vmem>>
      %dma_start3A_649 = arith.constant 0 : i32
      %dma_start3A_650 = arith.constant 0 : i32
      %dma_start3A_651 = tpu.memref_slice %arg8[%dma_start3A_649, %dma_start3A_650] : memref<2048x128xf32, #tpu.memory_space<vmem_shared>> -> memref<2048x128xf32, #tpu.memory_space<vmem_shared>>
      tpu.enqueue_indirect_dma source(%dma_start3A_645 : memref<128x128xf32, #tpu.memory_space<vmem>>) target(%dma_start3A_651 : memref<2048x128xf32, #tpu.memory_space<vmem_shared>>) offsets(%dma_start3A_648 : memref<128xi32, #tpu.memory_space<vmem>>) semaphore(%run_scoped3A_641 : memref<!tpu.dma_semaphore, #tpu.memory_space<semaphore_mem>>) {add = true}
      %dma_wait3A_652 = arith.constant 0 : i32
      %dma_wait3A_653 = arith.constant 0 : i32
      %dma_wait3A_654 = tpu.memref_slice %arg7[%run_scoped3A, %dma_wait3A_652, %dma_wait3A_653] : memref<3x128x128xf32, #tpu.memory_space<vmem>> -> memref<1x128x128xf32, #tpu.memory_space<vmem>>
      %dma_wait3A_655 = tpu.memref_squeeze %dma_wait3A_654 : memref<1x128x128xf32, #tpu.memory_space<vmem>> -> memref<128x128xf32, #tpu.memory_space<vmem>>
      %dma_wait3A_656 = arith.constant 0 : i32
      %dma_wait3A_657 = tpu.memref_slice %arg6[%run_scoped3A_477, %dma_wait3A_656] : memref<8x128xi32, #tpu.memory_space<vmem>> -> memref<1x128xi32, #tpu.memory_space<vmem>>
      %dma_wait3A_658 = tpu.memref_squeeze %dma_wait3A_657 : memref<1x128xi32, #tpu.memory_space<vmem>> -> memref<128xi32, #tpu.memory_space<vmem>>
      %dma_wait3A_659 = arith.constant 0 : i32
      %dma_wait3A_660 = arith.constant 0 : i32
      %dma_wait3A_661 = tpu.memref_slice %arg8[%dma_wait3A_659, %dma_wait3A_660] : memref<2048x128xf32, #tpu.memory_space<vmem_shared>> -> memref<2048x128xf32, #tpu.memory_space<vmem_shared>>
      tpu.wait_indirect_dma semaphore(%run_scoped3A_641 : memref<!tpu.dma_semaphore, #tpu.memory_space<semaphore_mem>>) src(%dma_wait3A_655 : memref<128x128xf32, #tpu.memory_space<vmem>>) dst(%dma_wait3A_661 : memref<2048x128xf32, #tpu.memory_space<vmem_shared>>)
      tpu.yield
    }) : () -> ()
    %dma_wait3A_478 = arith.constant 1 : i32
    %dma_wait3A_479 = arith.constant 1 : i32
    %dma_wait3A_480 = arith.constant 0 : i32
    %dma_wait3A_481 = arith.constant 0 : i32
    %dma_wait3A_482 = tpu.memref_slice %arg7[%dma_wait3A_479, %dma_wait3A_480, %dma_wait3A_481] : memref<3x128x128xf32, #tpu.memory_space<vmem>> -> memref<1x128x128xf32, #tpu.memory_space<vmem>>
    %dma_wait3A_483 = tpu.memref_squeeze %dma_wait3A_482 : memref<1x128x128xf32, #tpu.memory_space<vmem>> -> memref<128x128xf32, #tpu.memory_space<vmem>>
    %dma_wait3A_484 = arith.constant 0 : i32
    %dma_wait3A_485 = tpu.memref_slice %arg5[%dma_wait3A_478, %dma_wait3A_484] : memref<8x128xi32, #tpu.memory_space<vmem>> -> memref<1x128xi32, #tpu.memory_space<vmem>>
    %dma_wait3A_486 = tpu.memref_squeeze %dma_wait3A_485 : memref<1x128xi32, #tpu.memory_space<vmem>> -> memref<128xi32, #tpu.memory_space<vmem>>
    %dma_wait3A_487 = arith.constant 0 : i32
    %dma_wait3A_488 = arith.constant 0 : i32
    %dma_wait3A_489 = tpu.memref_slice %arg2[%dma_wait3A_487, %dma_wait3A_488] : memref<2048x128xf32, #tpu.memory_space<hbm>> -> memref<2048x128xf32, #tpu.memory_space<hbm>>
    tpu.wait_indirect_dma semaphore(%arg11 : memref<!tpu.dma_semaphore, #tpu.memory_space<semaphore_mem>>) src(%dma_wait3A_489 : memref<2048x128xf32, #tpu.memory_space<hbm>>) dst(%dma_wait3A_483 : memref<128x128xf32, #tpu.memory_space<vmem>>)
    %dma_start3A_490 = arith.constant 3 : i32
    %dma_start3A_491 = arith.constant 0 : i32
    %dma_start3A_492 = arith.constant 0 : i32
    %dma_start3A_493 = arith.constant 0 : i32
    %dma_start3A_494 = tpu.memref_slice %arg7[%dma_start3A_491, %dma_start3A_492, %dma_start3A_493] : memref<3x128x128xf32, #tpu.memory_space<vmem>> -> memref<1x128x128xf32, #tpu.memory_space<vmem>>
    %dma_start3A_495 = tpu.memref_squeeze %dma_start3A_494 : memref<1x128x128xf32, #tpu.memory_space<vmem>> -> memref<128x128xf32, #tpu.memory_space<vmem>>
    %dma_start3A_496 = arith.constant 0 : i32
    %dma_start3A_497 = tpu.memref_slice %arg5[%dma_start3A_490, %dma_start3A_496] : memref<8x128xi32, #tpu.memory_space<vmem>> -> memref<1x128xi32, #tpu.memory_space<vmem>>
    %dma_start3A_498 = tpu.memref_squeeze %dma_start3A_497 : memref<1x128xi32, #tpu.memory_space<vmem>> -> memref<128xi32, #tpu.memory_space<vmem>>
    %dma_start3A_499 = arith.constant 0 : i32
    %dma_start3A_500 = arith.constant 0 : i32
    %dma_start3A_501 = tpu.memref_slice %arg2[%dma_start3A_499, %dma_start3A_500] : memref<2048x128xf32, #tpu.memory_space<hbm>> -> memref<2048x128xf32, #tpu.memory_space<hbm>>
    tpu.enqueue_indirect_dma source(%dma_start3A_501 : memref<2048x128xf32, #tpu.memory_space<hbm>>) target(%dma_start3A_495 : memref<128x128xf32, #tpu.memory_space<vmem>>) offsets(%dma_start3A_498 : memref<128xi32, #tpu.memory_space<vmem>>) semaphore(%arg11 : memref<!tpu.dma_semaphore, #tpu.memory_space<semaphore_mem>>)
    %run_scoped3A_502 = arith.constant 1 : i32
    %run_scoped3A_503 = arith.constant 1 : i32
    "tpu.region"() ({
      %run_scoped3A_641 = tpu.sem_alloc : memref<!tpu.dma_semaphore, #tpu.memory_space<semaphore_mem>>
      %dma_start3A_642 = arith.constant 0 : i32
      %dma_start3A_643 = arith.constant 0 : i32
      %dma_start3A_644 = tpu.memref_slice %arg7[%run_scoped3A_502, %dma_start3A_642, %dma_start3A_643] : memref<3x128x128xf32, #tpu.memory_space<vmem>> -> memref<1x128x128xf32, #tpu.memory_space<vmem>>
      %dma_start3A_645 = tpu.memref_squeeze %dma_start3A_644 : memref<1x128x128xf32, #tpu.memory_space<vmem>> -> memref<128x128xf32, #tpu.memory_space<vmem>>
      %dma_start3A_646 = arith.constant 0 : i32
      %dma_start3A_647 = tpu.memref_slice %arg6[%run_scoped3A_503, %dma_start3A_646] : memref<8x128xi32, #tpu.memory_space<vmem>> -> memref<1x128xi32, #tpu.memory_space<vmem>>
      %dma_start3A_648 = tpu.memref_squeeze %dma_start3A_647 : memref<1x128xi32, #tpu.memory_space<vmem>> -> memref<128xi32, #tpu.memory_space<vmem>>
      %dma_start3A_649 = arith.constant 0 : i32
      %dma_start3A_650 = arith.constant 0 : i32
      %dma_start3A_651 = tpu.memref_slice %arg8[%dma_start3A_649, %dma_start3A_650] : memref<2048x128xf32, #tpu.memory_space<vmem_shared>> -> memref<2048x128xf32, #tpu.memory_space<vmem_shared>>
      tpu.enqueue_indirect_dma source(%dma_start3A_645 : memref<128x128xf32, #tpu.memory_space<vmem>>) target(%dma_start3A_651 : memref<2048x128xf32, #tpu.memory_space<vmem_shared>>) offsets(%dma_start3A_648 : memref<128xi32, #tpu.memory_space<vmem>>) semaphore(%run_scoped3A_641 : memref<!tpu.dma_semaphore, #tpu.memory_space<semaphore_mem>>) {add = true}
      %dma_wait3A_652 = arith.constant 0 : i32
      %dma_wait3A_653 = arith.constant 0 : i32
      %dma_wait3A_654 = tpu.memref_slice %arg7[%run_scoped3A_502, %dma_wait3A_652, %dma_wait3A_653] : memref<3x128x128xf32, #tpu.memory_space<vmem>> -> memref<1x128x128xf32, #tpu.memory_space<vmem>>
      %dma_wait3A_655 = tpu.memref_squeeze %dma_wait3A_654 : memref<1x128x128xf32, #tpu.memory_space<vmem>> -> memref<128x128xf32, #tpu.memory_space<vmem>>
      %dma_wait3A_656 = arith.constant 0 : i32
      %dma_wait3A_657 = tpu.memref_slice %arg6[%run_scoped3A_503, %dma_wait3A_656] : memref<8x128xi32, #tpu.memory_space<vmem>> -> memref<1x128xi32, #tpu.memory_space<vmem>>
      %dma_wait3A_658 = tpu.memref_squeeze %dma_wait3A_657 : memref<1x128xi32, #tpu.memory_space<vmem>> -> memref<128xi32, #tpu.memory_space<vmem>>
      %dma_wait3A_659 = arith.constant 0 : i32
      %dma_wait3A_660 = arith.constant 0 : i32
      %dma_wait3A_661 = tpu.memref_slice %arg8[%dma_wait3A_659, %dma_wait3A_660] : memref<2048x128xf32, #tpu.memory_space<vmem_shared>> -> memref<2048x128xf32, #tpu.memory_space<vmem_shared>>
      tpu.wait_indirect_dma semaphore(%run_scoped3A_641 : memref<!tpu.dma_semaphore, #tpu.memory_space<semaphore_mem>>) src(%dma_wait3A_655 : memref<128x128xf32, #tpu.memory_space<vmem>>) dst(%dma_wait3A_661 : memref<2048x128xf32, #tpu.memory_space<vmem_shared>>)
      tpu.yield
    }) : () -> ()
    %dma_wait3A_504 = arith.constant 2 : i32
    %dma_wait3A_505 = arith.constant 2 : i32
    %dma_wait3A_506 = arith.constant 0 : i32
    %dma_wait3A_507 = arith.constant 0 : i32
    %dma_wait3A_508 = tpu.memref_slice %arg7[%dma_wait3A_505, %dma_wait3A_506, %dma_wait3A_507] : memref<3x128x128xf32, #tpu.memory_space<vmem>> -> memref<1x128x128xf32, #tpu.memory_space<vmem>>
    %dma_wait3A_509 = tpu.memref_squeeze %dma_wait3A_508 : memref<1x128x128xf32, #tpu.memory_space<vmem>> -> memref<128x128xf32, #tpu.memory_space<vmem>>
    %dma_wait3A_510 = arith.constant 0 : i32
    %dma_wait3A_511 = tpu.memref_slice %arg5[%dma_wait3A_504, %dma_wait3A_510] : memref<8x128xi32, #tpu.memory_space<vmem>> -> memref<1x128xi32, #tpu.memory_space<vmem>>
    %dma_wait3A_512 = tpu.memref_squeeze %dma_wait3A_511 : memref<1x128xi32, #tpu.memory_space<vmem>> -> memref<128xi32, #tpu.memory_space<vmem>>
    %dma_wait3A_513 = arith.constant 0 : i32
    %dma_wait3A_514 = arith.constant 0 : i32
    %dma_wait3A_515 = tpu.memref_slice %arg2[%dma_wait3A_513, %dma_wait3A_514] : memref<2048x128xf32, #tpu.memory_space<hbm>> -> memref<2048x128xf32, #tpu.memory_space<hbm>>
    tpu.wait_indirect_dma semaphore(%arg11 : memref<!tpu.dma_semaphore, #tpu.memory_space<semaphore_mem>>) src(%dma_wait3A_515 : memref<2048x128xf32, #tpu.memory_space<hbm>>) dst(%dma_wait3A_509 : memref<128x128xf32, #tpu.memory_space<vmem>>)
    %dma_start3A_516 = arith.constant 4 : i32
    %dma_start3A_517 = arith.constant 1 : i32
    %dma_start3A_518 = arith.constant 0 : i32
    %dma_start3A_519 = arith.constant 0 : i32
    %dma_start3A_520 = tpu.memref_slice %arg7[%dma_start3A_517, %dma_start3A_518, %dma_start3A_519] : memref<3x128x128xf32, #tpu.memory_space<vmem>> -> memref<1x128x128xf32, #tpu.memory_space<vmem>>
    %dma_start3A_521 = tpu.memref_squeeze %dma_start3A_520 : memref<1x128x128xf32, #tpu.memory_space<vmem>> -> memref<128x128xf32, #tpu.memory_space<vmem>>
    %dma_start3A_522 = arith.constant 0 : i32
    %dma_start3A_523 = tpu.memref_slice %arg5[%dma_start3A_516, %dma_start3A_522] : memref<8x128xi32, #tpu.memory_space<vmem>> -> memref<1x128xi32, #tpu.memory_space<vmem>>
    %dma_start3A_524 = tpu.memref_squeeze %dma_start3A_523 : memref<1x128xi32, #tpu.memory_space<vmem>> -> memref<128xi32, #tpu.memory_space<vmem>>
    %dma_start3A_525 = arith.constant 0 : i32
    %dma_start3A_526 = arith.constant 0 : i32
    %dma_start3A_527 = tpu.memref_slice %arg2[%dma_start3A_525, %dma_start3A_526] : memref<2048x128xf32, #tpu.memory_space<hbm>> -> memref<2048x128xf32, #tpu.memory_space<hbm>>
    tpu.enqueue_indirect_dma source(%dma_start3A_527 : memref<2048x128xf32, #tpu.memory_space<hbm>>) target(%dma_start3A_521 : memref<128x128xf32, #tpu.memory_space<vmem>>) offsets(%dma_start3A_524 : memref<128xi32, #tpu.memory_space<vmem>>) semaphore(%arg11 : memref<!tpu.dma_semaphore, #tpu.memory_space<semaphore_mem>>)
    %run_scoped3A_528 = arith.constant 2 : i32
    %run_scoped3A_529 = arith.constant 2 : i32
    "tpu.region"() ({
      %run_scoped3A_641 = tpu.sem_alloc : memref<!tpu.dma_semaphore, #tpu.memory_space<semaphore_mem>>
      %dma_start3A_642 = arith.constant 0 : i32
      %dma_start3A_643 = arith.constant 0 : i32
      %dma_start3A_644 = tpu.memref_slice %arg7[%run_scoped3A_528, %dma_start3A_642, %dma_start3A_643] : memref<3x128x128xf32, #tpu.memory_space<vmem>> -> memref<1x128x128xf32, #tpu.memory_space<vmem>>
      %dma_start3A_645 = tpu.memref_squeeze %dma_start3A_644 : memref<1x128x128xf32, #tpu.memory_space<vmem>> -> memref<128x128xf32, #tpu.memory_space<vmem>>
      %dma_start3A_646 = arith.constant 0 : i32
      %dma_start3A_647 = tpu.memref_slice %arg6[%run_scoped3A_529, %dma_start3A_646] : memref<8x128xi32, #tpu.memory_space<vmem>> -> memref<1x128xi32, #tpu.memory_space<vmem>>
      %dma_start3A_648 = tpu.memref_squeeze %dma_start3A_647 : memref<1x128xi32, #tpu.memory_space<vmem>> -> memref<128xi32, #tpu.memory_space<vmem>>
      %dma_start3A_649 = arith.constant 0 : i32
      %dma_start3A_650 = arith.constant 0 : i32
      %dma_start3A_651 = tpu.memref_slice %arg8[%dma_start3A_649, %dma_start3A_650] : memref<2048x128xf32, #tpu.memory_space<vmem_shared>> -> memref<2048x128xf32, #tpu.memory_space<vmem_shared>>
      tpu.enqueue_indirect_dma source(%dma_start3A_645 : memref<128x128xf32, #tpu.memory_space<vmem>>) target(%dma_start3A_651 : memref<2048x128xf32, #tpu.memory_space<vmem_shared>>) offsets(%dma_start3A_648 : memref<128xi32, #tpu.memory_space<vmem>>) semaphore(%run_scoped3A_641 : memref<!tpu.dma_semaphore, #tpu.memory_space<semaphore_mem>>) {add = true}
      %dma_wait3A_652 = arith.constant 0 : i32
      %dma_wait3A_653 = arith.constant 0 : i32
      %dma_wait3A_654 = tpu.memref_slice %arg7[%run_scoped3A_528, %dma_wait3A_652, %dma_wait3A_653] : memref<3x128x128xf32, #tpu.memory_space<vmem>> -> memref<1x128x128xf32, #tpu.memory_space<vmem>>
      %dma_wait3A_655 = tpu.memref_squeeze %dma_wait3A_654 : memref<1x128x128xf32, #tpu.memory_space<vmem>> -> memref<128x128xf32, #tpu.memory_space<vmem>>
      %dma_wait3A_656 = arith.constant 0 : i32
      %dma_wait3A_657 = tpu.memref_slice %arg6[%run_scoped3A_529, %dma_wait3A_656] : memref<8x128xi32, #tpu.memory_space<vmem>> -> memref<1x128xi32, #tpu.memory_space<vmem>>
      %dma_wait3A_658 = tpu.memref_squeeze %dma_wait3A_657 : memref<1x128xi32, #tpu.memory_space<vmem>> -> memref<128xi32, #tpu.memory_space<vmem>>
      %dma_wait3A_659 = arith.constant 0 : i32
      %dma_wait3A_660 = arith.constant 0 : i32
      %dma_wait3A_661 = tpu.memref_slice %arg8[%dma_wait3A_659, %dma_wait3A_660] : memref<2048x128xf32, #tpu.memory_space<vmem_shared>> -> memref<2048x128xf32, #tpu.memory_space<vmem_shared>>
      tpu.wait_indirect_dma semaphore(%run_scoped3A_641 : memref<!tpu.dma_semaphore, #tpu.memory_space<semaphore_mem>>) src(%dma_wait3A_655 : memref<128x128xf32, #tpu.memory_space<vmem>>) dst(%dma_wait3A_661 : memref<2048x128xf32, #tpu.memory_space<vmem_shared>>)
      tpu.yield
    }) : () -> ()
    %dma_wait3A_530 = arith.constant 3 : i32
    %dma_wait3A_531 = arith.constant 0 : i32
    %dma_wait3A_532 = arith.constant 0 : i32
    %dma_wait3A_533 = arith.constant 0 : i32
    %dma_wait3A_534 = tpu.memref_slice %arg7[%dma_wait3A_531, %dma_wait3A_532, %dma_wait3A_533] : memref<3x128x128xf32, #tpu.memory_space<vmem>> -> memref<1x128x128xf32, #tpu.memory_space<vmem>>
    %dma_wait3A_535 = tpu.memref_squeeze %dma_wait3A_534 : memref<1x128x128xf32, #tpu.memory_space<vmem>> -> memref<128x128xf32, #tpu.memory_space<vmem>>
    %dma_wait3A_536 = arith.constant 0 : i32
    %dma_wait3A_537 = tpu.memref_slice %arg5[%dma_wait3A_530, %dma_wait3A_536] : memref<8x128xi32, #tpu.memory_space<vmem>> -> memref<1x128xi32, #tpu.memory_space<vmem>>
    %dma_wait3A_538 = tpu.memref_squeeze %dma_wait3A_537 : memref<1x128xi32, #tpu.memory_space<vmem>> -> memref<128xi32, #tpu.memory_space<vmem>>
    %dma_wait3A_539 = arith.constant 0 : i32
    %dma_wait3A_540 = arith.constant 0 : i32
    %dma_wait3A_541 = tpu.memref_slice %arg2[%dma_wait3A_539, %dma_wait3A_540] : memref<2048x128xf32, #tpu.memory_space<hbm>> -> memref<2048x128xf32, #tpu.memory_space<hbm>>
    tpu.wait_indirect_dma semaphore(%arg11 : memref<!tpu.dma_semaphore, #tpu.memory_space<semaphore_mem>>) src(%dma_wait3A_541 : memref<2048x128xf32, #tpu.memory_space<hbm>>) dst(%dma_wait3A_535 : memref<128x128xf32, #tpu.memory_space<vmem>>)
    %dma_start3A_542 = arith.constant 5 : i32
    %dma_start3A_543 = arith.constant 2 : i32
    %dma_start3A_544 = arith.constant 0 : i32
    %dma_start3A_545 = arith.constant 0 : i32
    %dma_start3A_546 = tpu.memref_slice %arg7[%dma_start3A_543, %dma_start3A_544, %dma_start3A_545] : memref<3x128x128xf32, #tpu.memory_space<vmem>> -> memref<1x128x128xf32, #tpu.memory_space<vmem>>
    %dma_start3A_547 = tpu.memref_squeeze %dma_start3A_546 : memref<1x128x128xf32, #tpu.memory_space<vmem>> -> memref<128x128xf32, #tpu.memory_space<vmem>>
    %dma_start3A_548 = arith.constant 0 : i32
    %dma_start3A_549 = tpu.memref_slice %arg5[%dma_start3A_542, %dma_start3A_548] : memref<8x128xi32, #tpu.memory_space<vmem>> -> memref<1x128xi32, #tpu.memory_space<vmem>>
    %dma_start3A_550 = tpu.memref_squeeze %dma_start3A_549 : memref<1x128xi32, #tpu.memory_space<vmem>> -> memref<128xi32, #tpu.memory_space<vmem>>
    %dma_start3A_551 = arith.constant 0 : i32
    %dma_start3A_552 = arith.constant 0 : i32
    %dma_start3A_553 = tpu.memref_slice %arg2[%dma_start3A_551, %dma_start3A_552] : memref<2048x128xf32, #tpu.memory_space<hbm>> -> memref<2048x128xf32, #tpu.memory_space<hbm>>
    tpu.enqueue_indirect_dma source(%dma_start3A_553 : memref<2048x128xf32, #tpu.memory_space<hbm>>) target(%dma_start3A_547 : memref<128x128xf32, #tpu.memory_space<vmem>>) offsets(%dma_start3A_550 : memref<128xi32, #tpu.memory_space<vmem>>) semaphore(%arg11 : memref<!tpu.dma_semaphore, #tpu.memory_space<semaphore_mem>>)
    %run_scoped3A_554 = arith.constant 0 : i32
    %run_scoped3A_555 = arith.constant 3 : i32
    "tpu.region"() ({
      %run_scoped3A_641 = tpu.sem_alloc : memref<!tpu.dma_semaphore, #tpu.memory_space<semaphore_mem>>
      %dma_start3A_642 = arith.constant 0 : i32
      %dma_start3A_643 = arith.constant 0 : i32
      %dma_start3A_644 = tpu.memref_slice %arg7[%run_scoped3A_554, %dma_start3A_642, %dma_start3A_643] : memref<3x128x128xf32, #tpu.memory_space<vmem>> -> memref<1x128x128xf32, #tpu.memory_space<vmem>>
      %dma_start3A_645 = tpu.memref_squeeze %dma_start3A_644 : memref<1x128x128xf32, #tpu.memory_space<vmem>> -> memref<128x128xf32, #tpu.memory_space<vmem>>
      %dma_start3A_646 = arith.constant 0 : i32
      %dma_start3A_647 = tpu.memref_slice %arg6[%run_scoped3A_555, %dma_start3A_646] : memref<8x128xi32, #tpu.memory_space<vmem>> -> memref<1x128xi32, #tpu.memory_space<vmem>>
      %dma_start3A_648 = tpu.memref_squeeze %dma_start3A_647 : memref<1x128xi32, #tpu.memory_space<vmem>> -> memref<128xi32, #tpu.memory_space<vmem>>
      %dma_start3A_649 = arith.constant 0 : i32
      %dma_start3A_650 = arith.constant 0 : i32
      %dma_start3A_651 = tpu.memref_slice %arg8[%dma_start3A_649, %dma_start3A_650] : memref<2048x128xf32, #tpu.memory_space<vmem_shared>> -> memref<2048x128xf32, #tpu.memory_space<vmem_shared>>
      tpu.enqueue_indirect_dma source(%dma_start3A_645 : memref<128x128xf32, #tpu.memory_space<vmem>>) target(%dma_start3A_651 : memref<2048x128xf32, #tpu.memory_space<vmem_shared>>) offsets(%dma_start3A_648 : memref<128xi32, #tpu.memory_space<vmem>>) semaphore(%run_scoped3A_641 : memref<!tpu.dma_semaphore, #tpu.memory_space<semaphore_mem>>) {add = true}
      %dma_wait3A_652 = arith.constant 0 : i32
      %dma_wait3A_653 = arith.constant 0 : i32
      %dma_wait3A_654 = tpu.memref_slice %arg7[%run_scoped3A_554, %dma_wait3A_652, %dma_wait3A_653] : memref<3x128x128xf32, #tpu.memory_space<vmem>> -> memref<1x128x128xf32, #tpu.memory_space<vmem>>
      %dma_wait3A_655 = tpu.memref_squeeze %dma_wait3A_654 : memref<1x128x128xf32, #tpu.memory_space<vmem>> -> memref<128x128xf32, #tpu.memory_space<vmem>>
      %dma_wait3A_656 = arith.constant 0 : i32
      %dma_wait3A_657 = tpu.memref_slice %arg6[%run_scoped3A_555, %dma_wait3A_656] : memref<8x128xi32, #tpu.memory_space<vmem>> -> memref<1x128xi32, #tpu.memory_space<vmem>>
      %dma_wait3A_658 = tpu.memref_squeeze %dma_wait3A_657 : memref<1x128xi32, #tpu.memory_space<vmem>> -> memref<128xi32, #tpu.memory_space<vmem>>
      %dma_wait3A_659 = arith.constant 0 : i32
      %dma_wait3A_660 = arith.constant 0 : i32
      %dma_wait3A_661 = tpu.memref_slice %arg8[%dma_wait3A_659, %dma_wait3A_660] : memref<2048x128xf32, #tpu.memory_space<vmem_shared>> -> memref<2048x128xf32, #tpu.memory_space<vmem_shared>>
      tpu.wait_indirect_dma semaphore(%run_scoped3A_641 : memref<!tpu.dma_semaphore, #tpu.memory_space<semaphore_mem>>) src(%dma_wait3A_655 : memref<128x128xf32, #tpu.memory_space<vmem>>) dst(%dma_wait3A_661 : memref<2048x128xf32, #tpu.memory_space<vmem_shared>>)
      tpu.yield
    }) : () -> ()
    %dma_wait3A_556 = arith.constant 4 : i32
    %dma_wait3A_557 = arith.constant 1 : i32
    %dma_wait3A_558 = arith.constant 0 : i32
    %dma_wait3A_559 = arith.constant 0 : i32
    %dma_wait3A_560 = tpu.memref_slice %arg7[%dma_wait3A_557, %dma_wait3A_558, %dma_wait3A_559] : memref<3x128x128xf32, #tpu.memory_space<vmem>> -> memref<1x128x128xf32, #tpu.memory_space<vmem>>
    %dma_wait3A_561 = tpu.memref_squeeze %dma_wait3A_560 : memref<1x128x128xf32, #tpu.memory_space<vmem>> -> memref<128x128xf32, #tpu.memory_space<vmem>>
    %dma_wait3A_562 = arith.constant 0 : i32
    %dma_wait3A_563 = tpu.memref_slice %arg5[%dma_wait3A_556, %dma_wait3A_562] : memref<8x128xi32, #tpu.memory_space<vmem>> -> memref<1x128xi32, #tpu.memory_space<vmem>>
    %dma_wait3A_564 = tpu.memref_squeeze %dma_wait3A_563 : memref<1x128xi32, #tpu.memory_space<vmem>> -> memref<128xi32, #tpu.memory_space<vmem>>
    %dma_wait3A_565 = arith.constant 0 : i32
    %dma_wait3A_566 = arith.constant 0 : i32
    %dma_wait3A_567 = tpu.memref_slice %arg2[%dma_wait3A_565, %dma_wait3A_566] : memref<2048x128xf32, #tpu.memory_space<hbm>> -> memref<2048x128xf32, #tpu.memory_space<hbm>>
    tpu.wait_indirect_dma semaphore(%arg11 : memref<!tpu.dma_semaphore, #tpu.memory_space<semaphore_mem>>) src(%dma_wait3A_567 : memref<2048x128xf32, #tpu.memory_space<hbm>>) dst(%dma_wait3A_561 : memref<128x128xf32, #tpu.memory_space<vmem>>)
    %dma_start3A_568 = arith.constant 6 : i32
    %dma_start3A_569 = arith.constant 0 : i32
    %dma_start3A_570 = arith.constant 0 : i32
    %dma_start3A_571 = arith.constant 0 : i32
    %dma_start3A_572 = tpu.memref_slice %arg7[%dma_start3A_569, %dma_start3A_570, %dma_start3A_571] : memref<3x128x128xf32, #tpu.memory_space<vmem>> -> memref<1x128x128xf32, #tpu.memory_space<vmem>>
    %dma_start3A_573 = tpu.memref_squeeze %dma_start3A_572 : memref<1x128x128xf32, #tpu.memory_space<vmem>> -> memref<128x128xf32, #tpu.memory_space<vmem>>
    %dma_start3A_574 = arith.constant 0 : i32
    %dma_start3A_575 = tpu.memref_slice %arg5[%dma_start3A_568, %dma_start3A_574] : memref<8x128xi32, #tpu.memory_space<vmem>> -> memref<1x128xi32, #tpu.memory_space<vmem>>
    %dma_start3A_576 = tpu.memref_squeeze %dma_start3A_575 : memref<1x128xi32, #tpu.memory_space<vmem>> -> memref<128xi32, #tpu.memory_space<vmem>>
    %dma_start3A_577 = arith.constant 0 : i32
    %dma_start3A_578 = arith.constant 0 : i32
    %dma_start3A_579 = tpu.memref_slice %arg2[%dma_start3A_577, %dma_start3A_578] : memref<2048x128xf32, #tpu.memory_space<hbm>> -> memref<2048x128xf32, #tpu.memory_space<hbm>>
    tpu.enqueue_indirect_dma source(%dma_start3A_579 : memref<2048x128xf32, #tpu.memory_space<hbm>>) target(%dma_start3A_573 : memref<128x128xf32, #tpu.memory_space<vmem>>) offsets(%dma_start3A_576 : memref<128xi32, #tpu.memory_space<vmem>>) semaphore(%arg11 : memref<!tpu.dma_semaphore, #tpu.memory_space<semaphore_mem>>)
    %run_scoped3A_580 = arith.constant 1 : i32
    %run_scoped3A_581 = arith.constant 4 : i32
    "tpu.region"() ({
      %run_scoped3A_641 = tpu.sem_alloc : memref<!tpu.dma_semaphore, #tpu.memory_space<semaphore_mem>>
      %dma_start3A_642 = arith.constant 0 : i32
      %dma_start3A_643 = arith.constant 0 : i32
      %dma_start3A_644 = tpu.memref_slice %arg7[%run_scoped3A_580, %dma_start3A_642, %dma_start3A_643] : memref<3x128x128xf32, #tpu.memory_space<vmem>> -> memref<1x128x128xf32, #tpu.memory_space<vmem>>
      %dma_start3A_645 = tpu.memref_squeeze %dma_start3A_644 : memref<1x128x128xf32, #tpu.memory_space<vmem>> -> memref<128x128xf32, #tpu.memory_space<vmem>>
      %dma_start3A_646 = arith.constant 0 : i32
      %dma_start3A_647 = tpu.memref_slice %arg6[%run_scoped3A_581, %dma_start3A_646] : memref<8x128xi32, #tpu.memory_space<vmem>> -> memref<1x128xi32, #tpu.memory_space<vmem>>
      %dma_start3A_648 = tpu.memref_squeeze %dma_start3A_647 : memref<1x128xi32, #tpu.memory_space<vmem>> -> memref<128xi32, #tpu.memory_space<vmem>>
      %dma_start3A_649 = arith.constant 0 : i32
      %dma_start3A_650 = arith.constant 0 : i32
      %dma_start3A_651 = tpu.memref_slice %arg8[%dma_start3A_649, %dma_start3A_650] : memref<2048x128xf32, #tpu.memory_space<vmem_shared>> -> memref<2048x128xf32, #tpu.memory_space<vmem_shared>>
      tpu.enqueue_indirect_dma source(%dma_start3A_645 : memref<128x128xf32, #tpu.memory_space<vmem>>) target(%dma_start3A_651 : memref<2048x128xf32, #tpu.memory_space<vmem_shared>>) offsets(%dma_start3A_648 : memref<128xi32, #tpu.memory_space<vmem>>) semaphore(%run_scoped3A_641 : memref<!tpu.dma_semaphore, #tpu.memory_space<semaphore_mem>>) {add = true}
      %dma_wait3A_652 = arith.constant 0 : i32
      %dma_wait3A_653 = arith.constant 0 : i32
      %dma_wait3A_654 = tpu.memref_slice %arg7[%run_scoped3A_580, %dma_wait3A_652, %dma_wait3A_653] : memref<3x128x128xf32, #tpu.memory_space<vmem>> -> memref<1x128x128xf32, #tpu.memory_space<vmem>>
      %dma_wait3A_655 = tpu.memref_squeeze %dma_wait3A_654 : memref<1x128x128xf32, #tpu.memory_space<vmem>> -> memref<128x128xf32, #tpu.memory_space<vmem>>
      %dma_wait3A_656 = arith.constant 0 : i32
      %dma_wait3A_657 = tpu.memref_slice %arg6[%run_scoped3A_581, %dma_wait3A_656] : memref<8x128xi32, #tpu.memory_space<vmem>> -> memref<1x128xi32, #tpu.memory_space<vmem>>
      %dma_wait3A_658 = tpu.memref_squeeze %dma_wait3A_657 : memref<1x128xi32, #tpu.memory_space<vmem>> -> memref<128xi32, #tpu.memory_space<vmem>>
      %dma_wait3A_659 = arith.constant 0 : i32
      %dma_wait3A_660 = arith.constant 0 : i32
      %dma_wait3A_661 = tpu.memref_slice %arg8[%dma_wait3A_659, %dma_wait3A_660] : memref<2048x128xf32, #tpu.memory_space<vmem_shared>> -> memref<2048x128xf32, #tpu.memory_space<vmem_shared>>
      tpu.wait_indirect_dma semaphore(%run_scoped3A_641 : memref<!tpu.dma_semaphore, #tpu.memory_space<semaphore_mem>>) src(%dma_wait3A_655 : memref<128x128xf32, #tpu.memory_space<vmem>>) dst(%dma_wait3A_661 : memref<2048x128xf32, #tpu.memory_space<vmem_shared>>)
      tpu.yield
    }) : () -> ()
    %dma_wait3A_582 = arith.constant 5 : i32
    %dma_wait3A_583 = arith.constant 2 : i32
    %dma_wait3A_584 = arith.constant 0 : i32
    %dma_wait3A_585 = arith.constant 0 : i32
    %dma_wait3A_586 = tpu.memref_slice %arg7[%dma_wait3A_583, %dma_wait3A_584, %dma_wait3A_585] : memref<3x128x128xf32, #tpu.memory_space<vmem>> -> memref<1x128x128xf32, #tpu.memory_space<vmem>>
    %dma_wait3A_587 = tpu.memref_squeeze %dma_wait3A_586 : memref<1x128x128xf32, #tpu.memory_space<vmem>> -> memref<128x128xf32, #tpu.memory_space<vmem>>
    %dma_wait3A_588 = arith.constant 0 : i32
    %dma_wait3A_589 = tpu.memref_slice %arg5[%dma_wait3A_582, %dma_wait3A_588] : memref<8x128xi32, #tpu.memory_space<vmem>> -> memref<1x128xi32, #tpu.memory_space<vmem>>
    %dma_wait3A_590 = tpu.memref_squeeze %dma_wait3A_589 : memref<1x128xi32, #tpu.memory_space<vmem>> -> memref<128xi32, #tpu.memory_space<vmem>>
    %dma_wait3A_591 = arith.constant 0 : i32
    %dma_wait3A_592 = arith.constant 0 : i32
    %dma_wait3A_593 = tpu.memref_slice %arg2[%dma_wait3A_591, %dma_wait3A_592] : memref<2048x128xf32, #tpu.memory_space<hbm>> -> memref<2048x128xf32, #tpu.memory_space<hbm>>
    tpu.wait_indirect_dma semaphore(%arg11 : memref<!tpu.dma_semaphore, #tpu.memory_space<semaphore_mem>>) src(%dma_wait3A_593 : memref<2048x128xf32, #tpu.memory_space<hbm>>) dst(%dma_wait3A_587 : memref<128x128xf32, #tpu.memory_space<vmem>>)
    %dma_start3A_594 = arith.constant 7 : i32
    %dma_start3A_595 = arith.constant 1 : i32
    %dma_start3A_596 = arith.constant 0 : i32
    %dma_start3A_597 = arith.constant 0 : i32
    %dma_start3A_598 = tpu.memref_slice %arg7[%dma_start3A_595, %dma_start3A_596, %dma_start3A_597] : memref<3x128x128xf32, #tpu.memory_space<vmem>> -> memref<1x128x128xf32, #tpu.memory_space<vmem>>
    %dma_start3A_599 = tpu.memref_squeeze %dma_start3A_598 : memref<1x128x128xf32, #tpu.memory_space<vmem>> -> memref<128x128xf32, #tpu.memory_space<vmem>>
    %dma_start3A_600 = arith.constant 0 : i32
    %dma_start3A_601 = tpu.memref_slice %arg5[%dma_start3A_594, %dma_start3A_600] : memref<8x128xi32, #tpu.memory_space<vmem>> -> memref<1x128xi32, #tpu.memory_space<vmem>>
    %dma_start3A_602 = tpu.memref_squeeze %dma_start3A_601 : memref<1x128xi32, #tpu.memory_space<vmem>> -> memref<128xi32, #tpu.memory_space<vmem>>
    %dma_start3A_603 = arith.constant 0 : i32
    %dma_start3A_604 = arith.constant 0 : i32
    %dma_start3A_605 = tpu.memref_slice %arg2[%dma_start3A_603, %dma_start3A_604] : memref<2048x128xf32, #tpu.memory_space<hbm>> -> memref<2048x128xf32, #tpu.memory_space<hbm>>
    tpu.enqueue_indirect_dma source(%dma_start3A_605 : memref<2048x128xf32, #tpu.memory_space<hbm>>) target(%dma_start3A_599 : memref<128x128xf32, #tpu.memory_space<vmem>>) offsets(%dma_start3A_602 : memref<128xi32, #tpu.memory_space<vmem>>) semaphore(%arg11 : memref<!tpu.dma_semaphore, #tpu.memory_space<semaphore_mem>>)
    %run_scoped3A_606 = arith.constant 2 : i32
    %run_scoped3A_607 = arith.constant 5 : i32
    "tpu.region"() ({
      %run_scoped3A_641 = tpu.sem_alloc : memref<!tpu.dma_semaphore, #tpu.memory_space<semaphore_mem>>
      %dma_start3A_642 = arith.constant 0 : i32
      %dma_start3A_643 = arith.constant 0 : i32
      %dma_start3A_644 = tpu.memref_slice %arg7[%run_scoped3A_606, %dma_start3A_642, %dma_start3A_643] : memref<3x128x128xf32, #tpu.memory_space<vmem>> -> memref<1x128x128xf32, #tpu.memory_space<vmem>>
      %dma_start3A_645 = tpu.memref_squeeze %dma_start3A_644 : memref<1x128x128xf32, #tpu.memory_space<vmem>> -> memref<128x128xf32, #tpu.memory_space<vmem>>
      %dma_start3A_646 = arith.constant 0 : i32
      %dma_start3A_647 = tpu.memref_slice %arg6[%run_scoped3A_607, %dma_start3A_646] : memref<8x128xi32, #tpu.memory_space<vmem>> -> memref<1x128xi32, #tpu.memory_space<vmem>>
      %dma_start3A_648 = tpu.memref_squeeze %dma_start3A_647 : memref<1x128xi32, #tpu.memory_space<vmem>> -> memref<128xi32, #tpu.memory_space<vmem>>
      %dma_start3A_649 = arith.constant 0 : i32
      %dma_start3A_650 = arith.constant 0 : i32
      %dma_start3A_651 = tpu.memref_slice %arg8[%dma_start3A_649, %dma_start3A_650] : memref<2048x128xf32, #tpu.memory_space<vmem_shared>> -> memref<2048x128xf32, #tpu.memory_space<vmem_shared>>
      tpu.enqueue_indirect_dma source(%dma_start3A_645 : memref<128x128xf32, #tpu.memory_space<vmem>>) target(%dma_start3A_651 : memref<2048x128xf32, #tpu.memory_space<vmem_shared>>) offsets(%dma_start3A_648 : memref<128xi32, #tpu.memory_space<vmem>>) semaphore(%run_scoped3A_641 : memref<!tpu.dma_semaphore, #tpu.memory_space<semaphore_mem>>) {add = true}
      %dma_wait3A_652 = arith.constant 0 : i32
      %dma_wait3A_653 = arith.constant 0 : i32
      %dma_wait3A_654 = tpu.memref_slice %arg7[%run_scoped3A_606, %dma_wait3A_652, %dma_wait3A_653] : memref<3x128x128xf32, #tpu.memory_space<vmem>> -> memref<1x128x128xf32, #tpu.memory_space<vmem>>
      %dma_wait3A_655 = tpu.memref_squeeze %dma_wait3A_654 : memref<1x128x128xf32, #tpu.memory_space<vmem>> -> memref<128x128xf32, #tpu.memory_space<vmem>>
      %dma_wait3A_656 = arith.constant 0 : i32
      %dma_wait3A_657 = tpu.memref_slice %arg6[%run_scoped3A_607, %dma_wait3A_656] : memref<8x128xi32, #tpu.memory_space<vmem>> -> memref<1x128xi32, #tpu.memory_space<vmem>>
      %dma_wait3A_658 = tpu.memref_squeeze %dma_wait3A_657 : memref<1x128xi32, #tpu.memory_space<vmem>> -> memref<128xi32, #tpu.memory_space<vmem>>
      %dma_wait3A_659 = arith.constant 0 : i32
      %dma_wait3A_660 = arith.constant 0 : i32
      %dma_wait3A_661 = tpu.memref_slice %arg8[%dma_wait3A_659, %dma_wait3A_660] : memref<2048x128xf32, #tpu.memory_space<vmem_shared>> -> memref<2048x128xf32, #tpu.memory_space<vmem_shared>>
      tpu.wait_indirect_dma semaphore(%run_scoped3A_641 : memref<!tpu.dma_semaphore, #tpu.memory_space<semaphore_mem>>) src(%dma_wait3A_655 : memref<128x128xf32, #tpu.memory_space<vmem>>) dst(%dma_wait3A_661 : memref<2048x128xf32, #tpu.memory_space<vmem_shared>>)
      tpu.yield
    }) : () -> ()
    %dma_wait3A_608 = arith.constant 6 : i32
    %dma_wait3A_609 = arith.constant 0 : i32
    %dma_wait3A_610 = arith.constant 0 : i32
    %dma_wait3A_611 = arith.constant 0 : i32
    %dma_wait3A_612 = tpu.memref_slice %arg7[%dma_wait3A_609, %dma_wait3A_610, %dma_wait3A_611] : memref<3x128x128xf32, #tpu.memory_space<vmem>> -> memref<1x128x128xf32, #tpu.memory_space<vmem>>
    %dma_wait3A_613 = tpu.memref_squeeze %dma_wait3A_612 : memref<1x128x128xf32, #tpu.memory_space<vmem>> -> memref<128x128xf32, #tpu.memory_space<vmem>>
    %dma_wait3A_614 = arith.constant 0 : i32
    %dma_wait3A_615 = tpu.memref_slice %arg5[%dma_wait3A_608, %dma_wait3A_614] : memref<8x128xi32, #tpu.memory_space<vmem>> -> memref<1x128xi32, #tpu.memory_space<vmem>>
    %dma_wait3A_616 = tpu.memref_squeeze %dma_wait3A_615 : memref<1x128xi32, #tpu.memory_space<vmem>> -> memref<128xi32, #tpu.memory_space<vmem>>
    %dma_wait3A_617 = arith.constant 0 : i32
    %dma_wait3A_618 = arith.constant 0 : i32
    %dma_wait3A_619 = tpu.memref_slice %arg2[%dma_wait3A_617, %dma_wait3A_618] : memref<2048x128xf32, #tpu.memory_space<hbm>> -> memref<2048x128xf32, #tpu.memory_space<hbm>>
    tpu.wait_indirect_dma semaphore(%arg11 : memref<!tpu.dma_semaphore, #tpu.memory_space<semaphore_mem>>) src(%dma_wait3A_619 : memref<2048x128xf32, #tpu.memory_space<hbm>>) dst(%dma_wait3A_613 : memref<128x128xf32, #tpu.memory_space<vmem>>)
    %run_scoped3A_620 = arith.constant 0 : i32
    %run_scoped3A_621 = arith.constant 6 : i32
    "tpu.region"() ({
      %run_scoped3A_641 = tpu.sem_alloc : memref<!tpu.dma_semaphore, #tpu.memory_space<semaphore_mem>>
      %dma_start3A_642 = arith.constant 0 : i32
      %dma_start3A_643 = arith.constant 0 : i32
      %dma_start3A_644 = tpu.memref_slice %arg7[%run_scoped3A_620, %dma_start3A_642, %dma_start3A_643] : memref<3x128x128xf32, #tpu.memory_space<vmem>> -> memref<1x128x128xf32, #tpu.memory_space<vmem>>
      %dma_start3A_645 = tpu.memref_squeeze %dma_start3A_644 : memref<1x128x128xf32, #tpu.memory_space<vmem>> -> memref<128x128xf32, #tpu.memory_space<vmem>>
      %dma_start3A_646 = arith.constant 0 : i32
      %dma_start3A_647 = tpu.memref_slice %arg6[%run_scoped3A_621, %dma_start3A_646] : memref<8x128xi32, #tpu.memory_space<vmem>> -> memref<1x128xi32, #tpu.memory_space<vmem>>
      %dma_start3A_648 = tpu.memref_squeeze %dma_start3A_647 : memref<1x128xi32, #tpu.memory_space<vmem>> -> memref<128xi32, #tpu.memory_space<vmem>>
      %dma_start3A_649 = arith.constant 0 : i32
      %dma_start3A_650 = arith.constant 0 : i32
      %dma_start3A_651 = tpu.memref_slice %arg8[%dma_start3A_649, %dma_start3A_650] : memref<2048x128xf32, #tpu.memory_space<vmem_shared>> -> memref<2048x128xf32, #tpu.memory_space<vmem_shared>>
      tpu.enqueue_indirect_dma source(%dma_start3A_645 : memref<128x128xf32, #tpu.memory_space<vmem>>) target(%dma_start3A_651 : memref<2048x128xf32, #tpu.memory_space<vmem_shared>>) offsets(%dma_start3A_648 : memref<128xi32, #tpu.memory_space<vmem>>) semaphore(%run_scoped3A_641 : memref<!tpu.dma_semaphore, #tpu.memory_space<semaphore_mem>>) {add = true}
      %dma_wait3A_652 = arith.constant 0 : i32
      %dma_wait3A_653 = arith.constant 0 : i32
      %dma_wait3A_654 = tpu.memref_slice %arg7[%run_scoped3A_620, %dma_wait3A_652, %dma_wait3A_653] : memref<3x128x128xf32, #tpu.memory_space<vmem>> -> memref<1x128x128xf32, #tpu.memory_space<vmem>>
      %dma_wait3A_655 = tpu.memref_squeeze %dma_wait3A_654 : memref<1x128x128xf32, #tpu.memory_space<vmem>> -> memref<128x128xf32, #tpu.memory_space<vmem>>
      %dma_wait3A_656 = arith.constant 0 : i32
      %dma_wait3A_657 = tpu.memref_slice %arg6[%run_scoped3A_621, %dma_wait3A_656] : memref<8x128xi32, #tpu.memory_space<vmem>> -> memref<1x128xi32, #tpu.memory_space<vmem>>
      %dma_wait3A_658 = tpu.memref_squeeze %dma_wait3A_657 : memref<1x128xi32, #tpu.memory_space<vmem>> -> memref<128xi32, #tpu.memory_space<vmem>>
      %dma_wait3A_659 = arith.constant 0 : i32
      %dma_wait3A_660 = arith.constant 0 : i32
      %dma_wait3A_661 = tpu.memref_slice %arg8[%dma_wait3A_659, %dma_wait3A_660] : memref<2048x128xf32, #tpu.memory_space<vmem_shared>> -> memref<2048x128xf32, #tpu.memory_space<vmem_shared>>
      tpu.wait_indirect_dma semaphore(%run_scoped3A_641 : memref<!tpu.dma_semaphore, #tpu.memory_space<semaphore_mem>>) src(%dma_wait3A_655 : memref<128x128xf32, #tpu.memory_space<vmem>>) dst(%dma_wait3A_661 : memref<2048x128xf32, #tpu.memory_space<vmem_shared>>)
      tpu.yield
    }) : () -> ()
    %dma_wait3A_622 = arith.constant 7 : i32
    %dma_wait3A_623 = arith.constant 1 : i32
    %dma_wait3A_624 = arith.constant 0 : i32
    %dma_wait3A_625 = arith.constant 0 : i32
    %dma_wait3A_626 = tpu.memref_slice %arg7[%dma_wait3A_623, %dma_wait3A_624, %dma_wait3A_625] : memref<3x128x128xf32, #tpu.memory_space<vmem>> -> memref<1x128x128xf32, #tpu.memory_space<vmem>>
    %dma_wait3A_627 = tpu.memref_squeeze %dma_wait3A_626 : memref<1x128x128xf32, #tpu.memory_space<vmem>> -> memref<128x128xf32, #tpu.memory_space<vmem>>
    %dma_wait3A_628 = arith.constant 0 : i32
    %dma_wait3A_629 = tpu.memref_slice %arg5[%dma_wait3A_622, %dma_wait3A_628] : memref<8x128xi32, #tpu.memory_space<vmem>> -> memref<1x128xi32, #tpu.memory_space<vmem>>
    %dma_wait3A_630 = tpu.memref_squeeze %dma_wait3A_629 : memref<1x128xi32, #tpu.memory_space<vmem>> -> memref<128xi32, #tpu.memory_space<vmem>>
    %dma_wait3A_631 = arith.constant 0 : i32
    %dma_wait3A_632 = arith.constant 0 : i32
    %dma_wait3A_633 = tpu.memref_slice %arg2[%dma_wait3A_631, %dma_wait3A_632] : memref<2048x128xf32, #tpu.memory_space<hbm>> -> memref<2048x128xf32, #tpu.memory_space<hbm>>
    tpu.wait_indirect_dma semaphore(%arg11 : memref<!tpu.dma_semaphore, #tpu.memory_space<semaphore_mem>>) src(%dma_wait3A_633 : memref<2048x128xf32, #tpu.memory_space<hbm>>) dst(%dma_wait3A_627 : memref<128x128xf32, #tpu.memory_space<vmem>>)
    %run_scoped3A_634 = arith.constant 1 : i32
    %run_scoped3A_635 = arith.constant 7 : i32
    "tpu.region"() ({
      %run_scoped3A_641 = tpu.sem_alloc : memref<!tpu.dma_semaphore, #tpu.memory_space<semaphore_mem>>
      %dma_start3A_642 = arith.constant 0 : i32
      %dma_start3A_643 = arith.constant 0 : i32
      %dma_start3A_644 = tpu.memref_slice %arg7[%run_scoped3A_634, %dma_start3A_642, %dma_start3A_643] : memref<3x128x128xf32, #tpu.memory_space<vmem>> -> memref<1x128x128xf32, #tpu.memory_space<vmem>>
      %dma_start3A_645 = tpu.memref_squeeze %dma_start3A_644 : memref<1x128x128xf32, #tpu.memory_space<vmem>> -> memref<128x128xf32, #tpu.memory_space<vmem>>
      %dma_start3A_646 = arith.constant 0 : i32
      %dma_start3A_647 = tpu.memref_slice %arg6[%run_scoped3A_635, %dma_start3A_646] : memref<8x128xi32, #tpu.memory_space<vmem>> -> memref<1x128xi32, #tpu.memory_space<vmem>>
      %dma_start3A_648 = tpu.memref_squeeze %dma_start3A_647 : memref<1x128xi32, #tpu.memory_space<vmem>> -> memref<128xi32, #tpu.memory_space<vmem>>
      %dma_start3A_649 = arith.constant 0 : i32
      %dma_start3A_650 = arith.constant 0 : i32
      %dma_start3A_651 = tpu.memref_slice %arg8[%dma_start3A_649, %dma_start3A_650] : memref<2048x128xf32, #tpu.memory_space<vmem_shared>> -> memref<2048x128xf32, #tpu.memory_space<vmem_shared>>
      tpu.enqueue_indirect_dma source(%dma_start3A_645 : memref<128x128xf32, #tpu.memory_space<vmem>>) target(%dma_start3A_651 : memref<2048x128xf32, #tpu.memory_space<vmem_shared>>) offsets(%dma_start3A_648 : memref<128xi32, #tpu.memory_space<vmem>>) semaphore(%run_scoped3A_641 : memref<!tpu.dma_semaphore, #tpu.memory_space<semaphore_mem>>) {add = true}
      %dma_wait3A_652 = arith.constant 0 : i32
      %dma_wait3A_653 = arith.constant 0 : i32
      %dma_wait3A_654 = tpu.memref_slice %arg7[%run_scoped3A_634, %dma_wait3A_652, %dma_wait3A_653] : memref<3x128x128xf32, #tpu.memory_space<vmem>> -> memref<1x128x128xf32, #tpu.memory_space<vmem>>
      %dma_wait3A_655 = tpu.memref_squeeze %dma_wait3A_654 : memref<1x128x128xf32, #tpu.memory_space<vmem>> -> memref<128x128xf32, #tpu.memory_space<vmem>>
      %dma_wait3A_656 = arith.constant 0 : i32
      %dma_wait3A_657 = tpu.memref_slice %arg6[%run_scoped3A_635, %dma_wait3A_656] : memref<8x128xi32, #tpu.memory_space<vmem>> -> memref<1x128xi32, #tpu.memory_space<vmem>>
      %dma_wait3A_658 = tpu.memref_squeeze %dma_wait3A_657 : memref<1x128xi32, #tpu.memory_space<vmem>> -> memref<128xi32, #tpu.memory_space<vmem>>
      %dma_wait3A_659 = arith.constant 0 : i32
      %dma_wait3A_660 = arith.constant 0 : i32
      %dma_wait3A_661 = tpu.memref_slice %arg8[%dma_wait3A_659, %dma_wait3A_660] : memref<2048x128xf32, #tpu.memory_space<vmem_shared>> -> memref<2048x128xf32, #tpu.memory_space<vmem_shared>>
      tpu.wait_indirect_dma semaphore(%run_scoped3A_641 : memref<!tpu.dma_semaphore, #tpu.memory_space<semaphore_mem>>) src(%dma_wait3A_655 : memref<128x128xf32, #tpu.memory_space<vmem>>) dst(%dma_wait3A_661 : memref<2048x128xf32, #tpu.memory_space<vmem_shared>>)
      tpu.yield
    }) : () -> ()
    %barrier3A_636 = arith.constant 0 : index
    tpu.barrier barrier_id(%barrier3A_636)
    %mul3A_637 = arith.constant 128 : i32
    %mul3A_638 = arith.muli %arg1, %mul3A_637 : i32
    %mul3A_639 = arith.constant 128 : i32
    %mul3A_640 = arith.muli %arg1, %mul3A_639 : i32
    "tpu.region"() ({
      %run_scoped3A_641 = tpu.sem_alloc : memref<!tpu.dma_semaphore, #tpu.memory_space<semaphore_mem>>
      %dma_start3A_642 = arith.constant 0 : i32
      %dma_start3A_643 = tpu.memref_slice %arg4[%arg0, %mul3A_640, %dma_start3A_642] : memref<2x2048x128xf32, #tpu.memory_space<hbm>> -> memref<1x128x128xf32, #tpu.memory_space<hbm>>
      %dma_start3A_644 = tpu.memref_squeeze %dma_start3A_643 : memref<1x128x128xf32, #tpu.memory_space<hbm>> -> memref<128x128xf32, #tpu.memory_space<hbm>>
      %dma_start3A_645 = arith.constant 0 : i32
      %dma_start3A_646 = tpu.memref_slice %arg8[%mul3A_638, %dma_start3A_645] : memref<2048x128xf32, #tpu.memory_space<vmem_shared>> -> memref<128x128xf32, #tpu.memory_space<vmem_shared>>
      tpu.enqueue_dma source(%dma_start3A_646 : memref<128x128xf32, #tpu.memory_space<vmem_shared>>) target(%dma_start3A_644 : memref<128x128xf32, #tpu.memory_space<hbm>>) target_semaphore(%run_scoped3A_641 : memref<!tpu.dma_semaphore, #tpu.memory_space<semaphore_mem>>)
      %dma_wait3A_647 = arith.constant 0 : i32
      %dma_wait3A_648 = tpu.memref_slice %arg4[%arg0, %mul3A_640, %dma_wait3A_647] : memref<2x2048x128xf32, #tpu.memory_space<hbm>> -> memref<1x128x128xf32, #tpu.memory_space<hbm>>
      %dma_wait3A_649 = tpu.memref_squeeze %dma_wait3A_648 : memref<1x128x128xf32, #tpu.memory_space<hbm>> -> memref<128x128xf32, #tpu.memory_space<hbm>>
      %dma_wait3A_650 = arith.constant 0 : i32
      %dma_wait3A_651 = tpu.memref_slice %arg8[%mul3A_638, %dma_wait3A_650] : memref<2048x128xf32, #tpu.memory_space<vmem_shared>> -> memref<128x128xf32, #tpu.memory_space<vmem_shared>>
      tpu.wait_dma2 semaphore(%run_scoped3A_641 : memref<!tpu.dma_semaphore, #tpu.memory_space<semaphore_mem>>) src(%dma_wait3A_651 : memref<128x128xf32, #tpu.memory_space<vmem_shared>>) dst(%dma_wait3A_649 : memref<128x128xf32, #tpu.memory_space<hbm>>)
      tpu.yield
    }) : () -> ()
    return
  }
}

module attributes {stable_mosaic.version = 14 : i64} {
  func.func @_ks1_body(%arg0: memref<1024x1xf32, #tpu.memory_space<vmem>>, %arg1: memref<1x1024xf32, #tpu.memory_space<vmem>>, %arg2: memref<2x2048xf32, #tpu.memory_space<vmem>>, %arg3: memref<2048x128xf32, #tpu.memory_space<vmem>>, %arg4: memref<128x64xf32, #tpu.memory_space<vmem>>, %arg5: memref<2048x1xf32, #tpu.memory_space<vmem>>, %arg6: memref<1x2048xf32, #tpu.memory_space<vmem>>, %arg7: memref<2048x128xf32, #tpu.memory_space<vmem>>) attributes {dimension_semantics = [], scalar_prefetch = 0 : i64, scratch_operands = 0 : i64, tpu.core_type = #tpu.core_type<tc>} {
    %broadcast_in_dim3A = arith.constant 1.000000e+00 : f32
    %broadcast_in_dim3A_0 = vector.broadcast %broadcast_in_dim3A : f32 to vector<2x1xf32>
    %get3A = arith.constant 0 : index
    %get3A_1 = arith.constant 0 : index
    %get3A_2 = vector.load %arg2[%get3A, %get3A_1] : memref<2x2048xf32, #tpu.memory_space<vmem>>, vector<2x2048xf32>
    %dot_general3A = arith.constant dense<0.000000e+00> : vector<2048x1xf32>
    %dot_general3A_3 = tpu.matmul %get3A_2, %broadcast_in_dim3A_0, %dot_general3A {dimension_numbers = #tpu.dot_dimension_numbers<[0], [0], [1], [1], [0, 1, 1, 1], [], []>, transpose_lhs_hint = false} : vector<2x2048xf32>, vector<2x1xf32>, vector<2048x1xf32> -> vector<2048x1xf32>
    %get3A_4 = arith.constant 0 : index
    %get3A_5 = arith.constant 0 : index
    %get3A_6 = vector.load %arg0[%get3A_4, %get3A_5] : memref<1024x1xf32, #tpu.memory_space<vmem>>, vector<1024x1xf32>
    %slice3A = vector.extract_strided_slice %dot_general3A_3 {offsets = [0, 0], sizes = [1024, 1], strides = [1, 1]} : vector<2048x1xf32> to vector<1024x1xf32>
    %add3A = arith.addf %get3A_6, %slice3A : vector<1024x1xf32>
    %slice3A_7 = vector.extract_strided_slice %dot_general3A_3 {offsets = [1024, 0], sizes = [1024, 1], strides = [1, 1]} : vector<2048x1xf32> to vector<1024x1xf32>
    %concatenate3A = tpu.concatenate %add3A, %slice3A_7 in 0 : vector<1024x1xf32>, vector<1024x1xf32> -> vector<2048x1xf32>
    %rsqrt3A = math.rsqrt %concatenate3A : vector<2048x1xf32>
    %swap3A = arith.constant 0 : index
    %swap3A_8 = arith.constant 0 : index
    %swap3A_9 = vector.load %arg5[%swap3A, %swap3A_8] : memref<2048x1xf32, #tpu.memory_space<vmem>>, vector<2048x1xf32>
    tpu.vector_store %arg5[%swap3A, %swap3A_8], %rsqrt3A {strides = array<i32>} : memref<2048x1xf32, #tpu.memory_space<vmem>>, vector<2048x1xf32>,
    %get3A_10 = arith.constant 0 : index
    %get3A_11 = arith.constant 0 : index
    %get3A_12 = vector.load %arg2[%get3A_10, %get3A_11] : memref<2x2048xf32, #tpu.memory_space<vmem>>, vector<2x2048xf32>
    %reduce_sum3A = arith.constant dense<0.000000e+00> : vector<2048xf32>
    %reduce_sum3A_13 = vector.multi_reduction <add>, %get3A_12, %reduce_sum3A [0] : vector<2x2048xf32> to vector<2048xf32>
    %broadcast_in_dim3A_14 = vector.shape_cast %reduce_sum3A_13 : vector<2048xf32> to vector<1x2048xf32>
    %get3A_15 = arith.constant 0 : index
    %get3A_16 = arith.constant 0 : index
    %get3A_17 = vector.load %arg1[%get3A_15, %get3A_16] : memref<1x1024xf32, #tpu.memory_space<vmem>>, vector<1x1024xf32>
    %broadcast_in_dim3A_18 = arith.constant 0.000000e+00 : f32
    %broadcast_in_dim3A_19 = vector.broadcast %broadcast_in_dim3A_18 : f32 to vector<1x1024xf32>
    %concatenate3A_20 = tpu.concatenate %get3A_17, %broadcast_in_dim3A_19 in 1 : vector<1x1024xf32>, vector<1x1024xf32> -> vector<1x2048xf32>
    %add3A_21 = arith.addf %concatenate3A_20, %broadcast_in_dim3A_14 : vector<1x2048xf32>
    %rsqrt3A_22 = math.rsqrt %add3A_21 : vector<1x2048xf32>
    %swap3A_23 = arith.constant 0 : index
    %swap3A_24 = arith.constant 0 : index
    %swap3A_25 = vector.load %arg6[%swap3A_23, %swap3A_24] : memref<1x2048xf32, #tpu.memory_space<vmem>>, vector<1x2048xf32>
    tpu.vector_store %arg6[%swap3A_23, %swap3A_24], %rsqrt3A_22 {strides = array<i32>} : memref<1x2048xf32, #tpu.memory_space<vmem>>, vector<1x2048xf32>,
    %get3A_26 = arith.constant 0 : index
    %get3A_27 = arith.constant 0 : index
    %get3A_28 = vector.load %arg3[%get3A_26, %get3A_27] : memref<2048x128xf32, #tpu.memory_space<vmem>>, vector<2048x128xf32>
    %get3A_29 = arith.constant 0 : index
    %get3A_30 = arith.constant 0 : index
    %get3A_31 = vector.load %arg4[%get3A_29, %get3A_30] : memref<128x64xf32, #tpu.memory_space<vmem>>, vector<128x64xf32>
    %dot_general3A_32 = arith.constant dense<0.000000e+00> : vector<2048x64xf32>
    %dot_general3A_33 = tpu.matmul %get3A_28, %get3A_31, %dot_general3A_32 {dimension_numbers = #tpu.dot_dimension_numbers<[1], [0], [0], [1], [0, 0, 1, 1], [], []>, transpose_lhs_hint = false} : vector<2048x128xf32>, vector<128x64xf32>, vector<2048x64xf32> -> vector<2048x64xf32>
    %mul3A = vector.broadcast %rsqrt3A : vector<2048x1xf32> to vector<2048x64xf32>
    %mul3A_34 = arith.mulf %mul3A, %dot_general3A_33 : vector<2048x64xf32>
    %mul3A_35 = arith.constant 5.000000e-01 : f32
    %mul3A_36 = vector.broadcast %mul3A_35 : f32 to vector<2048x64xf32>
    %mul3A_37 = arith.mulf %mul3A_36, %mul3A_34 : vector<2048x64xf32>
    %concatenate3A_38 = tpu.concatenate %mul3A_34, %mul3A_37 in 1 : vector<2048x64xf32>, vector<2048x64xf32> -> vector<2048x128xf32>
    %swap3A_39 = arith.constant 0 : index
    %swap3A_40 = arith.constant 0 : index
    %swap3A_41 = vector.load %arg7[%swap3A_39, %swap3A_40] : memref<2048x128xf32, #tpu.memory_space<vmem>>, vector<2048x128xf32>
    tpu.vector_store %arg7[%swap3A_39, %swap3A_40], %concatenate3A_38 {strides = array<i32>} : memref<2048x128xf32, #tpu.memory_space<vmem>>, vector<2048x128xf32>,
    return
  }
}

module attributes {stable_mosaic.version = 14 : i64} {
  func.func @_kt_body(%arg0: memref<1024x1024xf32, #tpu.memory_space<vmem>>, %arg1: memref<2048x128xf32, #tpu.memory_space<vmem>>, %arg2: memref<1024x64xf32, #tpu.memory_space<vmem>>) attributes {dimension_semantics = [], scalar_prefetch = 0 : i64, scratch_operands = 0 : i64, tpu.core_type = #tpu.core_type<tc>} {
    %get3A = arith.constant 0 : index
    %get3A_0 = arith.constant 0 : index
    %get3A_1 = vector.load %arg0[%get3A, %get3A_0] : memref<1024x1024xf32, #tpu.memory_space<vmem>>, vector<1024x1024xf32>
    %get3A_2 = arith.constant 0 : index
    %get3A_3 = arith.constant 0 : index
    %get3A_4 = vector.load %arg1[%get3A_2, %get3A_3] : memref<2048x128xf32, #tpu.memory_space<vmem>>, vector<1024x64xf32>
    %dot_general3A = arith.constant dense<0.000000e+00> : vector<1024x64xf32>
    %dot_general3A_5 = tpu.matmul %get3A_1, %get3A_4, %dot_general3A {dimension_numbers = #tpu.dot_dimension_numbers<[0], [0], [1], [1], [0, 1, 1, 1], [], []>, transpose_lhs_hint = false} : vector<1024x1024xf32>, vector<1024x64xf32>, vector<1024x64xf32> -> vector<1024x64xf32>
    %swap3A = arith.constant 0 : index
    %swap3A_6 = arith.constant 0 : index
    %swap3A_7 = vector.load %arg2[%swap3A, %swap3A_6] : memref<1024x64xf32, #tpu.memory_space<vmem>>, vector<1024x64xf32>
    tpu.vector_store %arg2[%swap3A, %swap3A_6], %dot_general3A_5 {strides = array<i32>} : memref<1024x64xf32, #tpu.memory_space<vmem>>, vector<1024x64xf32>,
    return
  }
}

module attributes {stable_mosaic.version = 14 : i64} {
  func.func @_ka_body(%arg0: i32, %arg1: memref<256x1024xf32, #tpu.memory_space<vmem>>, %arg2: memref<256x1024xf32, #tpu.memory_space<vmem>>, %arg3: memref<1024x1xf32, #tpu.memory_space<vmem>>, %arg4: memref<1x1024xf32, #tpu.memory_space<vmem>>) attributes {dimension_semantics = [#tpu.dimension_semantics<arbitrary>], iteration_bounds = array<i64: 4>, scalar_prefetch = 0 : i64, scratch_operands = 0 : i64, tpu.core_type = #tpu.core_type<tc>, window_params = [{transform_indices = @transform_0, window_bounds = array<i64: 256, 1024>}, {transform_indices = @transform_1, window_bounds = array<i64: 256, 1024>}, {pipeline_mode = #tpu.pipeline_mode<synchronous>, transform_indices = @transform_2, window_bounds = array<i64: 1024, 1>}, {pipeline_mode = #tpu.pipeline_mode<synchronous>, transform_indices = @transform_3, window_bounds = array<i64: 1, 1024>}]} {
    %get3A = arith.constant 0 : index
    %get3A_0 = arith.constant 0 : index
    %get3A_1 = vector.load %arg1[%get3A, %get3A_0] : memref<256x1024xf32, #tpu.memory_space<vmem>>, vector<256x1024xf32>
    %ne3A = arith.constant 0.000000e+00 : f32
    %ne3A_2 = vector.broadcast %ne3A : f32 to vector<256x1024xf32>
    %ne3A_3 = arith.cmpf one, %get3A_1, %ne3A_2 : vector<256x1024xf32>
    %logistic3A = arith.negf %get3A_1 : vector<256x1024xf32>
    %logistic3A_4 = math.exp %logistic3A : vector<256x1024xf32>
    %logistic3A_5 = arith.constant 1.000000e+00 : f32
    %logistic3A_6 = vector.broadcast %logistic3A_5 : f32 to vector<256x1024xf32>
    %logistic3A_7 = arith.addf %logistic3A_6, %logistic3A_4 : vector<256x1024xf32>
    %logistic3A_8 = arith.divf %logistic3A_6, %logistic3A_7 : vector<256x1024xf32>
    %jit3A = arith.constant 0.000000e+00 : f32
    %broadcast_in_dim3A = vector.broadcast %jit3A : f32 to vector<256x1024xf32>
    %select_n3A = arith.select %ne3A_3, %logistic3A_8, %broadcast_in_dim3A : vector<256x1024xi1>, vector<256x1024xf32>
    %swap3A = arith.constant 0 : index
    %swap3A_9 = arith.constant 0 : index
    %swap3A_10 = vector.load %arg2[%swap3A, %swap3A_9] : memref<256x1024xf32, #tpu.memory_space<vmem>>, vector<256x1024xf32>
    tpu.vector_store %arg2[%swap3A, %swap3A_9], %select_n3A {strides = array<i32>} : memref<256x1024xf32, #tpu.memory_space<vmem>>, vector<256x1024xf32>,
    %broadcast_in_dim3A_11 = arith.constant 1.000000e+00 : f32
    %broadcast_in_dim3A_12 = vector.broadcast %broadcast_in_dim3A_11 : f32 to vector<256x1xf32>
    %dot_general3A = arith.constant dense<0.000000e+00> : vector<1024x1xf32>
    %dot_general3A_13 = tpu.matmul %select_n3A, %broadcast_in_dim3A_12, %dot_general3A {dimension_numbers = #tpu.dot_dimension_numbers<[0], [0], [1], [1], [0, 1, 1, 1], [], []>, transpose_lhs_hint = false} : vector<256x1024xf32>, vector<256x1xf32>, vector<1024x1xf32> -> vector<1024x1xf32>
    %reduce_sum3A = arith.constant dense<0.000000e+00> : vector<1024xf32>
    %reduce_sum3A_14 = vector.multi_reduction <add>, %select_n3A, %reduce_sum3A [0] : vector<256x1024xf32> to vector<1024xf32>
    %broadcast_in_dim3A_15 = vector.shape_cast %reduce_sum3A_14 : vector<1024xf32> to vector<1x1024xf32>
    %eq3A = arith.constant 0 : i32
    %eq3A_16 = arith.cmpi eq, %arg0, %eq3A : i32
    %convert_element_type3A = arith.extui %eq3A_16 : i1 to i32
    %cond3A = arith.constant 0 : i32
    %cond3A_17 = arith.cmpi ne, %convert_element_type3A, %cond3A : i32
    scf.if %cond3A_17 {
      %swap3A_23 = arith.constant 0 : index
      %swap3A_24 = arith.constant 0 : index
      %swap3A_25 = vector.load %arg3[%swap3A_23, %swap3A_24] : memref<1024x1xf32, #tpu.memory_space<vmem>>, vector<1024x1xf32>
      tpu.vector_store %arg3[%swap3A_23, %swap3A_24], %dot_general3A_13 {strides = array<i32>} : memref<1024x1xf32, #tpu.memory_space<vmem>>, vector<1024x1xf32>,
      %swap3A_26 = arith.constant 0 : index
      %swap3A_27 = arith.constant 0 : index
      %swap3A_28 = vector.load %arg4[%swap3A_26, %swap3A_27] : memref<1x1024xf32, #tpu.memory_space<vmem>>, vector<1x1024xf32>
      tpu.vector_store %arg4[%swap3A_26, %swap3A_27], %broadcast_in_dim3A_15 {strides = array<i32>} : memref<1x1024xf32, #tpu.memory_space<vmem>>, vector<1x1024xf32>,
    } else {
    }
    %ne3A_18 = arith.constant 0 : i32
    %ne3A_19 = arith.cmpi ne, %arg0, %ne3A_18 : i32
    %convert_element_type3A_20 = arith.extui %ne3A_19 : i1 to i32
    %cond3A_21 = arith.constant 0 : i32
    %cond3A_22 = arith.cmpi ne, %convert_element_type3A_20, %cond3A_21 : i32
    scf.if %cond3A_22 {
      %get3A_23 = arith.constant 0 : index
      %get3A_24 = arith.constant 0 : index
      %get3A_25 = vector.load %arg3[%get3A_23, %get3A_24] : memref<1024x1xf32, #tpu.memory_space<vmem>>, vector<1024x1xf32>
      %add3A = arith.addf %get3A_25, %dot_general3A_13 : vector<1024x1xf32>
      %swap3A_26 = arith.constant 0 : index
      %swap3A_27 = arith.constant 0 : index
      %swap3A_28 = vector.load %arg3[%swap3A_26, %swap3A_27] : memref<1024x1xf32, #tpu.memory_space<vmem>>, vector<1024x1xf32>
      tpu.vector_store %arg3[%swap3A_26, %swap3A_27], %add3A {strides = array<i32>} : memref<1024x1xf32, #tpu.memory_space<vmem>>, vector<1024x1xf32>,
      %get3A_29 = arith.constant 0 : index
      %get3A_30 = arith.constant 0 : index
      %get3A_31 = vector.load %arg4[%get3A_29, %get3A_30] : memref<1x1024xf32, #tpu.memory_space<vmem>>, vector<1x1024xf32>
      %add3A_32 = arith.addf %get3A_31, %broadcast_in_dim3A_15 : vector<1x1024xf32>
      %swap3A_33 = arith.constant 0 : index
      %swap3A_34 = arith.constant 0 : index
      %swap3A_35 = vector.load %arg4[%swap3A_33, %swap3A_34] : memref<1x1024xf32, #tpu.memory_space<vmem>>, vector<1x1024xf32>
      tpu.vector_store %arg4[%swap3A_33, %swap3A_34], %add3A_32 {strides = array<i32>} : memref<1x1024xf32, #tpu.memory_space<vmem>>, vector<1x1024xf32>,
    } else {
    }
    return
  }
  func.func @transform_0(%arg0: i32) -> (i32, i32) {
    %c0_i32 = arith.constant 0 : i32
    %c0_i32_0 = arith.constant 0 : i32
    return %arg0, %c0_i32 : i32, i32
  }
  func.func @transform_1(%arg0: i32) -> (i32, i32) {
    %c0_i32 = arith.constant 0 : i32
    %c0_i32_0 = arith.constant 0 : i32
    return %arg0, %c0_i32 : i32, i32
  }
  func.func @transform_2(%arg0: i32) -> (i32, i32) {
    %c0_i32 = arith.constant 0 : i32
    %c0_i32_0 = arith.constant 0 : i32
    %c0_i32_1 = arith.constant 0 : i32
    return %c0_i32, %c0_i32_0 : i32, i32
  }
  func.func @transform_3(%arg0: i32) -> (i32, i32) {
    %c0_i32 = arith.constant 0 : i32
    %c0_i32_0 = arith.constant 0 : i32
    %c0_i32_1 = arith.constant 0 : i32
    return %c0_i32, %c0_i32_0 : i32, i32
  }
}

module attributes {stable_mosaic.version = 14 : i64} {
  func.func @_kc1_body(%arg0: memref<1024x64xf32, #tpu.memory_space<vmem>>, %arg1: memref<2048x128xf32, #tpu.memory_space<vmem>>, %arg2: memref<2x2048x128xf32, #tpu.memory_space<vmem>>, %arg3: memref<2048x1xf32, #tpu.memory_space<vmem>>, %arg4: memref<64xf32, #tpu.memory_space<vmem>>, %arg5: memref<64x32xf32, #tpu.memory_space<vmem>>, %arg6: memref<64x32xf32, #tpu.memory_space<vmem>>, %arg7: memref<2048x128xf32, #tpu.memory_space<vmem>>) attributes {dimension_semantics = [], scalar_prefetch = 0 : i64, scratch_operands = 0 : i64, tpu.core_type = #tpu.core_type<tc>} {
    %get3A = arith.constant 0 : index
    %get3A_0 = arith.constant 0 : index
    %get3A_1 = vector.load %arg1[%get3A, %get3A_0] : memref<2048x128xf32, #tpu.memory_space<vmem>>, vector<2048x64xf32>
    %get3A_2 = arith.constant 0 : index
    %get3A_3 = arith.constant 0 : index
    %get3A_4 = vector.load %arg0[%get3A_2, %get3A_3] : memref<1024x64xf32, #tpu.memory_space<vmem>>, vector<1024x64xf32>
    %get3A_5 = arith.constant 0 : index
    %get3A_6 = arith.constant 0 : index
    %get3A_7 = arith.constant 0 : index
    %get3A_8 = vector.load %arg2[%get3A_5, %get3A_6, %get3A_7] : memref<2x2048x128xf32, #tpu.memory_space<vmem>>, vector<1x2048x64xf32>
    %get3A_9 = vector.shape_cast %get3A_8 : vector<1x2048x64xf32> to vector<2048x64xf32>
    %get3A_10 = arith.constant 1 : index
    %get3A_11 = arith.constant 0 : index
    %get3A_12 = arith.constant 0 : index
    %get3A_13 = vector.load %arg2[%get3A_10, %get3A_11, %get3A_12] : memref<2x2048x128xf32, #tpu.memory_space<vmem>>, vector<1x2048x64xf32>
    %get3A_14 = vector.shape_cast %get3A_13 : vector<1x2048x64xf32> to vector<2048x64xf32>
    %add3A = arith.addf %get3A_9, %get3A_14 : vector<2048x64xf32>
    %sub3A = arith.subf %add3A, %get3A_1 : vector<2048x64xf32>
    %get3A_15 = arith.constant 0 : index
    %get3A_16 = vector.load %arg4[%get3A_15] : memref<64xf32, #tpu.memory_space<vmem>>, vector<64xf32>
    %get3A_17 = arith.constant 0 : index
    %get3A_18 = arith.constant 0 : index
    %get3A_19 = vector.load %arg3[%get3A_17, %get3A_18] : memref<2048x1xf32, #tpu.memory_space<vmem>>, vector<1024x1xf32>
    %slice3A = vector.extract_strided_slice %sub3A {offsets = [0, 0], sizes = [1024, 64], strides = [1, 1]} : vector<2048x64xf32> to vector<1024x64xf32>
    %add3A_20 = arith.addf %get3A_4, %slice3A : vector<1024x64xf32>
    %mul3A = vector.broadcast %get3A_19 : vector<1024x1xf32> to vector<1024x64xf32>
    %mul3A_21 = arith.mulf %mul3A, %add3A_20 : vector<1024x64xf32>
    %broadcast_in_dim3A = vector.shape_cast %get3A_16 : vector<64xf32> to vector<1x64xf32>
    %add3A_22 = vector.broadcast %broadcast_in_dim3A : vector<1x64xf32> to vector<1024x64xf32>
    %add3A_23 = arith.addf %mul3A_21, %add3A_22 : vector<1024x64xf32>
    %get3A_24 = arith.constant 1024 : index
    %get3A_25 = arith.constant 0 : index
    %get3A_26 = vector.load %arg3[%get3A_24, %get3A_25] : memref<2048x1xf32, #tpu.memory_space<vmem>>, vector<1024x1xf32>
    %slice3A_27 = vector.extract_strided_slice %sub3A {offsets = [1024, 0], sizes = [1024, 64], strides = [1, 1]} : vector<2048x64xf32> to vector<1024x64xf32>
    %mul3A_28 = vector.broadcast %get3A_26 : vector<1024x1xf32> to vector<1024x64xf32>
    %mul3A_29 = arith.mulf %mul3A_28, %slice3A_27 : vector<1024x64xf32>
    %broadcast_in_dim3A_30 = vector.shape_cast %get3A_16 : vector<64xf32> to vector<1x64xf32>
    %add3A_31 = vector.broadcast %broadcast_in_dim3A_30 : vector<1x64xf32> to vector<1024x64xf32>
    %add3A_32 = arith.addf %mul3A_29, %add3A_31 : vector<1024x64xf32>
    %max3A = arith.constant 0.000000e+00 : f32
    %max3A_33 = vector.broadcast %max3A : f32 to vector<1024x64xf32>
    %max3A_34 = arith.maximumf %add3A_23, %max3A_33 : vector<1024x64xf32>
    %max3A_35 = arith.constant 0.000000e+00 : f32
    %max3A_36 = vector.broadcast %max3A_35 : f32 to vector<1024x64xf32>
    %max3A_37 = arith.maximumf %add3A_32, %max3A_36 : vector<1024x64xf32>
    %get3A_38 = arith.constant 0 : index
    %get3A_39 = arith.constant 0 : index
    %get3A_40 = vector.load %arg5[%get3A_38, %get3A_39] : memref<64x32xf32, #tpu.memory_space<vmem>>, vector<64x32xf32>
    %get3A_41 = arith.constant 0 : index
    %get3A_42 = arith.constant 0 : index
    %get3A_43 = vector.load %arg6[%get3A_41, %get3A_42] : memref<64x32xf32, #tpu.memory_space<vmem>>, vector<64x32xf32>
    %concatenate3A = tpu.concatenate %get3A_40, %get3A_43 in 1 : vector<64x32xf32>, vector<64x32xf32> -> vector<64x64xf32>
    %get3A_44 = arith.constant 0 : index
    %get3A_45 = arith.constant 0 : index
    %get3A_46 = vector.load %arg3[%get3A_44, %get3A_45] : memref<2048x1xf32, #tpu.memory_space<vmem>>, vector<1024x1xf32>
    %dot_general3A = arith.constant dense<0.000000e+00> : vector<1024x64xf32>
    %dot_general3A_47 = tpu.matmul %max3A_34, %concatenate3A, %dot_general3A {dimension_numbers = #tpu.dot_dimension_numbers<[1], [0], [0], [1], [0, 0, 1, 1], [], []>, transpose_lhs_hint = false} : vector<1024x64xf32>, vector<64x64xf32>, vector<1024x64xf32> -> vector<1024x64xf32>
    %mul3A_48 = vector.broadcast %get3A_46 : vector<1024x1xf32> to vector<1024x64xf32>
    %mul3A_49 = arith.mulf %mul3A_48, %dot_general3A_47 : vector<1024x64xf32>
    %get3A_50 = arith.constant 1024 : index
    %get3A_51 = arith.constant 0 : index
    %get3A_52 = vector.load %arg3[%get3A_50, %get3A_51] : memref<2048x1xf32, #tpu.memory_space<vmem>>, vector<1024x1xf32>
    %dot_general3A_53 = arith.constant dense<0.000000e+00> : vector<1024x64xf32>
    %dot_general3A_54 = tpu.matmul %max3A_37, %concatenate3A, %dot_general3A_53 {dimension_numbers = #tpu.dot_dimension_numbers<[1], [0], [0], [1], [0, 0, 1, 1], [], []>, transpose_lhs_hint = false} : vector<1024x64xf32>, vector<64x64xf32>, vector<1024x64xf32> -> vector<1024x64xf32>
    %mul3A_55 = vector.broadcast %get3A_52 : vector<1024x1xf32> to vector<1024x64xf32>
    %mul3A_56 = arith.mulf %mul3A_55, %dot_general3A_54 : vector<1024x64xf32>
    %mul3A_57 = arith.constant 5.000000e-01 : f32
    %mul3A_58 = vector.broadcast %mul3A_57 : f32 to vector<1024x64xf32>
    %mul3A_59 = arith.mulf %mul3A_58, %mul3A_49 : vector<1024x64xf32>
    %concatenate3A_60 = tpu.concatenate %mul3A_49, %mul3A_59 in 1 : vector<1024x64xf32>, vector<1024x64xf32> -> vector<1024x128xf32>
    %swap3A = arith.constant 0 : index
    %swap3A_61 = arith.constant 0 : index
    %swap3A_62 = vector.load %arg7[%swap3A, %swap3A_61] : memref<2048x128xf32, #tpu.memory_space<vmem>>, vector<1024x128xf32>
    tpu.vector_store %arg7[%swap3A, %swap3A_61], %concatenate3A_60 {strides = array<i32>} : memref<2048x128xf32, #tpu.memory_space<vmem>>, vector<1024x128xf32>,
    %mul3A_63 = arith.constant 5.000000e-01 : f32
    %mul3A_64 = vector.broadcast %mul3A_63 : f32 to vector<1024x64xf32>
    %mul3A_65 = arith.mulf %mul3A_64, %mul3A_56 : vector<1024x64xf32>
    %concatenate3A_66 = tpu.concatenate %mul3A_56, %mul3A_65 in 1 : vector<1024x64xf32>, vector<1024x64xf32> -> vector<1024x128xf32>
    %swap3A_67 = arith.constant 1024 : index
    %swap3A_68 = arith.constant 0 : index
    %swap3A_69 = vector.load %arg7[%swap3A_67, %swap3A_68] : memref<2048x128xf32, #tpu.memory_space<vmem>>, vector<1024x128xf32>
    tpu.vector_store %arg7[%swap3A_67, %swap3A_68], %concatenate3A_66 {strides = array<i32>} : memref<2048x128xf32, #tpu.memory_space<vmem>>, vector<1024x128xf32>,
    return
  }
}

module attributes {stable_mosaic.version = 14 : i64} {
  func.func @_ktt_body(%arg0: memref<1024x1024xf32, #tpu.memory_space<vmem>>, %arg1: memref<2048x128xf32, #tpu.memory_space<vmem>>, %arg2: memref<64x1024xf32, #tpu.memory_space<vmem>>) attributes {dimension_semantics = [], scalar_prefetch = 0 : i64, scratch_operands = 0 : i64, tpu.core_type = #tpu.core_type<tc>} {
    %get3A = arith.constant 0 : index
    %get3A_0 = arith.constant 0 : index
    %get3A_1 = vector.load %arg1[%get3A, %get3A_0] : memref<2048x128xf32, #tpu.memory_space<vmem>>, vector<1024x64xf32>
    %get3A_2 = arith.constant 0 : index
    %get3A_3 = arith.constant 0 : index
    %get3A_4 = vector.load %arg0[%get3A_2, %get3A_3] : memref<1024x1024xf32, #tpu.memory_space<vmem>>, vector<1024x1024xf32>
    %dot_general3A = arith.constant dense<0.000000e+00> : vector<64x1024xf32>
    %dot_general3A_5 = tpu.matmul %get3A_1, %get3A_4, %dot_general3A {dimension_numbers = #tpu.dot_dimension_numbers<[0], [0], [1], [1], [0, 1, 1, 1], [], []>, transpose_lhs_hint = false} : vector<1024x64xf32>, vector<1024x1024xf32>, vector<64x1024xf32> -> vector<64x1024xf32>
    %swap3A = arith.constant 0 : index
    %swap3A_6 = arith.constant 0 : index
    %swap3A_7 = vector.load %arg2[%swap3A, %swap3A_6] : memref<64x1024xf32, #tpu.memory_space<vmem>>, vector<64x1024xf32>
    tpu.vector_store %arg2[%swap3A, %swap3A_6], %dot_general3A_5 {strides = array<i32>} : memref<64x1024xf32, #tpu.memory_space<vmem>>, vector<64x1024xf32>,
    return
  }
}

module attributes {stable_mosaic.version = 14 : i64} {
  func.func @_ko_body(%arg0: memref<64x1024xf32, #tpu.memory_space<vmem>>, %arg1: memref<2048x128xf32, #tpu.memory_space<vmem>>, %arg2: memref<2x2048x128xf32, #tpu.memory_space<vmem>>, %arg3: memref<1x2048xf32, #tpu.memory_space<vmem>>, %arg4: memref<32x1xf32, #tpu.memory_space<vmem>>, %arg5: memref<32x1xf32, #tpu.memory_space<vmem>>, %arg6: memref<32x2048xf32, #tpu.memory_space<vmem>>, %arg7: memref<32x2048xf32, #tpu.memory_space<vmem>>) attributes {dimension_semantics = [], scalar_prefetch = 0 : i64, scratch_operands = 0 : i64, tpu.core_type = #tpu.core_type<tc>} {
    %get3A = arith.constant 0 : index
    %get3A_0 = arith.constant 0 : index
    %get3A_1 = vector.load %arg1[%get3A, %get3A_0] : memref<2048x128xf32, #tpu.memory_space<vmem>>, vector<2048x64xf32>
    %get3A_2 = arith.constant 0 : index
    %get3A_3 = arith.constant 0 : index
    %get3A_4 = arith.constant 0 : index
    %get3A_5 = vector.load %arg2[%get3A_2, %get3A_3, %get3A_4] : memref<2x2048x128xf32, #tpu.memory_space<vmem>>, vector<1x2048x64xf32>
    %get3A_6 = vector.shape_cast %get3A_5 : vector<1x2048x64xf32> to vector<2048x64xf32>
    %get3A_7 = arith.constant 1 : index
    %get3A_8 = arith.constant 0 : index
    %get3A_9 = arith.constant 0 : index
    %get3A_10 = vector.load %arg2[%get3A_7, %get3A_8, %get3A_9] : memref<2x2048x128xf32, #tpu.memory_space<vmem>>, vector<1x2048x64xf32>
    %get3A_11 = vector.shape_cast %get3A_10 : vector<1x2048x64xf32> to vector<2048x64xf32>
    %add3A = arith.addf %get3A_6, %get3A_11 : vector<2048x64xf32>
    %sub3A = arith.subf %add3A, %get3A_1 : vector<2048x64xf32>
    %transpose3A = tpu.transpose %sub3A, [1, 0] : vector<2048x64xf32> -> vector<64x2048xf32>
    %get3A_12 = arith.constant 0 : index
    %get3A_13 = arith.constant 0 : index
    %get3A_14 = vector.load %arg0[%get3A_12, %get3A_13] : memref<64x1024xf32, #tpu.memory_space<vmem>>, vector<64x1024xf32>
    %slice3A = vector.extract_strided_slice %transpose3A {offsets = [0, 0], sizes = [64, 1024], strides = [1, 1]} : vector<64x2048xf32> to vector<64x1024xf32>
    %add3A_15 = arith.addf %get3A_14, %slice3A : vector<64x1024xf32>
    %get3A_16 = arith.constant 0 : index
    %get3A_17 = arith.constant 0 : index
    %get3A_18 = vector.load %arg3[%get3A_16, %get3A_17] : memref<1x2048xf32, #tpu.memory_space<vmem>>, vector<1x2048xf32>
    %slice3A_19 = vector.extract_strided_slice %transpose3A {offsets = [0, 1024], sizes = [64, 1024], strides = [1, 1]} : vector<64x2048xf32> to vector<64x1024xf32>
    %concatenate3A = tpu.concatenate %add3A_15, %slice3A_19 in 1 : vector<64x1024xf32>, vector<64x1024xf32> -> vector<64x2048xf32>
    %mul3A = vector.broadcast %get3A_18 : vector<1x2048xf32> to vector<64x2048xf32>
    %mul3A_20 = arith.mulf %mul3A, %concatenate3A : vector<64x2048xf32>
    %slice3A_21 = vector.extract_strided_slice %mul3A_20 {offsets = [0, 0], sizes = [32, 2048], strides = [1, 1]} : vector<64x2048xf32> to vector<32x2048xf32>
    %get3A_22 = arith.constant 0 : index
    %get3A_23 = arith.constant 0 : index
    %get3A_24 = vector.load %arg4[%get3A_22, %get3A_23] : memref<32x1xf32, #tpu.memory_space<vmem>>, vector<32x1xf32>
    %add3A_25 = vector.broadcast %get3A_24 : vector<32x1xf32> to vector<32x2048xf32>
    %add3A_26 = arith.addf %slice3A_21, %add3A_25 : vector<32x2048xf32>
    %swap3A = arith.constant 0 : index
    %swap3A_27 = arith.constant 0 : index
    %swap3A_28 = vector.load %arg6[%swap3A, %swap3A_27] : memref<32x2048xf32, #tpu.memory_space<vmem>>, vector<32x2048xf32>
    tpu.vector_store %arg6[%swap3A, %swap3A_27], %add3A_26 {strides = array<i32>} : memref<32x2048xf32, #tpu.memory_space<vmem>>, vector<32x2048xf32>,
    %slice3A_29 = vector.extract_strided_slice %mul3A_20 {offsets = [32, 0], sizes = [32, 2048], strides = [1, 1]} : vector<64x2048xf32> to vector<32x2048xf32>
    %get3A_30 = arith.constant 0 : index
    %get3A_31 = arith.constant 0 : index
    %get3A_32 = vector.load %arg5[%get3A_30, %get3A_31] : memref<32x1xf32, #tpu.memory_space<vmem>>, vector<32x1xf32>
    %add3A_33 = vector.broadcast %get3A_32 : vector<32x1xf32> to vector<32x2048xf32>
    %add3A_34 = arith.addf %slice3A_29, %add3A_33 : vector<32x2048xf32>
    %swap3A_35 = arith.constant 0 : index
    %swap3A_36 = arith.constant 0 : index
    %swap3A_37 = vector.load %arg7[%swap3A_35, %swap3A_36] : memref<32x2048xf32, #tpu.memory_space<vmem>>, vector<32x2048xf32>
    tpu.vector_store %arg7[%swap3A_35, %swap3A_36], %add3A_34 {strides = array<i32>} : memref<32x2048xf32, #tpu.memory_space<vmem>>, vector<32x2048xf32>,
    return
  }
}

</mosaic_0001>

<sc_bundles>
// kernel: kernel.11.cloned.1.call-start
scs
__scs_entry_jumppad:
0x0: {  	(pc) =	sbr.rel $0x88, $3  }
0x1: {  	(tag) =	ssettag $0x0;
	lr =	simm.s32 $0x1  }
0x2: {  	[smem:$0x3F98] =	sst lr;
	_ =	strace $0xD0000000  }
0x3: {  	_ = 	snop  }
0x4: {  	_ = 	snop  }
0x5: {  	_ = 	snop  }
0x6: {  	_ = 	snop  }
0x7: {  	_ = 	snop  }
__scs_overlays_trampoline_lowered:
0x8: {  	[smem:$0x3FA7] =	sst s0  }
0x9: {  	[smem:$0x3FA8] =	sst s1  }
0xa: {  	[smem:$0x3FA9] =	sst s2  }
0xb: {  	[smem:$0x3FAA] =	sst s3  }
0xc: {  	[smem:$0x3FAB] =	sst s4  }
0xd: {  	[smem:$0x3FAC] =	sst s5  }
0xe: {  	[smem:$0x3FAD] =	sst s6  }
0xf: {  	[smem:$0x3FAE] =	sst s7  }
0x10: {  	[smem:$0x3FAF] =	sst s8  }
0x11: {  	[smem:$0x3FB0] =	sst s9;
	s0 =	simm.s32 @!p0 $0x0  }
0x12: {  	s1 =	sld [smem:$0x3F96];
	s0 =	simm.s32 @p0 $0x1  }
0x13: {  	[smem:$0x3FB1] =	sst s0;
	s0 =	simm.s32 @!p1 $0x0  }
0x14: {  	s2 =	sld [smem:$0x3F95];
	s0 =	simm.s32 @p1 $0x1  }
0x15: {  	[smem:$0x3FB2] =	sst s0;
	s0 =	simm.s32 @!p2 $0x0  }
0x16: {  	s3 =	sld [smem:$0x3FDB];
	s0 =	simm.s32 @p2 $0x1  }
0x17: {  	s4 =	simm.s32 $0x1BF5;
	[smem:$0x3FB4] =	sst s0  }
0x18: {  	s0 =	sld [smem:$0x3F97];
	_ =	swait.ge [sflag:s4], $0x0  }
0x19: {  	s7 =	sld [smem:$0x3F98]  }
0x1a: {  	s8 =	sadd.s32 $0xFFFFE003, lr  }
0x1b: {  	s9 =	sadd.s32 $0xFFFFFEF7, lr;
	s5 =	simm.s32 $0xFFFFFFFF;
	p2 =	slt.u32 s8, $0xFFFFF086  }
0x1c: {  	p1 =	slt.u32 s9, $0xF7A;
	s5 =	simm.s32 @!p2 $0x0  }
0x1d: {  	s5 =	simm.s32 @p1 $0x1;
	p0 =	seq.s32 s7, s2  }
0x1e: {  	s7 =	smul.u32 @!p0 $0xF7A, s2;
	p2 =	seq.s32 @!p0 s5, $0x0  }
0x1f: {  	s9 =	smul.u32 $0xF7A, s1;
	s8 =	simm.s32 @!p0 $0x1BF5;
	p2 =	por !p2, p0  }
0x20: {  	[sflag:s8] =	ssyncset.s32 @!p0 $0xFFFFF086;
	s6 =	sadd.s32 @!p0 s3, s7;
	s7 =	simm.s32 @!p0 $0x108  }
0x21: {  	s3 =	sadd.s32 s3, s9;
	s6 =	sadd.s32 @!p0 $0x88, s6;
	s7 =	simm.s32 @p2 $0x1082  }
0x22: {  	[simem:s7], [sflag:s8] =	dma.local @!p0 [hbm:s6], $0xF7A  }
0x23: {  	s9 =	sor.u32 $0xD0000000, s2;
	s6 =	simm.s32 $0x108;
	_ =	swait.ge @!p0 [sflag:s8], $0x0  }
0x24: {  	s3 =	sadd.s32 $0x88, s3;
	s6 =	simm.s32 @!p1 $0x1082;
	[sflag:s4] =	ssyncset.s32 $0xFFFFF086  }
0x25: {  	[simem:s6], [sflag:s4] =	dma.local [hbm:s3], $0xF7A  }
0x26: {  	[smem:$0x3F98] =	sst s1;
	(tag) =	ssettag s2;
	_ =	strace s9  }
0x27: {  	s1 =	sld [smem:$0x3FA8]  }
0x28: {  	s2 =	sld [smem:$0x3FA9]  }
0x29: {  	s4 =	sld [smem:$0x3FAB]  }
0x2a: {  	p0 =	seq.s32 s5, $0x0;
	s5 =	sld [smem:$0x3FAC]  }
0x2b: {  	s6 =	sld [smem:$0x3FAD]  }
0x2c: {  	s7 =	sld [smem:$0x3FAE]  }
0x2d: {  	s3 =	simm.s32 $0x108;
	s8 =	sld [smem:$0x3FAF]  }
0x2e: {  	s3 =	simm.s32 @!p0 $0x1082;
	s9 =	sld [smem:$0x3FB0]  }
0x2f: {  	lr =	sadd.s32 s0, s3;
	s0 =	sld [smem:$0x3FA7]  }
0x30: {  	s3 =	sld [smem:$0x3FAA]  }
0x31: {  	[smem:$0x3FB3] =	sst s10  }
0x32: {  	s10 =	sld [smem:$0x3FB1];
	_ =	sdelay $0x3  }
0x33: {  	p0 =	seq.s32 s10, $0x1;
	s10 =	sld [smem:$0x3FB3];
	_ =	sdelay $0x3  }
0x34: {  	[smem:$0x3FB3] =	sst s10  }
0x35: {  	s10 =	sld [smem:$0x3FB2];
	_ =	sdelay $0x3  }
0x36: {  	p1 =	seq.s32 s10, $0x1;
	s10 =	sld [smem:$0x3FB3];
	_ =	sdelay $0x3  }
0x37: {  	[smem:$0x3FB3] =	sst s10  }
0x38: {  	s10 =	sld [smem:$0x3FB4]  }
0x39: {  	_ = 	snop;
	(pc) =	sbr.ind lr, $3  }
0x3a: {  	_ = 	snop  }
0x3b: {  	_ = 	snop  }
0x3c: {  	p2 =	seq.s32 s10, $0x1;
	s10 =	sld [smem:$0x3FB3]  }
0x3d: {  	_ =	shalt  }
0x3e: {  	_ =	shalt  }
0x3f: {  	_ =	shalt  }
0x40: {  	_ =	shalt  }
0x41: {  	_ =	shalt  }
0x42: {  	_ =	shalt  }
0x43: {  	_ =	shalt  }
0x44: {  	_ =	shalt  }
0x45: {  	_ =	shalt  }
0x46: {  	_ =	shalt  }
0x47: {  	_ =	shalt  }
0x48: {  	_ =	shalt  }
0x49: {  	_ =	shalt  }
0x4a: {  	_ =	shalt  }
0x4b: {  	_ =	shalt  }
0x4c: {  	_ =	shalt  }
0x4d: {  	_ =	shalt  }
0x4e: {  	_ =	shalt  }
0x4f: {  	_ =	shalt  }
0x50: {  	_ =	shalt  }
0x51: {  	_ =	shalt  }
0x52: {  	_ =	shalt  }
0x53: {  	_ =	shalt  }
0x54: {  	_ =	shalt  }
0x55: {  	_ =	shalt  }
0x56: {  	_ =	shalt  }
0x57: {  	_ =	shalt  }
0x58: {  	_ =	shalt  }
0x59: {  	_ =	shalt  }
0x5a: {  	_ =	shalt  }
0x5b: {  	_ =	shalt  }
0x5c: {  	_ =	shalt  }
0x5d: {  	_ =	shalt  }
0x5e: {  	_ =	shalt  }
0x5f: {  	_ =	shalt  }
0x60: {  	_ =	shalt  }
0x61: {  	_ =	shalt  }
0x62: {  	_ =	shalt  }
0x63: {  	_ =	shalt  }
0x64: {  	_ =	shalt  }
0x65: {  	_ =	shalt  }
0x66: {  	_ =	shalt  }
0x67: {  	_ =	shalt  }
0x68: {  	_ =	shalt  }
0x69: {  	_ =	shalt  }
0x6a: {  	_ =	shalt  }
0x6b: {  	_ =	shalt  }
0x6c: {  	_ =	shalt  }
0x6d: {  	_ =	shalt  }
0x6e: {  	_ =	shalt  }
0x6f: {  	_ =	shalt  }
0x70: {  	_ =	shalt  }
0x71: {  	_ =	shalt  }
0x72: {  	_ =	shalt  }
0x73: {  	_ =	shalt  }
0x74: {  	_ =	shalt  }
0x75: {  	_ =	shalt  }
0x76: {  	_ =	shalt  }
0x77: {  	_ =	shalt  }
0x78: {  	_ =	shalt  }
0x79: {  	_ =	shalt  }
0x7a: {  	_ =	shalt  }
0x7b: {  	_ =	shalt  }
0x7c: {  	_ =	shalt  }
0x7d: {  	_ =	shalt  }
0x7e: {  	_ =	shalt  }
0x7f: {  	_ =	shalt  }
0x80: {  	_ =	shalt  }
0x81: {  	_ =	shalt  }
0x82: {  	_ =	shalt  }
0x83: {  	_ =	shalt  }
0x84: {  	_ =	shalt  }
0x85: {  	_ =	shalt  }
0x86: {  	_ =	shalt  }
0x87: {  	_ =	shalt  }
.Lfunc_end0:
.L_simem_size_0:
called_computation_lowered:
.L_overlay_start_0:
0x88: {  	s2 =	sld [smem:$0x3FD9]  }
0x89: {  	s3 =	sld [smem:$0x3FFE];
	_ =	sdelay $0x1  }
0x8a: {  	s1 =	srdreg.scid  }
0x8b: {  	s0 =	sand.u32 $0x1, s1  }
0x8c: {  	s15 =	sshll.u32 s0, $0xA;
	s2 =	sadd.s32 s3, s2  }
0x8d: {  	s2 =	sadd.s32 s2, s15  }
0x8e: {  	[smem:$0x3FBF] =	sst s2  }
0x8f: {  	_ = 	snop  }
0x90: {  	s2 =	sld [smem:$0x3FD0];
	_ =	sdelay $0x2  }
0x91: {  	s4 =	simm.s32 $0xA;
	s5 =	simm.s32 $0x10;
	s16 =	sld [smem:$0x3FC8]  }
0x92: {  	[smem:s5], [sflag:s4] =	dma.local [hbm:s2], $0x1  }
0x93: {  	_ =	swait.eq [sflag:s4], $0x1  }
0x94: {  	[sflag:s4] =	ssyncset.done $0x0  }
0x95: {  	[sflag:s4] =	ssyncadd.s32 $0xFFFFFFFF  }
0x96: {  	s17 =	sld [smem:$0x11];
	(tm) =	ssettm $0x1  }
0x97: {  	s18 =	sld [smem:$0x3FFB];
	_ =	sdelay $0x3  }
0x98: {  	_ =	strace s18  }
0x99: {  	s4 =	sld [smem:$0x3FFC];
	_ =	sdelay $0x3  }
0x9a: {  	_ =	strace s4  }
0x9b: {  	s4 =	sld [smem:$0x3FFD];
	_ =	sdelay $0x3  }
0x9c: {  	_ =	strace s4  }
0x9d: {  	_ =	strace $0x8FFFFFFF  }
0x9e: {  	s19 =	sld [smem:$0x3FDB];
	_ =	sdelay $0x1  }
0x9f: {  	s20 =	simm.s32 $_scs_section_size  }
0xa0: {  	s6 =	simm.s32 $_size__tile_overlayer_lowered;
	s7 =	simm.s32 $_tile_overlayer_lowered  }
0xa1: {  	s23 =	simm.s32 $0x1BFF;
	s22 =	sshll.u32 s7, $0x1;
	s4 =	sadd.s32 s20, s19  }
0xa2: {  	s8 =	simm.s32 $0x0;
	s21 =	sshll.u32 s6, $0x1;
	s6 =	sadd.s32 s22, s4  }
0xa3: {  	[timem:s8], [sflag:s23] =	dma.local [hbm:s6], s21  }
0xa4: {  	_ =	swait.ge [sflag:s23], s21  }
0xa5: {  	s5 =	ssub.s32 $0x0, s21;
	[sflag:s23] =	ssyncset.done $0x0  }
0xa6: {  	[sflag:s23] =	ssyncadd.s32 s5;
	_ =	sdelay $0x1  }
0xa7: {  	s24 =	simm.s32 $0x1B8B  }
0xa8: {  	_ =	swait.ge [sflag:s24], $0x1  }
0xa9: {  	[sflag:s24] =	ssyncset.done $0x0  }
0xaa: {  	s25 =	simm.s32 $0x1B8E;
	[sflag:s24] =	ssyncadd.s32 $0xFFFFFFFF  }
0xab: {  	s26 =	simm.s32 $execute0_lowered;
	[smem:$0x3FD2] =	sst s25  }
0xac: {  	s5 =	sshll.u32 s26, $0x1;
	_ =	strace $0x80000046;
	[dreg:$0x1] =	wrdreg $0xFFFFFFFF  }
0xad: {  	s28 =	simm.s32 $_size_execute0_lowered;
	s4 =	sadd.s32 s4, s5;
	[dreg:$0x0] =	wrdreg $0x0  }
0xae: {  	s5 =	sshll.u32 s28, $0x1;
	[dreg:$0x2] =	wrdreg s4  }
0xaf: {  	[dreg:$0x3] =	wrdreg s5  }
0xb0: {  	[dreg:$0x4] =	wrdreg $0xC0  }
0xb1: {  	_ =	task [dreg:s8], $0x5FFFF  }
0xb2: {  	[dreg:$0x1] =	wrdreg $0xFFFFFFFF  }
0xb3: {  	[dreg:$0x0] =	wrdreg $0x60  }
0xb4: {  	[dreg:$0x2] =	wrdreg s16  }
0xb5: {  	[dreg:$0x3] =	wrdreg s17  }
0xb6: {  	[dreg:$0x4] =	wrdreg $0x5000  }
0xb7: {  	[dreg:$0x5] =	wrdreg $0x9  }
0xb8: {  	_ =	task.clear_ibuf [dreg:s8], $0x6FFFF;
	_ =	strace $0x90000046  }
0xb9: {  	s29 =	simm.s32 $0x9;
	_ =	strace $0x80000048  }
0xba: {  	_ =	swait.ge [sflag:s29], $0x1  }
0xbb: {  	[sflag:s29] =	ssyncadd.s32 $0xFFFFFFFF  }
0xbc: {  	_ =	strace $0x90000048  }
0xbd: {  	_ =	sfence  }
0xbe: {  	s30 =	sld [smem:$0x0];
	_ =	sdelay $0x2  }
0xbf: {  	s31 =	sshll.u32 s1, $0xD;
	s1 =	sshrl.u32 s1, $0x2  }
0xc0: {  	s3 =	sand.u32 $0x4000, s31;
	s1 =	sadd.s32 s1, s30  }
0xc1: {  	s0 =	sor.u32 s3, s0;
	s1 =	sshll.u32 s1, $0x11  }
0xc2: {  	s0 =	sor.u32 s1, s0  }
0xc3: {  	s0 =	sadd.s32 $0x8F2B, s0  }
0xc4: {  	[sflag:s0] =	ssyncadd.remote.s32 $0x1  }
0xc5: {  	_ =	sfence.sel $0xFFFF  }
0xc6: {  	[dreg:$0x0] =	wrdreg $0xFFFFFFFF;
	(pc) =	sbr.abs _section_cstart, $3  }
0xc7: {  	[dreg:$0x1] =	wrdreg $0xFFFFFFFF  }
0xc8: {  	_ =	task.clear_ibuf [dreg:s8], $0x2FFFF;
	_ =	strace $0x9FFFFFFF  }
0xc9: {  	(tm) =	ssettm $0x7FFFFFFF  }
tec
execute0_lowered:
.L_overlay_start_1:
0x0: {  	(tag) =	ssettag $0x1  }
0x1: {  	s1 =	srdreg.scid  }
0x2: {  	s3 =	rddreg [dreg:$0x0];
	s0 =	stileid.u32;
	s25 =	sand.u32 $0x1, s1  }
0x3: {  	s24 =	rddreg [dreg:$0x1];
	s19 =	sshll.u32 s0, $0x9;
	s5 =	sshll.u32 s25, $0x8  }
0x4: {  	s2 =	rddreg [dreg:$0x2];
	s4 =	simm.s32 $0x0;
	s5 =	sor.u32 s5, s19  }
0x5: {  	[smem:$0x7FF] =	sst s4;
	s13 =	sadd.s32 s5, s3  }
0x6: {  	s1 =	rddreg [dreg:$0x3];
	_ =	strace $0x80000047;
	s5 =	sadd.s32 $0x10, s13  }
0x7: {  	[tilespmem:s4], [sflag:$0x1] =	stream.linear.gather [hbm4b:s5+s4], $0x80, $0x38;
	[tilespmem:$0x580] =	vst v63  }
0x8: {  	s3 =	simm.s32 $0x80;
	s6 =	sadd.s32 $0x30, s13  }
0x9: {  	[tilespmem:s3], [sflag:$0x1] =	stream.linear.gather [hbm4b:s6+s4], $0x80, $0x38;
	[tilespmem:$0x580] =	vst v63  }
0xa: {  	s8 =	simm.s32 $0x100;
	s7 =	sadd.s32 $0x50, s13  }
0xb: {  	[tilespmem:s8], [sflag:$0x1] =	stream.linear.gather [hbm4b:s7+s4], $0x80, $0x38;
	[tilespmem:$0x580] =	vst v63  }
0xc: {  	s10 =	simm.s32 $0x180;
	s9 =	sadd.s32 $0x70, s13  }
0xd: {  	[tilespmem:s10], [sflag:$0x1] =	stream.linear.gather [hbm4b:s9+s4], $0x80, $0x38;
	[tilespmem:$0x580] =	vst v63  }
0xe: {  	s12 =	simm.s32 $0x200;
	s11 =	sadd.s32 $0x90, s13  }
0xf: {  	[tilespmem:s12], [sflag:$0x1] =	stream.linear.gather [hbm4b:s11+s4], $0x80, $0x38;
	[tilespmem:$0x580] =	vst v63  }
0x10: {  	s16 =	simm.s32 $0x280;
	s15 =	sadd.s32 $0xB0, s13  }
0x11: {  	[tilespmem:s16], [sflag:$0x1] =	stream.linear.gather [hbm4b:s15+s4], $0x80, $0x38;
	[tilespmem:$0x580] =	vst v63  }
0x12: {  	s14 =	simm.s32 $0x300;
	s17 =	sadd.s32 $0xD0, s13  }
0x13: {  	[tilespmem:s14], [sflag:$0x1] =	stream.linear.gather [hbm4b:s17+s4], $0x80, $0x38;
	[tilespmem:$0x580] =	vst v63  }
0x14: {  	s18 =	sadd.s32 $0xF0, s13;
	s13 =	simm.s32 $0x380  }
0x15: {  	v0 =	vimm.f32 $5.000000000e-01;
	[tilespmem:s13], [sflag:$0x1] =	stream.linear.gather [hbm4b:s18+s4], $0x80, $0x38;
	[tilespmem:$0x580] =	vst v63  }
0x16: {  	[tilespmem:$0x4F0] =	vst v0  }
0x17: {  	[tilespmem:$0x4E0] =	vst v0  }
0x18: {  	[tilespmem:$0x4D0] =	vst v0  }
0x19: {  	[tilespmem:$0x4C0] =	vst v0  }
0x1a: {  	[tilespmem:$0x4B0] =	vst v0  }
0x1b: {  	[tilespmem:$0x4A0] =	vst v0  }
0x1c: {  	[tilespmem:$0x490] =	vst v0  }
0x1d: {  	v1 =	vimm.f32 $1.000000000e+00;
	[tilespmem:$0x480] =	vst v0  }
0x1e: {  	[tilespmem:$0x470] =	vst v1  }
0x1f: {  	[tilespmem:$0x460] =	vst v1  }
0x20: {  	[tilespmem:$0x450] =	vst v1  }
0x21: {  	[tilespmem:$0x440] =	vst v1  }
0x22: {  	[tilespmem:$0x430] =	vst v1  }
0x23: {  	[tilespmem:$0x420] =	vst v1  }
0x24: {  	s19 =	sshrl.u32 s19, $0x2;
	[tilespmem:$0x400] =	vst v1  }
0x25: {  	s21 =	simm.s32 $0x480;
	s20 =	sadd.s32 s19, s2;
	s19 =	simm.s32 $0x2;
	[tilespmem:$0x410] =	vst v1  }
0x26: {  	[spmem:s20] =	stream.linear.scatter [tilespmem:s21], [sflag:$0x2], $0x80, $0x38;
	[tilespmem:$0x580] =	vst v63  }
0x27: {  	_ =	swait.ge [sflag:s19], $0x80  }
0x28: {  	[sflag:s19] =	ssyncset.done $0x0  }
0x29: {  	s22 =	simm.s32 $0x1;
	[sflag:s19] =	ssyncadd.s32 $0xFFFFFF80  }
0x2a: {  	_ =	swait.ge [sflag:s22], $0x80  }
0x2b: {  	[sflag:s22] =	ssyncset.done $0x0  }
0x2c: {  	[sflag:s22] =	ssyncadd.s32 $0xFFFFFF80  }
0x2d: {  	_ =	swait.ge [sflag:s22], $0x80  }
0x2e: {  	[sflag:s22] =	ssyncset.done $0x0  }
0x2f: {  	[sflag:s22] =	ssyncadd.s32 $0xFFFFFF80  }
0x30: {  	_ =	swait.ge [sflag:s22], $0x80  }
0x31: {  	[sflag:s22] =	ssyncset.done $0x0  }
0x32: {  	[sflag:s22] =	ssyncadd.s32 $0xFFFFFF80  }
0x33: {  	_ =	swait.ge [sflag:s22], $0x80  }
0x34: {  	[sflag:s22] =	ssyncset.done $0x0  }
0x35: {  	[sflag:s22] =	ssyncadd.s32 $0xFFFFFF80  }
0x36: {  	_ =	swait.ge [sflag:s22], $0x80  }
0x37: {  	[sflag:s22] =	ssyncset.done $0x0  }
0x38: {  	[sflag:s22] =	ssyncadd.s32 $0xFFFFFF80  }
0x39: {  	_ =	swait.ge [sflag:s22], $0x80  }
0x3a: {  	[sflag:s22] =	ssyncset.done $0x0  }
0x3b: {  	[sflag:s22] =	ssyncadd.s32 $0xFFFFFF80  }
0x3c: {  	_ =	swait.ge [sflag:s22], $0x80  }
0x3d: {  	[sflag:s22] =	ssyncset.done $0x0  }
0x3e: {  	[sflag:s22] =	ssyncadd.s32 $0xFFFFFF80  }
0x3f: {  	_ =	swait.ge [sflag:s22], $0x80  }
0x40: {  	[sflag:s22] =	ssyncset.done $0x0  }
0x41: {  	[sflag:s22] =	ssyncadd.s32 $0xFFFFFF80  }
0x42: {  	s23 =	simm.s32 $0x400;
	[bflag:$0x0] =	sbarrier.arrive $0xFFFF  }
0x43: {  	[spmem:s2] =	stream.indirect.scatter.add.f32 [tilespmem:s23], [sflag:$0x2], $0x1, s4, s3, $0xb8;
	[tilespmem:$0x580] =	vst v63  }
0x44: {  	_ =	swait.ge [sflag:s19], $0x80  }
0x45: {  	[sflag:s19] =	ssyncset.done $0x0  }
0x46: {  	[sflag:s19] =	ssyncadd.s32 $0xFFFFFF80  }
0x47: {  	[spmem:s2] =	stream.indirect.scatter.add.f32 [tilespmem:s23], [sflag:$0x2], $0x1, s3, s3, $0xb8;
	[tilespmem:$0x580] =	vst v63  }
0x48: {  	_ =	swait.ge [sflag:s19], $0x80  }
0x49: {  	[sflag:s19] =	ssyncset.done $0x0  }
0x4a: {  	[sflag:s19] =	ssyncadd.s32 $0xFFFFFF80  }
0x4b: {  	[spmem:s2] =	stream.indirect.scatter.add.f32 [tilespmem:s23], [sflag:$0x2], $0x1, s8, s3, $0xb8;
	[tilespmem:$0x580] =	vst v63  }
0x4c: {  	_ =	swait.ge [sflag:s19], $0x80  }
0x4d: {  	s26 =	ssub.s32 $0x2, s25;
	[sflag:s19] =	ssyncset.done $0x0  }
0x4e: {  	s28 =	sshrl.u32 s26, $0x1;
	[sflag:s19] =	ssyncadd.s32 $0xFFFFFF80  }
0x4f: {  	[spmem:s2] =	stream.indirect.scatter.add.f32 [tilespmem:s23], [sflag:$0x2], $0x1, s10, s3, $0xb8;
	[tilespmem:$0x580] =	vst v63  }
0x50: {  	s26 =	ssub.s32 s26, s28;
	_ =	swait.ge [sflag:s19], $0x80  }
0x51: {  	s26 =	smax.u32 s26, $0x1;
	[sflag:s19] =	ssyncset.done $0x0  }
0x52: {  	p0 =	sne.s32 s26, $0x1;
	[sflag:s19] =	ssyncadd.s32 $0xFFFFFF80  }
0x53: {  	[spmem:s2] =	stream.indirect.scatter.add.f32 [tilespmem:s23], [sflag:$0x2], $0x1, s12, s3, $0xb8;
	[tilespmem:$0x580] =	vst v63  }
.Ltmp0:
0x54: {  	s30 =	sshll.u32 s0, $0x5;
	s25 =	sshll.u32 s25, $0x4;
	(pc) =	sbr.rel @!p0 .LBB2_2-.Ltmp0, $4  }
0x55: {  	s31 =	sshll.u32 s0, $0x6;
	s24 =	sadd.s32 s24, s25;
	_ =	swait.ge [sflag:s19], $0x80  }
0x56: {  	s25 =	sor.u32 $0x1C02, s31;
	s24 =	sadd.s32 s30, s24;
	[sflag:s19] =	ssyncset.done $0x0  }
0x57: {  	s28 =	sadd.s32 $0xFFFFFFFF, s26;
	s26 =	sshrl.u32 s20, $0x3;
	[sflag:s19] =	ssyncadd.s32 $0xFFFFFF80  }
0x58: {  	[spmem:s2] =	stream.indirect.scatter.add.f32 [tilespmem:s23], [sflag:$0x2], $0x1, s16, s3, $0xb8;
	[tilespmem:$0x580] =	vst v63  }
.LBB2_1:
0x59: {  	p0 =	sne.s32 s28, $0x1;
	s28 =	sadd.s32 $0xFFFFFFFF, s28;
	_ =	swait.ge [sflag:s19], $0x80  }
0x5a: {  	[sflag:s19] =	ssyncset.done $0x0  }
0x5b: {  	[sflag:s19] =	ssyncadd.s32 $0xFFFFFF80  }
0x5c: {  	[spmem:s2] =	stream.indirect.scatter.add.f32 [tilespmem:s23], [sflag:$0x2], $0x1, s14, s3, $0xb8;
	[tilespmem:$0x580] =	vst v63  }
0x5d: {  	_ =	swait.ge [sflag:s19], $0x80  }
0x5e: {  	[sflag:s19] =	ssyncset.done $0x0  }
0x5f: {  	[sflag:s19] =	ssyncadd.s32 $0xFFFFFF80  }
0x60: {  	[spmem:s2] =	stream.indirect.scatter.add.f32 [tilespmem:s23], [sflag:$0x2], $0x1, s13, s3, $0xb8;
	[tilespmem:$0x580] =	vst v63  }
0x61: {  	_ =	swait.ge [sflag:s19], $0x80  }
0x62: {  	[sflag:s19] =	ssyncset.done $0x0  }
0x63: {  	[sflag:s19] =	ssyncadd.s32 $0xFFFFFF80  }
0x64: {  	[bflag:$0x0] =	sbarrier.arrive $0xFFFF  }
0x65: {  	[hbm:s24], [sflag:s25] =	dma.local [spmem:s26], $0x10  }
0x66: {  	_ =	swait.ge [sflag:s19], $0x10  }
0x67: {  	[sflag:s19] =	ssyncset.done $0x0  }
0x68: {  	[sflag:s19] =	ssyncadd.s32 $0xFFFFFFF0  }
0x69: {  	[tilespmem:s4], [sflag:$0x1] =	stream.linear.gather [hbm4b:s5+s4], $0x80, $0x38;
	[tilespmem:$0x580] =	vst v63  }
0x6a: {  	_ = 	snop  }
0x6b: {  	[tilespmem:s3], [sflag:$0x1] =	stream.linear.gather [hbm4b:s6+s4], $0x80, $0x38;
	[tilespmem:$0x580] =	vst v63  }
0x6c: {  	_ = 	snop  }
0x6d: {  	[tilespmem:s8], [sflag:$0x1] =	stream.linear.gather [hbm4b:s7+s4], $0x80, $0x38;
	[tilespmem:$0x580] =	vst v63  }
0x6e: {  	_ = 	snop  }
0x6f: {  	[tilespmem:s10], [sflag:$0x1] =	stream.linear.gather [hbm4b:s9+s4], $0x80, $0x38;
	[tilespmem:$0x580] =	vst v63  }
0x70: {  	_ = 	snop  }
0x71: {  	[tilespmem:s12], [sflag:$0x1] =	stream.linear.gather [hbm4b:s11+s4], $0x80, $0x38;
	[tilespmem:$0x580] =	vst v63  }
0x72: {  	_ = 	snop  }
0x73: {  	[tilespmem:s16], [sflag:$0x1] =	stream.linear.gather [hbm4b:s15+s4], $0x80, $0x38;
	[tilespmem:$0x580] =	vst v63  }
0x74: {  	_ = 	snop  }
0x75: {  	[tilespmem:s14], [sflag:$0x1] =	stream.linear.gather [hbm4b:s17+s4], $0x80, $0x38;
	[tilespmem:$0x580] =	vst v63  }
0x76: {  	_ = 	snop  }
0x77: {  	[tilespmem:s13], [sflag:$0x1] =	stream.linear.gather [hbm4b:s18+s4], $0x80, $0x38;
	[tilespmem:$0x580] =	vst v63  }
0x78: {  	[tilespmem:$0x4F0] =	vst v0  }
0x79: {  	[tilespmem:$0x4E0] =	vst v0  }
0x7a: {  	[tilespmem:$0x4D0] =	vst v0  }
0x7b: {  	[tilespmem:$0x4C0] =	vst v0  }
0x7c: {  	[tilespmem:$0x4B0] =	vst v0  }
0x7d: {  	[tilespmem:$0x4A0] =	vst v0  }
0x7e: {  	[tilespmem:$0x490] =	vst v0  }
0x7f: {  	[tilespmem:$0x480] =	vst v0  }
0x80: {  	[tilespmem:$0x470] =	vst v1  }
0x81: {  	[tilespmem:$0x460] =	vst v1  }
0x82: {  	[tilespmem:$0x450] =	vst v1  }
0x83: {  	[tilespmem:$0x440] =	vst v1  }
0x84: {  	[tilespmem:$0x430] =	vst v1  }
0x85: {  	[tilespmem:$0x420] =	vst v1  }
0x86: {  	[tilespmem:$0x400] =	vst v1  }
0x87: {  	[tilespmem:$0x410] =	vst v1  }
0x88: {  	[spmem:s20] =	stream.linear.scatter [tilespmem:s21], [sflag:$0x2], $0x80, $0x38;
	[tilespmem:$0x580] =	vst v63  }
0x89: {  	_ =	swait.ge [sflag:s19], $0x80  }
0x8a: {  	[sflag:s19] =	ssyncset.done $0x0  }
0x8b: {  	[sflag:s19] =	ssyncadd.s32 $0xFFFFFF80  }
0x8c: {  	_ =	swait.ge [sflag:s22], $0x80  }
0x8d: {  	[sflag:s22] =	ssyncset.done $0x0  }
0x8e: {  	[sflag:s22] =	ssyncadd.s32 $0xFFFFFF80  }
0x8f: {  	_ =	swait.ge [sflag:s22], $0x80  }
0x90: {  	[sflag:s22] =	ssyncset.done $0x0  }
0x91: {  	[sflag:s22] =	ssyncadd.s32 $0xFFFFFF80  }
0x92: {  	_ =	swait.ge [sflag:s22], $0x80  }
0x93: {  	[sflag:s22] =	ssyncset.done $0x0  }
0x94: {  	[sflag:s22] =	ssyncadd.s32 $0xFFFFFF80  }
0x95: {  	_ =	swait.ge [sflag:s22], $0x80  }
0x96: {  	[sflag:s22] =	ssyncset.done $0x0  }
0x97: {  	[sflag:s22] =	ssyncadd.s32 $0xFFFFFF80  }
0x98: {  	_ =	swait.ge [sflag:s22], $0x80  }
0x99: {  	[sflag:s22] =	ssyncset.done $0x0  }
0x9a: {  	[sflag:s22] =	ssyncadd.s32 $0xFFFFFF80  }
0x9b: {  	_ =	swait.ge [sflag:s22], $0x80  }
0x9c: {  	[sflag:s22] =	ssyncset.done $0x0  }
0x9d: {  	[sflag:s22] =	ssyncadd.s32 $0xFFFFFF80  }
0x9e: {  	_ =	swait.ge [sflag:s22], $0x80  }
0x9f: {  	[sflag:s22] =	ssyncset.done $0x0  }
0xa0: {  	[sflag:s22] =	ssyncadd.s32 $0xFFFFFF80  }
0xa1: {  	_ =	swait.ge [sflag:s22], $0x80  }
0xa2: {  	[sflag:s22] =	ssyncset.done $0x0  }
0xa3: {  	[sflag:s22] =	ssyncadd.s32 $0xFFFFFF80  }
0xa4: {  	[bflag:$0x0] =	sbarrier.arrive $0xFFFF  }
0xa5: {  	[spmem:s2] =	stream.indirect.scatter.add.f32 [tilespmem:s23], [sflag:$0x2], $0x1, s4, s3, $0xb8;
	[tilespmem:$0x580] =	vst v63  }
0xa6: {  	_ =	swait.ge [sflag:s19], $0x80  }
0xa7: {  	[sflag:s19] =	ssyncset.done $0x0  }
0xa8: {  	[sflag:s19] =	ssyncadd.s32 $0xFFFFFF80  }
0xa9: {  	[spmem:s2] =	stream.indirect.scatter.add.f32 [tilespmem:s23], [sflag:$0x2], $0x1, s3, s3, $0xb8;
	[tilespmem:$0x580] =	vst v63  }
0xaa: {  	_ =	swait.ge [sflag:s19], $0x80  }
0xab: {  	[sflag:s19] =	ssyncset.done $0x0  }
0xac: {  	[sflag:s19] =	ssyncadd.s32 $0xFFFFFF80  }
0xad: {  	[spmem:s2] =	stream.indirect.scatter.add.f32 [tilespmem:s23], [sflag:$0x2], $0x1, s8, s3, $0xb8;
	[tilespmem:$0x580] =	vst v63  }
0xae: {  	_ =	swait.ge [sflag:s19], $0x80  }
0xaf: {  	[sflag:s19] =	ssyncset.done $0x0  }
0xb0: {  	[sflag:s19] =	ssyncadd.s32 $0xFFFFFF80  }
0xb1: {  	[spmem:s2] =	stream.indirect.scatter.add.f32 [tilespmem:s23], [sflag:$0x2], $0x1, s10, s3, $0xb8;
	[tilespmem:$0x580] =	vst v63  }
0xb2: {  	_ =	swait.ge [sflag:s19], $0x80  }
0xb3: {  	[sflag:s19] =	ssyncset.done $0x0  }
0xb4: {  	[sflag:s19] =	ssyncadd.s32 $0xFFFFFF80  }
0xb5: {  	[spmem:s2] =	stream.indirect.scatter.add.f32 [tilespmem:s23], [sflag:$0x2], $0x1, s12, s3, $0xb8;
	[tilespmem:$0x580] =	vst v63  }
.Ltmp1:
0xb6: {  	_ = 	snop;
	(pc) =	sbr.rel @p0 .LBB2_1-.Ltmp1, $4  }
0xb7: {  	_ =	swait.ge [sflag:s19], $0x80  }
0xb8: {  	[sflag:s19] =	ssyncset.done $0x0  }
0xb9: {  	[sflag:s19] =	ssyncadd.s32 $0xFFFFFF80  }
0xba: {  	[spmem:s2] =	stream.indirect.scatter.add.f32 [tilespmem:s23], [sflag:$0x2], $0x1, s16, s3, $0xb8;
	[tilespmem:$0x580] =	vst v63  }
.LBB2_2:
0xbb: {  	_ =	swait.ge [sflag:s19], $0x80  }
0xbc: {  	[sflag:s19] =	ssyncset.done $0x0  }
0xbd: {  	[sflag:s19] =	ssyncadd.s32 $0xFFFFFF80  }
0xbe: {  	[spmem:s2] =	stream.indirect.scatter.add.f32 [tilespmem:s23], [sflag:$0x2], $0x1, s14, s3, $0xb8;
	[tilespmem:$0x580] =	vst v63  }
0xbf: {  	_ =	swait.ge [sflag:s19], $0x80  }
0xc0: {  	[sflag:s19] =	ssyncset.done $0x0  }
0xc1: {  	[sflag:s19] =	ssyncadd.s32 $0xFFFFFF80  }
0xc2: {  	[spmem:s2] =	stream.indirect.scatter.add.f32 [tilespmem:s23], [sflag:$0x2], $0x1, s13, s3, $0xb8;
	[tilespmem:$0x580] =	vst v63  }
0xc3: {  	_ =	swait.ge [sflag:s19], $0x80  }
0xc4: {  	[sflag:s19] =	ssyncset.done $0x0  }
0xc5: {  	[sflag:s19] =	ssyncadd.s32 $0xFFFFFF80  }
0xc6: {  	[bflag:$0x0] =	sbarrier.arrive $0xFFFF  }
0xc7: {  	[hbm:s24], [sflag:s25] =	dma.local [spmem:s26], $0x10  }
0xc8: {  	_ =	swait.ge [sflag:s19], $0x10  }
0xc9: {  	[sflag:s19] =	ssyncset.done $0x0  }
0xca: {  	[sflag:s19] =	ssyncadd.s32 $0xFFFFFFF0  }
0xcb: {  	_ =	sfence.sel $0x180000  }
0xcc: {  	[bflag:$0x0] =	sbarrier.arrive $0xFFFF  }
0xcd: {  	p0 =	sne.s32 s0, $0x0;
	_ =	strace $0x90000047  }
0xce: {  	s0 =	sadd.s32 @!p0 $0x100000, s1;
	[bflag:$0x2] =	sbarrier.arrive $0xFFFF  }
0xcf: {  	[sflag:s0] =	ssyncadd.tile.s32 @!p0 $0x1;
	_ =	shalt  }
.Lfunc_end2:
_tile_overlayer_lowered:
.L_overlay_start_2:
0xd0: {  	(tag) =	ssettag $0x2  }
0xd1: {  	s0 =	rddreg [dreg:$0x0];
	s2 =	stileid.u32  }
0xd2: {  	s1 =	rddreg [dreg:$0x1];
	p0 =	sne.s32 s2, $0x0  }
0xd3: {  	s3 =	rddreg [dreg:$0x2];
	[bflag:$0x3] =	sbarrier.arrive $0xFFFF;
	s2 =	simm.s32 @!p0 $0x1C02  }
0xd4: {  	[timem:s3], [sflag:s2] =	dma.local @!p0 [hbm:s0], s1  }
0xd5: {  	s0 =	simm.s32 @!p0 $0x2  }
0xd6: {  	_ =	swait.ge @!p0 [sflag:s0], s1  }
0xd7: {  	s1 =	ssub.s32 @!p0 $0x0, s1;
	[sflag:s0] =	ssyncset.done @!p0 $0x0  }
0xd8: {  	[sflag:s0] =	ssyncadd.s32 @!p0 s1  }
0xd9: {  	[bflag:$0x3] =	sbarrier.arrive $0xFFFF  }
0xda: {  	_ =	shalt  }

// kernel: kernel.14.cloned.1.call-start
scs
__scs_entry_jumppad:
0x0: {  	(pc) =	sbr.rel $0x88, $3  }
0x1: {  	(tag) =	ssettag $0x0;
	lr =	simm.s32 $0x1  }
0x2: {  	[smem:$0x3F98] =	sst lr;
	_ =	strace $0xD0000000  }
0x3: {  	_ = 	snop  }
0x4: {  	_ = 	snop  }
0x5: {  	_ = 	snop  }
0x6: {  	_ = 	snop  }
0x7: {  	_ = 	snop  }
__scs_overlays_trampoline_lowered:
0x8: {  	[smem:$0x3FA7] =	sst s0  }
0x9: {  	[smem:$0x3FA8] =	sst s1  }
0xa: {  	[smem:$0x3FA9] =	sst s2  }
0xb: {  	[smem:$0x3FAA] =	sst s3  }
0xc: {  	[smem:$0x3FAB] =	sst s4  }
0xd: {  	[smem:$0x3FAC] =	sst s5  }
0xe: {  	[smem:$0x3FAD] =	sst s6  }
0xf: {  	[smem:$0x3FAE] =	sst s7  }
0x10: {  	[smem:$0x3FAF] =	sst s8  }
0x11: {  	[smem:$0x3FB0] =	sst s9;
	s0 =	simm.s32 @!p0 $0x0  }
0x12: {  	s1 =	sld [smem:$0x3F96];
	s0 =	simm.s32 @p0 $0x1  }
0x13: {  	[smem:$0x3FB1] =	sst s0;
	s0 =	simm.s32 @!p1 $0x0  }
0x14: {  	s2 =	sld [smem:$0x3F95];
	s0 =	simm.s32 @p1 $0x1  }
0x15: {  	[smem:$0x3FB2] =	sst s0;
	s0 =	simm.s32 @!p2 $0x0  }
0x16: {  	s3 =	sld [smem:$0x3FDB];
	s0 =	simm.s32 @p2 $0x1  }
0x17: {  	s4 =	simm.s32 $0x1BF5;
	[smem:$0x3FB4] =	sst s0  }
0x18: {  	s0 =	sld [smem:$0x3F97];
	_ =	swait.ge [sflag:s4], $0x0  }
0x19: {  	s7 =	sld [smem:$0x3F98]  }
0x1a: {  	s8 =	sadd.s32 $0xFFFFE003, lr  }
0x1b: {  	s9 =	sadd.s32 $0xFFFFFEF7, lr;
	s5 =	simm.s32 $0xFFFFFFFF;
	p2 =	slt.u32 s8, $0xFFFFF086  }
0x1c: {  	p1 =	slt.u32 s9, $0xF7A;
	s5 =	simm.s32 @!p2 $0x0  }
0x1d: {  	s5 =	simm.s32 @p1 $0x1;
	p0 =	seq.s32 s7, s2  }
0x1e: {  	s7 =	smul.u32 @!p0 $0xF7A, s2;
	p2 =	seq.s32 @!p0 s5, $0x0  }
0x1f: {  	s9 =	smul.u32 $0xF7A, s1;
	s8 =	simm.s32 @!p0 $0x1BF5;
	p2 =	por !p2, p0  }
0x20: {  	[sflag:s8] =	ssyncset.s32 @!p0 $0xFFFFF086;
	s6 =	sadd.s32 @!p0 s3, s7;
	s7 =	simm.s32 @!p0 $0x108  }
0x21: {  	s3 =	sadd.s32 s3, s9;
	s6 =	sadd.s32 @!p0 $0x88, s6;
	s7 =	simm.s32 @p2 $0x1082  }
0x22: {  	[simem:s7], [sflag:s8] =	dma.local @!p0 [hbm:s6], $0xF7A  }
0x23: {  	s9 =	sor.u32 $0xD0000000, s2;
	s6 =	simm.s32 $0x108;
	_ =	swait.ge @!p0 [sflag:s8], $0x0  }
0x24: {  	s3 =	sadd.s32 $0x88, s3;
	s6 =	simm.s32 @!p1 $0x1082;
	[sflag:s4] =	ssyncset.s32 $0xFFFFF086  }
0x25: {  	[simem:s6], [sflag:s4] =	dma.local [hbm:s3], $0xF7A  }
0x26: {  	[smem:$0x3F98] =	sst s1;
	(tag) =	ssettag s2;
	_ =	strace s9  }
0x27: {  	s1 =	sld [smem:$0x3FA8]  }
0x28: {  	s2 =	sld [smem:$0x3FA9]  }
0x29: {  	s4 =	sld [smem:$0x3FAB]  }
0x2a: {  	p0 =	seq.s32 s5, $0x0;
	s5 =	sld [smem:$0x3FAC]  }
0x2b: {  	s6 =	sld [smem:$0x3FAD]  }
0x2c: {  	s7 =	sld [smem:$0x3FAE]  }
0x2d: {  	s3 =	simm.s32 $0x108;
	s8 =	sld [smem:$0x3FAF]  }
0x2e: {  	s3 =	simm.s32 @!p0 $0x1082;
	s9 =	sld [smem:$0x3FB0]  }
0x2f: {  	lr =	sadd.s32 s0, s3;
	s0 =	sld [smem:$0x3FA7]  }
0x30: {  	s3 =	sld [smem:$0x3FAA]  }
0x31: {  	[smem:$0x3FB3] =	sst s10  }
0x32: {  	s10 =	sld [smem:$0x3FB1];
	_ =	sdelay $0x3  }
0x33: {  	p0 =	seq.s32 s10, $0x1;
	s10 =	sld [smem:$0x3FB3];
	_ =	sdelay $0x3  }
0x34: {  	[smem:$0x3FB3] =	sst s10  }
0x35: {  	s10 =	sld [smem:$0x3FB2];
	_ =	sdelay $0x3  }
0x36: {  	p1 =	seq.s32 s10, $0x1;
	s10 =	sld [smem:$0x3FB3];
	_ =	sdelay $0x3  }
0x37: {  	[smem:$0x3FB3] =	sst s10  }
0x38: {  	s10 =	sld [smem:$0x3FB4]  }
0x39: {  	_ = 	snop;
	(pc) =	sbr.ind lr, $3  }
0x3a: {  	_ = 	snop  }
0x3b: {  	_ = 	snop  }
0x3c: {  	p2 =	seq.s32 s10, $0x1;
	s10 =	sld [smem:$0x3FB3]  }
0x3d: {  	_ =	shalt  }
0x3e: {  	_ =	shalt  }
0x3f: {  	_ =	shalt  }
0x40: {  	_ =	shalt  }
0x41: {  	_ =	shalt  }
0x42: {  	_ =	shalt  }
0x43: {  	_ =	shalt  }
0x44: {  	_ =	shalt  }
0x45: {  	_ =	shalt  }
0x46: {  	_ =	shalt  }
0x47: {  	_ =	shalt  }
0x48: {  	_ =	shalt  }
0x49: {  	_ =	shalt  }
0x4a: {  	_ =	shalt  }
0x4b: {  	_ =	shalt  }
0x4c: {  	_ =	shalt  }
0x4d: {  	_ =	shalt  }
0x4e: {  	_ =	shalt  }
0x4f: {  	_ =	shalt  }
0x50: {  	_ =	shalt  }
0x51: {  	_ =	shalt  }
0x52: {  	_ =	shalt  }
0x53: {  	_ =	shalt  }
0x54: {  	_ =	shalt  }
0x55: {  	_ =	shalt  }
0x56: {  	_ =	shalt  }
0x57: {  	_ =	shalt  }
0x58: {  	_ =	shalt  }
0x59: {  	_ =	shalt  }
0x5a: {  	_ =	shalt  }
0x5b: {  	_ =	shalt  }
0x5c: {  	_ =	shalt  }
0x5d: {  	_ =	shalt  }
0x5e: {  	_ =	shalt  }
0x5f: {  	_ =	shalt  }
0x60: {  	_ =	shalt  }
0x61: {  	_ =	shalt  }
0x62: {  	_ =	shalt  }
0x63: {  	_ =	shalt  }
0x64: {  	_ =	shalt  }
0x65: {  	_ =	shalt  }
0x66: {  	_ =	shalt  }
0x67: {  	_ =	shalt  }
0x68: {  	_ =	shalt  }
0x69: {  	_ =	shalt  }
0x6a: {  	_ =	shalt  }
0x6b: {  	_ =	shalt  }
0x6c: {  	_ =	shalt  }
0x6d: {  	_ =	shalt  }
0x6e: {  	_ =	shalt  }
0x6f: {  	_ =	shalt  }
0x70: {  	_ =	shalt  }
0x71: {  	_ =	shalt  }
0x72: {  	_ =	shalt  }
0x73: {  	_ =	shalt  }
0x74: {  	_ =	shalt  }
0x75: {  	_ =	shalt  }
0x76: {  	_ =	shalt  }
0x77: {  	_ =	shalt  }
0x78: {  	_ =	shalt  }
0x79: {  	_ =	shalt  }
0x7a: {  	_ =	shalt  }
0x7b: {  	_ =	shalt  }
0x7c: {  	_ =	shalt  }
0x7d: {  	_ =	shalt  }
0x7e: {  	_ =	shalt  }
0x7f: {  	_ =	shalt  }
0x80: {  	_ =	shalt  }
0x81: {  	_ =	shalt  }
0x82: {  	_ =	shalt  }
0x83: {  	_ =	shalt  }
0x84: {  	_ =	shalt  }
0x85: {  	_ =	shalt  }
0x86: {  	_ =	shalt  }
0x87: {  	_ =	shalt  }
.Lfunc_end0:
.L_simem_size_0:
called_computation.1_lowered:
.L_overlay_start_0:
0x88: {  	s2 =	sld [smem:$0x3FD9]  }
0x89: {  	s3 =	sld [smem:$0x3FFE];
	_ =	sdelay $0x1  }
0x8a: {  	s1 =	srdreg.scid  }
0x8b: {  	s0 =	sand.u32 $0x1, s1  }
0x8c: {  	s17 =	sshll.u32 s0, $0xA;
	s2 =	sadd.s32 s3, s2  }
0x8d: {  	s2 =	sadd.s32 s2, s17  }
0x8e: {  	[smem:$0x3FBF] =	sst s2  }
0x8f: {  	_ = 	snop  }
0x90: {  	s2 =	sld [smem:$0x3FC8];
	(tm) =	ssettm $0x1  }
0x91: {  	s18 =	sld [smem:$0x3FFB];
	_ =	sdelay $0x3  }
0x92: {  	_ =	strace s18  }
0x93: {  	s3 =	sld [smem:$0x3FFC];
	_ =	sdelay $0x3  }
0x94: {  	_ =	strace s3  }
0x95: {  	s3 =	sld [smem:$0x3FFD];
	_ =	sdelay $0x3  }
0x96: {  	_ =	strace s3  }
0x97: {  	_ =	strace $0x8FFFFFFF  }
0x98: {  	s19 =	sld [smem:$0x3FDB];
	_ =	sdelay $0x1  }
0x99: {  	s4 =	simm.s32 $_scs_section_size  }
0x9a: {  	s5 =	simm.s32 $_size__tile_overlayer_lowered;
	s6 =	simm.s32 $_tile_overlayer_lowered  }
0x9b: {  	s22 =	simm.s32 $0x1BFF;
	s21 =	sshll.u32 s6, $0x1;
	s3 =	sadd.s32 s4, s19  }
0x9c: {  	s7 =	simm.s32 $0x0;
	s20 =	sshll.u32 s5, $0x1;
	s5 =	sadd.s32 s21, s3  }
0x9d: {  	[timem:s7], [sflag:s22] =	dma.local [hbm:s5], s20  }
0x9e: {  	_ =	swait.ge [sflag:s22], s20  }
0x9f: {  	s4 =	ssub.s32 $0x0, s20;
	[sflag:s22] =	ssyncset.done $0x0  }
0xa0: {  	[sflag:s22] =	ssyncadd.s32 s4;
	_ =	sdelay $0x1  }
0xa1: {  	s23 =	simm.s32 $0x1B8B  }
0xa2: {  	_ =	swait.ge [sflag:s23], $0x1  }
0xa3: {  	[sflag:s23] =	ssyncset.done $0x0  }
0xa4: {  	s25 =	simm.s32 $0x1B8E;
	s24 =	sld [smem:$0x3FFE];
	[sflag:s23] =	ssyncadd.s32 $0xFFFFFFFF  }
0xa5: {  	s26 =	simm.s32 $execute0_lowered;
	[smem:$0x3FD2] =	sst s25  }
0xa6: {  	s5 =	sshll.u32 s26, $0x1;
	_ =	strace $0x80000049;
	[dreg:$0x1] =	wrdreg $0xFFFFFFFF  }
0xa7: {  	s28 =	simm.s32 $_size_execute0_lowered;
	s3 =	sadd.s32 s3, s5;
	[dreg:$0x0] =	wrdreg $0x0  }
0xa8: {  	s5 =	sshll.u32 s28, $0x1;
	[dreg:$0x2] =	wrdreg s3  }
0xa9: {  	[dreg:$0x3] =	wrdreg s5  }
0xaa: {  	[dreg:$0x4] =	wrdreg $0xC0  }
0xab: {  	_ =	task [dreg:s7], $0x5FFFF  }
0xac: {  	[dreg:$0x1] =	wrdreg $0xFFFFFFFF  }
0xad: {  	[dreg:$0x0] =	wrdreg $0x60  }
0xae: {  	[dreg:$0x2] =	wrdreg s24  }
0xaf: {  	[dreg:$0x3] =	wrdreg s2  }
0xb0: {  	[dreg:$0x4] =	wrdreg $0xC8000  }
0xb1: {  	[dreg:$0x5] =	wrdreg $0x9  }
0xb2: {  	_ =	task.clear_ibuf [dreg:s7], $0x6FFFF;
	_ =	strace $0x90000049  }
0xb3: {  	s29 =	simm.s32 $0x9;
	_ =	strace $0x8000004B  }
0xb4: {  	_ =	swait.ge [sflag:s29], $0x1  }
0xb5: {  	[sflag:s29] =	ssyncadd.s32 $0xFFFFFFFF  }
0xb6: {  	_ =	strace $0x9000004B  }
0xb7: {  	_ =	sfence  }
0xb8: {  	s30 =	sld [smem:$0x0];
	_ =	sdelay $0x2  }
0xb9: {  	s31 =	sshll.u32 s1, $0xD;
	s1 =	sshrl.u32 s1, $0x2  }
0xba: {  	s3 =	sand.u32 $0x4000, s31;
	s1 =	sadd.s32 s1, s30  }
0xbb: {  	s0 =	sor.u32 s3, s0;
	s1 =	sshll.u32 s1, $0x11  }
0xbc: {  	s0 =	sor.u32 s1, s0  }
0xbd: {  	s0 =	sadd.s32 $0x8F2B, s0  }
0xbe: {  	[sflag:s0] =	ssyncadd.remote.s32 $0x1  }
0xbf: {  	_ =	sfence.sel $0xFFFF  }
0xc0: {  	[dreg:$0x0] =	wrdreg $0xFFFFFFFF;
	(pc) =	sbr.abs _section_cstart, $3  }
0xc1: {  	[dreg:$0x1] =	wrdreg $0xFFFFFFFF  }
0xc2: {  	_ =	task.clear_ibuf [dreg:s7], $0x2FFFF;
	_ =	strace $0x9FFFFFFF  }
0xc3: {  	(tm) =	ssettm $0x7FFFFFFF  }
tec
execute0_lowered:
.L_overlay_start_1:
0x0: {  	(tag) =	ssettag $0x1  }
0x1: {  	s1 =	srdreg.scid  }
0x2: {  	s0 =	stileid.u32;
	s30 =	sand.u32 $0x1, s1  }
0x3: {  	s21 =	rddreg [dreg:$0x0];
	s22 =	sshll.u32 s0, $0xB;
	s1 =	sshll.u32 s30, $0xA  }
0x4: {  	s4 =	rddreg [dreg:$0x1];
	s3 =	simm.s32 $0x0;
	s5 =	sor.u32 s1, s22  }
0x5: {  	[smem:$0x7FF] =	sst s3;
	s5 =	sshrl.u32 s5, $0x2  }
0x6: {  	s2 =	rddreg [dreg:$0x2];
	_ =	strace $0x8000004A;
	s25 =	sadd.s32 s4, s5  }
0x7: {  	[tilespmem:s3], [sflag:$0x2] =	stream.linear.gather [hbm4b:s25+s3], $0x80, $0x38;
	[tilespmem:$0x10800] =	vst v63  }
0x8: {  	s5 =	sadd.s32 $0x10, s25;
	[dreg:$0x16] =	wrdreg s25  }
0x9: {  	s26 =	sadd.s32 $0x20, s25;
	[dreg:$0x4] =	wrdreg s5  }
0xa: {  	s4 =	sadd.s32 $0x30, s25;
	[dreg:$0x5] =	wrdreg s26  }
0xb: {  	s6 =	sadd.s32 $0x40, s25;
	[dreg:$0x6] =	wrdreg s4  }
0xc: {  	s7 =	sadd.s32 $0x50, s25;
	[dreg:$0x7] =	wrdreg s6  }
0xd: {  	s8 =	sadd.s32 $0x60, s25;
	[dreg:$0x8] =	wrdreg s7  }
0xe: {  	s9 =	sadd.s32 $0x70, s25;
	[dreg:$0x9] =	wrdreg s8  }
0xf: {  	s10 =	sadd.s32 $0x80, s25;
	[dreg:$0xa] =	wrdreg s9  }
0x10: {  	s11 =	sadd.s32 $0x90, s25;
	[dreg:$0xb] =	wrdreg s10  }
0x11: {  	s12 =	sadd.s32 $0xA0, s25;
	[dreg:$0xc] =	wrdreg s11  }
0x12: {  	s13 =	sadd.s32 $0xB0, s25;
	[dreg:$0xd] =	wrdreg s12  }
0x13: {  	s14 =	sadd.s32 $0xC0, s25;
	[dreg:$0xe] =	wrdreg s13  }
0x14: {  	s15 =	sadd.s32 $0xD0, s25;
	[dreg:$0xf] =	wrdreg s14  }
0x15: {  	s16 =	sadd.s32 $0xE0, s25;
	[dreg:$0x10] =	wrdreg s15  }
0x16: {  	s19 =	sadd.s32 $0xF0, s25;
	[dreg:$0x11] =	wrdreg s16  }
0x17: {  	[dreg:$0x12] =	wrdreg s19  }
0x18: {  	s6 =	rddreg [dreg:$0x4]  }
0x19: {  	s7 =	rddreg [dreg:$0x5]  }
0x1a: {  	s8 =	rddreg [dreg:$0x6]  }
0x1b: {  	s4 =	simm.s32 $0x400;
	s9 =	rddreg [dreg:$0x7]  }
0x1c: {  	[tilespmem:s4], [sflag:$0x2] =	stream.linear.gather [hbm4b:s6+s3], $0x80, $0x38;
	[tilespmem:$0x10800] =	vst v63  }
0x1d: {  	s10 =	rddreg [dreg:$0x8];
	s6 =	simm.s32 $0x80  }
0x1e: {  	[tilespmem:s6], [sflag:$0x2] =	stream.linear.gather [hbm4b:s7+s3], $0x80, $0x38;
	[tilespmem:$0x10800] =	vst v63  }
0x1f: {  	s5 =	simm.s32 $0x480;
	s11 =	rddreg [dreg:$0x9]  }
0x20: {  	[tilespmem:s5], [sflag:$0x2] =	stream.linear.gather [hbm4b:s8+s3], $0x80, $0x38;
	[tilespmem:$0x10800] =	vst v63  }
0x21: {  	s12 =	rddreg [dreg:$0xa];
	s8 =	simm.s32 $0x100  }
0x22: {  	[tilespmem:s8], [sflag:$0x2] =	stream.linear.gather [hbm4b:s9+s3], $0x80, $0x38;
	[tilespmem:$0x10800] =	vst v63  }
0x23: {  	s13 =	rddreg [dreg:$0xb];
	s9 =	simm.s32 $0x500  }
0x24: {  	[tilespmem:s9], [sflag:$0x2] =	stream.linear.gather [hbm4b:s10+s3], $0x80, $0x38;
	[tilespmem:$0x10800] =	vst v63  }
0x25: {  	s14 =	rddreg [dreg:$0xc];
	s10 =	simm.s32 $0x180  }
0x26: {  	[tilespmem:s10], [sflag:$0x2] =	stream.linear.gather [hbm4b:s11+s3], $0x80, $0x38;
	[tilespmem:$0x10800] =	vst v63  }
0x27: {  	s15 =	rddreg [dreg:$0xd];
	s11 =	simm.s32 $0x580  }
0x28: {  	[tilespmem:s11], [sflag:$0x2] =	stream.linear.gather [hbm4b:s12+s3], $0x80, $0x38;
	[tilespmem:$0x10800] =	vst v63  }
0x29: {  	s16 =	rddreg [dreg:$0xe];
	s12 =	simm.s32 $0x200  }
0x2a: {  	[tilespmem:s12], [sflag:$0x2] =	stream.linear.gather [hbm4b:s13+s3], $0x80, $0x38;
	[tilespmem:$0x10800] =	vst v63  }
0x2b: {  	s17 =	rddreg [dreg:$0xf];
	s13 =	simm.s32 $0x600  }
0x2c: {  	[tilespmem:s13], [sflag:$0x2] =	stream.linear.gather [hbm4b:s14+s3], $0x80, $0x38;
	[tilespmem:$0x10800] =	vst v63  }
0x2d: {  	s18 =	rddreg [dreg:$0x10];
	s14 =	simm.s32 $0x280  }
0x2e: {  	[tilespmem:s14], [sflag:$0x2] =	stream.linear.gather [hbm4b:s15+s3], $0x80, $0x38;
	[tilespmem:$0x10800] =	vst v63  }
0x2f: {  	s31 =	sshll.u32 s0, $0x6;
	s20 =	rddreg [dreg:$0x11];
	s15 =	simm.s32 $0x680  }
0x30: {  	[tilespmem:s15], [sflag:$0x2] =	stream.linear.gather [hbm4b:s16+s3], $0x80, $0x38;
	[tilespmem:$0x10800] =	vst v63  }
0x31: {  	s19 =	sor.u32 $0x1C01, s31;
	s23 =	rddreg [dreg:$0x12];
	s7 =	simm.s32 $0x300  }
0x32: {  	[tilespmem:s7], [sflag:$0x2] =	stream.linear.gather [hbm4b:s17+s3], $0x80, $0x38;
	[tilespmem:$0x10800] =	vst v63  }
0x33: {  	s0 =	sshll.u32 s0, $0xE;
	s1 =	simm.s32 $0x700;
	[dreg:$0x14] =	wrdreg s19  }
0x34: {  	[tilespmem:s1], [sflag:$0x2] =	stream.linear.gather [hbm4b:s18+s3], $0x80, $0x38;
	[tilespmem:$0x10800] =	vst v63  }
0x35: {  	s25 =	sshll.u32 s30, $0xF;
	s24 =	rddreg [dreg:$0x14];
	s18 =	sadd.s32 $0x3000, s21  }
0x36: {  	s16 =	simm.s32 $0x380;
	s21 =	sadd.s32 s22, s21;
	s17 =	sadd.s32 s18, s22  }
0x37: {  	[tilespmem:s16], [sflag:$0x2] =	stream.linear.gather [hbm4b:s20+s3], $0x80, $0x38;
	[tilespmem:$0x10800] =	vst v63  }
0x38: {  	s21 =	sadd.s32 s25, s21;
	s22 =	sadd.s32 s0, s2;
	[dreg:$0x13] =	wrdreg s17  }
0x39: {  	s20 =	simm.s32 $0x780;
	s21 =	sadd.s32 $0xB000, s21;
	s26 =	rddreg [dreg:$0x13]  }
0x3a: {  	[dreg:$0x15] =	wrdreg s21;
	s21 =	sshrl.u32 s22, $0x3;
	s22 =	simm.s32 $0x2  }
0x3b: {  	[tilespmem:s20], [sflag:$0x2] =	stream.linear.gather [hbm4b:s23+s3], $0x80, $0x38;
	[tilespmem:$0x10800] =	vst v63  }
0x3c: {  	[spmem:s21], [sflag:s24] =	dma.local [hbm:s26], $0x800  }
0x3d: {  	_ =	swait.ge [sflag:s22], $0x80  }
0x3e: {  	[sflag:s22] =	ssyncset.done $0x0  }
0x3f: {  	[sflag:s22] =	ssyncadd.s32 $0xFFFFFF80  }
0x40: {  	_ =	swait.ge [sflag:s22], $0x80  }
0x41: {  	[sflag:s22] =	ssyncset.done $0x0  }
0x42: {  	[sflag:s22] =	ssyncadd.s32 $0xFFFFFF80  }
0x43: {  	_ =	swait.ge [sflag:s22], $0x80  }
0x44: {  	[sflag:s22] =	ssyncset.done $0x0  }
0x45: {  	[sflag:s22] =	ssyncadd.s32 $0xFFFFFF80  }
0x46: {  	_ =	swait.ge [sflag:s22], $0x80  }
0x47: {  	[sflag:s22] =	ssyncset.done $0x0  }
0x48: {  	[sflag:s22] =	ssyncadd.s32 $0xFFFFFF80  }
0x49: {  	_ =	swait.ge [sflag:s22], $0x80  }
0x4a: {  	[sflag:s22] =	ssyncset.done $0x0  }
0x4b: {  	[sflag:s22] =	ssyncadd.s32 $0xFFFFFF80  }
0x4c: {  	_ =	swait.ge [sflag:s22], $0x80  }
0x4d: {  	[sflag:s22] =	ssyncset.done $0x0  }
0x4e: {  	[sflag:s22] =	ssyncadd.s32 $0xFFFFFF80  }
0x4f: {  	_ =	swait.ge [sflag:s22], $0x80  }
0x50: {  	[sflag:s22] =	ssyncset.done $0x0  }
0x51: {  	[sflag:s22] =	ssyncadd.s32 $0xFFFFFF80  }
0x52: {  	_ =	swait.ge [sflag:s22], $0x80  }
0x53: {  	[sflag:s22] =	ssyncset.done $0x0  }
0x54: {  	[sflag:s22] =	ssyncadd.s32 $0xFFFFFF80  }
0x55: {  	_ =	swait.ge [sflag:s22], $0x80  }
0x56: {  	[sflag:s22] =	ssyncset.done $0x0  }
0x57: {  	[sflag:s22] =	ssyncadd.s32 $0xFFFFFF80  }
0x58: {  	_ =	swait.ge [sflag:s22], $0x80  }
0x59: {  	[sflag:s22] =	ssyncset.done $0x0  }
0x5a: {  	[sflag:s22] =	ssyncadd.s32 $0xFFFFFF80  }
0x5b: {  	_ =	swait.ge [sflag:s22], $0x80  }
0x5c: {  	[sflag:s22] =	ssyncset.done $0x0  }
0x5d: {  	[sflag:s22] =	ssyncadd.s32 $0xFFFFFF80  }
0x5e: {  	_ =	swait.ge [sflag:s22], $0x80  }
0x5f: {  	[sflag:s22] =	ssyncset.done $0x0  }
0x60: {  	[sflag:s22] =	ssyncadd.s32 $0xFFFFFF80  }
0x61: {  	_ =	swait.ge [sflag:s22], $0x80  }
0x62: {  	[sflag:s22] =	ssyncset.done $0x0  }
0x63: {  	[sflag:s22] =	ssyncadd.s32 $0xFFFFFF80  }
0x64: {  	_ =	swait.ge [sflag:s22], $0x80  }
0x65: {  	[sflag:s22] =	ssyncset.done $0x0  }
0x66: {  	[sflag:s22] =	ssyncadd.s32 $0xFFFFFF80  }
0x67: {  	_ =	swait.ge [sflag:s22], $0x80  }
0x68: {  	[sflag:s22] =	ssyncset.done $0x0  }
0x69: {  	[sflag:s22] =	ssyncadd.s32 $0xFFFFFF80  }
0x6a: {  	_ =	swait.ge [sflag:s22], $0x80  }
0x6b: {  	[sflag:s22] =	ssyncset.done $0x0  }
0x6c: {  	s23 =	simm.s32 $0x800;
	[sflag:s22] =	ssyncadd.s32 $0xFFFFFF80  }
0x6d: {  	[tilespmem:s23], [sflag:$0x3] =	stream.indirect.gather [hbm4b:s18+s6], $0x80, s3, s6, $0xb8;
	[tilespmem:$0x10800] =	vst v63  }
0x6e: {  	s25 =	simm.s32 $0x1;
	s24 =	simm.s32 $0x4800  }
0x6f: {  	[tilespmem:s24], [sflag:$0x3] =	stream.indirect.gather [hbm4b:s18+s6], $0x80, s6, s6, $0xb8;
	[tilespmem:$0x10800] =	vst v63  }
0x70: {  	_ =	swait.ge [sflag:s25], $0x800  }
0x71: {  	[sflag:s25] =	ssyncset.done $0x0  }
0x72: {  	[sflag:s25] =	ssyncadd.s32 $0xFFFFF800  }
0x73: {  	s26 =	simm.s32 $0x3;
	[bflag:$0x0] =	sbarrier.arrive $0xFFFF  }
0x74: {  	_ =	swait.ge [sflag:s26], $0x4000  }
0x75: {  	[sflag:s26] =	ssyncset.done $0x0  }
0x76: {  	s29 =	simm.s32 $0x8800;
	[sflag:s26] =	ssyncadd.s32 $0xFFFFC000  }
0x77: {  	[tilespmem:s29], [sflag:$0x3] =	stream.indirect.gather [hbm4b:s18+s6], $0x80, s8, s6, $0xb8;
	[tilespmem:$0x10800] =	vst v63  }
0x78: {  	s28 =	simm.s32 $0x4  }
0x79: {  	[spmem:s2] =	stream.indirect.scatter.add.f32 [tilespmem:s23], [sflag:$0x4], $0x80, s4, s6, $0xb8;
	[tilespmem:$0x10800] =	vst v63  }
0x7a: {  	_ =	swait.ge [sflag:s28], $0x4000  }
0x7b: {  	[sflag:s28] =	ssyncset.done $0x0  }
0x7c: {  	[sflag:s28] =	ssyncadd.s32 $0xFFFFC000  }
0x7d: {  	_ =	swait.ge [sflag:s26], $0x4000  }
0x7e: {  	[sflag:s26] =	ssyncset.done $0x0  }
0x7f: {  	[sflag:s26] =	ssyncadd.s32 $0xFFFFC000  }
0x80: {  	[tilespmem:s23], [sflag:$0x3] =	stream.indirect.gather [hbm4b:s18+s6], $0x80, s10, s6, $0xb8;
	[tilespmem:$0x10800] =	vst v63  }
0x81: {  	_ = 	snop  }
0x82: {  	[spmem:s2] =	stream.indirect.scatter.add.f32 [tilespmem:s24], [sflag:$0x4], $0x80, s5, s6, $0xb8;
	[tilespmem:$0x10800] =	vst v63  }
0x83: {  	_ =	swait.ge [sflag:s28], $0x4000  }
0x84: {  	[sflag:s28] =	ssyncset.done $0x0  }
0x85: {  	[sflag:s28] =	ssyncadd.s32 $0xFFFFC000  }
0x86: {  	_ =	swait.ge [sflag:s26], $0x4000  }
0x87: {  	[sflag:s26] =	ssyncset.done $0x0  }
0x88: {  	[sflag:s26] =	ssyncadd.s32 $0xFFFFC000  }
0x89: {  	[tilespmem:s24], [sflag:$0x3] =	stream.indirect.gather [hbm4b:s18+s6], $0x80, s12, s6, $0xb8;
	[tilespmem:$0x10800] =	vst v63  }
0x8a: {  	_ = 	snop  }
0x8b: {  	[spmem:s2] =	stream.indirect.scatter.add.f32 [tilespmem:s29], [sflag:$0x4], $0x80, s9, s6, $0xb8;
	[tilespmem:$0x10800] =	vst v63  }
0x8c: {  	_ =	swait.ge [sflag:s28], $0x4000  }
0x8d: {  	[sflag:s28] =	ssyncset.done $0x0  }
0x8e: {  	[sflag:s28] =	ssyncadd.s32 $0xFFFFC000  }
0x8f: {  	_ =	swait.ge [sflag:s26], $0x4000  }
0x90: {  	[sflag:s26] =	ssyncset.done $0x0  }
0x91: {  	[sflag:s26] =	ssyncadd.s32 $0xFFFFC000  }
0x92: {  	[tilespmem:s29], [sflag:$0x3] =	stream.indirect.gather [hbm4b:s18+s6], $0x80, s14, s6, $0xb8;
	[tilespmem:$0x10800] =	vst v63  }
0x93: {  	_ = 	snop  }
0x94: {  	[spmem:s2] =	stream.indirect.scatter.add.f32 [tilespmem:s23], [sflag:$0x4], $0x80, s11, s6, $0xb8;
	[tilespmem:$0x10800] =	vst v63  }
0x95: {  	_ =	swait.ge [sflag:s28], $0x4000  }
0x96: {  	[sflag:s28] =	ssyncset.done $0x0  }
0x97: {  	[sflag:s28] =	ssyncadd.s32 $0xFFFFC000  }
0x98: {  	_ =	swait.ge [sflag:s26], $0x4000  }
0x99: {  	[sflag:s26] =	ssyncset.done $0x0  }
0x9a: {  	[sflag:s26] =	ssyncadd.s32 $0xFFFFC000  }
0x9b: {  	[tilespmem:s23], [sflag:$0x3] =	stream.indirect.gather [hbm4b:s18+s6], $0x80, s7, s6, $0xb8;
	[tilespmem:$0x10800] =	vst v63  }
0x9c: {  	_ = 	snop  }
0x9d: {  	[spmem:s2] =	stream.indirect.scatter.add.f32 [tilespmem:s24], [sflag:$0x4], $0x80, s13, s6, $0xb8;
	[tilespmem:$0x10800] =	vst v63  }
0x9e: {  	_ =	swait.ge [sflag:s28], $0x4000  }
0x9f: {  	[sflag:s28] =	ssyncset.done $0x0  }
0xa0: {  	[sflag:s28] =	ssyncadd.s32 $0xFFFFC000  }
0xa1: {  	_ =	swait.ge [sflag:s26], $0x4000  }
0xa2: {  	[sflag:s26] =	ssyncset.done $0x0  }
0xa3: {  	[sflag:s26] =	ssyncadd.s32 $0xFFFFC000  }
0xa4: {  	[tilespmem:s24], [sflag:$0x3] =	stream.indirect.gather [hbm4b:s18+s6], $0x80, s16, s6, $0xb8;
	[tilespmem:$0x10800] =	vst v63  }
0xa5: {  	_ = 	snop  }
0xa6: {  	[spmem:s2] =	stream.indirect.scatter.add.f32 [tilespmem:s29], [sflag:$0x4], $0x80, s15, s6, $0xb8;
	[tilespmem:$0x10800] =	vst v63  }
0xa7: {  	_ =	swait.ge [sflag:s28], $0x4000  }
0xa8: {  	[sflag:s28] =	ssyncset.done $0x0  }
0xa9: {  	[sflag:s28] =	ssyncadd.s32 $0xFFFFC000  }
0xaa: {  	_ =	swait.ge [sflag:s26], $0x4000  }
0xab: {  	[sflag:s26] =	ssyncset.done $0x0  }
0xac: {  	[sflag:s26] =	ssyncadd.s32 $0xFFFFC000  }
0xad: {  	[spmem:s2] =	stream.indirect.scatter.add.f32 [tilespmem:s23], [sflag:$0x4], $0x80, s1, s6, $0xb8;
	[tilespmem:$0x10800] =	vst v63  }
0xae: {  	_ =	swait.ge [sflag:s28], $0x4000  }
0xaf: {  	[sflag:s28] =	ssyncset.done $0x0  }
0xb0: {  	[sflag:s28] =	ssyncadd.s32 $0xFFFFC000  }
0xb1: {  	_ =	swait.ge [sflag:s26], $0x4000  }
0xb2: {  	[sflag:s26] =	ssyncset.done $0x0  }
0xb3: {  	s30 =	ssub.s32 $0x2, s30;
	[sflag:s26] =	ssyncadd.s32 $0xFFFFC000  }
0xb4: {  	[spmem:s2] =	stream.indirect.scatter.add.f32 [tilespmem:s24], [sflag:$0x4], $0x80, s20, s6, $0xb8;
	[tilespmem:$0x10800] =	vst v63  }
0xb5: {  	s20 =	sshrl.u32 s30, $0x1  }
0xb6: {  	s0 =	ssub.s32 s30, s20  }
0xb7: {  	s0 =	smax.u32 s0, $0x1  }
0xb8: {  	_ =	swait.ge [sflag:s28], $0x4000;
	p0 =	sne.s32 s0, $0x1  }
.Ltmp0:
0xb9: {  	[sflag:s28] =	ssyncset.done $0x0;
	(pc) =	sbr.rel @!p0 .LBB2_3-.Ltmp0, $4  }
0xba: {  	[sflag:s28] =	ssyncadd.s32 $0xFFFFC000  }
0xbb: {  	[bflag:$0x0] =	sbarrier.arrive $0xFFFF  }
0xbc: {  	s30 =	sor.u32 $0x1C04, s31;
	s31 =	sadd.s32 $0xFFFFFFFF, s0;
	s19 =	rddreg [dreg:$0x15]  }
0xbd: {  	[hbm:s19], [sflag:s30] =	dma.local [spmem:s21], $0x800  }
0xbe: {  	s8 =	simm.s32 $0x400  }
0xbf: {  	s9 =	simm.s32 $0x480;
	s10 =	simm.s32 $0x100;
	s11 =	simm.s32 $0x500  }
0xc0: {  	s12 =	simm.s32 $0x180;
	s13 =	simm.s32 $0x580;
	s14 =	simm.s32 $0x200  }
0xc1: {  	s15 =	simm.s32 $0x600;
	s16 =	simm.s32 $0x280;
	s17 =	simm.s32 $0x680  }
0xc2: {  	s7 =	simm.s32 $0x300;
	s19 =	simm.s32 $0x700;
	s20 =	simm.s32 $0x380  }
.LBB2_2:
0xc3: {  	_ =	swait.ge [sflag:s28], $0x800  }
0xc4: {  	s0 =	rddreg [dreg:$0x5]  }
0xc5: {  	[sflag:s28] =	ssyncset.done $0x0;
	s1 =	rddreg [dreg:$0x4]  }
0xc6: {  	s4 =	rddreg [dreg:$0x16];
	[sflag:s28] =	ssyncadd.s32 $0xFFFFF800  }
0xc7: {  	[tilespmem:s3], [sflag:$0x2] =	stream.linear.gather [hbm4b:s4+s3], $0x80, $0x38;
	[tilespmem:$0x10800] =	vst v63  }
0xc8: {  	s5 =	rddreg [dreg:$0x6]  }
0xc9: {  	[tilespmem:s8], [sflag:$0x2] =	stream.linear.gather [hbm4b:s1+s3], $0x80, $0x38;
	[tilespmem:$0x10800] =	vst v63  }
0xca: {  	s4 =	rddreg [dreg:$0x13]  }
0xcb: {  	[tilespmem:s6], [sflag:$0x2] =	stream.linear.gather [hbm4b:s0+s3], $0x80, $0x38;
	[tilespmem:$0x10800] =	vst v63  }
0xcc: {  	s1 =	rddreg [dreg:$0x7]  }
0xcd: {  	[tilespmem:s9], [sflag:$0x2] =	stream.linear.gather [hbm4b:s5+s3], $0x80, $0x38;
	[tilespmem:$0x10800] =	vst v63  }
0xce: {  	s0 =	rddreg [dreg:$0x8]  }
0xcf: {  	[tilespmem:s10], [sflag:$0x2] =	stream.linear.gather [hbm4b:s1+s3], $0x80, $0x38;
	[tilespmem:$0x10800] =	vst v63  }
0xd0: {  	s5 =	rddreg [dreg:$0x9]  }
0xd1: {  	[tilespmem:s11], [sflag:$0x2] =	stream.linear.gather [hbm4b:s0+s3], $0x80, $0x38;
	[tilespmem:$0x10800] =	vst v63  }
0xd2: {  	s1 =	rddreg [dreg:$0xa]  }
0xd3: {  	[tilespmem:s12], [sflag:$0x2] =	stream.linear.gather [hbm4b:s5+s3], $0x80, $0x38;
	[tilespmem:$0x10800] =	vst v63  }
0xd4: {  	s0 =	rddreg [dreg:$0xb]  }
0xd5: {  	[tilespmem:s13], [sflag:$0x2] =	stream.linear.gather [hbm4b:s1+s3], $0x80, $0x38;
	[tilespmem:$0x10800] =	vst v63  }
0xd6: {  	s5 =	rddreg [dreg:$0xc]  }
0xd7: {  	[tilespmem:s14], [sflag:$0x2] =	stream.linear.gather [hbm4b:s0+s3], $0x80, $0x38;
	[tilespmem:$0x10800] =	vst v63  }
0xd8: {  	s1 =	rddreg [dreg:$0xd]  }
0xd9: {  	[tilespmem:s15], [sflag:$0x2] =	stream.linear.gather [hbm4b:s5+s3], $0x80, $0x38;
	[tilespmem:$0x10800] =	vst v63  }
0xda: {  	s0 =	rddreg [dreg:$0xe]  }
0xdb: {  	[tilespmem:s16], [sflag:$0x2] =	stream.linear.gather [hbm4b:s1+s3], $0x80, $0x38;
	[tilespmem:$0x10800] =	vst v63  }
0xdc: {  	s5 =	rddreg [dreg:$0xf]  }
0xdd: {  	[tilespmem:s17], [sflag:$0x2] =	stream.linear.gather [hbm4b:s0+s3], $0x80, $0x38;
	[tilespmem:$0x10800] =	vst v63  }
0xde: {  	s1 =	rddreg [dreg:$0x10]  }
0xdf: {  	[tilespmem:s7], [sflag:$0x2] =	stream.linear.gather [hbm4b:s5+s3], $0x80, $0x38;
	[tilespmem:$0x10800] =	vst v63  }
0xe0: {  	s0 =	rddreg [dreg:$0x11]  }
0xe1: {  	[tilespmem:s19], [sflag:$0x2] =	stream.linear.gather [hbm4b:s1+s3], $0x80, $0x38;
	[tilespmem:$0x10800] =	vst v63  }
0xe2: {  	s5 =	rddreg [dreg:$0x12]  }
0xe3: {  	[tilespmem:s20], [sflag:$0x2] =	stream.linear.gather [hbm4b:s0+s3], $0x80, $0x38;
	[tilespmem:$0x10800] =	vst v63  }
0xe4: {  	s1 =	rddreg [dreg:$0x14];
	s0 =	simm.s32 $0x780  }
0xe5: {  	[tilespmem:s0], [sflag:$0x2] =	stream.linear.gather [hbm4b:s5+s3], $0x80, $0x38;
	[tilespmem:$0x10800] =	vst v63  }
0xe6: {  	[spmem:s21], [sflag:s1] =	dma.local [hbm:s4], $0x800  }
0xe7: {  	_ =	swait.ge [sflag:s22], $0x80  }
0xe8: {  	[sflag:s22] =	ssyncset.done $0x0  }
0xe9: {  	[sflag:s22] =	ssyncadd.s32 $0xFFFFFF80  }
0xea: {  	_ =	swait.ge [sflag:s22], $0x80  }
0xeb: {  	[sflag:s22] =	ssyncset.done $0x0  }
0xec: {  	[sflag:s22] =	ssyncadd.s32 $0xFFFFFF80  }
0xed: {  	_ =	swait.ge [sflag:s22], $0x80  }
0xee: {  	[sflag:s22] =	ssyncset.done $0x0  }
0xef: {  	[sflag:s22] =	ssyncadd.s32 $0xFFFFFF80  }
0xf0: {  	_ =	swait.ge [sflag:s22], $0x80  }
0xf1: {  	[sflag:s22] =	ssyncset.done $0x0  }
0xf2: {  	[sflag:s22] =	ssyncadd.s32 $0xFFFFFF80  }
0xf3: {  	_ =	swait.ge [sflag:s22], $0x80  }
0xf4: {  	[sflag:s22] =	ssyncset.done $0x0  }
0xf5: {  	[sflag:s22] =	ssyncadd.s32 $0xFFFFFF80  }
0xf6: {  	_ =	swait.ge [sflag:s22], $0x80  }
0xf7: {  	[sflag:s22] =	ssyncset.done $0x0  }
0xf8: {  	[sflag:s22] =	ssyncadd.s32 $0xFFFFFF80  }
0xf9: {  	_ =	swait.ge [sflag:s22], $0x80  }
0xfa: {  	[sflag:s22] =	ssyncset.done $0x0  }
0xfb: {  	[sflag:s22] =	ssyncadd.s32 $0xFFFFFF80  }
0xfc: {  	_ =	swait.ge [sflag:s22], $0x80  }
0xfd: {  	[sflag:s22] =	ssyncset.done $0x0  }
0xfe: {  	[sflag:s22] =	ssyncadd.s32 $0xFFFFFF80  }
0xff: {  	_ =	swait.ge [sflag:s22], $0x80  }
0x100: {  	[sflag:s22] =	ssyncset.done $0x0  }
0x101: {  	[sflag:s22] =	ssyncadd.s32 $0xFFFFFF80  }
0x102: {  	_ =	swait.ge [sflag:s22], $0x80  }
0x103: {  	[sflag:s22] =	ssyncset.done $0x0  }
0x104: {  	[sflag:s22] =	ssyncadd.s32 $0xFFFFFF80  }
0x105: {  	_ =	swait.ge [sflag:s22], $0x80  }
0x106: {  	[sflag:s22] =	ssyncset.done $0x0  }
0x107: {  	[sflag:s22] =	ssyncadd.s32 $0xFFFFFF80  }
0x108: {  	_ =	swait.ge [sflag:s22], $0x80  }
0x109: {  	[sflag:s22] =	ssyncset.done $0x0  }
0x10a: {  	[sflag:s22] =	ssyncadd.s32 $0xFFFFFF80  }
0x10b: {  	_ =	swait.ge [sflag:s22], $0x80  }
0x10c: {  	[sflag:s22] =	ssyncset.done $0x0  }
0x10d: {  	[sflag:s22] =	ssyncadd.s32 $0xFFFFFF80  }
0x10e: {  	_ =	swait.ge [sflag:s22], $0x80  }
0x10f: {  	[sflag:s22] =	ssyncset.done $0x0  }
0x110: {  	[sflag:s22] =	ssyncadd.s32 $0xFFFFFF80  }
0x111: {  	_ =	swait.ge [sflag:s22], $0x80  }
0x112: {  	[sflag:s22] =	ssyncset.done $0x0  }
0x113: {  	[sflag:s22] =	ssyncadd.s32 $0xFFFFFF80  }
0x114: {  	_ =	swait.ge [sflag:s22], $0x80  }
0x115: {  	[sflag:s22] =	ssyncset.done $0x0  }
0x116: {  	[sflag:s22] =	ssyncadd.s32 $0xFFFFFF80  }
0x117: {  	[tilespmem:s23], [sflag:$0x3] =	stream.indirect.gather [hbm4b:s18+s6], $0x80, s3, s6, $0xb8;
	[tilespmem:$0x10800] =	vst v63  }
0x118: {  	_ = 	snop  }
0x119: {  	[tilespmem:s24], [sflag:$0x3] =	stream.indirect.gather [hbm4b:s18+s6], $0x80, s6, s6, $0xb8;
	[tilespmem:$0x10800] =	vst v63  }
0x11a: {  	_ =	swait.ge [sflag:s25], $0x800  }
0x11b: {  	[sflag:s25] =	ssyncset.done $0x0  }
0x11c: {  	[sflag:s25] =	ssyncadd.s32 $0xFFFFF800  }
0x11d: {  	[bflag:$0x0] =	sbarrier.arrive $0xFFFF  }
0x11e: {  	_ =	swait.ge [sflag:s26], $0x4000  }
0x11f: {  	[sflag:s26] =	ssyncset.done $0x0  }
0x120: {  	[sflag:s26] =	ssyncadd.s32 $0xFFFFC000  }
0x121: {  	[tilespmem:s29], [sflag:$0x3] =	stream.indirect.gather [hbm4b:s18+s6], $0x80, s10, s6, $0xb8;
	[tilespmem:$0x10800] =	vst v63  }
0x122: {  	_ = 	snop  }
0x123: {  	[spmem:s2] =	stream.indirect.scatter.add.f32 [tilespmem:s23], [sflag:$0x4], $0x80, s8, s6, $0xb8;
	[tilespmem:$0x10800] =	vst v63  }
0x124: {  	_ =	swait.ge [sflag:s28], $0x4000  }
0x125: {  	[sflag:s28] =	ssyncset.done $0x0  }
0x126: {  	[sflag:s28] =	ssyncadd.s32 $0xFFFFC000  }
0x127: {  	_ =	swait.ge [sflag:s26], $0x4000  }
0x128: {  	[sflag:s26] =	ssyncset.done $0x0  }
0x129: {  	[sflag:s26] =	ssyncadd.s32 $0xFFFFC000  }
0x12a: {  	[tilespmem:s23], [sflag:$0x3] =	stream.indirect.gather [hbm4b:s18+s6], $0x80, s12, s6, $0xb8;
	[tilespmem:$0x10800] =	vst v63  }
0x12b: {  	_ = 	snop  }
0x12c: {  	[spmem:s2] =	stream.indirect.scatter.add.f32 [tilespmem:s24], [sflag:$0x4], $0x80, s9, s6, $0xb8;
	[tilespmem:$0x10800] =	vst v63  }
0x12d: {  	_ =	swait.ge [sflag:s28], $0x4000  }
0x12e: {  	[sflag:s28] =	ssyncset.done $0x0  }
0x12f: {  	[sflag:s28] =	ssyncadd.s32 $0xFFFFC000  }
0x130: {  	_ =	swait.ge [sflag:s26], $0x4000  }
0x131: {  	[sflag:s26] =	ssyncset.done $0x0  }
0x132: {  	[sflag:s26] =	ssyncadd.s32 $0xFFFFC000  }
0x133: {  	[tilespmem:s24], [sflag:$0x3] =	stream.indirect.gather [hbm4b:s18+s6], $0x80, s14, s6, $0xb8;
	[tilespmem:$0x10800] =	vst v63  }
0x134: {  	_ = 	snop  }
0x135: {  	[spmem:s2] =	stream.indirect.scatter.add.f32 [tilespmem:s29], [sflag:$0x4], $0x80, s11, s6, $0xb8;
	[tilespmem:$0x10800] =	vst v63  }
0x136: {  	_ =	swait.ge [sflag:s28], $0x4000  }
0x137: {  	[sflag:s28] =	ssyncset.done $0x0  }
0x138: {  	[sflag:s28] =	ssyncadd.s32 $0xFFFFC000  }
0x139: {  	_ =	swait.ge [sflag:s26], $0x4000  }
0x13a: {  	[sflag:s26] =	ssyncset.done $0x0  }
0x13b: {  	[sflag:s26] =	ssyncadd.s32 $0xFFFFC000  }
0x13c: {  	[tilespmem:s29], [sflag:$0x3] =	stream.indirect.gather [hbm4b:s18+s6], $0x80, s16, s6, $0xb8;
	[tilespmem:$0x10800] =	vst v63  }
0x13d: {  	_ = 	snop  }
0x13e: {  	[spmem:s2] =	stream.indirect.scatter.add.f32 [tilespmem:s23], [sflag:$0x4], $0x80, s13, s6, $0xb8;
	[tilespmem:$0x10800] =	vst v63  }
0x13f: {  	_ =	swait.ge [sflag:s28], $0x4000  }
0x140: {  	[sflag:s28] =	ssyncset.done $0x0  }
0x141: {  	[sflag:s28] =	ssyncadd.s32 $0xFFFFC000  }
0x142: {  	_ =	swait.ge [sflag:s26], $0x4000  }
0x143: {  	[sflag:s26] =	ssyncset.done $0x0  }
0x144: {  	[sflag:s26] =	ssyncadd.s32 $0xFFFFC000  }
0x145: {  	[tilespmem:s23], [sflag:$0x3] =	stream.indirect.gather [hbm4b:s18+s6], $0x80, s7, s6, $0xb8;
	[tilespmem:$0x10800] =	vst v63  }
0x146: {  	_ = 	snop  }
0x147: {  	[spmem:s2] =	stream.indirect.scatter.add.f32 [tilespmem:s24], [sflag:$0x4], $0x80, s15, s6, $0xb8;
	[tilespmem:$0x10800] =	vst v63  }
0x148: {  	_ =	swait.ge [sflag:s28], $0x4000  }
0x149: {  	[sflag:s28] =	ssyncset.done $0x0  }
0x14a: {  	[sflag:s28] =	ssyncadd.s32 $0xFFFFC000  }
0x14b: {  	_ =	swait.ge [sflag:s26], $0x4000  }
0x14c: {  	[sflag:s26] =	ssyncset.done $0x0  }
0x14d: {  	[sflag:s26] =	ssyncadd.s32 $0xFFFFC000  }
0x14e: {  	[tilespmem:s24], [sflag:$0x3] =	stream.indirect.gather [hbm4b:s18+s6], $0x80, s20, s6, $0xb8;
	[tilespmem:$0x10800] =	vst v63  }
0x14f: {  	_ = 	snop  }
0x150: {  	[spmem:s2] =	stream.indirect.scatter.add.f32 [tilespmem:s29], [sflag:$0x4], $0x80, s17, s6, $0xb8;
	[tilespmem:$0x10800] =	vst v63  }
0x151: {  	_ =	swait.ge [sflag:s28], $0x4000  }
0x152: {  	[sflag:s28] =	ssyncset.done $0x0  }
0x153: {  	[sflag:s28] =	ssyncadd.s32 $0xFFFFC000  }
0x154: {  	_ =	swait.ge [sflag:s26], $0x4000  }
0x155: {  	[sflag:s26] =	ssyncset.done $0x0  }
0x156: {  	[sflag:s26] =	ssyncadd.s32 $0xFFFFC000  }
0x157: {  	[spmem:s2] =	stream.indirect.scatter.add.f32 [tilespmem:s23], [sflag:$0x4], $0x80, s19, s6, $0xb8;
	[tilespmem:$0x10800] =	vst v63  }
0x158: {  	_ =	swait.ge [sflag:s28], $0x4000  }
0x159: {  	[sflag:s28] =	ssyncset.done $0x0  }
0x15a: {  	[sflag:s28] =	ssyncadd.s32 $0xFFFFC000  }
0x15b: {  	_ =	swait.ge [sflag:s26], $0x4000  }
0x15c: {  	[sflag:s26] =	ssyncset.done $0x0  }
0x15d: {  	[sflag:s26] =	ssyncadd.s32 $0xFFFFC000  }
0x15e: {  	[spmem:s2] =	stream.indirect.scatter.add.f32 [tilespmem:s24], [sflag:$0x4], $0x80, s0, s6, $0xb8;
	[tilespmem:$0x10800] =	vst v63  }
0x15f: {  	p0 =	sne.s32 s31, $0x1;
	_ =	swait.ge [sflag:s28], $0x4000  }
.Ltmp1:
0x160: {  	[sflag:s28] =	ssyncset.done $0x0;
	(pc) =	sbr.rel @p0 .LBB2_2-.Ltmp1, $4  }
0x161: {  	[sflag:s28] =	ssyncadd.s32 $0xFFFFC000  }
0x162: {  	[bflag:$0x0] =	sbarrier.arrive $0xFFFF  }
0x163: {  	s31 =	sadd.s32 $0xFFFFFFFF, s31;
	s5 =	rddreg [dreg:$0x15]  }
0x164: {  	[hbm:s5], [sflag:s30] =	dma.local [spmem:s21], $0x800  }
.LBB2_3:
0x165: {  	_ =	swait.ge [sflag:s28], $0x800  }
0x166: {  	[sflag:s28] =	ssyncset.done $0x0  }
0x167: {  	[sflag:s28] =	ssyncadd.s32 $0xFFFFF800  }
0x168: {  	_ =	sfence.sel $0x180000  }
0x169: {  	[bflag:$0x0] =	sbarrier.arrive $0xFFFF  }
0x16a: {  	_ =	strace $0x9000004A  }
0x16b: {  	s0 =	stileid.u32;
	[bflag:$0x2] =	sbarrier.arrive $0xFFFF  }
0x16c: {  	p0 =	sne.s32 s0, $0x0;
	s0 =	rddreg [dreg:$0x3]  }
0x16d: {  	s0 =	sadd.s32 @!p0 $0x100000, s0  }
0x16e: {  	[sflag:s0] =	ssyncadd.tile.s32 @!p0 $0x1;
	_ =	shalt  }
.Lfunc_end2:
_tile_overlayer_lowered:
.L_overlay_start_2:
0x16f: {  	(tag) =	ssettag $0x2  }
0x170: {  	s0 =	rddreg [dreg:$0x0];
	s2 =	stileid.u32  }
0x171: {  	s1 =	rddreg [dreg:$0x1];
	p0 =	sne.s32 s2, $0x0  }
0x172: {  	s3 =	rddreg [dreg:$0x2];
	[bflag:$0x3] =	sbarrier.arrive $0xFFFF;
	s2 =	simm.s32 @!p0 $0x1C04  }
0x173: {  	[timem:s3], [sflag:s2] =	dma.local @!p0 [hbm:s0], s1  }
0x174: {  	s0 =	simm.s32 @!p0 $0x4  }
0x175: {  	_ =	swait.ge @!p0 [sflag:s0], s1  }
0x176: {  	s1 =	ssub.s32 @!p0 $0x0, s1;
	[sflag:s0] =	ssyncset.done @!p0 $0x0  }
0x177: {  	[sflag:s0] =	ssyncadd.s32 @!p0 s1  }
0x178: {  	[bflag:$0x3] =	sbarrier.arrive $0xFFFF  }
0x179: {  	_ =	shalt  }

// kernel: kernel.17.cloned.1.call-start
scs
__scs_entry_jumppad:
0x0: {  	(pc) =	sbr.rel $0x88, $3  }
0x1: {  	(tag) =	ssettag $0x0;
	lr =	simm.s32 $0x1  }
0x2: {  	[smem:$0x3F98] =	sst lr;
	_ =	strace $0xD0000000  }
0x3: {  	_ = 	snop  }
0x4: {  	_ = 	snop  }
0x5: {  	_ = 	snop  }
0x6: {  	_ = 	snop  }
0x7: {  	_ = 	snop  }
__scs_overlays_trampoline_lowered:
0x8: {  	[smem:$0x3FA7] =	sst s0  }
0x9: {  	[smem:$0x3FA8] =	sst s1  }
0xa: {  	[smem:$0x3FA9] =	sst s2  }
0xb: {  	[smem:$0x3FAA] =	sst s3  }
0xc: {  	[smem:$0x3FAB] =	sst s4  }
0xd: {  	[smem:$0x3FAC] =	sst s5  }
0xe: {  	[smem:$0x3FAD] =	sst s6  }
0xf: {  	[smem:$0x3FAE] =	sst s7  }
0x10: {  	[smem:$0x3FAF] =	sst s8  }
0x11: {  	[smem:$0x3FB0] =	sst s9;
	s0 =	simm.s32 @!p0 $0x0  }
0x12: {  	s1 =	sld [smem:$0x3F96];
	s0 =	simm.s32 @p0 $0x1  }
0x13: {  	[smem:$0x3FB1] =	sst s0;
	s0 =	simm.s32 @!p1 $0x0  }
0x14: {  	s2 =	sld [smem:$0x3F95];
	s0 =	simm.s32 @p1 $0x1  }
0x15: {  	[smem:$0x3FB2] =	sst s0;
	s0 =	simm.s32 @!p2 $0x0  }
0x16: {  	s3 =	sld [smem:$0x3FDB];
	s0 =	simm.s32 @p2 $0x1  }
0x17: {  	s4 =	simm.s32 $0x1BF5;
	[smem:$0x3FB4] =	sst s0  }
0x18: {  	s0 =	sld [smem:$0x3F97];
	_ =	swait.ge [sflag:s4], $0x0  }
0x19: {  	s7 =	sld [smem:$0x3F98]  }
0x1a: {  	s8 =	sadd.s32 $0xFFFFE003, lr  }
0x1b: {  	s9 =	sadd.s32 $0xFFFFFEF7, lr;
	s5 =	simm.s32 $0xFFFFFFFF;
	p2 =	slt.u32 s8, $0xFFFFF086  }
0x1c: {  	p1 =	slt.u32 s9, $0xF7A;
	s5 =	simm.s32 @!p2 $0x0  }
0x1d: {  	s5 =	simm.s32 @p1 $0x1;
	p0 =	seq.s32 s7, s2  }
0x1e: {  	s7 =	smul.u32 @!p0 $0xF7A, s2;
	p2 =	seq.s32 @!p0 s5, $0x0  }
0x1f: {  	s9 =	smul.u32 $0xF7A, s1;
	s8 =	simm.s32 @!p0 $0x1BF5;
	p2 =	por !p2, p0  }
0x20: {  	[sflag:s8] =	ssyncset.s32 @!p0 $0xFFFFF086;
	s6 =	sadd.s32 @!p0 s3, s7;
	s7 =	simm.s32 @!p0 $0x108  }
0x21: {  	s3 =	sadd.s32 s3, s9;
	s6 =	sadd.s32 @!p0 $0x88, s6;
	s7 =	simm.s32 @p2 $0x1082  }
0x22: {  	[simem:s7], [sflag:s8] =	dma.local @!p0 [hbm:s6], $0xF7A  }
0x23: {  	s9 =	sor.u32 $0xD0000000, s2;
	s6 =	simm.s32 $0x108;
	_ =	swait.ge @!p0 [sflag:s8], $0x0  }
0x24: {  	s3 =	sadd.s32 $0x88, s3;
	s6 =	simm.s32 @!p1 $0x1082;
	[sflag:s4] =	ssyncset.s32 $0xFFFFF086  }
0x25: {  	[simem:s6], [sflag:s4] =	dma.local [hbm:s3], $0xF7A  }
0x26: {  	[smem:$0x3F98] =	sst s1;
	(tag) =	ssettag s2;
	_ =	strace s9  }
0x27: {  	s1 =	sld [smem:$0x3FA8]  }
0x28: {  	s2 =	sld [smem:$0x3FA9]  }
0x29: {  	s4 =	sld [smem:$0x3FAB]  }
0x2a: {  	p0 =	seq.s32 s5, $0x0;
	s5 =	sld [smem:$0x3FAC]  }
0x2b: {  	s6 =	sld [smem:$0x3FAD]  }
0x2c: {  	s7 =	sld [smem:$0x3FAE]  }
0x2d: {  	s3 =	simm.s32 $0x108;
	s8 =	sld [smem:$0x3FAF]  }
0x2e: {  	s3 =	simm.s32 @!p0 $0x1082;
	s9 =	sld [smem:$0x3FB0]  }
0x2f: {  	lr =	sadd.s32 s0, s3;
	s0 =	sld [smem:$0x3FA7]  }
0x30: {  	s3 =	sld [smem:$0x3FAA]  }
0x31: {  	[smem:$0x3FB3] =	sst s10  }
0x32: {  	s10 =	sld [smem:$0x3FB1];
	_ =	sdelay $0x3  }
0x33: {  	p0 =	seq.s32 s10, $0x1;
	s10 =	sld [smem:$0x3FB3];
	_ =	sdelay $0x3  }
0x34: {  	[smem:$0x3FB3] =	sst s10  }
0x35: {  	s10 =	sld [smem:$0x3FB2];
	_ =	sdelay $0x3  }
0x36: {  	p1 =	seq.s32 s10, $0x1;
	s10 =	sld [smem:$0x3FB3];
	_ =	sdelay $0x3  }
0x37: {  	[smem:$0x3FB3] =	sst s10  }
0x38: {  	s10 =	sld [smem:$0x3FB4]  }
0x39: {  	_ = 	snop;
	(pc) =	sbr.ind lr, $3  }
0x3a: {  	_ = 	snop  }
0x3b: {  	_ = 	snop  }
0x3c: {  	p2 =	seq.s32 s10, $0x1;
	s10 =	sld [smem:$0x3FB3]  }
0x3d: {  	_ =	shalt  }
0x3e: {  	_ =	shalt  }
0x3f: {  	_ =	shalt  }
0x40: {  	_ =	shalt  }
0x41: {  	_ =	shalt  }
0x42: {  	_ =	shalt  }
0x43: {  	_ =	shalt  }
0x44: {  	_ =	shalt  }
0x45: {  	_ =	shalt  }
0x46: {  	_ =	shalt  }
0x47: {  	_ =	shalt  }
0x48: {  	_ =	shalt  }
0x49: {  	_ =	shalt  }
0x4a: {  	_ =	shalt  }
0x4b: {  	_ =	shalt  }
0x4c: {  	_ =	shalt  }
0x4d: {  	_ =	shalt  }
0x4e: {  	_ =	shalt  }
0x4f: {  	_ =	shalt  }
0x50: {  	_ =	shalt  }
0x51: {  	_ =	shalt  }
0x52: {  	_ =	shalt  }
0x53: {  	_ =	shalt  }
0x54: {  	_ =	shalt  }
0x55: {  	_ =	shalt  }
0x56: {  	_ =	shalt  }
0x57: {  	_ =	shalt  }
0x58: {  	_ =	shalt  }
0x59: {  	_ =	shalt  }
0x5a: {  	_ =	shalt  }
0x5b: {  	_ =	shalt  }
0x5c: {  	_ =	shalt  }
0x5d: {  	_ =	shalt  }
0x5e: {  	_ =	shalt  }
0x5f: {  	_ =	shalt  }
0x60: {  	_ =	shalt  }
0x61: {  	_ =	shalt  }
0x62: {  	_ =	shalt  }
0x63: {  	_ =	shalt  }
0x64: {  	_ =	shalt  }
0x65: {  	_ =	shalt  }
0x66: {  	_ =	shalt  }
0x67: {  	_ =	shalt  }
0x68: {  	_ =	shalt  }
0x69: {  	_ =	shalt  }
0x6a: {  	_ =	shalt  }
0x6b: {  	_ =	shalt  }
0x6c: {  	_ =	shalt  }
0x6d: {  	_ =	shalt  }
0x6e: {  	_ =	shalt  }
0x6f: {  	_ =	shalt  }
0x70: {  	_ =	shalt  }
0x71: {  	_ =	shalt  }
0x72: {  	_ =	shalt  }
0x73: {  	_ =	shalt  }
0x74: {  	_ =	shalt  }
0x75: {  	_ =	shalt  }
0x76: {  	_ =	shalt  }
0x77: {  	_ =	shalt  }
0x78: {  	_ =	shalt  }
0x79: {  	_ =	shalt  }
0x7a: {  	_ =	shalt  }
0x7b: {  	_ =	shalt  }
0x7c: {  	_ =	shalt  }
0x7d: {  	_ =	shalt  }
0x7e: {  	_ =	shalt  }
0x7f: {  	_ =	shalt  }
0x80: {  	_ =	shalt  }
0x81: {  	_ =	shalt  }
0x82: {  	_ =	shalt  }
0x83: {  	_ =	shalt  }
0x84: {  	_ =	shalt  }
0x85: {  	_ =	shalt  }
0x86: {  	_ =	shalt  }
0x87: {  	_ =	shalt  }
.Lfunc_end0:
.L_simem_size_0:
called_computation.2_lowered:
.L_overlay_start_0:
0x88: {  	s2 =	sld [smem:$0x3FD9]  }
0x89: {  	s3 =	sld [smem:$0x3FFE];
	_ =	sdelay $0x1  }
0x8a: {  	s1 =	srdreg.scid  }
0x8b: {  	s0 =	sand.u32 $0x1, s1  }
0x8c: {  	s17 =	sshll.u32 s0, $0xA;
	s2 =	sadd.s32 s3, s2  }
0x8d: {  	s2 =	sadd.s32 s2, s17  }
0x8e: {  	[smem:$0x3FBF] =	sst s2  }
0x8f: {  	_ = 	snop  }
0x90: {  	s2 =	sld [smem:$0x3FC8];
	(tm) =	ssettm $0x1  }
0x91: {  	s18 =	sld [smem:$0x3FFB];
	_ =	sdelay $0x3  }
0x92: {  	_ =	strace s18  }
0x93: {  	s3 =	sld [smem:$0x3FFC];
	_ =	sdelay $0x3  }
0x94: {  	_ =	strace s3  }
0x95: {  	s3 =	sld [smem:$0x3FFD];
	_ =	sdelay $0x3  }
0x96: {  	_ =	strace s3  }
0x97: {  	_ =	strace $0x8FFFFFFF  }
0x98: {  	s19 =	sld [smem:$0x3FDB];
	_ =	sdelay $0x1  }
0x99: {  	s4 =	simm.s32 $_scs_section_size  }
0x9a: {  	s5 =	simm.s32 $_size__tile_overlayer_lowered;
	s6 =	simm.s32 $_tile_overlayer_lowered  }
0x9b: {  	s22 =	simm.s32 $0x1BFF;
	s21 =	sshll.u32 s6, $0x1;
	s3 =	sadd.s32 s4, s19  }
0x9c: {  	s7 =	simm.s32 $0x0;
	s20 =	sshll.u32 s5, $0x1;
	s5 =	sadd.s32 s21, s3  }
0x9d: {  	[timem:s7], [sflag:s22] =	dma.local [hbm:s5], s20  }
0x9e: {  	_ =	swait.ge [sflag:s22], s20  }
0x9f: {  	s4 =	ssub.s32 $0x0, s20;
	[sflag:s22] =	ssyncset.done $0x0  }
0xa0: {  	[sflag:s22] =	ssyncadd.s32 s4;
	_ =	sdelay $0x1  }
0xa1: {  	s23 =	simm.s32 $0x1B8B  }
0xa2: {  	_ =	swait.ge [sflag:s23], $0x1  }
0xa3: {  	[sflag:s23] =	ssyncset.done $0x0  }
0xa4: {  	s25 =	simm.s32 $0x1B8E;
	s24 =	sld [smem:$0x3FFE];
	[sflag:s23] =	ssyncadd.s32 $0xFFFFFFFF  }
0xa5: {  	s26 =	simm.s32 $execute0_lowered;
	[smem:$0x3FD2] =	sst s25  }
0xa6: {  	s5 =	sshll.u32 s26, $0x1;
	_ =	strace $0x8000004C;
	[dreg:$0x1] =	wrdreg $0xFFFFFFFF  }
0xa7: {  	s28 =	simm.s32 $_size_execute0_lowered;
	s3 =	sadd.s32 s3, s5;
	[dreg:$0x0] =	wrdreg $0x0  }
0xa8: {  	s5 =	sshll.u32 s28, $0x1;
	[dreg:$0x2] =	wrdreg s3  }
0xa9: {  	[dreg:$0x3] =	wrdreg s5  }
0xaa: {  	[dreg:$0x4] =	wrdreg $0xC0  }
0xab: {  	_ =	task [dreg:s7], $0x5FFFF  }
0xac: {  	[dreg:$0x1] =	wrdreg $0xFFFFFFFF  }
0xad: {  	[dreg:$0x0] =	wrdreg $0x60  }
0xae: {  	[dreg:$0x2] =	wrdreg s24  }
0xaf: {  	[dreg:$0x3] =	wrdreg s2  }
0xb0: {  	[dreg:$0x4] =	wrdreg $0xC8000  }
0xb1: {  	[dreg:$0x5] =	wrdreg $0x9  }
0xb2: {  	_ =	task.clear_ibuf [dreg:s7], $0x6FFFF;
	_ =	strace $0x9000004C  }
0xb3: {  	s29 =	simm.s32 $0x9;
	_ =	strace $0x8000004E  }
0xb4: {  	_ =	swait.ge [sflag:s29], $0x1  }
0xb5: {  	[sflag:s29] =	ssyncadd.s32 $0xFFFFFFFF  }
0xb6: {  	_ =	strace $0x9000004E  }
0xb7: {  	_ =	sfence  }
0xb8: {  	s30 =	sld [smem:$0x0];
	_ =	sdelay $0x2  }
0xb9: {  	s31 =	sshll.u32 s1, $0xD;
	s1 =	sshrl.u32 s1, $0x2  }
0xba: {  	s3 =	sand.u32 $0x4000, s31;
	s1 =	sadd.s32 s1, s30  }
0xbb: {  	s0 =	sor.u32 s3, s0;
	s1 =	sshll.u32 s1, $0x11  }
0xbc: {  	s0 =	sor.u32 s1, s0  }
0xbd: {  	s0 =	sadd.s32 $0x8F2B, s0  }
0xbe: {  	[sflag:s0] =	ssyncadd.remote.s32 $0x1  }
0xbf: {  	_ =	sfence.sel $0xFFFF  }
0xc0: {  	[dreg:$0x0] =	wrdreg $0xFFFFFFFF;
	(pc) =	sbr.abs _section_cstart, $3  }
0xc1: {  	[dreg:$0x1] =	wrdreg $0xFFFFFFFF  }
0xc2: {  	_ =	task.clear_ibuf [dreg:s7], $0x2FFFF;
	_ =	strace $0x9FFFFFFF  }
0xc3: {  	(tm) =	ssettm $0x7FFFFFFF  }
tec
execute0_lowered:
.L_overlay_start_1:
0x0: {  	(tag) =	ssettag $0x1  }
0x1: {  	s1 =	srdreg.scid  }
0x2: {  	s0 =	stileid.u32;
	s30 =	sand.u32 $0x1, s1  }
0x3: {  	s21 =	rddreg [dreg:$0x0];
	s22 =	sshll.u32 s0, $0xB;
	s1 =	sshll.u32 s30, $0xA  }
0x4: {  	s4 =	rddreg [dreg:$0x1];
	s3 =	simm.s32 $0x0;
	s5 =	sor.u32 s1, s22  }
0x5: {  	[smem:$0x7FF] =	sst s3;
	s5 =	sshrl.u32 s5, $0x2  }
0x6: {  	s2 =	rddreg [dreg:$0x2];
	_ =	strace $0x8000004D;
	s25 =	sadd.s32 s4, s5  }
0x7: {  	[tilespmem:s3], [sflag:$0x2] =	stream.linear.gather [hbm4b:s25+s3], $0x80, $0x38;
	[tilespmem:$0x10800] =	vst v63  }
0x8: {  	s5 =	sadd.s32 $0x10, s25;
	[dreg:$0x16] =	wrdreg s25  }
0x9: {  	s26 =	sadd.s32 $0x20, s25;
	[dreg:$0x4] =	wrdreg s5  }
0xa: {  	s4 =	sadd.s32 $0x30, s25;
	[dreg:$0x5] =	wrdreg s26  }
0xb: {  	s6 =	sadd.s32 $0x40, s25;
	[dreg:$0x6] =	wrdreg s4  }
0xc: {  	s7 =	sadd.s32 $0x50, s25;
	[dreg:$0x7] =	wrdreg s6  }
0xd: {  	s8 =	sadd.s32 $0x60, s25;
	[dreg:$0x8] =	wrdreg s7  }
0xe: {  	s9 =	sadd.s32 $0x70, s25;
	[dreg:$0x9] =	wrdreg s8  }
0xf: {  	s10 =	sadd.s32 $0x80, s25;
	[dreg:$0xa] =	wrdreg s9  }
0x10: {  	s11 =	sadd.s32 $0x90, s25;
	[dreg:$0xb] =	wrdreg s10  }
0x11: {  	s12 =	sadd.s32 $0xA0, s25;
	[dreg:$0xc] =	wrdreg s11  }
0x12: {  	s13 =	sadd.s32 $0xB0, s25;
	[dreg:$0xd] =	wrdreg s12  }
0x13: {  	s14 =	sadd.s32 $0xC0, s25;
	[dreg:$0xe] =	wrdreg s13  }
0x14: {  	s15 =	sadd.s32 $0xD0, s25;
	[dreg:$0xf] =	wrdreg s14  }
0x15: {  	s16 =	sadd.s32 $0xE0, s25;
	[dreg:$0x10] =	wrdreg s15  }
0x16: {  	s19 =	sadd.s32 $0xF0, s25;
	[dreg:$0x11] =	wrdreg s16  }
0x17: {  	[dreg:$0x12] =	wrdreg s19  }
0x18: {  	s6 =	rddreg [dreg:$0x4]  }
0x19: {  	s7 =	rddreg [dreg:$0x5]  }
0x1a: {  	s8 =	rddreg [dreg:$0x6]  }
0x1b: {  	s4 =	simm.s32 $0x400;
	s9 =	rddreg [dreg:$0x7]  }
0x1c: {  	[tilespmem:s4], [sflag:$0x2] =	stream.linear.gather [hbm4b:s6+s3], $0x80, $0x38;
	[tilespmem:$0x10800] =	vst v63  }
0x1d: {  	s10 =	rddreg [dreg:$0x8];
	s6 =	simm.s32 $0x80  }
0x1e: {  	[tilespmem:s6], [sflag:$0x2] =	stream.linear.gather [hbm4b:s7+s3], $0x80, $0x38;
	[tilespmem:$0x10800] =	vst v63  }
0x1f: {  	s5 =	simm.s32 $0x480;
	s11 =	rddreg [dreg:$0x9]  }
0x20: {  	[tilespmem:s5], [sflag:$0x2] =	stream.linear.gather [hbm4b:s8+s3], $0x80, $0x38;
	[tilespmem:$0x10800] =	vst v63  }
0x21: {  	s12 =	rddreg [dreg:$0xa];
	s8 =	simm.s32 $0x100  }
0x22: {  	[tilespmem:s8], [sflag:$0x2] =	stream.linear.gather [hbm4b:s9+s3], $0x80, $0x38;
	[tilespmem:$0x10800] =	vst v63  }
0x23: {  	s13 =	rddreg [dreg:$0xb];
	s9 =	simm.s32 $0x500  }
0x24: {  	[tilespmem:s9], [sflag:$0x2] =	stream.linear.gather [hbm4b:s10+s3], $0x80, $0x38;
	[tilespmem:$0x10800] =	vst v63  }
0x25: {  	s14 =	rddreg [dreg:$0xc];
	s10 =	simm.s32 $0x180  }
0x26: {  	[tilespmem:s10], [sflag:$0x2] =	stream.linear.gather [hbm4b:s11+s3], $0x80, $0x38;
	[tilespmem:$0x10800] =	vst v63  }
0x27: {  	s15 =	rddreg [dreg:$0xd];
	s11 =	simm.s32 $0x580  }
0x28: {  	[tilespmem:s11], [sflag:$0x2] =	stream.linear.gather [hbm4b:s12+s3], $0x80, $0x38;
	[tilespmem:$0x10800] =	vst v63  }
0x29: {  	s16 =	rddreg [dreg:$0xe];
	s12 =	simm.s32 $0x200  }
0x2a: {  	[tilespmem:s12], [sflag:$0x2] =	stream.linear.gather [hbm4b:s13+s3], $0x80, $0x38;
	[tilespmem:$0x10800] =	vst v63  }
0x2b: {  	s17 =	rddreg [dreg:$0xf];
	s13 =	simm.s32 $0x600  }
0x2c: {  	[tilespmem:s13], [sflag:$0x2] =	stream.linear.gather [hbm4b:s14+s3], $0x80, $0x38;
	[tilespmem:$0x10800] =	vst v63  }
0x2d: {  	s18 =	rddreg [dreg:$0x10];
	s14 =	simm.s32 $0x280  }
0x2e: {  	[tilespmem:s14], [sflag:$0x2] =	stream.linear.gather [hbm4b:s15+s3], $0x80, $0x38;
	[tilespmem:$0x10800] =	vst v63  }
0x2f: {  	s31 =	sshll.u32 s0, $0x6;
	s20 =	rddreg [dreg:$0x11];
	s15 =	simm.s32 $0x680  }
0x30: {  	[tilespmem:s15], [sflag:$0x2] =	stream.linear.gather [hbm4b:s16+s3], $0x80, $0x38;
	[tilespmem:$0x10800] =	vst v63  }
0x31: {  	s19 =	sor.u32 $0x1C01, s31;
	s23 =	rddreg [dreg:$0x12];
	s7 =	simm.s32 $0x300  }
0x32: {  	[tilespmem:s7], [sflag:$0x2] =	stream.linear.gather [hbm4b:s17+s3], $0x80, $0x38;
	[tilespmem:$0x10800] =	vst v63  }
0x33: {  	s0 =	sshll.u32 s0, $0xE;
	s1 =	simm.s32 $0x700;
	[dreg:$0x14] =	wrdreg s19  }
0x34: {  	[tilespmem:s1], [sflag:$0x2] =	stream.linear.gather [hbm4b:s18+s3], $0x80, $0x38;
	[tilespmem:$0x10800] =	vst v63  }
0x35: {  	s25 =	sshll.u32 s30, $0xF;
	s24 =	rddreg [dreg:$0x14];
	s18 =	sadd.s32 $0x3000, s21  }
0x36: {  	s16 =	simm.s32 $0x380;
	s21 =	sadd.s32 s22, s21;
	s17 =	sadd.s32 s18, s22  }
0x37: {  	[tilespmem:s16], [sflag:$0x2] =	stream.linear.gather [hbm4b:s20+s3], $0x80, $0x38;
	[tilespmem:$0x10800] =	vst v63  }
0x38: {  	s21 =	sadd.s32 s25, s21;
	s22 =	sadd.s32 s0, s2;
	[dreg:$0x13] =	wrdreg s17  }
0x39: {  	s20 =	simm.s32 $0x780;
	s21 =	sadd.s32 $0xB000, s21;
	s26 =	rddreg [dreg:$0x13]  }
0x3a: {  	[dreg:$0x15] =	wrdreg s21;
	s21 =	sshrl.u32 s22, $0x3;
	s22 =	simm.s32 $0x2  }
0x3b: {  	[tilespmem:s20], [sflag:$0x2] =	stream.linear.gather [hbm4b:s23+s3], $0x80, $0x38;
	[tilespmem:$0x10800] =	vst v63  }
0x3c: {  	[spmem:s21], [sflag:s24] =	dma.local [hbm:s26], $0x800  }
0x3d: {  	_ =	swait.ge [sflag:s22], $0x80  }
0x3e: {  	[sflag:s22] =	ssyncset.done $0x0  }
0x3f: {  	[sflag:s22] =	ssyncadd.s32 $0xFFFFFF80  }
0x40: {  	_ =	swait.ge [sflag:s22], $0x80  }
0x41: {  	[sflag:s22] =	ssyncset.done $0x0  }
0x42: {  	[sflag:s22] =	ssyncadd.s32 $0xFFFFFF80  }
0x43: {  	_ =	swait.ge [sflag:s22], $0x80  }
0x44: {  	[sflag:s22] =	ssyncset.done $0x0  }
0x45: {  	[sflag:s22] =	ssyncadd.s32 $0xFFFFFF80  }
0x46: {  	_ =	swait.ge [sflag:s22], $0x80  }
0x47: {  	[sflag:s22] =	ssyncset.done $0x0  }
0x48: {  	[sflag:s22] =	ssyncadd.s32 $0xFFFFFF80  }
0x49: {  	_ =	swait.ge [sflag:s22], $0x80  }
0x4a: {  	[sflag:s22] =	ssyncset.done $0x0  }
0x4b: {  	[sflag:s22] =	ssyncadd.s32 $0xFFFFFF80  }
0x4c: {  	_ =	swait.ge [sflag:s22], $0x80  }
0x4d: {  	[sflag:s22] =	ssyncset.done $0x0  }
0x4e: {  	[sflag:s22] =	ssyncadd.s32 $0xFFFFFF80  }
0x4f: {  	_ =	swait.ge [sflag:s22], $0x80  }
0x50: {  	[sflag:s22] =	ssyncset.done $0x0  }
0x51: {  	[sflag:s22] =	ssyncadd.s32 $0xFFFFFF80  }
0x52: {  	_ =	swait.ge [sflag:s22], $0x80  }
0x53: {  	[sflag:s22] =	ssyncset.done $0x0  }
0x54: {  	[sflag:s22] =	ssyncadd.s32 $0xFFFFFF80  }
0x55: {  	_ =	swait.ge [sflag:s22], $0x80  }
0x56: {  	[sflag:s22] =	ssyncset.done $0x0  }
0x57: {  	[sflag:s22] =	ssyncadd.s32 $0xFFFFFF80  }
0x58: {  	_ =	swait.ge [sflag:s22], $0x80  }
0x59: {  	[sflag:s22] =	ssyncset.done $0x0  }
0x5a: {  	[sflag:s22] =	ssyncadd.s32 $0xFFFFFF80  }
0x5b: {  	_ =	swait.ge [sflag:s22], $0x80  }
0x5c: {  	[sflag:s22] =	ssyncset.done $0x0  }
0x5d: {  	[sflag:s22] =	ssyncadd.s32 $0xFFFFFF80  }
0x5e: {  	_ =	swait.ge [sflag:s22], $0x80  }
0x5f: {  	[sflag:s22] =	ssyncset.done $0x0  }
0x60: {  	[sflag:s22] =	ssyncadd.s32 $0xFFFFFF80  }
0x61: {  	_ =	swait.ge [sflag:s22], $0x80  }
0x62: {  	[sflag:s22] =	ssyncset.done $0x0  }
0x63: {  	[sflag:s22] =	ssyncadd.s32 $0xFFFFFF80  }
0x64: {  	_ =	swait.ge [sflag:s22], $0x80  }
0x65: {  	[sflag:s22] =	ssyncset.done $0x0  }
0x66: {  	[sflag:s22] =	ssyncadd.s32 $0xFFFFFF80  }
0x67: {  	_ =	swait.ge [sflag:s22], $0x80  }
0x68: {  	[sflag:s22] =	ssyncset.done $0x0  }
0x69: {  	[sflag:s22] =	ssyncadd.s32 $0xFFFFFF80  }
0x6a: {  	_ =	swait.ge [sflag:s22], $0x80  }
0x6b: {  	[sflag:s22] =	ssyncset.done $0x0  }
0x6c: {  	s23 =	simm.s32 $0x800;
	[sflag:s22] =	ssyncadd.s32 $0xFFFFFF80  }
0x6d: {  	[tilespmem:s23], [sflag:$0x3] =	stream.indirect.gather [hbm4b:s18+s6], $0x80, s3, s6, $0xb8;
	[tilespmem:$0x10800] =	vst v63  }
0x6e: {  	s25 =	simm.s32 $0x1;
	s24 =	simm.s32 $0x4800  }
0x6f: {  	[tilespmem:s24], [sflag:$0x3] =	stream.indirect.gather [hbm4b:s18+s6], $0x80, s6, s6, $0xb8;
	[tilespmem:$0x10800] =	vst v63  }
0x70: {  	_ =	swait.ge [sflag:s25], $0x800  }
0x71: {  	[sflag:s25] =	ssyncset.done $0x0  }
0x72: {  	[sflag:s25] =	ssyncadd.s32 $0xFFFFF800  }
0x73: {  	s26 =	simm.s32 $0x3;
	[bflag:$0x0] =	sbarrier.arrive $0xFFFF  }
0x74: {  	_ =	swait.ge [sflag:s26], $0x4000  }
0x75: {  	[sflag:s26] =	ssyncset.done $0x0  }
0x76: {  	s29 =	simm.s32 $0x8800;
	[sflag:s26] =	ssyncadd.s32 $0xFFFFC000  }
0x77: {  	[tilespmem:s29], [sflag:$0x3] =	stream.indirect.gather [hbm4b:s18+s6], $0x80, s8, s6, $0xb8;
	[tilespmem:$0x10800] =	vst v63  }
0x78: {  	s28 =	simm.s32 $0x4  }
0x79: {  	[spmem:s2] =	stream.indirect.scatter.add.f32 [tilespmem:s23], [sflag:$0x4], $0x80, s4, s6, $0xb8;
	[tilespmem:$0x10800] =	vst v63  }
0x7a: {  	_ =	swait.ge [sflag:s28], $0x4000  }
0x7b: {  	[sflag:s28] =	ssyncset.done $0x0  }
0x7c: {  	[sflag:s28] =	ssyncadd.s32 $0xFFFFC000  }
0x7d: {  	_ =	swait.ge [sflag:s26], $0x4000  }
0x7e: {  	[sflag:s26] =	ssyncset.done $0x0  }
0x7f: {  	[sflag:s26] =	ssyncadd.s32 $0xFFFFC000  }
0x80: {  	[tilespmem:s23], [sflag:$0x3] =	stream.indirect.gather [hbm4b:s18+s6], $0x80, s10, s6, $0xb8;
	[tilespmem:$0x10800] =	vst v63  }
0x81: {  	_ = 	snop  }
0x82: {  	[spmem:s2] =	stream.indirect.scatter.add.f32 [tilespmem:s24], [sflag:$0x4], $0x80, s5, s6, $0xb8;
	[tilespmem:$0x10800] =	vst v63  }
0x83: {  	_ =	swait.ge [sflag:s28], $0x4000  }
0x84: {  	[sflag:s28] =	ssyncset.done $0x0  }
0x85: {  	[sflag:s28] =	ssyncadd.s32 $0xFFFFC000  }
0x86: {  	_ =	swait.ge [sflag:s26], $0x4000  }
0x87: {  	[sflag:s26] =	ssyncset.done $0x0  }
0x88: {  	[sflag:s26] =	ssyncadd.s32 $0xFFFFC000  }
0x89: {  	[tilespmem:s24], [sflag:$0x3] =	stream.indirect.gather [hbm4b:s18+s6], $0x80, s12, s6, $0xb8;
	[tilespmem:$0x10800] =	vst v63  }
0x8a: {  	_ = 	snop  }
0x8b: {  	[spmem:s2] =	stream.indirect.scatter.add.f32 [tilespmem:s29], [sflag:$0x4], $0x80, s9, s6, $0xb8;
	[tilespmem:$0x10800] =	vst v63  }
0x8c: {  	_ =	swait.ge [sflag:s28], $0x4000  }
0x8d: {  	[sflag:s28] =	ssyncset.done $0x0  }
0x8e: {  	[sflag:s28] =	ssyncadd.s32 $0xFFFFC000  }
0x8f: {  	_ =	swait.ge [sflag:s26], $0x4000  }
0x90: {  	[sflag:s26] =	ssyncset.done $0x0  }
0x91: {  	[sflag:s26] =	ssyncadd.s32 $0xFFFFC000  }
0x92: {  	[tilespmem:s29], [sflag:$0x3] =	stream.indirect.gather [hbm4b:s18+s6], $0x80, s14, s6, $0xb8;
	[tilespmem:$0x10800] =	vst v63  }
0x93: {  	_ = 	snop  }
0x94: {  	[spmem:s2] =	stream.indirect.scatter.add.f32 [tilespmem:s23], [sflag:$0x4], $0x80, s11, s6, $0xb8;
	[tilespmem:$0x10800] =	vst v63  }
0x95: {  	_ =	swait.ge [sflag:s28], $0x4000  }
0x96: {  	[sflag:s28] =	ssyncset.done $0x0  }
0x97: {  	[sflag:s28] =	ssyncadd.s32 $0xFFFFC000  }
0x98: {  	_ =	swait.ge [sflag:s26], $0x4000  }
0x99: {  	[sflag:s26] =	ssyncset.done $0x0  }
0x9a: {  	[sflag:s26] =	ssyncadd.s32 $0xFFFFC000  }
0x9b: {  	[tilespmem:s23], [sflag:$0x3] =	stream.indirect.gather [hbm4b:s18+s6], $0x80, s7, s6, $0xb8;
	[tilespmem:$0x10800] =	vst v63  }
0x9c: {  	_ = 	snop  }
0x9d: {  	[spmem:s2] =	stream.indirect.scatter.add.f32 [tilespmem:s24], [sflag:$0x4], $0x80, s13, s6, $0xb8;
	[tilespmem:$0x10800] =	vst v63  }
0x9e: {  	_ =	swait.ge [sflag:s28], $0x4000  }
0x9f: {  	[sflag:s28] =	ssyncset.done $0x0  }
0xa0: {  	[sflag:s28] =	ssyncadd.s32 $0xFFFFC000  }
0xa1: {  	_ =	swait.ge [sflag:s26], $0x4000  }
0xa2: {  	[sflag:s26] =	ssyncset.done $0x0  }
0xa3: {  	[sflag:s26] =	ssyncadd.s32 $0xFFFFC000  }
0xa4: {  	[tilespmem:s24], [sflag:$0x3] =	stream.indirect.gather [hbm4b:s18+s6], $0x80, s16, s6, $0xb8;
	[tilespmem:$0x10800] =	vst v63  }
0xa5: {  	_ = 	snop  }
0xa6: {  	[spmem:s2] =	stream.indirect.scatter.add.f32 [tilespmem:s29], [sflag:$0x4], $0x80, s15, s6, $0xb8;
	[tilespmem:$0x10800] =	vst v63  }
0xa7: {  	_ =	swait.ge [sflag:s28], $0x4000  }
0xa8: {  	[sflag:s28] =	ssyncset.done $0x0  }
0xa9: {  	[sflag:s28] =	ssyncadd.s32 $0xFFFFC000  }
0xaa: {  	_ =	swait.ge [sflag:s26], $0x4000  }
0xab: {  	[sflag:s26] =	ssyncset.done $0x0  }
0xac: {  	[sflag:s26] =	ssyncadd.s32 $0xFFFFC000  }
0xad: {  	[spmem:s2] =	stream.indirect.scatter.add.f32 [tilespmem:s23], [sflag:$0x4], $0x80, s1, s6, $0xb8;
	[tilespmem:$0x10800] =	vst v63  }
0xae: {  	_ =	swait.ge [sflag:s28], $0x4000  }
0xaf: {  	[sflag:s28] =	ssyncset.done $0x0  }
0xb0: {  	[sflag:s28] =	ssyncadd.s32 $0xFFFFC000  }
0xb1: {  	_ =	swait.ge [sflag:s26], $0x4000  }
0xb2: {  	[sflag:s26] =	ssyncset.done $0x0  }
0xb3: {  	s30 =	ssub.s32 $0x2, s30;
	[sflag:s26] =	ssyncadd.s32 $0xFFFFC000  }
0xb4: {  	[spmem:s2] =	stream.indirect.scatter.add.f32 [tilespmem:s24], [sflag:$0x4], $0x80, s20, s6, $0xb8;
	[tilespmem:$0x10800] =	vst v63  }
0xb5: {  	s20 =	sshrl.u32 s30, $0x1  }
0xb6: {  	s0 =	ssub.s32 s30, s20  }
0xb7: {  	s0 =	smax.u32 s0, $0x1  }
0xb8: {  	_ =	swait.ge [sflag:s28], $0x4000;
	p0 =	sne.s32 s0, $0x1  }
.Ltmp0:
0xb9: {  	[sflag:s28] =	ssyncset.done $0x0;
	(pc) =	sbr.rel @!p0 .LBB2_3-.Ltmp0, $4  }
0xba: {  	[sflag:s28] =	ssyncadd.s32 $0xFFFFC000  }
0xbb: {  	[bflag:$0x0] =	sbarrier.arrive $0xFFFF  }
0xbc: {  	s30 =	sor.u32 $0x1C04, s31;
	s31 =	sadd.s32 $0xFFFFFFFF, s0;
	s19 =	rddreg [dreg:$0x15]  }
0xbd: {  	[hbm:s19], [sflag:s30] =	dma.local [spmem:s21], $0x800  }
0xbe: {  	s8 =	simm.s32 $0x400  }
0xbf: {  	s9 =	simm.s32 $0x480;
	s10 =	simm.s32 $0x100;
	s11 =	simm.s32 $0x500  }
0xc0: {  	s12 =	simm.s32 $0x180;
	s13 =	simm.s32 $0x580;
	s14 =	simm.s32 $0x200  }
0xc1: {  	s15 =	simm.s32 $0x600;
	s16 =	simm.s32 $0x280;
	s17 =	simm.s32 $0x680  }
0xc2: {  	s7 =	simm.s32 $0x300;
	s19 =	simm.s32 $0x700;
	s20 =	simm.s32 $0x380  }
.LBB2_2:
0xc3: {  	_ =	swait.ge [sflag:s28], $0x800  }
0xc4: {  	s0 =	rddreg [dreg:$0x5]  }
0xc5: {  	[sflag:s28] =	ssyncset.done $0x0;
	s1 =	rddreg [dreg:$0x4]  }
0xc6: {  	s4 =	rddreg [dreg:$0x16];
	[sflag:s28] =	ssyncadd.s32 $0xFFFFF800  }
0xc7: {  	[tilespmem:s3], [sflag:$0x2] =	stream.linear.gather [hbm4b:s4+s3], $0x80, $0x38;
	[tilespmem:$0x10800] =	vst v63  }
0xc8: {  	s5 =	rddreg [dreg:$0x6]  }
0xc9: {  	[tilespmem:s8], [sflag:$0x2] =	stream.linear.gather [hbm4b:s1+s3], $0x80, $0x38;
	[tilespmem:$0x10800] =	vst v63  }
0xca: {  	s4 =	rddreg [dreg:$0x13]  }
0xcb: {  	[tilespmem:s6], [sflag:$0x2] =	stream.linear.gather [hbm4b:s0+s3], $0x80, $0x38;
	[tilespmem:$0x10800] =	vst v63  }
0xcc: {  	s1 =	rddreg [dreg:$0x7]  }
0xcd: {  	[tilespmem:s9], [sflag:$0x2] =	stream.linear.gather [hbm4b:s5+s3], $0x80, $0x38;
	[tilespmem:$0x10800] =	vst v63  }
0xce: {  	s0 =	rddreg [dreg:$0x8]  }
0xcf: {  	[tilespmem:s10], [sflag:$0x2] =	stream.linear.gather [hbm4b:s1+s3], $0x80, $0x38;
	[tilespmem:$0x10800] =	vst v63  }
0xd0: {  	s5 =	rddreg [dreg:$0x9]  }
0xd1: {  	[tilespmem:s11], [sflag:$0x2] =	stream.linear.gather [hbm4b:s0+s3], $0x80, $0x38;
	[tilespmem:$0x10800] =	vst v63  }
0xd2: {  	s1 =	rddreg [dreg:$0xa]  }
0xd3: {  	[tilespmem:s12], [sflag:$0x2] =	stream.linear.gather [hbm4b:s5+s3], $0x80, $0x38;
	[tilespmem:$0x10800] =	vst v63  }
0xd4: {  	s0 =	rddreg [dreg:$0xb]  }
0xd5: {  	[tilespmem:s13], [sflag:$0x2] =	stream.linear.gather [hbm4b:s1+s3], $0x80, $0x38;
	[tilespmem:$0x10800] =	vst v63  }
0xd6: {  	s5 =	rddreg [dreg:$0xc]  }
0xd7: {  	[tilespmem:s14], [sflag:$0x2] =	stream.linear.gather [hbm4b:s0+s3], $0x80, $0x38;
	[tilespmem:$0x10800] =	vst v63  }
0xd8: {  	s1 =	rddreg [dreg:$0xd]  }
0xd9: {  	[tilespmem:s15], [sflag:$0x2] =	stream.linear.gather [hbm4b:s5+s3], $0x80, $0x38;
	[tilespmem:$0x10800] =	vst v63  }
0xda: {  	s0 =	rddreg [dreg:$0xe]  }
0xdb: {  	[tilespmem:s16], [sflag:$0x2] =	stream.linear.gather [hbm4b:s1+s3], $0x80, $0x38;
	[tilespmem:$0x10800] =	vst v63  }
0xdc: {  	s5 =	rddreg [dreg:$0xf]  }
0xdd: {  	[tilespmem:s17], [sflag:$0x2] =	stream.linear.gather [hbm4b:s0+s3], $0x80, $0x38;
	[tilespmem:$0x10800] =	vst v63  }
0xde: {  	s1 =	rddreg [dreg:$0x10]  }
0xdf: {  	[tilespmem:s7], [sflag:$0x2] =	stream.linear.gather [hbm4b:s5+s3], $0x80, $0x38;
	[tilespmem:$0x10800] =	vst v63  }
0xe0: {  	s0 =	rddreg [dreg:$0x11]  }
0xe1: {  	[tilespmem:s19], [sflag:$0x2] =	stream.linear.gather [hbm4b:s1+s3], $0x80, $0x38;
	[tilespmem:$0x10800] =	vst v63  }
0xe2: {  	s5 =	rddreg [dreg:$0x12]  }
0xe3: {  	[tilespmem:s20], [sflag:$0x2] =	stream.linear.gather [hbm4b:s0+s3], $0x80, $0x38;
	[tilespmem:$0x10800] =	vst v63  }
0xe4: {  	s1 =	rddreg [dreg:$0x14];
	s0 =	simm.s32 $0x780  }
0xe5: {  	[tilespmem:s0], [sflag:$0x2] =	stream.linear.gather [hbm4b:s5+s3], $0x80, $0x38;
	[tilespmem:$0x10800] =	vst v63  }
0xe6: {  	[spmem:s21], [sflag:s1] =	dma.local [hbm:s4], $0x800  }
0xe7: {  	_ =	swait.ge [sflag:s22], $0x80  }
0xe8: {  	[sflag:s22] =	ssyncset.done $0x0  }
0xe9: {  	[sflag:s22] =	ssyncadd.s32 $0xFFFFFF80  }
0xea: {  	_ =	swait.ge [sflag:s22], $0x80  }
0xeb: {  	[sflag:s22] =	ssyncset.done $0x0  }
0xec: {  	[sflag:s22] =	ssyncadd.s32 $0xFFFFFF80  }
0xed: {  	_ =	swait.ge [sflag:s22], $0x80  }
0xee: {  	[sflag:s22] =	ssyncset.done $0x0  }
0xef: {  	[sflag:s22] =	ssyncadd.s32 $0xFFFFFF80  }
0xf0: {  	_ =	swait.ge [sflag:s22], $0x80  }
0xf1: {  	[sflag:s22] =	ssyncset.done $0x0  }
0xf2: {  	[sflag:s22] =	ssyncadd.s32 $0xFFFFFF80  }
0xf3: {  	_ =	swait.ge [sflag:s22], $0x80  }
0xf4: {  	[sflag:s22] =	ssyncset.done $0x0  }
0xf5: {  	[sflag:s22] =	ssyncadd.s32 $0xFFFFFF80  }
0xf6: {  	_ =	swait.ge [sflag:s22], $0x80  }
0xf7: {  	[sflag:s22] =	ssyncset.done $0x0  }
0xf8: {  	[sflag:s22] =	ssyncadd.s32 $0xFFFFFF80  }
0xf9: {  	_ =	swait.ge [sflag:s22], $0x80  }
0xfa: {  	[sflag:s22] =	ssyncset.done $0x0  }
0xfb: {  	[sflag:s22] =	ssyncadd.s32 $0xFFFFFF80  }
0xfc: {  	_ =	swait.ge [sflag:s22], $0x80  }
0xfd: {  	[sflag:s22] =	ssyncset.done $0x0  }
0xfe: {  	[sflag:s22] =	ssyncadd.s32 $0xFFFFFF80  }
0xff: {  	_ =	swait.ge [sflag:s22], $0x80  }
0x100: {  	[sflag:s22] =	ssyncset.done $0x0  }
0x101: {  	[sflag:s22] =	ssyncadd.s32 $0xFFFFFF80  }
0x102: {  	_ =	swait.ge [sflag:s22], $0x80  }
0x103: {  	[sflag:s22] =	ssyncset.done $0x0  }
0x104: {  	[sflag:s22] =	ssyncadd.s32 $0xFFFFFF80  }
0x105: {  	_ =	swait.ge [sflag:s22], $0x80  }
0x106: {  	[sflag:s22] =	ssyncset.done $0x0  }
0x107: {  	[sflag:s22] =	ssyncadd.s32 $0xFFFFFF80  }
0x108: {  	_ =	swait.ge [sflag:s22], $0x80  }
0x109: {  	[sflag:s22] =	ssyncset.done $0x0  }
0x10a: {  	[sflag:s22] =	ssyncadd.s32 $0xFFFFFF80  }
0x10b: {  	_ =	swait.ge [sflag:s22], $0x80  }
0x10c: {  	[sflag:s22] =	ssyncset.done $0x0  }
0x10d: {  	[sflag:s22] =	ssyncadd.s32 $0xFFFFFF80  }
0x10e: {  	_ =	swait.ge [sflag:s22], $0x80  }
0x10f: {  	[sflag:s22] =	ssyncset.done $0x0  }
0x110: {  	[sflag:s22] =	ssyncadd.s32 $0xFFFFFF80  }
0x111: {  	_ =	swait.ge [sflag:s22], $0x80  }
0x112: {  	[sflag:s22] =	ssyncset.done $0x0  }
0x113: {  	[sflag:s22] =	ssyncadd.s32 $0xFFFFFF80  }
0x114: {  	_ =	swait.ge [sflag:s22], $0x80  }
0x115: {  	[sflag:s22] =	ssyncset.done $0x0  }
0x116: {  	[sflag:s22] =	ssyncadd.s32 $0xFFFFFF80  }
0x117: {  	[tilespmem:s23], [sflag:$0x3] =	stream.indirect.gather [hbm4b:s18+s6], $0x80, s3, s6, $0xb8;
	[tilespmem:$0x10800] =	vst v63  }
0x118: {  	_ = 	snop  }
0x119: {  	[tilespmem:s24], [sflag:$0x3] =	stream.indirect.gather [hbm4b:s18+s6], $0x80, s6, s6, $0xb8;
	[tilespmem:$0x10800] =	vst v63  }
0x11a: {  	_ =	swait.ge [sflag:s25], $0x800  }
0x11b: {  	[sflag:s25] =	ssyncset.done $0x0  }
0x11c: {  	[sflag:s25] =	ssyncadd.s32 $0xFFFFF800  }
0x11d: {  	[bflag:$0x0] =	sbarrier.arrive $0xFFFF  }
0x11e: {  	_ =	swait.ge [sflag:s26], $0x4000  }
0x11f: {  	[sflag:s26] =	ssyncset.done $0x0  }
0x120: {  	[sflag:s26] =	ssyncadd.s32 $0xFFFFC000  }
0x121: {  	[tilespmem:s29], [sflag:$0x3] =	stream.indirect.gather [hbm4b:s18+s6], $0x80, s10, s6, $0xb8;
	[tilespmem:$0x10800] =	vst v63  }
0x122: {  	_ = 	snop  }
0x123: {  	[spmem:s2] =	stream.indirect.scatter.add.f32 [tilespmem:s23], [sflag:$0x4], $0x80, s8, s6, $0xb8;
	[tilespmem:$0x10800] =	vst v63  }
0x124: {  	_ =	swait.ge [sflag:s28], $0x4000  }
0x125: {  	[sflag:s28] =	ssyncset.done $0x0  }
0x126: {  	[sflag:s28] =	ssyncadd.s32 $0xFFFFC000  }
0x127: {  	_ =	swait.ge [sflag:s26], $0x4000  }
0x128: {  	[sflag:s26] =	ssyncset.done $0x0  }
0x129: {  	[sflag:s26] =	ssyncadd.s32 $0xFFFFC000  }
0x12a: {  	[tilespmem:s23], [sflag:$0x3] =	stream.indirect.gather [hbm4b:s18+s6], $0x80, s12, s6, $0xb8;
	[tilespmem:$0x10800] =	vst v63  }
0x12b: {  	_ = 	snop  }
0x12c: {  	[spmem:s2] =	stream.indirect.scatter.add.f32 [tilespmem:s24], [sflag:$0x4], $0x80, s9, s6, $0xb8;
	[tilespmem:$0x10800] =	vst v63  }
0x12d: {  	_ =	swait.ge [sflag:s28], $0x4000  }
0x12e: {  	[sflag:s28] =	ssyncset.done $0x0  }
0x12f: {  	[sflag:s28] =	ssyncadd.s32 $0xFFFFC000  }
0x130: {  	_ =	swait.ge [sflag:s26], $0x4000  }
0x131: {  	[sflag:s26] =	ssyncset.done $0x0  }
0x132: {  	[sflag:s26] =	ssyncadd.s32 $0xFFFFC000  }
0x133: {  	[tilespmem:s24], [sflag:$0x3] =	stream.indirect.gather [hbm4b:s18+s6], $0x80, s14, s6, $0xb8;
	[tilespmem:$0x10800] =	vst v63  }
0x134: {  	_ = 	snop  }
0x135: {  	[spmem:s2] =	stream.indirect.scatter.add.f32 [tilespmem:s29], [sflag:$0x4], $0x80, s11, s6, $0xb8;
	[tilespmem:$0x10800] =	vst v63  }
0x136: {  	_ =	swait.ge [sflag:s28], $0x4000  }
0x137: {  	[sflag:s28] =	ssyncset.done $0x0  }
0x138: {  	[sflag:s28] =	ssyncadd.s32 $0xFFFFC000  }
0x139: {  	_ =	swait.ge [sflag:s26], $0x4000  }
0x13a: {  	[sflag:s26] =	ssyncset.done $0x0  }
0x13b: {  	[sflag:s26] =	ssyncadd.s32 $0xFFFFC000  }
0x13c: {  	[tilespmem:s29], [sflag:$0x3] =	stream.indirect.gather [hbm4b:s18+s6], $0x80, s16, s6, $0xb8;
	[tilespmem:$0x10800] =	vst v63  }
0x13d: {  	_ = 	snop  }
0x13e: {  	[spmem:s2] =	stream.indirect.scatter.add.f32 [tilespmem:s23], [sflag:$0x4], $0x80, s13, s6, $0xb8;
	[tilespmem:$0x10800] =	vst v63  }
0x13f: {  	_ =	swait.ge [sflag:s28], $0x4000  }
0x140: {  	[sflag:s28] =	ssyncset.done $0x0  }
0x141: {  	[sflag:s28] =	ssyncadd.s32 $0xFFFFC000  }
0x142: {  	_ =	swait.ge [sflag:s26], $0x4000  }
0x143: {  	[sflag:s26] =	ssyncset.done $0x0  }
0x144: {  	[sflag:s26] =	ssyncadd.s32 $0xFFFFC000  }
0x145: {  	[tilespmem:s23], [sflag:$0x3] =	stream.indirect.gather [hbm4b:s18+s6], $0x80, s7, s6, $0xb8;
	[tilespmem:$0x10800] =	vst v63  }
0x146: {  	_ = 	snop  }
0x147: {  	[spmem:s2] =	stream.indirect.scatter.add.f32 [tilespmem:s24], [sflag:$0x4], $0x80, s15, s6, $0xb8;
	[tilespmem:$0x10800] =	vst v63  }
0x148: {  	_ =	swait.ge [sflag:s28], $0x4000  }
0x149: {  	[sflag:s28] =	ssyncset.done $0x0  }
0x14a: {  	[sflag:s28] =	ssyncadd.s32 $0xFFFFC000  }
0x14b: {  	_ =	swait.ge [sflag:s26], $0x4000  }
0x14c: {  	[sflag:s26] =	ssyncset.done $0x0  }
0x14d: {  	[sflag:s26] =	ssyncadd.s32 $0xFFFFC000  }
0x14e: {  	[tilespmem:s24], [sflag:$0x3] =	stream.indirect.gather [hbm4b:s18+s6], $0x80, s20, s6, $0xb8;
	[tilespmem:$0x10800] =	vst v63  }
0x14f: {  	_ = 	snop  }
0x150: {  	[spmem:s2] =	stream.indirect.scatter.add.f32 [tilespmem:s29], [sflag:$0x4], $0x80, s17, s6, $0xb8;
	[tilespmem:$0x10800] =	vst v63  }
0x151: {  	_ =	swait.ge [sflag:s28], $0x4000  }
0x152: {  	[sflag:s28] =	ssyncset.done $0x0  }
0x153: {  	[sflag:s28] =	ssyncadd.s32 $0xFFFFC000  }
0x154: {  	_ =	swait.ge [sflag:s26], $0x4000  }
0x155: {  	[sflag:s26] =	ssyncset.done $0x0  }
0x156: {  	[sflag:s26] =	ssyncadd.s32 $0xFFFFC000  }
0x157: {  	[spmem:s2] =	stream.indirect.scatter.add.f32 [tilespmem:s23], [sflag:$0x4], $0x80, s19, s6, $0xb8;
	[tilespmem:$0x10800] =	vst v63  }
0x158: {  	_ =	swait.ge [sflag:s28], $0x4000  }
0x159: {  	[sflag:s28] =	ssyncset.done $0x0  }
0x15a: {  	[sflag:s28] =	ssyncadd.s32 $0xFFFFC000  }
0x15b: {  	_ =	swait.ge [sflag:s26], $0x4000  }
0x15c: {  	[sflag:s26] =	ssyncset.done $0x0  }
0x15d: {  	[sflag:s26] =	ssyncadd.s32 $0xFFFFC000  }
0x15e: {  	[spmem:s2] =	stream.indirect.scatter.add.f32 [tilespmem:s24], [sflag:$0x4], $0x80, s0, s6, $0xb8;
	[tilespmem:$0x10800] =	vst v63  }
0x15f: {  	p0 =	sne.s32 s31, $0x1;
	_ =	swait.ge [sflag:s28], $0x4000  }
.Ltmp1:
0x160: {  	[sflag:s28] =	ssyncset.done $0x0;
	(pc) =	sbr.rel @p0 .LBB2_2-.Ltmp1, $4  }
0x161: {  	[sflag:s28] =	ssyncadd.s32 $0xFFFFC000  }
0x162: {  	[bflag:$0x0] =	sbarrier.arrive $0xFFFF  }
0x163: {  	s31 =	sadd.s32 $0xFFFFFFFF, s31;
	s5 =	rddreg [dreg:$0x15]  }
0x164: {  	[hbm:s5], [sflag:s30] =	dma.local [spmem:s21], $0x800  }
.LBB2_3:
0x165: {  	_ =	swait.ge [sflag:s28], $0x800  }
0x166: {  	[sflag:s28] =	ssyncset.done $0x0  }
0x167: {  	[sflag:s28] =	ssyncadd.s32 $0xFFFFF800  }
0x168: {  	_ =	sfence.sel $0x180000  }
0x169: {  	[bflag:$0x0] =	sbarrier.arrive $0xFFFF  }
0x16a: {  	_ =	strace $0x9000004D  }
0x16b: {  	s0 =	stileid.u32;
	[bflag:$0x2] =	sbarrier.arrive $0xFFFF  }
0x16c: {  	p0 =	sne.s32 s0, $0x0;
	s0 =	rddreg [dreg:$0x3]  }
0x16d: {  	s0 =	sadd.s32 @!p0 $0x100000, s0  }
0x16e: {  	[sflag:s0] =	ssyncadd.tile.s32 @!p0 $0x1;
	_ =	shalt  }
.Lfunc_end2:
_tile_overlayer_lowered:
.L_overlay_start_2:
0x16f: {  	(tag) =	ssettag $0x2  }
0x170: {  	s0 =	rddreg [dreg:$0x0];
	s2 =	stileid.u32  }
0x171: {  	s1 =	rddreg [dreg:$0x1];
	p0 =	sne.s32 s2, $0x0  }
0x172: {  	s3 =	rddreg [dreg:$0x2];
	[bflag:$0x3] =	sbarrier.arrive $0xFFFF;
	s2 =	simm.s32 @!p0 $0x1C04  }
0x173: {  	[timem:s3], [sflag:s2] =	dma.local @!p0 [hbm:s0], s1  }
0x174: {  	s0 =	simm.s32 @!p0 $0x4  }
0x175: {  	_ =	swait.ge @!p0 [sflag:s0], s1  }
0x176: {  	s1 =	ssub.s32 @!p0 $0x0, s1;
	[sflag:s0] =	ssyncset.done @!p0 $0x0  }
0x177: {  	[sflag:s0] =	ssyncadd.s32 @!p0 s1  }
0x178: {  	[bflag:$0x3] =	sbarrier.arrive $0xFFFF  }
0x179: {  	_ =	shalt  }

</sc_bundles>
